<compile_context>
chip_gen: v7x
topology: tpu7x:2x2x1
jax: 0.10.2.dev20260603
libtpu: 0.0.44.dev20260713+nightly
codegen_flags: <defaults>
</compile_context>

<pallas_src>
import functools
import numpy as np

import jax
import jax.numpy as jnp
from jax.experimental import pallas as pl
from jax.experimental.pallas import tpu as pltpu
from jax.experimental.pallas import tpu_sc as plsc

DIM = 768
GRID_SIZE = 64
NUM_ROUTES = 8
TEMP = 0.1
SPARSITY = 0.3
QBLK = 256


def _mm_nt(a, b):
    return jax.lax.dot_general(
        a.astype(jnp.bfloat16), b.astype(jnp.bfloat16),
        (((1,), (1,)), ((), ())), preferred_element_type=jnp.float32)


def _mm_nn(a, b):
    return jax.lax.dot_general(
        a.astype(jnp.bfloat16), b.astype(jnp.bfloat16),
        (((1,), (0,)), ((), ())), preferred_element_type=jnp.float32)


def _row_norm_sq(q):
    q2 = q * q
    acc = q2[:, 0:8]
    for c in range(1, 96):
        acc = acc + q2[:, c * 8:(c + 1) * 8]
    a4 = acc[:, 0:4] + acc[:, 4:8]
    a2 = a4[:, 0:2] + a4[:, 2:4]
    return a2[:, 0:1] + a2[:, 1:2]


def _proj_body(x_ref, w_ref, b_ref, o_ref):
    o_ref[0] = _mm_nt(x_ref[0], w_ref[...]) + b_ref[...]


def _norm_body(q_ref, o_ref):
    q = q_ref[0]
    n = jnp.sqrt(_row_norm_sq(q))
    o_ref[0] = q / jnp.maximum(n, 1e-12)


def _projv_body(x_ref, w_ref, b_ref, fp_ref, wg_ref, bg_ref, o_ref):
    v = _mm_nt(x_ref[0], w_ref[...]) + b_ref[...]
    gate = jax.nn.sigmoid(
        jnp.sum(fp_ref[...] * wg_ref[...], axis=1)[None, :] + bg_ref[...])
    o_ref[0] = v * gate


def _route_body(qn_ref, kn_ref, cn_ref, thr_ref, routes_ref, weights_ref,
                *, n_pad, p_valid):
    qb = pl.program_id(1)
    row0 = qb * QBLK
    q = qn_ref[0]
    kk = kn_ref[0]
    s = _mm_nt(q, kk)

    cn_cols = cn_ref[0, 0]
    cn_rows = cn_ref[0, 0, pl.ds(row0, QBLK)]
    thr_rows = thr_ref[0, 0, pl.ds(row0, QBLK)]

    aff = 1.0 - jnp.abs(cn_cols[None, :] - cn_rows[:, None])
    col = jax.lax.broadcasted_iota(jnp.int32, (QBLK, n_pad), 1)
    row_g = jax.lax.broadcasted_iota(jnp.int32, (QBLK, n_pad), 0) + row0
    mask = (aff < thr_rows[:, None]) | (col == row_g) | (col >= p_valid)
    s = jnp.where(mask, -1e9, s)
    st = s / TEMP

    vals = []
    idxs = []
    for _ in range(NUM_ROUTES):
        m = jnp.max(st, axis=1)
        is_max = st == m[:, None]
        idx = jnp.min(jnp.where(is_max, col, n_pad), axis=1)
        vals.append(m)
        idxs.append(idx)
        st = jnp.where(col == idx[:, None], -3e38, st)
    topv = jnp.stack(vals, axis=1)
    topi = jnp.stack(idxs, axis=1)

    mx = jnp.max(topv, axis=1, keepdims=True)
    un = jnp.exp(topv - mx)
    w = un / jnp.sum(un, axis=1, keepdims=True)

    routes_ref[0] = topi
    weights_ref[0] = w


def _out_body(x_ref, routed_ref, wo_ref, bo_ref, out_ref):
    out_ref[0] = x_ref[0] + _mm_nt(routed_ref[0], wo_ref[...]) + bo_ref[...]


def _sc_combine(vg_flat, idx_flat, w_flat):
    R, D = 4096, DIM
    NC, NS = 2, 16
    NW = NC * NS
    rows_per_w = R // NW
    C = 16
    G = C * NUM_ROUTES
    nchunks = rows_per_w // C
    mesh = plsc.VectorSubcoreMesh(core_axis_name="c", subcore_axis_name="s")

    @functools.partial(
        pl.kernel, mesh=mesh,
        out_type=jax.ShapeDtypeStruct((R, D), jnp.float32),
        scratch_types=[
            pltpu.VMEM((G,), jnp.int32),
            pltpu.VMEM((G,), jnp.float32),
            pltpu.VMEM((G, D), jnp.float32),
            pltpu.VMEM((C, D), jnp.float32),
            pltpu.SemaphoreType.DMA,
        ],
    )
    def k(vg_hbm, idx_hbm, w_hbm, out_hbm, idx_v, w_v, rows_v, acc_v, sem):
        wid = jax.lax.axis_index("s") * NC + jax.lax.axis_index("c")
        base_row = wid * rows_per_w

        def chunk_body(c, carry):
            row0 = base_row + c * C
            g0 = row0 * NUM_ROUTES
            pltpu.sync_copy(idx_hbm.at[pl.ds(g0, G)], idx_v)
            pltpu.sync_copy(w_hbm.at[pl.ds(g0, G)], w_v)
            pltpu.async_copy(vg_hbm.at[idx_v], rows_v, sem).wait()
            for p in range(C // 2):
                wv = w_v[pl.ds(p * 16, 16)]
                for half in range(2):
                    r = 2 * p + half
                    ws = [wv[half * NUM_ROUTES + t] for t in range(NUM_ROUTES)]

                    def d_body(dv, acc_carry, r=r, ws=ws):
                        acc = ws[0] * rows_v[r * NUM_ROUTES,
                                             pl.ds(dv * 16, 16)]
                        for t in range(1, NUM_ROUTES):
                            acc = acc + ws[t] * rows_v[r * NUM_ROUTES + t,
                                                       pl.ds(dv * 16, 16)]
                        acc_v[r, pl.ds(dv * 16, 16)] = acc
                        return acc_carry

                    jax.lax.fori_loop(0, D // 16, d_body, 0)
            pltpu.sync_copy(acc_v, out_hbm.at[pl.ds(row0, C)])
            return carry

        jax.lax.fori_loop(0, nchunks, chunk_body, 0)

    return k(vg_flat, idx_flat, w_flat)


def _cantor_thresholds(p_valid, n_pad, fp, W_off, b_off):
    pos = np.arange(n_pad)
    xg = pos % GRID_SIZE
    yg = pos // GRID_SIZE
    base = (((xg + yg) * (xg + yg + 1)) // 2 + yg).astype(np.int64)
    k_sparse = max(1, int(p_valid * SPARSITY))

    params = fp @ W_off.T + b_off
    scale = jax.nn.sigmoid(params[0]) * 2 + 0.5
    shift = jnp.tanh(params[1:2]) * GRID_SIZE
    base_f = jnp.asarray(base, jnp.float32)
    offset = base_f * scale + jnp.sum(shift)
    cn = offset / jnp.maximum(jnp.max(offset), 1.0)

    perm = np.argsort(base[:p_valid], kind="stable")
    inv = np.empty(p_valid, dtype=np.int64)
    inv[perm] = np.arange(p_valid)

    s = cn[perm]
    neg = jnp.full((k_sparse,), -jnp.inf, jnp.float32)
    pos_inf = jnp.full((k_sparse,), jnp.inf, jnp.float32)
    s_ext = jnp.concatenate([neg, s, pos_inf])
    dk = jnp.full((p_valid,), jnp.inf, jnp.float32)
    for t in range(k_sparse + 1):
        sl = jax.lax.slice(s_ext, (k_sparse - t,), (k_sparse - t + p_valid,))
        sr = jax.lax.slice(s_ext, (2 * k_sparse - t,),
                           (2 * k_sparse - t + p_valid,))
        dk = jnp.minimum(dk, jnp.maximum(s - sl, sr - s))
    thr_sorted = 1.0 - dk
    thr = thr_sorted[inv]
    thr_pad = jnp.concatenate(
        [thr, jnp.full((n_pad - p_valid,), jnp.inf, jnp.float32)])
    return cn, thr_pad


def kernel(x, Wq, bq, Wk, bk, Wv, bv, Wo, bo, Wg, bg, fp, W_off, b_off):
    B = x.shape[0]
    d = x.shape[-1]
    cls_token = x[:, :1, :]
    xb = x[:, 1:, :]
    p_valid = xb.shape[1]
    n_pad = ((p_valid + QBLK - 1) // QBLK) * QBLK
    nqb = n_pad // QBLK

    xp = jnp.pad(xb, ((0, 0), (0, n_pad - p_valid), (0, 0)))
    cn, thr = _cantor_thresholds(p_valid, n_pad, fp, W_off, b_off)
    cn3 = cn.reshape(1, 1, n_pad)
    thr3 = thr.reshape(1, 1, n_pad)

    bq2, bk2, bv2, bo2 = (b.reshape(1, d) for b in (bq, bk, bv, bo))
    bg2 = bg.reshape(1, d)
    fp2 = fp.reshape(1, -1)

    row_blk = pl.BlockSpec((1, QBLK, d), lambda b, i: (b, i, 0))
    full_mat = pl.BlockSpec((d, d), lambda b, i: (0, 0))
    full_bias = pl.BlockSpec((1, d), lambda b, i: (0, 0))

    PBLK = 1024
    proj_blk = pl.BlockSpec((1, PBLK, d), lambda b, i: (b, i, 0))
    proj_out = jax.ShapeDtypeStruct((B, n_pad, d), jnp.float32)

    def _projn(W, b2):
        q = pl.pallas_call(
            _proj_body,
            grid=(B, n_pad // PBLK),
            in_specs=[proj_blk, full_mat, full_bias],
            out_specs=proj_blk,
            out_shape=proj_out,
        )(xp, W, b2)
        return pl.pallas_call(
            _norm_body,
            grid=(B, nqb),
            in_specs=[row_blk],
            out_specs=row_blk,
            out_shape=proj_out,
        )(q)

    qn = _projn(Wq, bq2)
    kn = _projn(Wk, bk2)
    vg = pl.pallas_call(
        _projv_body,
        grid=(B, n_pad // PBLK),
        in_specs=[
            proj_blk, full_mat, full_bias,
            pl.BlockSpec((1, fp.shape[0]), lambda b, i: (0, 0)),
            pl.BlockSpec((d, fp.shape[0]), lambda b, i: (0, 0)),
            full_bias,
        ],
        out_specs=proj_blk,
        out_shape=proj_out,
    )(xp, Wv, bv2, fp2, Wg, bg2)

    batch_full = pl.BlockSpec((1, n_pad, d), lambda b, i: (b, 0, 0))
    vec_full = pl.BlockSpec((1, 1, n_pad), lambda b, i: (0, 0, 0))

    routes, weights = pl.pallas_call(
        functools.partial(_route_body, n_pad=n_pad, p_valid=p_valid),
        grid=(B, nqb),
        in_specs=[
            row_blk,
            batch_full,
            vec_full,
            vec_full,
        ],
        out_specs=[
            pl.BlockSpec((1, QBLK, NUM_ROUTES), lambda b, i: (b, i, 0)),
            pl.BlockSpec((1, QBLK, NUM_ROUTES), lambda b, i: (b, i, 0)),
        ],
        out_shape=[
            jax.ShapeDtypeStruct((B, n_pad, NUM_ROUTES), jnp.int32),
            jax.ShapeDtypeStruct((B, n_pad, NUM_ROUTES), jnp.float32),
        ],
    )(qn, kn, cn3, thr3)

    off = (jnp.arange(B, dtype=jnp.int32) * n_pad)[:, None, None]
    idx_flat = (routes + off).reshape(-1)
    w_flat = weights.reshape(-1)
    routed = _sc_combine(vg.reshape(B * n_pad, d), idx_flat, w_flat)
    routed = routed.reshape(B, n_pad, d)

    out = pl.pallas_call(
        _out_body,
        grid=(B, nqb),
        in_specs=[row_blk, row_blk, full_mat, full_bias],
        out_specs=row_blk,
        out_shape=jax.ShapeDtypeStruct((B, n_pad, d), jnp.float32),
    )(xp, routed, Wo, bo2)

    routes = routes[:, :p_valid]
    weights = weights[:, :p_valid]
    output = jnp.concatenate([cls_token, out[:, :p_valid]], axis=1)
    return (routes, weights, output)

# --- scband reference (transcript-rebuilt; emitter-appended) ---
"""Pipeline reference for scband-sparse-constitutive-router-25202868093629 (READ-ONLY COPY).

The authoritative reference and input builder live on the scoring server;
editing this copy changes nothing except your own understanding.
"""

import jax, jax.numpy as jnp
import numpy as np

DIM = 768
NUM_POSITIONS = 2048
GRID_SIZE = 64
NUM_ROUTES = 8
FP_DIM = 64
TEMP = 0.1
SPARSITY = 0.3


def _normalize(t):
    n = jnp.sqrt(jnp.sum(t * t, axis=-1, keepdims=True))
    return t / jnp.maximum(n, 1e-12)


def setup_inputs(seed: int = 0) -> dict:
    key = jax.random.key(seed)
    ks = jax.random.split(key, 16)
    d, f = DIM, FP_DIM
    return {
        "x": jax.random.normal(ks[0], (2, 2048, d), dtype=jnp.float32),
        "Wq": jax.random.normal(ks[1], (d, d), dtype=jnp.float32) * 0.02,
        "bq": jnp.zeros((d,), dtype=jnp.float32),
        "Wk": jax.random.normal(ks[2], (d, d), dtype=jnp.float32) * 0.02,
        "bk": jnp.zeros((d,), dtype=jnp.float32),
        "Wv": jax.random.normal(ks[3], (d, d), dtype=jnp.float32) * 0.02,
        "bv": jnp.zeros((d,), dtype=jnp.float32),
        "Wo": jax.random.normal(ks[4], (d, d), dtype=jnp.float32) * 0.02,
        "bo": jnp.zeros((d,), dtype=jnp.float32),
        "Wg": jax.random.normal(ks[5], (d, f), dtype=jnp.float32) * 0.02,
        "bg": jnp.zeros((d,), dtype=jnp.float32),
        "fp": jax.random.normal(ks[6], (f,), dtype=jnp.float32) * 0.02,
        "W_off": jax.random.normal(ks[7], (3, f), dtype=jnp.float32) * 0.02,
        "b_off": jnp.zeros((3,), dtype=jnp.float32),
    }


def reference(x, Wq, bq, Wk, bk, Wv, bv, Wo, bo, Wg, bg, fp, W_off, b_off):
    B = x.shape[0]
    # skip_first=True: split off cls token
    cls_token = x[:, :1, :]
    xb = x[:, 1:, :]
    P = xb.shape[1]

    # --- Cantor behavioral affinity ---
    pos = jnp.arange(NUM_POSITIONS)
    xg = pos % GRID_SIZE
    yg = pos // GRID_SIZE
    base_cantor = (((xg + yg) * (xg + yg + 1)) // 2 + yg).astype(jnp.float32)
    params = fp @ W_off.T + b_off  # [3]
    scale = jax.nn.sigmoid(params[0]) * 2 + 0.5
    shift = jnp.tanh(params[1:2]) * GRID_SIZE
    offset_cantor = base_cantor * scale + jnp.sum(shift)
    cantor_norm = offset_cantor / jnp.maximum(jnp.max(offset_cantor), 1.0)
    dist = jnp.abs(cantor_norm[None, :] - cantor_norm[:, None])
    affinity = 1.0 - dist
    eye_np = jnp.eye(NUM_POSITIONS, dtype=bool)
    affinity = jnp.where(eye_np, -1e9, affinity)
    affinity = affinity[:P, :P]

    k_sparse = max(1, int(P * SPARSITY))
    topk_vals, _ = jax.lax.top_k(affinity, k_sparse)
    threshold = topk_vals[:, -1:]
    cantor_mask = affinity < threshold

    # --- attention scores ---
    q = _normalize(xb @ Wq.T + bq)
    k = _normalize(xb @ Wk.T + bk)
    scores = jnp.einsum('bpd,bqd->bpq', q, k)
    scores = jnp.where(cantor_mask[None, :, :], -1e9, scores)
    eye_p = jnp.eye(P, dtype=bool)
    scores = jnp.where(eye_p[None, :, :], -1e9, scores)

    topk_scores, routes = jax.lax.top_k(scores / TEMP, NUM_ROUTES)
    weights = jax.nn.softmax(topk_scores, axis=-1)

    # --- fingerprint-gated values ---
    v = xb @ Wv.T + bv
    value_gate = jax.nn.sigmoid(fp @ Wg.T + bg)
    v = v * value_gate
    v_gathered = v[jnp.arange(B)[:, None, None], routes]  # [B, P, K, D]
    routed = jnp.einsum('bpk,bpkd->bpd', weights, v_gathered)
    output = xb + routed @ Wo.T + bo
    output = jnp.concatenate([cls_token, output], axis=1)
    return (routes, weights, output)

if __name__ == "__main__":
    import jax
    _d = setup_inputs()
    print(jax.jit(kernel)(*tuple(_d.values())))

</pallas_src>

<mosaic_0001>
#map = affine_map<(d0, d1) -> (0, 0)>
#map1 = affine_map<(d0, d1) -> (0)>
module attributes {stable_mosaic.version = 14 : i64} {
  func.func @k(%arg0: i32, %arg1: i32, %arg2: memref<4096x768xf32, #tpu.memory_space<hbm>>, %arg3: memref<32768xi32, #tpu.memory_space<hbm>>, %arg4: memref<32768xf32, #tpu.memory_space<hbm>>, %arg5: memref<4096x768xf32, #tpu.memory_space<hbm>>, %arg6: memref<128xi32, #tpu.memory_space<vmem>>, %arg7: memref<128xf32, #tpu.memory_space<vmem>>, %arg8: memref<128x768xf32, #tpu.memory_space<vmem>>, %arg9: memref<16x768xf32, #tpu.memory_space<vmem>>, %arg10: memref<!tpu.dma_semaphore, #tpu.memory_space<semaphore_mem>>) attributes {dimension_semantics = [#tpu.dimension_semantics<core_parallel>, #tpu.dimension_semantics<subcore_parallel>], iteration_bounds = array<i64: 2, 16>, scalar_prefetch = 0 : i64, scratch_operands = 5 : i64, tpu.core_type = #tpu.core_type<sc_vector_subcore>, window_params = [{transform_indices = #map}, {transform_indices = #map1}, {transform_indices = #map1}, {transform_indices = #map}]} {
    %mul3A = arith.constant 2 : i32
    %mul3A_0 = arith.muli %arg1, %mul3A : i32
    %add3A = arith.addi %mul3A_0, %arg0 : i32
    %mul3A_1 = arith.constant 128 : i32
    %mul3A_2 = arith.muli %add3A, %mul3A_1 : i32
    %scan3A = arith.constant 0 : i32
    %scan3A_3 = arith.constant 0 : i32
    %scan3A_4 = arith.constant 8 : i32
    %scan3A_5 = arith.addi %scan3A_3, %scan3A_4 : i32
    %scan3A_6 = arith.constant 1 : i32
    scf.for %scan3A_8 = %scan3A_3 to %scan3A_5 step %scan3A_6  : i32 {
      %mul3A_9 = arith.constant 16 : i32
      %mul3A_10 = arith.muli %scan3A_8, %mul3A_9 : i32
      %add3A_11 = arith.addi %mul3A_2, %mul3A_10 : i32
      %mul3A_12 = arith.constant 8 : i32
      %mul3A_13 = arith.muli %add3A_11, %mul3A_12 : i32
      "tpu.region"() ({
        %run_scoped3A = tpu.sem_alloc : memref<!tpu.dma_semaphore, #tpu.memory_space<semaphore_mem>>
        %dma_start3A_391 = tpu.memref_slice %arg3[%mul3A_13] : memref<32768xi32, #tpu.memory_space<hbm>> -> memref<128xi32, #tpu.memory_space<hbm>>
        %dma_start3A_392 = tpu.memref_slice %arg3[%mul3A_13] : memref<32768xi32, #tpu.memory_space<hbm>> -> memref<128xi32, #tpu.memory_space<hbm>>
        tpu.enqueue_dma source(%dma_start3A_392 : memref<128xi32, #tpu.memory_space<hbm>>) target(%arg6 : memref<128xi32, #tpu.memory_space<vmem>>) target_semaphore(%run_scoped3A : memref<!tpu.dma_semaphore, #tpu.memory_space<semaphore_mem>>)
        %dma_wait3A_393 = tpu.memref_slice %arg3[%mul3A_13] : memref<32768xi32, #tpu.memory_space<hbm>> -> memref<128xi32, #tpu.memory_space<hbm>>
        %dma_wait3A_394 = tpu.memref_slice %arg3[%mul3A_13] : memref<32768xi32, #tpu.memory_space<hbm>> -> memref<128xi32, #tpu.memory_space<hbm>>
        tpu.wait_dma2 semaphore(%run_scoped3A : memref<!tpu.dma_semaphore, #tpu.memory_space<semaphore_mem>>) src(%dma_wait3A_394 : memref<128xi32, #tpu.memory_space<hbm>>) dst(%arg6 : memref<128xi32, #tpu.memory_space<vmem>>)
        tpu.yield
      }) : () -> ()
      "tpu.region"() ({
        %run_scoped3A = tpu.sem_alloc : memref<!tpu.dma_semaphore, #tpu.memory_space<semaphore_mem>>
        %dma_start3A_391 = tpu.memref_slice %arg4[%mul3A_13] : memref<32768xf32, #tpu.memory_space<hbm>> -> memref<128xf32, #tpu.memory_space<hbm>>
        %dma_start3A_392 = tpu.memref_slice %arg4[%mul3A_13] : memref<32768xf32, #tpu.memory_space<hbm>> -> memref<128xf32, #tpu.memory_space<hbm>>
        tpu.enqueue_dma source(%dma_start3A_392 : memref<128xf32, #tpu.memory_space<hbm>>) target(%arg7 : memref<128xf32, #tpu.memory_space<vmem>>) target_semaphore(%run_scoped3A : memref<!tpu.dma_semaphore, #tpu.memory_space<semaphore_mem>>)
        %dma_wait3A_393 = tpu.memref_slice %arg4[%mul3A_13] : memref<32768xf32, #tpu.memory_space<hbm>> -> memref<128xf32, #tpu.memory_space<hbm>>
        %dma_wait3A_394 = tpu.memref_slice %arg4[%mul3A_13] : memref<32768xf32, #tpu.memory_space<hbm>> -> memref<128xf32, #tpu.memory_space<hbm>>
        tpu.wait_dma2 semaphore(%run_scoped3A : memref<!tpu.dma_semaphore, #tpu.memory_space<semaphore_mem>>) src(%dma_wait3A_394 : memref<128xf32, #tpu.memory_space<hbm>>) dst(%arg7 : memref<128xf32, #tpu.memory_space<vmem>>)
        tpu.yield
      }) : () -> ()
      %dma_start3A = arith.constant 0 : i32
      %dma_start3A_14 = arith.constant 0 : i32
      %dma_start3A_15 = tpu.memref_slice %arg2[%dma_start3A, %dma_start3A_14] : memref<4096x768xf32, #tpu.memory_space<hbm>> -> memref<4096x768xf32, #tpu.memory_space<hbm>>
      tpu.enqueue_indirect_dma source(%dma_start3A_15 : memref<4096x768xf32, #tpu.memory_space<hbm>>) target(%arg8 : memref<128x768xf32, #tpu.memory_space<vmem>>) offsets(%arg6 : memref<128xi32, #tpu.memory_space<vmem>>) semaphore(%arg10 : memref<!tpu.dma_semaphore, #tpu.memory_space<semaphore_mem>>)
      %dma_wait3A = arith.constant 0 : i32
      %dma_wait3A_16 = arith.constant 0 : i32
      %dma_wait3A_17 = tpu.memref_slice %arg2[%dma_wait3A, %dma_wait3A_16] : memref<4096x768xf32, #tpu.memory_space<hbm>> -> memref<4096x768xf32, #tpu.memory_space<hbm>>
      tpu.wait_indirect_dma semaphore(%arg10 : memref<!tpu.dma_semaphore, #tpu.memory_space<semaphore_mem>>) src(%dma_wait3A_17 : memref<4096x768xf32, #tpu.memory_space<hbm>>) dst(%arg8 : memref<128x768xf32, #tpu.memory_space<vmem>>)
      %get3A = arith.constant 0 : index
      %get3A_18 = tpu.vector_load %arg7[%get3A] {strides = array<i32>} : memref<128xf32, #tpu.memory_space<vmem>>, vector<16xf32>,
      %get3A_19 = vector.shape_cast %get3A_18 : vector<16xf32> to vector<16xf32>
      %slice3A = vector.extract_strided_slice %get3A_19 {offsets = [0], sizes = [1], strides = [1]} : vector<16xf32> to vector<1xf32>
      %squeeze3A = vector.extract %slice3A[0] : f32 from vector<1xf32>
      %slice3A_20 = vector.extract_strided_slice %get3A_19 {offsets = [1], sizes = [1], strides = [1]} : vector<16xf32> to vector<1xf32>
      %squeeze3A_21 = vector.extract %slice3A_20[0] : f32 from vector<1xf32>
      %slice3A_22 = vector.extract_strided_slice %get3A_19 {offsets = [2], sizes = [1], strides = [1]} : vector<16xf32> to vector<1xf32>
      %squeeze3A_23 = vector.extract %slice3A_22[0] : f32 from vector<1xf32>
      %slice3A_24 = vector.extract_strided_slice %get3A_19 {offsets = [3], sizes = [1], strides = [1]} : vector<16xf32> to vector<1xf32>
      %squeeze3A_25 = vector.extract %slice3A_24[0] : f32 from vector<1xf32>
      %slice3A_26 = vector.extract_strided_slice %get3A_19 {offsets = [4], sizes = [1], strides = [1]} : vector<16xf32> to vector<1xf32>
      %squeeze3A_27 = vector.extract %slice3A_26[0] : f32 from vector<1xf32>
      %slice3A_28 = vector.extract_strided_slice %get3A_19 {offsets = [5], sizes = [1], strides = [1]} : vector<16xf32> to vector<1xf32>
      %squeeze3A_29 = vector.extract %slice3A_28[0] : f32 from vector<1xf32>
      %slice3A_30 = vector.extract_strided_slice %get3A_19 {offsets = [6], sizes = [1], strides = [1]} : vector<16xf32> to vector<1xf32>
      %squeeze3A_31 = vector.extract %slice3A_30[0] : f32 from vector<1xf32>
      %slice3A_32 = vector.extract_strided_slice %get3A_19 {offsets = [7], sizes = [1], strides = [1]} : vector<16xf32> to vector<1xf32>
      %squeeze3A_33 = vector.extract %slice3A_32[0] : f32 from vector<1xf32>
      %scan3A_34 = arith.constant 0 : i32
      %scan3A_35 = arith.constant 0 : i32
      %scan3A_36 = arith.constant 48 : i32
      %scan3A_37 = arith.addi %scan3A_35, %scan3A_36 : i32
      %scan3A_38 = arith.constant 1 : i32
      scf.for %scan3A_391 = %scan3A_35 to %scan3A_37 step %scan3A_38  : i32 {
        %mul3A_392 = arith.constant 16 : i32
        %mul3A_393 = arith.muli %scan3A_391, %mul3A_392 : i32
        %get3A_394 = arith.constant 0 : i32
        %get3A_395 = arith.index_cast %get3A_394 : i32 to index
        %get3A_396 = arith.index_cast %mul3A_393 : i32 to index
        %get3A_397 = tpu.vector_load %arg8[%get3A_395, %get3A_396] {strides = array<i32>} : memref<128x768xf32, #tpu.memory_space<vmem>>, vector<1x16xf32>,
        %get3A_398 = vector.shape_cast %get3A_397 : vector<1x16xf32> to vector<16xf32>
        %mul3A_399 = vector.broadcast %squeeze3A : f32 to vector<16xf32>
        %mul3A_400 = arith.mulf %mul3A_399, %get3A_398 : vector<16xf32>
        %mul3A_401 = arith.constant 16 : i32
        %mul3A_402 = arith.muli %scan3A_391, %mul3A_401 : i32
        %get3A_403 = arith.constant 1 : i32
        %get3A_404 = arith.index_cast %get3A_403 : i32 to index
        %get3A_405 = arith.index_cast %mul3A_402 : i32 to index
        %get3A_406 = tpu.vector_load %arg8[%get3A_404, %get3A_405] {strides = array<i32>} : memref<128x768xf32, #tpu.memory_space<vmem>>, vector<1x16xf32>,
        %get3A_407 = vector.shape_cast %get3A_406 : vector<1x16xf32> to vector<16xf32>
        %mul3A_408 = vector.broadcast %squeeze3A_21 : f32 to vector<16xf32>
        %mul3A_409 = arith.mulf %mul3A_408, %get3A_407 : vector<16xf32>
        %add3A_410 = arith.addf %mul3A_400, %mul3A_409 : vector<16xf32>
        %mul3A_411 = arith.constant 16 : i32
        %mul3A_412 = arith.muli %scan3A_391, %mul3A_411 : i32
        %get3A_413 = arith.constant 2 : i32
        %get3A_414 = arith.index_cast %get3A_413 : i32 to index
        %get3A_415 = arith.index_cast %mul3A_412 : i32 to index
        %get3A_416 = tpu.vector_load %arg8[%get3A_414, %get3A_415] {strides = array<i32>} : memref<128x768xf32, #tpu.memory_space<vmem>>, vector<1x16xf32>,
        %get3A_417 = vector.shape_cast %get3A_416 : vector<1x16xf32> to vector<16xf32>
        %mul3A_418 = vector.broadcast %squeeze3A_23 : f32 to vector<16xf32>
        %mul3A_419 = arith.mulf %mul3A_418, %get3A_417 : vector<16xf32>
        %add3A_420 = arith.addf %add3A_410, %mul3A_419 : vector<16xf32>
        %mul3A_421 = arith.constant 16 : i32
        %mul3A_422 = arith.muli %scan3A_391, %mul3A_421 : i32
        %get3A_423 = arith.constant 3 : i32
        %get3A_424 = arith.index_cast %get3A_423 : i32 to index
        %get3A_425 = arith.index_cast %mul3A_422 : i32 to index
        %get3A_426 = tpu.vector_load %arg8[%get3A_424, %get3A_425] {strides = array<i32>} : memref<128x768xf32, #tpu.memory_space<vmem>>, vector<1x16xf32>,
        %get3A_427 = vector.shape_cast %get3A_426 : vector<1x16xf32> to vector<16xf32>
        %mul3A_428 = vector.broadcast %squeeze3A_25 : f32 to vector<16xf32>
        %mul3A_429 = arith.mulf %mul3A_428, %get3A_427 : vector<16xf32>
        %add3A_430 = arith.addf %add3A_420, %mul3A_429 : vector<16xf32>
        %mul3A_431 = arith.constant 16 : i32
        %mul3A_432 = arith.muli %scan3A_391, %mul3A_431 : i32
        %get3A_433 = arith.constant 4 : i32
        %get3A_434 = arith.index_cast %get3A_433 : i32 to index
        %get3A_435 = arith.index_cast %mul3A_432 : i32 to index
        %get3A_436 = tpu.vector_load %arg8[%get3A_434, %get3A_435] {strides = array<i32>} : memref<128x768xf32, #tpu.memory_space<vmem>>, vector<1x16xf32>,
        %get3A_437 = vector.shape_cast %get3A_436 : vector<1x16xf32> to vector<16xf32>
        %mul3A_438 = vector.broadcast %squeeze3A_27 : f32 to vector<16xf32>
        %mul3A_439 = arith.mulf %mul3A_438, %get3A_437 : vector<16xf32>
        %add3A_440 = arith.addf %add3A_430, %mul3A_439 : vector<16xf32>
        %mul3A_441 = arith.constant 16 : i32
        %mul3A_442 = arith.muli %scan3A_391, %mul3A_441 : i32
        %get3A_443 = arith.constant 5 : i32
        %get3A_444 = arith.index_cast %get3A_443 : i32 to index
        %get3A_445 = arith.index_cast %mul3A_442 : i32 to index
        %get3A_446 = tpu.vector_load %arg8[%get3A_444, %get3A_445] {strides = array<i32>} : memref<128x768xf32, #tpu.memory_space<vmem>>, vector<1x16xf32>,
        %get3A_447 = vector.shape_cast %get3A_446 : vector<1x16xf32> to vector<16xf32>
        %mul3A_448 = vector.broadcast %squeeze3A_29 : f32 to vector<16xf32>
        %mul3A_449 = arith.mulf %mul3A_448, %get3A_447 : vector<16xf32>
        %add3A_450 = arith.addf %add3A_440, %mul3A_449 : vector<16xf32>
        %mul3A_451 = arith.constant 16 : i32
        %mul3A_452 = arith.muli %scan3A_391, %mul3A_451 : i32
        %get3A_453 = arith.constant 6 : i32
        %get3A_454 = arith.index_cast %get3A_453 : i32 to index
        %get3A_455 = arith.index_cast %mul3A_452 : i32 to index
        %get3A_456 = tpu.vector_load %arg8[%get3A_454, %get3A_455] {strides = array<i32>} : memref<128x768xf32, #tpu.memory_space<vmem>>, vector<1x16xf32>,
        %get3A_457 = vector.shape_cast %get3A_456 : vector<1x16xf32> to vector<16xf32>
        %mul3A_458 = vector.broadcast %squeeze3A_31 : f32 to vector<16xf32>
        %mul3A_459 = arith.mulf %mul3A_458, %get3A_457 : vector<16xf32>
        %add3A_460 = arith.addf %add3A_450, %mul3A_459 : vector<16xf32>
        %mul3A_461 = arith.constant 16 : i32
        %mul3A_462 = arith.muli %scan3A_391, %mul3A_461 : i32
        %get3A_463 = arith.constant 7 : i32
        %get3A_464 = arith.index_cast %get3A_463 : i32 to index
        %get3A_465 = arith.index_cast %mul3A_462 : i32 to index
        %get3A_466 = tpu.vector_load %arg8[%get3A_464, %get3A_465] {strides = array<i32>} : memref<128x768xf32, #tpu.memory_space<vmem>>, vector<1x16xf32>,
        %get3A_467 = vector.shape_cast %get3A_466 : vector<1x16xf32> to vector<16xf32>
        %mul3A_468 = vector.broadcast %squeeze3A_33 : f32 to vector<16xf32>
        %mul3A_469 = arith.mulf %mul3A_468, %get3A_467 : vector<16xf32>
        %add3A_470 = arith.addf %add3A_460, %mul3A_469 : vector<16xf32>
        %mul3A_471 = arith.constant 16 : i32
        %mul3A_472 = arith.muli %scan3A_391, %mul3A_471 : i32
        %swap3A = arith.constant 0 : i32
        %swap3A_473 = arith.index_cast %swap3A : i32 to index
        %swap3A_474 = arith.index_cast %mul3A_472 : i32 to index
        %swap3A_475 = tpu.vector_load %arg9[%swap3A_473, %swap3A_474] {strides = array<i32>} : memref<16x768xf32, #tpu.memory_space<vmem>>, vector<1x16xf32>,
        %swap3A_476 = vector.shape_cast %swap3A_475 : vector<1x16xf32> to vector<16xf32>
        %swap3A_477 = vector.shape_cast %add3A_470 : vector<16xf32> to vector<1x16xf32>
        tpu.vector_store %arg9[%swap3A_473, %swap3A_474], %swap3A_477 {strides = array<i32>} : memref<16x768xf32, #tpu.memory_space<vmem>>, vector<1x16xf32>,
      }
      %scan3A_39 = arith.constant 48 : i32
      %slice3A_40 = vector.extract_strided_slice %get3A_19 {offsets = [8], sizes = [1], strides = [1]} : vector<16xf32> to vector<1xf32>
      %squeeze3A_41 = vector.extract %slice3A_40[0] : f32 from vector<1xf32>
      %slice3A_42 = vector.extract_strided_slice %get3A_19 {offsets = [9], sizes = [1], strides = [1]} : vector<16xf32> to vector<1xf32>
      %squeeze3A_43 = vector.extract %slice3A_42[0] : f32 from vector<1xf32>
      %slice3A_44 = vector.extract_strided_slice %get3A_19 {offsets = [10], sizes = [1], strides = [1]} : vector<16xf32> to vector<1xf32>
      %squeeze3A_45 = vector.extract %slice3A_44[0] : f32 from vector<1xf32>
      %slice3A_46 = vector.extract_strided_slice %get3A_19 {offsets = [11], sizes = [1], strides = [1]} : vector<16xf32> to vector<1xf32>
      %squeeze3A_47 = vector.extract %slice3A_46[0] : f32 from vector<1xf32>
      %slice3A_48 = vector.extract_strided_slice %get3A_19 {offsets = [12], sizes = [1], strides = [1]} : vector<16xf32> to vector<1xf32>
      %squeeze3A_49 = vector.extract %slice3A_48[0] : f32 from vector<1xf32>
      %slice3A_50 = vector.extract_strided_slice %get3A_19 {offsets = [13], sizes = [1], strides = [1]} : vector<16xf32> to vector<1xf32>
      %squeeze3A_51 = vector.extract %slice3A_50[0] : f32 from vector<1xf32>
      %slice3A_52 = vector.extract_strided_slice %get3A_19 {offsets = [14], sizes = [1], strides = [1]} : vector<16xf32> to vector<1xf32>
      %squeeze3A_53 = vector.extract %slice3A_52[0] : f32 from vector<1xf32>
      %slice3A_54 = vector.extract_strided_slice %get3A_19 {offsets = [15], sizes = [1], strides = [1]} : vector<16xf32> to vector<1xf32>
      %squeeze3A_55 = vector.extract %slice3A_54[0] : f32 from vector<1xf32>
      %scan3A_56 = arith.constant 0 : i32
      %scan3A_57 = arith.constant 0 : i32
      %scan3A_58 = arith.constant 48 : i32
      %scan3A_59 = arith.addi %scan3A_57, %scan3A_58 : i32
      %scan3A_60 = arith.constant 1 : i32
      scf.for %scan3A_391 = %scan3A_57 to %scan3A_59 step %scan3A_60  : i32 {
        %mul3A_392 = arith.constant 16 : i32
        %mul3A_393 = arith.muli %scan3A_391, %mul3A_392 : i32
        %get3A_394 = arith.constant 8 : i32
        %get3A_395 = arith.index_cast %get3A_394 : i32 to index
        %get3A_396 = arith.index_cast %mul3A_393 : i32 to index
        %get3A_397 = tpu.vector_load %arg8[%get3A_395, %get3A_396] {strides = array<i32>} : memref<128x768xf32, #tpu.memory_space<vmem>>, vector<1x16xf32>,
        %get3A_398 = vector.shape_cast %get3A_397 : vector<1x16xf32> to vector<16xf32>
        %mul3A_399 = vector.broadcast %squeeze3A_41 : f32 to vector<16xf32>
        %mul3A_400 = arith.mulf %mul3A_399, %get3A_398 : vector<16xf32>
        %mul3A_401 = arith.constant 16 : i32
        %mul3A_402 = arith.muli %scan3A_391, %mul3A_401 : i32
        %get3A_403 = arith.constant 9 : i32
        %get3A_404 = arith.index_cast %get3A_403 : i32 to index
        %get3A_405 = arith.index_cast %mul3A_402 : i32 to index
        %get3A_406 = tpu.vector_load %arg8[%get3A_404, %get3A_405] {strides = array<i32>} : memref<128x768xf32, #tpu.memory_space<vmem>>, vector<1x16xf32>,
        %get3A_407 = vector.shape_cast %get3A_406 : vector<1x16xf32> to vector<16xf32>
        %mul3A_408 = vector.broadcast %squeeze3A_43 : f32 to vector<16xf32>
        %mul3A_409 = arith.mulf %mul3A_408, %get3A_407 : vector<16xf32>
        %add3A_410 = arith.addf %mul3A_400, %mul3A_409 : vector<16xf32>
        %mul3A_411 = arith.constant 16 : i32
        %mul3A_412 = arith.muli %scan3A_391, %mul3A_411 : i32
        %get3A_413 = arith.constant 10 : i32
        %get3A_414 = arith.index_cast %get3A_413 : i32 to index
        %get3A_415 = arith.index_cast %mul3A_412 : i32 to index
        %get3A_416 = tpu.vector_load %arg8[%get3A_414, %get3A_415] {strides = array<i32>} : memref<128x768xf32, #tpu.memory_space<vmem>>, vector<1x16xf32>,
        %get3A_417 = vector.shape_cast %get3A_416 : vector<1x16xf32> to vector<16xf32>
        %mul3A_418 = vector.broadcast %squeeze3A_45 : f32 to vector<16xf32>
        %mul3A_419 = arith.mulf %mul3A_418, %get3A_417 : vector<16xf32>
        %add3A_420 = arith.addf %add3A_410, %mul3A_419 : vector<16xf32>
        %mul3A_421 = arith.constant 16 : i32
        %mul3A_422 = arith.muli %scan3A_391, %mul3A_421 : i32
        %get3A_423 = arith.constant 11 : i32
        %get3A_424 = arith.index_cast %get3A_423 : i32 to index
        %get3A_425 = arith.index_cast %mul3A_422 : i32 to index
        %get3A_426 = tpu.vector_load %arg8[%get3A_424, %get3A_425] {strides = array<i32>} : memref<128x768xf32, #tpu.memory_space<vmem>>, vector<1x16xf32>,
        %get3A_427 = vector.shape_cast %get3A_426 : vector<1x16xf32> to vector<16xf32>
        %mul3A_428 = vector.broadcast %squeeze3A_47 : f32 to vector<16xf32>
        %mul3A_429 = arith.mulf %mul3A_428, %get3A_427 : vector<16xf32>
        %add3A_430 = arith.addf %add3A_420, %mul3A_429 : vector<16xf32>
        %mul3A_431 = arith.constant 16 : i32
        %mul3A_432 = arith.muli %scan3A_391, %mul3A_431 : i32
        %get3A_433 = arith.constant 12 : i32
        %get3A_434 = arith.index_cast %get3A_433 : i32 to index
        %get3A_435 = arith.index_cast %mul3A_432 : i32 to index
        %get3A_436 = tpu.vector_load %arg8[%get3A_434, %get3A_435] {strides = array<i32>} : memref<128x768xf32, #tpu.memory_space<vmem>>, vector<1x16xf32>,
        %get3A_437 = vector.shape_cast %get3A_436 : vector<1x16xf32> to vector<16xf32>
        %mul3A_438 = vector.broadcast %squeeze3A_49 : f32 to vector<16xf32>
        %mul3A_439 = arith.mulf %mul3A_438, %get3A_437 : vector<16xf32>
        %add3A_440 = arith.addf %add3A_430, %mul3A_439 : vector<16xf32>
        %mul3A_441 = arith.constant 16 : i32
        %mul3A_442 = arith.muli %scan3A_391, %mul3A_441 : i32
        %get3A_443 = arith.constant 13 : i32
        %get3A_444 = arith.index_cast %get3A_443 : i32 to index
        %get3A_445 = arith.index_cast %mul3A_442 : i32 to index
        %get3A_446 = tpu.vector_load %arg8[%get3A_444, %get3A_445] {strides = array<i32>} : memref<128x768xf32, #tpu.memory_space<vmem>>, vector<1x16xf32>,
        %get3A_447 = vector.shape_cast %get3A_446 : vector<1x16xf32> to vector<16xf32>
        %mul3A_448 = vector.broadcast %squeeze3A_51 : f32 to vector<16xf32>
        %mul3A_449 = arith.mulf %mul3A_448, %get3A_447 : vector<16xf32>
        %add3A_450 = arith.addf %add3A_440, %mul3A_449 : vector<16xf32>
        %mul3A_451 = arith.constant 16 : i32
        %mul3A_452 = arith.muli %scan3A_391, %mul3A_451 : i32
        %get3A_453 = arith.constant 14 : i32
        %get3A_454 = arith.index_cast %get3A_453 : i32 to index
        %get3A_455 = arith.index_cast %mul3A_452 : i32 to index
        %get3A_456 = tpu.vector_load %arg8[%get3A_454, %get3A_455] {strides = array<i32>} : memref<128x768xf32, #tpu.memory_space<vmem>>, vector<1x16xf32>,
        %get3A_457 = vector.shape_cast %get3A_456 : vector<1x16xf32> to vector<16xf32>
        %mul3A_458 = vector.broadcast %squeeze3A_53 : f32 to vector<16xf32>
        %mul3A_459 = arith.mulf %mul3A_458, %get3A_457 : vector<16xf32>
        %add3A_460 = arith.addf %add3A_450, %mul3A_459 : vector<16xf32>
        %mul3A_461 = arith.constant 16 : i32
        %mul3A_462 = arith.muli %scan3A_391, %mul3A_461 : i32
        %get3A_463 = arith.constant 15 : i32
        %get3A_464 = arith.index_cast %get3A_463 : i32 to index
        %get3A_465 = arith.index_cast %mul3A_462 : i32 to index
        %get3A_466 = tpu.vector_load %arg8[%get3A_464, %get3A_465] {strides = array<i32>} : memref<128x768xf32, #tpu.memory_space<vmem>>, vector<1x16xf32>,
        %get3A_467 = vector.shape_cast %get3A_466 : vector<1x16xf32> to vector<16xf32>
        %mul3A_468 = vector.broadcast %squeeze3A_55 : f32 to vector<16xf32>
        %mul3A_469 = arith.mulf %mul3A_468, %get3A_467 : vector<16xf32>
        %add3A_470 = arith.addf %add3A_460, %mul3A_469 : vector<16xf32>
        %mul3A_471 = arith.constant 16 : i32
        %mul3A_472 = arith.muli %scan3A_391, %mul3A_471 : i32
        %swap3A = arith.constant 1 : i32
        %swap3A_473 = arith.index_cast %swap3A : i32 to index
        %swap3A_474 = arith.index_cast %mul3A_472 : i32 to index
        %swap3A_475 = tpu.vector_load %arg9[%swap3A_473, %swap3A_474] {strides = array<i32>} : memref<16x768xf32, #tpu.memory_space<vmem>>, vector<1x16xf32>,
        %swap3A_476 = vector.shape_cast %swap3A_475 : vector<1x16xf32> to vector<16xf32>
        %swap3A_477 = vector.shape_cast %add3A_470 : vector<16xf32> to vector<1x16xf32>
        tpu.vector_store %arg9[%swap3A_473, %swap3A_474], %swap3A_477 {strides = array<i32>} : memref<16x768xf32, #tpu.memory_space<vmem>>, vector<1x16xf32>,
      }
      %scan3A_61 = arith.constant 48 : i32
      %get3A_62 = arith.constant 16 : index
      %get3A_63 = tpu.vector_load %arg7[%get3A_62] {strides = array<i32>} : memref<128xf32, #tpu.memory_space<vmem>>, vector<16xf32>,
      %get3A_64 = vector.shape_cast %get3A_63 : vector<16xf32> to vector<16xf32>
      %slice3A_65 = vector.extract_strided_slice %get3A_64 {offsets = [0], sizes = [1], strides = [1]} : vector<16xf32> to vector<1xf32>
      %squeeze3A_66 = vector.extract %slice3A_65[0] : f32 from vector<1xf32>
      %slice3A_67 = vector.extract_strided_slice %get3A_64 {offsets = [1], sizes = [1], strides = [1]} : vector<16xf32> to vector<1xf32>
      %squeeze3A_68 = vector.extract %slice3A_67[0] : f32 from vector<1xf32>
      %slice3A_69 = vector.extract_strided_slice %get3A_64 {offsets = [2], sizes = [1], strides = [1]} : vector<16xf32> to vector<1xf32>
      %squeeze3A_70 = vector.extract %slice3A_69[0] : f32 from vector<1xf32>
      %slice3A_71 = vector.extract_strided_slice %get3A_64 {offsets = [3], sizes = [1], strides = [1]} : vector<16xf32> to vector<1xf32>
      %squeeze3A_72 = vector.extract %slice3A_71[0] : f32 from vector<1xf32>
      %slice3A_73 = vector.extract_strided_slice %get3A_64 {offsets = [4], sizes = [1], strides = [1]} : vector<16xf32> to vector<1xf32>
      %squeeze3A_74 = vector.extract %slice3A_73[0] : f32 from vector<1xf32>
      %slice3A_75 = vector.extract_strided_slice %get3A_64 {offsets = [5], sizes = [1], strides = [1]} : vector<16xf32> to vector<1xf32>
      %squeeze3A_76 = vector.extract %slice3A_75[0] : f32 from vector<1xf32>
      %slice3A_77 = vector.extract_strided_slice %get3A_64 {offsets = [6], sizes = [1], strides = [1]} : vector<16xf32> to vector<1xf32>
      %squeeze3A_78 = vector.extract %slice3A_77[0] : f32 from vector<1xf32>
      %slice3A_79 = vector.extract_strided_slice %get3A_64 {offsets = [7], sizes = [1], strides = [1]} : vector<16xf32> to vector<1xf32>
      %squeeze3A_80 = vector.extract %slice3A_79[0] : f32 from vector<1xf32>
      %scan3A_81 = arith.constant 0 : i32
      %scan3A_82 = arith.constant 0 : i32
      %scan3A_83 = arith.constant 48 : i32
      %scan3A_84 = arith.addi %scan3A_82, %scan3A_83 : i32
      %scan3A_85 = arith.constant 1 : i32
      scf.for %scan3A_391 = %scan3A_82 to %scan3A_84 step %scan3A_85  : i32 {
        %mul3A_392 = arith.constant 16 : i32
        %mul3A_393 = arith.muli %scan3A_391, %mul3A_392 : i32
        %get3A_394 = arith.constant 16 : i32
        %get3A_395 = arith.index_cast %get3A_394 : i32 to index
        %get3A_396 = arith.index_cast %mul3A_393 : i32 to index
        %get3A_397 = tpu.vector_load %arg8[%get3A_395, %get3A_396] {strides = array<i32>} : memref<128x768xf32, #tpu.memory_space<vmem>>, vector<1x16xf32>,
        %get3A_398 = vector.shape_cast %get3A_397 : vector<1x16xf32> to vector<16xf32>
        %mul3A_399 = vector.broadcast %squeeze3A_66 : f32 to vector<16xf32>
        %mul3A_400 = arith.mulf %mul3A_399, %get3A_398 : vector<16xf32>
        %mul3A_401 = arith.constant 16 : i32
        %mul3A_402 = arith.muli %scan3A_391, %mul3A_401 : i32
        %get3A_403 = arith.constant 17 : i32
        %get3A_404 = arith.index_cast %get3A_403 : i32 to index
        %get3A_405 = arith.index_cast %mul3A_402 : i32 to index
        %get3A_406 = tpu.vector_load %arg8[%get3A_404, %get3A_405] {strides = array<i32>} : memref<128x768xf32, #tpu.memory_space<vmem>>, vector<1x16xf32>,
        %get3A_407 = vector.shape_cast %get3A_406 : vector<1x16xf32> to vector<16xf32>
        %mul3A_408 = vector.broadcast %squeeze3A_68 : f32 to vector<16xf32>
        %mul3A_409 = arith.mulf %mul3A_408, %get3A_407 : vector<16xf32>
        %add3A_410 = arith.addf %mul3A_400, %mul3A_409 : vector<16xf32>
        %mul3A_411 = arith.constant 16 : i32
        %mul3A_412 = arith.muli %scan3A_391, %mul3A_411 : i32
        %get3A_413 = arith.constant 18 : i32
        %get3A_414 = arith.index_cast %get3A_413 : i32 to index
        %get3A_415 = arith.index_cast %mul3A_412 : i32 to index
        %get3A_416 = tpu.vector_load %arg8[%get3A_414, %get3A_415] {strides = array<i32>} : memref<128x768xf32, #tpu.memory_space<vmem>>, vector<1x16xf32>,
        %get3A_417 = vector.shape_cast %get3A_416 : vector<1x16xf32> to vector<16xf32>
        %mul3A_418 = vector.broadcast %squeeze3A_70 : f32 to vector<16xf32>
        %mul3A_419 = arith.mulf %mul3A_418, %get3A_417 : vector<16xf32>
        %add3A_420 = arith.addf %add3A_410, %mul3A_419 : vector<16xf32>
        %mul3A_421 = arith.constant 16 : i32
        %mul3A_422 = arith.muli %scan3A_391, %mul3A_421 : i32
        %get3A_423 = arith.constant 19 : i32
        %get3A_424 = arith.index_cast %get3A_423 : i32 to index
        %get3A_425 = arith.index_cast %mul3A_422 : i32 to index
        %get3A_426 = tpu.vector_load %arg8[%get3A_424, %get3A_425] {strides = array<i32>} : memref<128x768xf32, #tpu.memory_space<vmem>>, vector<1x16xf32>,
        %get3A_427 = vector.shape_cast %get3A_426 : vector<1x16xf32> to vector<16xf32>
        %mul3A_428 = vector.broadcast %squeeze3A_72 : f32 to vector<16xf32>
        %mul3A_429 = arith.mulf %mul3A_428, %get3A_427 : vector<16xf32>
        %add3A_430 = arith.addf %add3A_420, %mul3A_429 : vector<16xf32>
        %mul3A_431 = arith.constant 16 : i32
        %mul3A_432 = arith.muli %scan3A_391, %mul3A_431 : i32
        %get3A_433 = arith.constant 20 : i32
        %get3A_434 = arith.index_cast %get3A_433 : i32 to index
        %get3A_435 = arith.index_cast %mul3A_432 : i32 to index
        %get3A_436 = tpu.vector_load %arg8[%get3A_434, %get3A_435] {strides = array<i32>} : memref<128x768xf32, #tpu.memory_space<vmem>>, vector<1x16xf32>,
        %get3A_437 = vector.shape_cast %get3A_436 : vector<1x16xf32> to vector<16xf32>
        %mul3A_438 = vector.broadcast %squeeze3A_74 : f32 to vector<16xf32>
        %mul3A_439 = arith.mulf %mul3A_438, %get3A_437 : vector<16xf32>
        %add3A_440 = arith.addf %add3A_430, %mul3A_439 : vector<16xf32>
        %mul3A_441 = arith.constant 16 : i32
        %mul3A_442 = arith.muli %scan3A_391, %mul3A_441 : i32
        %get3A_443 = arith.constant 21 : i32
        %get3A_444 = arith.index_cast %get3A_443 : i32 to index
        %get3A_445 = arith.index_cast %mul3A_442 : i32 to index
        %get3A_446 = tpu.vector_load %arg8[%get3A_444, %get3A_445] {strides = array<i32>} : memref<128x768xf32, #tpu.memory_space<vmem>>, vector<1x16xf32>,
        %get3A_447 = vector.shape_cast %get3A_446 : vector<1x16xf32> to vector<16xf32>
        %mul3A_448 = vector.broadcast %squeeze3A_76 : f32 to vector<16xf32>
        %mul3A_449 = arith.mulf %mul3A_448, %get3A_447 : vector<16xf32>
        %add3A_450 = arith.addf %add3A_440, %mul3A_449 : vector<16xf32>
        %mul3A_451 = arith.constant 16 : i32
        %mul3A_452 = arith.muli %scan3A_391, %mul3A_451 : i32
        %get3A_453 = arith.constant 22 : i32
        %get3A_454 = arith.index_cast %get3A_453 : i32 to index
        %get3A_455 = arith.index_cast %mul3A_452 : i32 to index
        %get3A_456 = tpu.vector_load %arg8[%get3A_454, %get3A_455] {strides = array<i32>} : memref<128x768xf32, #tpu.memory_space<vmem>>, vector<1x16xf32>,
        %get3A_457 = vector.shape_cast %get3A_456 : vector<1x16xf32> to vector<16xf32>
        %mul3A_458 = vector.broadcast %squeeze3A_78 : f32 to vector<16xf32>
        %mul3A_459 = arith.mulf %mul3A_458, %get3A_457 : vector<16xf32>
        %add3A_460 = arith.addf %add3A_450, %mul3A_459 : vector<16xf32>
        %mul3A_461 = arith.constant 16 : i32
        %mul3A_462 = arith.muli %scan3A_391, %mul3A_461 : i32
        %get3A_463 = arith.constant 23 : i32
        %get3A_464 = arith.index_cast %get3A_463 : i32 to index
        %get3A_465 = arith.index_cast %mul3A_462 : i32 to index
        %get3A_466 = tpu.vector_load %arg8[%get3A_464, %get3A_465] {strides = array<i32>} : memref<128x768xf32, #tpu.memory_space<vmem>>, vector<1x16xf32>,
        %get3A_467 = vector.shape_cast %get3A_466 : vector<1x16xf32> to vector<16xf32>
        %mul3A_468 = vector.broadcast %squeeze3A_80 : f32 to vector<16xf32>
        %mul3A_469 = arith.mulf %mul3A_468, %get3A_467 : vector<16xf32>
        %add3A_470 = arith.addf %add3A_460, %mul3A_469 : vector<16xf32>
        %mul3A_471 = arith.constant 16 : i32
        %mul3A_472 = arith.muli %scan3A_391, %mul3A_471 : i32
        %swap3A = arith.constant 2 : i32
        %swap3A_473 = arith.index_cast %swap3A : i32 to index
        %swap3A_474 = arith.index_cast %mul3A_472 : i32 to index
        %swap3A_475 = tpu.vector_load %arg9[%swap3A_473, %swap3A_474] {strides = array<i32>} : memref<16x768xf32, #tpu.memory_space<vmem>>, vector<1x16xf32>,
        %swap3A_476 = vector.shape_cast %swap3A_475 : vector<1x16xf32> to vector<16xf32>
        %swap3A_477 = vector.shape_cast %add3A_470 : vector<16xf32> to vector<1x16xf32>
        tpu.vector_store %arg9[%swap3A_473, %swap3A_474], %swap3A_477 {strides = array<i32>} : memref<16x768xf32, #tpu.memory_space<vmem>>, vector<1x16xf32>,
      }
      %scan3A_86 = arith.constant 48 : i32
      %slice3A_87 = vector.extract_strided_slice %get3A_64 {offsets = [8], sizes = [1], strides = [1]} : vector<16xf32> to vector<1xf32>
      %squeeze3A_88 = vector.extract %slice3A_87[0] : f32 from vector<1xf32>
      %slice3A_89 = vector.extract_strided_slice %get3A_64 {offsets = [9], sizes = [1], strides = [1]} : vector<16xf32> to vector<1xf32>
      %squeeze3A_90 = vector.extract %slice3A_89[0] : f32 from vector<1xf32>
      %slice3A_91 = vector.extract_strided_slice %get3A_64 {offsets = [10], sizes = [1], strides = [1]} : vector<16xf32> to vector<1xf32>
      %squeeze3A_92 = vector.extract %slice3A_91[0] : f32 from vector<1xf32>
      %slice3A_93 = vector.extract_strided_slice %get3A_64 {offsets = [11], sizes = [1], strides = [1]} : vector<16xf32> to vector<1xf32>
      %squeeze3A_94 = vector.extract %slice3A_93[0] : f32 from vector<1xf32>
      %slice3A_95 = vector.extract_strided_slice %get3A_64 {offsets = [12], sizes = [1], strides = [1]} : vector<16xf32> to vector<1xf32>
      %squeeze3A_96 = vector.extract %slice3A_95[0] : f32 from vector<1xf32>
      %slice3A_97 = vector.extract_strided_slice %get3A_64 {offsets = [13], sizes = [1], strides = [1]} : vector<16xf32> to vector<1xf32>
      %squeeze3A_98 = vector.extract %slice3A_97[0] : f32 from vector<1xf32>
      %slice3A_99 = vector.extract_strided_slice %get3A_64 {offsets = [14], sizes = [1], strides = [1]} : vector<16xf32> to vector<1xf32>
      %squeeze3A_100 = vector.extract %slice3A_99[0] : f32 from vector<1xf32>
      %slice3A_101 = vector.extract_strided_slice %get3A_64 {offsets = [15], sizes = [1], strides = [1]} : vector<16xf32> to vector<1xf32>
      %squeeze3A_102 = vector.extract %slice3A_101[0] : f32 from vector<1xf32>
      %scan3A_103 = arith.constant 0 : i32
      %scan3A_104 = arith.constant 0 : i32
      %scan3A_105 = arith.constant 48 : i32
      %scan3A_106 = arith.addi %scan3A_104, %scan3A_105 : i32
      %scan3A_107 = arith.constant 1 : i32
      scf.for %scan3A_391 = %scan3A_104 to %scan3A_106 step %scan3A_107  : i32 {
        %mul3A_392 = arith.constant 16 : i32
        %mul3A_393 = arith.muli %scan3A_391, %mul3A_392 : i32
        %get3A_394 = arith.constant 24 : i32
        %get3A_395 = arith.index_cast %get3A_394 : i32 to index
        %get3A_396 = arith.index_cast %mul3A_393 : i32 to index
        %get3A_397 = tpu.vector_load %arg8[%get3A_395, %get3A_396] {strides = array<i32>} : memref<128x768xf32, #tpu.memory_space<vmem>>, vector<1x16xf32>,
        %get3A_398 = vector.shape_cast %get3A_397 : vector<1x16xf32> to vector<16xf32>
        %mul3A_399 = vector.broadcast %squeeze3A_88 : f32 to vector<16xf32>
        %mul3A_400 = arith.mulf %mul3A_399, %get3A_398 : vector<16xf32>
        %mul3A_401 = arith.constant 16 : i32
        %mul3A_402 = arith.muli %scan3A_391, %mul3A_401 : i32
        %get3A_403 = arith.constant 25 : i32
        %get3A_404 = arith.index_cast %get3A_403 : i32 to index
        %get3A_405 = arith.index_cast %mul3A_402 : i32 to index
        %get3A_406 = tpu.vector_load %arg8[%get3A_404, %get3A_405] {strides = array<i32>} : memref<128x768xf32, #tpu.memory_space<vmem>>, vector<1x16xf32>,
        %get3A_407 = vector.shape_cast %get3A_406 : vector<1x16xf32> to vector<16xf32>
        %mul3A_408 = vector.broadcast %squeeze3A_90 : f32 to vector<16xf32>
        %mul3A_409 = arith.mulf %mul3A_408, %get3A_407 : vector<16xf32>
        %add3A_410 = arith.addf %mul3A_400, %mul3A_409 : vector<16xf32>
        %mul3A_411 = arith.constant 16 : i32
        %mul3A_412 = arith.muli %scan3A_391, %mul3A_411 : i32
        %get3A_413 = arith.constant 26 : i32
        %get3A_414 = arith.index_cast %get3A_413 : i32 to index
        %get3A_415 = arith.index_cast %mul3A_412 : i32 to index
        %get3A_416 = tpu.vector_load %arg8[%get3A_414, %get3A_415] {strides = array<i32>} : memref<128x768xf32, #tpu.memory_space<vmem>>, vector<1x16xf32>,
        %get3A_417 = vector.shape_cast %get3A_416 : vector<1x16xf32> to vector<16xf32>
        %mul3A_418 = vector.broadcast %squeeze3A_92 : f32 to vector<16xf32>
        %mul3A_419 = arith.mulf %mul3A_418, %get3A_417 : vector<16xf32>
        %add3A_420 = arith.addf %add3A_410, %mul3A_419 : vector<16xf32>
        %mul3A_421 = arith.constant 16 : i32
        %mul3A_422 = arith.muli %scan3A_391, %mul3A_421 : i32
        %get3A_423 = arith.constant 27 : i32
        %get3A_424 = arith.index_cast %get3A_423 : i32 to index
        %get3A_425 = arith.index_cast %mul3A_422 : i32 to index
        %get3A_426 = tpu.vector_load %arg8[%get3A_424, %get3A_425] {strides = array<i32>} : memref<128x768xf32, #tpu.memory_space<vmem>>, vector<1x16xf32>,
        %get3A_427 = vector.shape_cast %get3A_426 : vector<1x16xf32> to vector<16xf32>
        %mul3A_428 = vector.broadcast %squeeze3A_94 : f32 to vector<16xf32>
        %mul3A_429 = arith.mulf %mul3A_428, %get3A_427 : vector<16xf32>
        %add3A_430 = arith.addf %add3A_420, %mul3A_429 : vector<16xf32>
        %mul3A_431 = arith.constant 16 : i32
        %mul3A_432 = arith.muli %scan3A_391, %mul3A_431 : i32
        %get3A_433 = arith.constant 28 : i32
        %get3A_434 = arith.index_cast %get3A_433 : i32 to index
        %get3A_435 = arith.index_cast %mul3A_432 : i32 to index
        %get3A_436 = tpu.vector_load %arg8[%get3A_434, %get3A_435] {strides = array<i32>} : memref<128x768xf32, #tpu.memory_space<vmem>>, vector<1x16xf32>,
        %get3A_437 = vector.shape_cast %get3A_436 : vector<1x16xf32> to vector<16xf32>
        %mul3A_438 = vector.broadcast %squeeze3A_96 : f32 to vector<16xf32>
        %mul3A_439 = arith.mulf %mul3A_438, %get3A_437 : vector<16xf32>
        %add3A_440 = arith.addf %add3A_430, %mul3A_439 : vector<16xf32>
        %mul3A_441 = arith.constant 16 : i32
        %mul3A_442 = arith.muli %scan3A_391, %mul3A_441 : i32
        %get3A_443 = arith.constant 29 : i32
        %get3A_444 = arith.index_cast %get3A_443 : i32 to index
        %get3A_445 = arith.index_cast %mul3A_442 : i32 to index
        %get3A_446 = tpu.vector_load %arg8[%get3A_444, %get3A_445] {strides = array<i32>} : memref<128x768xf32, #tpu.memory_space<vmem>>, vector<1x16xf32>,
        %get3A_447 = vector.shape_cast %get3A_446 : vector<1x16xf32> to vector<16xf32>
        %mul3A_448 = vector.broadcast %squeeze3A_98 : f32 to vector<16xf32>
        %mul3A_449 = arith.mulf %mul3A_448, %get3A_447 : vector<16xf32>
        %add3A_450 = arith.addf %add3A_440, %mul3A_449 : vector<16xf32>
        %mul3A_451 = arith.constant 16 : i32
        %mul3A_452 = arith.muli %scan3A_391, %mul3A_451 : i32
        %get3A_453 = arith.constant 30 : i32
        %get3A_454 = arith.index_cast %get3A_453 : i32 to index
        %get3A_455 = arith.index_cast %mul3A_452 : i32 to index
        %get3A_456 = tpu.vector_load %arg8[%get3A_454, %get3A_455] {strides = array<i32>} : memref<128x768xf32, #tpu.memory_space<vmem>>, vector<1x16xf32>,
        %get3A_457 = vector.shape_cast %get3A_456 : vector<1x16xf32> to vector<16xf32>
        %mul3A_458 = vector.broadcast %squeeze3A_100 : f32 to vector<16xf32>
        %mul3A_459 = arith.mulf %mul3A_458, %get3A_457 : vector<16xf32>
        %add3A_460 = arith.addf %add3A_450, %mul3A_459 : vector<16xf32>
        %mul3A_461 = arith.constant 16 : i32
        %mul3A_462 = arith.muli %scan3A_391, %mul3A_461 : i32
        %get3A_463 = arith.constant 31 : i32
        %get3A_464 = arith.index_cast %get3A_463 : i32 to index
        %get3A_465 = arith.index_cast %mul3A_462 : i32 to index
        %get3A_466 = tpu.vector_load %arg8[%get3A_464, %get3A_465] {strides = array<i32>} : memref<128x768xf32, #tpu.memory_space<vmem>>, vector<1x16xf32>,
        %get3A_467 = vector.shape_cast %get3A_466 : vector<1x16xf32> to vector<16xf32>
        %mul3A_468 = vector.broadcast %squeeze3A_102 : f32 to vector<16xf32>
        %mul3A_469 = arith.mulf %mul3A_468, %get3A_467 : vector<16xf32>
        %add3A_470 = arith.addf %add3A_460, %mul3A_469 : vector<16xf32>
        %mul3A_471 = arith.constant 16 : i32
        %mul3A_472 = arith.muli %scan3A_391, %mul3A_471 : i32
        %swap3A = arith.constant 3 : i32
        %swap3A_473 = arith.index_cast %swap3A : i32 to index
        %swap3A_474 = arith.index_cast %mul3A_472 : i32 to index
        %swap3A_475 = tpu.vector_load %arg9[%swap3A_473, %swap3A_474] {strides = array<i32>} : memref<16x768xf32, #tpu.memory_space<vmem>>, vector<1x16xf32>,
        %swap3A_476 = vector.shape_cast %swap3A_475 : vector<1x16xf32> to vector<16xf32>
        %swap3A_477 = vector.shape_cast %add3A_470 : vector<16xf32> to vector<1x16xf32>
        tpu.vector_store %arg9[%swap3A_473, %swap3A_474], %swap3A_477 {strides = array<i32>} : memref<16x768xf32, #tpu.memory_space<vmem>>, vector<1x16xf32>,
      }
      %scan3A_108 = arith.constant 48 : i32
      %get3A_109 = arith.constant 32 : index
      %get3A_110 = tpu.vector_load %arg7[%get3A_109] {strides = array<i32>} : memref<128xf32, #tpu.memory_space<vmem>>, vector<16xf32>,
      %get3A_111 = vector.shape_cast %get3A_110 : vector<16xf32> to vector<16xf32>
      %slice3A_112 = vector.extract_strided_slice %get3A_111 {offsets = [0], sizes = [1], strides = [1]} : vector<16xf32> to vector<1xf32>
      %squeeze3A_113 = vector.extract %slice3A_112[0] : f32 from vector<1xf32>
      %slice3A_114 = vector.extract_strided_slice %get3A_111 {offsets = [1], sizes = [1], strides = [1]} : vector<16xf32> to vector<1xf32>
      %squeeze3A_115 = vector.extract %slice3A_114[0] : f32 from vector<1xf32>
      %slice3A_116 = vector.extract_strided_slice %get3A_111 {offsets = [2], sizes = [1], strides = [1]} : vector<16xf32> to vector<1xf32>
      %squeeze3A_117 = vector.extract %slice3A_116[0] : f32 from vector<1xf32>
      %slice3A_118 = vector.extract_strided_slice %get3A_111 {offsets = [3], sizes = [1], strides = [1]} : vector<16xf32> to vector<1xf32>
      %squeeze3A_119 = vector.extract %slice3A_118[0] : f32 from vector<1xf32>
      %slice3A_120 = vector.extract_strided_slice %get3A_111 {offsets = [4], sizes = [1], strides = [1]} : vector<16xf32> to vector<1xf32>
      %squeeze3A_121 = vector.extract %slice3A_120[0] : f32 from vector<1xf32>
      %slice3A_122 = vector.extract_strided_slice %get3A_111 {offsets = [5], sizes = [1], strides = [1]} : vector<16xf32> to vector<1xf32>
      %squeeze3A_123 = vector.extract %slice3A_122[0] : f32 from vector<1xf32>
      %slice3A_124 = vector.extract_strided_slice %get3A_111 {offsets = [6], sizes = [1], strides = [1]} : vector<16xf32> to vector<1xf32>
      %squeeze3A_125 = vector.extract %slice3A_124[0] : f32 from vector<1xf32>
      %slice3A_126 = vector.extract_strided_slice %get3A_111 {offsets = [7], sizes = [1], strides = [1]} : vector<16xf32> to vector<1xf32>
      %squeeze3A_127 = vector.extract %slice3A_126[0] : f32 from vector<1xf32>
      %scan3A_128 = arith.constant 0 : i32
      %scan3A_129 = arith.constant 0 : i32
      %scan3A_130 = arith.constant 48 : i32
      %scan3A_131 = arith.addi %scan3A_129, %scan3A_130 : i32
      %scan3A_132 = arith.constant 1 : i32
      scf.for %scan3A_391 = %scan3A_129 to %scan3A_131 step %scan3A_132  : i32 {
        %mul3A_392 = arith.constant 16 : i32
        %mul3A_393 = arith.muli %scan3A_391, %mul3A_392 : i32
        %get3A_394 = arith.constant 32 : i32
        %get3A_395 = arith.index_cast %get3A_394 : i32 to index
        %get3A_396 = arith.index_cast %mul3A_393 : i32 to index
        %get3A_397 = tpu.vector_load %arg8[%get3A_395, %get3A_396] {strides = array<i32>} : memref<128x768xf32, #tpu.memory_space<vmem>>, vector<1x16xf32>,
        %get3A_398 = vector.shape_cast %get3A_397 : vector<1x16xf32> to vector<16xf32>
        %mul3A_399 = vector.broadcast %squeeze3A_113 : f32 to vector<16xf32>
        %mul3A_400 = arith.mulf %mul3A_399, %get3A_398 : vector<16xf32>
        %mul3A_401 = arith.constant 16 : i32
        %mul3A_402 = arith.muli %scan3A_391, %mul3A_401 : i32
        %get3A_403 = arith.constant 33 : i32
        %get3A_404 = arith.index_cast %get3A_403 : i32 to index
        %get3A_405 = arith.index_cast %mul3A_402 : i32 to index
        %get3A_406 = tpu.vector_load %arg8[%get3A_404, %get3A_405] {strides = array<i32>} : memref<128x768xf32, #tpu.memory_space<vmem>>, vector<1x16xf32>,
        %get3A_407 = vector.shape_cast %get3A_406 : vector<1x16xf32> to vector<16xf32>
        %mul3A_408 = vector.broadcast %squeeze3A_115 : f32 to vector<16xf32>
        %mul3A_409 = arith.mulf %mul3A_408, %get3A_407 : vector<16xf32>
        %add3A_410 = arith.addf %mul3A_400, %mul3A_409 : vector<16xf32>
        %mul3A_411 = arith.constant 16 : i32
        %mul3A_412 = arith.muli %scan3A_391, %mul3A_411 : i32
        %get3A_413 = arith.constant 34 : i32
        %get3A_414 = arith.index_cast %get3A_413 : i32 to index
        %get3A_415 = arith.index_cast %mul3A_412 : i32 to index
        %get3A_416 = tpu.vector_load %arg8[%get3A_414, %get3A_415] {strides = array<i32>} : memref<128x768xf32, #tpu.memory_space<vmem>>, vector<1x16xf32>,
        %get3A_417 = vector.shape_cast %get3A_416 : vector<1x16xf32> to vector<16xf32>
        %mul3A_418 = vector.broadcast %squeeze3A_117 : f32 to vector<16xf32>
        %mul3A_419 = arith.mulf %mul3A_418, %get3A_417 : vector<16xf32>
        %add3A_420 = arith.addf %add3A_410, %mul3A_419 : vector<16xf32>
        %mul3A_421 = arith.constant 16 : i32
        %mul3A_422 = arith.muli %scan3A_391, %mul3A_421 : i32
        %get3A_423 = arith.constant 35 : i32
        %get3A_424 = arith.index_cast %get3A_423 : i32 to index
        %get3A_425 = arith.index_cast %mul3A_422 : i32 to index
        %get3A_426 = tpu.vector_load %arg8[%get3A_424, %get3A_425] {strides = array<i32>} : memref<128x768xf32, #tpu.memory_space<vmem>>, vector<1x16xf32>,
        %get3A_427 = vector.shape_cast %get3A_426 : vector<1x16xf32> to vector<16xf32>
        %mul3A_428 = vector.broadcast %squeeze3A_119 : f32 to vector<16xf32>
        %mul3A_429 = arith.mulf %mul3A_428, %get3A_427 : vector<16xf32>
        %add3A_430 = arith.addf %add3A_420, %mul3A_429 : vector<16xf32>
        %mul3A_431 = arith.constant 16 : i32
        %mul3A_432 = arith.muli %scan3A_391, %mul3A_431 : i32
        %get3A_433 = arith.constant 36 : i32
        %get3A_434 = arith.index_cast %get3A_433 : i32 to index
        %get3A_435 = arith.index_cast %mul3A_432 : i32 to index
        %get3A_436 = tpu.vector_load %arg8[%get3A_434, %get3A_435] {strides = array<i32>} : memref<128x768xf32, #tpu.memory_space<vmem>>, vector<1x16xf32>,
        %get3A_437 = vector.shape_cast %get3A_436 : vector<1x16xf32> to vector<16xf32>
        %mul3A_438 = vector.broadcast %squeeze3A_121 : f32 to vector<16xf32>
        %mul3A_439 = arith.mulf %mul3A_438, %get3A_437 : vector<16xf32>
        %add3A_440 = arith.addf %add3A_430, %mul3A_439 : vector<16xf32>
        %mul3A_441 = arith.constant 16 : i32
        %mul3A_442 = arith.muli %scan3A_391, %mul3A_441 : i32
        %get3A_443 = arith.constant 37 : i32
        %get3A_444 = arith.index_cast %get3A_443 : i32 to index
        %get3A_445 = arith.index_cast %mul3A_442 : i32 to index
        %get3A_446 = tpu.vector_load %arg8[%get3A_444, %get3A_445] {strides = array<i32>} : memref<128x768xf32, #tpu.memory_space<vmem>>, vector<1x16xf32>,
        %get3A_447 = vector.shape_cast %get3A_446 : vector<1x16xf32> to vector<16xf32>
        %mul3A_448 = vector.broadcast %squeeze3A_123 : f32 to vector<16xf32>
        %mul3A_449 = arith.mulf %mul3A_448, %get3A_447 : vector<16xf32>
        %add3A_450 = arith.addf %add3A_440, %mul3A_449 : vector<16xf32>
        %mul3A_451 = arith.constant 16 : i32
        %mul3A_452 = arith.muli %scan3A_391, %mul3A_451 : i32
        %get3A_453 = arith.constant 38 : i32
        %get3A_454 = arith.index_cast %get3A_453 : i32 to index
        %get3A_455 = arith.index_cast %mul3A_452 : i32 to index
        %get3A_456 = tpu.vector_load %arg8[%get3A_454, %get3A_455] {strides = array<i32>} : memref<128x768xf32, #tpu.memory_space<vmem>>, vector<1x16xf32>,
        %get3A_457 = vector.shape_cast %get3A_456 : vector<1x16xf32> to vector<16xf32>
        %mul3A_458 = vector.broadcast %squeeze3A_125 : f32 to vector<16xf32>
        %mul3A_459 = arith.mulf %mul3A_458, %get3A_457 : vector<16xf32>
        %add3A_460 = arith.addf %add3A_450, %mul3A_459 : vector<16xf32>
        %mul3A_461 = arith.constant 16 : i32
        %mul3A_462 = arith.muli %scan3A_391, %mul3A_461 : i32
        %get3A_463 = arith.constant 39 : i32
        %get3A_464 = arith.index_cast %get3A_463 : i32 to index
        %get3A_465 = arith.index_cast %mul3A_462 : i32 to index
        %get3A_466 = tpu.vector_load %arg8[%get3A_464, %get3A_465] {strides = array<i32>} : memref<128x768xf32, #tpu.memory_space<vmem>>, vector<1x16xf32>,
        %get3A_467 = vector.shape_cast %get3A_466 : vector<1x16xf32> to vector<16xf32>
        %mul3A_468 = vector.broadcast %squeeze3A_127 : f32 to vector<16xf32>
        %mul3A_469 = arith.mulf %mul3A_468, %get3A_467 : vector<16xf32>
        %add3A_470 = arith.addf %add3A_460, %mul3A_469 : vector<16xf32>
        %mul3A_471 = arith.constant 16 : i32
        %mul3A_472 = arith.muli %scan3A_391, %mul3A_471 : i32
        %swap3A = arith.constant 4 : i32
        %swap3A_473 = arith.index_cast %swap3A : i32 to index
        %swap3A_474 = arith.index_cast %mul3A_472 : i32 to index
        %swap3A_475 = tpu.vector_load %arg9[%swap3A_473, %swap3A_474] {strides = array<i32>} : memref<16x768xf32, #tpu.memory_space<vmem>>, vector<1x16xf32>,
        %swap3A_476 = vector.shape_cast %swap3A_475 : vector<1x16xf32> to vector<16xf32>
        %swap3A_477 = vector.shape_cast %add3A_470 : vector<16xf32> to vector<1x16xf32>
        tpu.vector_store %arg9[%swap3A_473, %swap3A_474], %swap3A_477 {strides = array<i32>} : memref<16x768xf32, #tpu.memory_space<vmem>>, vector<1x16xf32>,
      }
      %scan3A_133 = arith.constant 48 : i32
      %slice3A_134 = vector.extract_strided_slice %get3A_111 {offsets = [8], sizes = [1], strides = [1]} : vector<16xf32> to vector<1xf32>
      %squeeze3A_135 = vector.extract %slice3A_134[0] : f32 from vector<1xf32>
      %slice3A_136 = vector.extract_strided_slice %get3A_111 {offsets = [9], sizes = [1], strides = [1]} : vector<16xf32> to vector<1xf32>
      %squeeze3A_137 = vector.extract %slice3A_136[0] : f32 from vector<1xf32>
      %slice3A_138 = vector.extract_strided_slice %get3A_111 {offsets = [10], sizes = [1], strides = [1]} : vector<16xf32> to vector<1xf32>
      %squeeze3A_139 = vector.extract %slice3A_138[0] : f32 from vector<1xf32>
      %slice3A_140 = vector.extract_strided_slice %get3A_111 {offsets = [11], sizes = [1], strides = [1]} : vector<16xf32> to vector<1xf32>
      %squeeze3A_141 = vector.extract %slice3A_140[0] : f32 from vector<1xf32>
      %slice3A_142 = vector.extract_strided_slice %get3A_111 {offsets = [12], sizes = [1], strides = [1]} : vector<16xf32> to vector<1xf32>
      %squeeze3A_143 = vector.extract %slice3A_142[0] : f32 from vector<1xf32>
      %slice3A_144 = vector.extract_strided_slice %get3A_111 {offsets = [13], sizes = [1], strides = [1]} : vector<16xf32> to vector<1xf32>
      %squeeze3A_145 = vector.extract %slice3A_144[0] : f32 from vector<1xf32>
      %slice3A_146 = vector.extract_strided_slice %get3A_111 {offsets = [14], sizes = [1], strides = [1]} : vector<16xf32> to vector<1xf32>
      %squeeze3A_147 = vector.extract %slice3A_146[0] : f32 from vector<1xf32>
      %slice3A_148 = vector.extract_strided_slice %get3A_111 {offsets = [15], sizes = [1], strides = [1]} : vector<16xf32> to vector<1xf32>
      %squeeze3A_149 = vector.extract %slice3A_148[0] : f32 from vector<1xf32>
      %scan3A_150 = arith.constant 0 : i32
      %scan3A_151 = arith.constant 0 : i32
      %scan3A_152 = arith.constant 48 : i32
      %scan3A_153 = arith.addi %scan3A_151, %scan3A_152 : i32
      %scan3A_154 = arith.constant 1 : i32
      scf.for %scan3A_391 = %scan3A_151 to %scan3A_153 step %scan3A_154  : i32 {
        %mul3A_392 = arith.constant 16 : i32
        %mul3A_393 = arith.muli %scan3A_391, %mul3A_392 : i32
        %get3A_394 = arith.constant 40 : i32
        %get3A_395 = arith.index_cast %get3A_394 : i32 to index
        %get3A_396 = arith.index_cast %mul3A_393 : i32 to index
        %get3A_397 = tpu.vector_load %arg8[%get3A_395, %get3A_396] {strides = array<i32>} : memref<128x768xf32, #tpu.memory_space<vmem>>, vector<1x16xf32>,
        %get3A_398 = vector.shape_cast %get3A_397 : vector<1x16xf32> to vector<16xf32>
        %mul3A_399 = vector.broadcast %squeeze3A_135 : f32 to vector<16xf32>
        %mul3A_400 = arith.mulf %mul3A_399, %get3A_398 : vector<16xf32>
        %mul3A_401 = arith.constant 16 : i32
        %mul3A_402 = arith.muli %scan3A_391, %mul3A_401 : i32
        %get3A_403 = arith.constant 41 : i32
        %get3A_404 = arith.index_cast %get3A_403 : i32 to index
        %get3A_405 = arith.index_cast %mul3A_402 : i32 to index
        %get3A_406 = tpu.vector_load %arg8[%get3A_404, %get3A_405] {strides = array<i32>} : memref<128x768xf32, #tpu.memory_space<vmem>>, vector<1x16xf32>,
        %get3A_407 = vector.shape_cast %get3A_406 : vector<1x16xf32> to vector<16xf32>
        %mul3A_408 = vector.broadcast %squeeze3A_137 : f32 to vector<16xf32>
        %mul3A_409 = arith.mulf %mul3A_408, %get3A_407 : vector<16xf32>
        %add3A_410 = arith.addf %mul3A_400, %mul3A_409 : vector<16xf32>
        %mul3A_411 = arith.constant 16 : i32
        %mul3A_412 = arith.muli %scan3A_391, %mul3A_411 : i32
        %get3A_413 = arith.constant 42 : i32
        %get3A_414 = arith.index_cast %get3A_413 : i32 to index
        %get3A_415 = arith.index_cast %mul3A_412 : i32 to index
        %get3A_416 = tpu.vector_load %arg8[%get3A_414, %get3A_415] {strides = array<i32>} : memref<128x768xf32, #tpu.memory_space<vmem>>, vector<1x16xf32>,
        %get3A_417 = vector.shape_cast %get3A_416 : vector<1x16xf32> to vector<16xf32>
        %mul3A_418 = vector.broadcast %squeeze3A_139 : f32 to vector<16xf32>
        %mul3A_419 = arith.mulf %mul3A_418, %get3A_417 : vector<16xf32>
        %add3A_420 = arith.addf %add3A_410, %mul3A_419 : vector<16xf32>
        %mul3A_421 = arith.constant 16 : i32
        %mul3A_422 = arith.muli %scan3A_391, %mul3A_421 : i32
        %get3A_423 = arith.constant 43 : i32
        %get3A_424 = arith.index_cast %get3A_423 : i32 to index
        %get3A_425 = arith.index_cast %mul3A_422 : i32 to index
        %get3A_426 = tpu.vector_load %arg8[%get3A_424, %get3A_425] {strides = array<i32>} : memref<128x768xf32, #tpu.memory_space<vmem>>, vector<1x16xf32>,
        %get3A_427 = vector.shape_cast %get3A_426 : vector<1x16xf32> to vector<16xf32>
        %mul3A_428 = vector.broadcast %squeeze3A_141 : f32 to vector<16xf32>
        %mul3A_429 = arith.mulf %mul3A_428, %get3A_427 : vector<16xf32>
        %add3A_430 = arith.addf %add3A_420, %mul3A_429 : vector<16xf32>
        %mul3A_431 = arith.constant 16 : i32
        %mul3A_432 = arith.muli %scan3A_391, %mul3A_431 : i32
        %get3A_433 = arith.constant 44 : i32
        %get3A_434 = arith.index_cast %get3A_433 : i32 to index
        %get3A_435 = arith.index_cast %mul3A_432 : i32 to index
        %get3A_436 = tpu.vector_load %arg8[%get3A_434, %get3A_435] {strides = array<i32>} : memref<128x768xf32, #tpu.memory_space<vmem>>, vector<1x16xf32>,
        %get3A_437 = vector.shape_cast %get3A_436 : vector<1x16xf32> to vector<16xf32>
        %mul3A_438 = vector.broadcast %squeeze3A_143 : f32 to vector<16xf32>
        %mul3A_439 = arith.mulf %mul3A_438, %get3A_437 : vector<16xf32>
        %add3A_440 = arith.addf %add3A_430, %mul3A_439 : vector<16xf32>
        %mul3A_441 = arith.constant 16 : i32
        %mul3A_442 = arith.muli %scan3A_391, %mul3A_441 : i32
        %get3A_443 = arith.constant 45 : i32
        %get3A_444 = arith.index_cast %get3A_443 : i32 to index
        %get3A_445 = arith.index_cast %mul3A_442 : i32 to index
        %get3A_446 = tpu.vector_load %arg8[%get3A_444, %get3A_445] {strides = array<i32>} : memref<128x768xf32, #tpu.memory_space<vmem>>, vector<1x16xf32>,
        %get3A_447 = vector.shape_cast %get3A_446 : vector<1x16xf32> to vector<16xf32>
        %mul3A_448 = vector.broadcast %squeeze3A_145 : f32 to vector<16xf32>
        %mul3A_449 = arith.mulf %mul3A_448, %get3A_447 : vector<16xf32>
        %add3A_450 = arith.addf %add3A_440, %mul3A_449 : vector<16xf32>
        %mul3A_451 = arith.constant 16 : i32
        %mul3A_452 = arith.muli %scan3A_391, %mul3A_451 : i32
        %get3A_453 = arith.constant 46 : i32
        %get3A_454 = arith.index_cast %get3A_453 : i32 to index
        %get3A_455 = arith.index_cast %mul3A_452 : i32 to index
        %get3A_456 = tpu.vector_load %arg8[%get3A_454, %get3A_455] {strides = array<i32>} : memref<128x768xf32, #tpu.memory_space<vmem>>, vector<1x16xf32>,
        %get3A_457 = vector.shape_cast %get3A_456 : vector<1x16xf32> to vector<16xf32>
        %mul3A_458 = vector.broadcast %squeeze3A_147 : f32 to vector<16xf32>
        %mul3A_459 = arith.mulf %mul3A_458, %get3A_457 : vector<16xf32>
        %add3A_460 = arith.addf %add3A_450, %mul3A_459 : vector<16xf32>
        %mul3A_461 = arith.constant 16 : i32
        %mul3A_462 = arith.muli %scan3A_391, %mul3A_461 : i32
        %get3A_463 = arith.constant 47 : i32
        %get3A_464 = arith.index_cast %get3A_463 : i32 to index
        %get3A_465 = arith.index_cast %mul3A_462 : i32 to index
        %get3A_466 = tpu.vector_load %arg8[%get3A_464, %get3A_465] {strides = array<i32>} : memref<128x768xf32, #tpu.memory_space<vmem>>, vector<1x16xf32>,
        %get3A_467 = vector.shape_cast %get3A_466 : vector<1x16xf32> to vector<16xf32>
        %mul3A_468 = vector.broadcast %squeeze3A_149 : f32 to vector<16xf32>
        %mul3A_469 = arith.mulf %mul3A_468, %get3A_467 : vector<16xf32>
        %add3A_470 = arith.addf %add3A_460, %mul3A_469 : vector<16xf32>
        %mul3A_471 = arith.constant 16 : i32
        %mul3A_472 = arith.muli %scan3A_391, %mul3A_471 : i32
        %swap3A = arith.constant 5 : i32
        %swap3A_473 = arith.index_cast %swap3A : i32 to index
        %swap3A_474 = arith.index_cast %mul3A_472 : i32 to index
        %swap3A_475 = tpu.vector_load %arg9[%swap3A_473, %swap3A_474] {strides = array<i32>} : memref<16x768xf32, #tpu.memory_space<vmem>>, vector<1x16xf32>,
        %swap3A_476 = vector.shape_cast %swap3A_475 : vector<1x16xf32> to vector<16xf32>
        %swap3A_477 = vector.shape_cast %add3A_470 : vector<16xf32> to vector<1x16xf32>
        tpu.vector_store %arg9[%swap3A_473, %swap3A_474], %swap3A_477 {strides = array<i32>} : memref<16x768xf32, #tpu.memory_space<vmem>>, vector<1x16xf32>,
      }
      %scan3A_155 = arith.constant 48 : i32
      %get3A_156 = arith.constant 48 : index
      %get3A_157 = tpu.vector_load %arg7[%get3A_156] {strides = array<i32>} : memref<128xf32, #tpu.memory_space<vmem>>, vector<16xf32>,
      %get3A_158 = vector.shape_cast %get3A_157 : vector<16xf32> to vector<16xf32>
      %slice3A_159 = vector.extract_strided_slice %get3A_158 {offsets = [0], sizes = [1], strides = [1]} : vector<16xf32> to vector<1xf32>
      %squeeze3A_160 = vector.extract %slice3A_159[0] : f32 from vector<1xf32>
      %slice3A_161 = vector.extract_strided_slice %get3A_158 {offsets = [1], sizes = [1], strides = [1]} : vector<16xf32> to vector<1xf32>
      %squeeze3A_162 = vector.extract %slice3A_161[0] : f32 from vector<1xf32>
      %slice3A_163 = vector.extract_strided_slice %get3A_158 {offsets = [2], sizes = [1], strides = [1]} : vector<16xf32> to vector<1xf32>
      %squeeze3A_164 = vector.extract %slice3A_163[0] : f32 from vector<1xf32>
      %slice3A_165 = vector.extract_strided_slice %get3A_158 {offsets = [3], sizes = [1], strides = [1]} : vector<16xf32> to vector<1xf32>
      %squeeze3A_166 = vector.extract %slice3A_165[0] : f32 from vector<1xf32>
      %slice3A_167 = vector.extract_strided_slice %get3A_158 {offsets = [4], sizes = [1], strides = [1]} : vector<16xf32> to vector<1xf32>
      %squeeze3A_168 = vector.extract %slice3A_167[0] : f32 from vector<1xf32>
      %slice3A_169 = vector.extract_strided_slice %get3A_158 {offsets = [5], sizes = [1], strides = [1]} : vector<16xf32> to vector<1xf32>
      %squeeze3A_170 = vector.extract %slice3A_169[0] : f32 from vector<1xf32>
      %slice3A_171 = vector.extract_strided_slice %get3A_158 {offsets = [6], sizes = [1], strides = [1]} : vector<16xf32> to vector<1xf32>
      %squeeze3A_172 = vector.extract %slice3A_171[0] : f32 from vector<1xf32>
      %slice3A_173 = vector.extract_strided_slice %get3A_158 {offsets = [7], sizes = [1], strides = [1]} : vector<16xf32> to vector<1xf32>
      %squeeze3A_174 = vector.extract %slice3A_173[0] : f32 from vector<1xf32>
      %scan3A_175 = arith.constant 0 : i32
      %scan3A_176 = arith.constant 0 : i32
      %scan3A_177 = arith.constant 48 : i32
      %scan3A_178 = arith.addi %scan3A_176, %scan3A_177 : i32
      %scan3A_179 = arith.constant 1 : i32
      scf.for %scan3A_391 = %scan3A_176 to %scan3A_178 step %scan3A_179  : i32 {
        %mul3A_392 = arith.constant 16 : i32
        %mul3A_393 = arith.muli %scan3A_391, %mul3A_392 : i32
        %get3A_394 = arith.constant 48 : i32
        %get3A_395 = arith.index_cast %get3A_394 : i32 to index
        %get3A_396 = arith.index_cast %mul3A_393 : i32 to index
        %get3A_397 = tpu.vector_load %arg8[%get3A_395, %get3A_396] {strides = array<i32>} : memref<128x768xf32, #tpu.memory_space<vmem>>, vector<1x16xf32>,
        %get3A_398 = vector.shape_cast %get3A_397 : vector<1x16xf32> to vector<16xf32>
        %mul3A_399 = vector.broadcast %squeeze3A_160 : f32 to vector<16xf32>
        %mul3A_400 = arith.mulf %mul3A_399, %get3A_398 : vector<16xf32>
        %mul3A_401 = arith.constant 16 : i32
        %mul3A_402 = arith.muli %scan3A_391, %mul3A_401 : i32
        %get3A_403 = arith.constant 49 : i32
        %get3A_404 = arith.index_cast %get3A_403 : i32 to index
        %get3A_405 = arith.index_cast %mul3A_402 : i32 to index
        %get3A_406 = tpu.vector_load %arg8[%get3A_404, %get3A_405] {strides = array<i32>} : memref<128x768xf32, #tpu.memory_space<vmem>>, vector<1x16xf32>,
        %get3A_407 = vector.shape_cast %get3A_406 : vector<1x16xf32> to vector<16xf32>
        %mul3A_408 = vector.broadcast %squeeze3A_162 : f32 to vector<16xf32>
        %mul3A_409 = arith.mulf %mul3A_408, %get3A_407 : vector<16xf32>
        %add3A_410 = arith.addf %mul3A_400, %mul3A_409 : vector<16xf32>
        %mul3A_411 = arith.constant 16 : i32
        %mul3A_412 = arith.muli %scan3A_391, %mul3A_411 : i32
        %get3A_413 = arith.constant 50 : i32
        %get3A_414 = arith.index_cast %get3A_413 : i32 to index
        %get3A_415 = arith.index_cast %mul3A_412 : i32 to index
        %get3A_416 = tpu.vector_load %arg8[%get3A_414, %get3A_415] {strides = array<i32>} : memref<128x768xf32, #tpu.memory_space<vmem>>, vector<1x16xf32>,
        %get3A_417 = vector.shape_cast %get3A_416 : vector<1x16xf32> to vector<16xf32>
        %mul3A_418 = vector.broadcast %squeeze3A_164 : f32 to vector<16xf32>
        %mul3A_419 = arith.mulf %mul3A_418, %get3A_417 : vector<16xf32>
        %add3A_420 = arith.addf %add3A_410, %mul3A_419 : vector<16xf32>
        %mul3A_421 = arith.constant 16 : i32
        %mul3A_422 = arith.muli %scan3A_391, %mul3A_421 : i32
        %get3A_423 = arith.constant 51 : i32
        %get3A_424 = arith.index_cast %get3A_423 : i32 to index
        %get3A_425 = arith.index_cast %mul3A_422 : i32 to index
        %get3A_426 = tpu.vector_load %arg8[%get3A_424, %get3A_425] {strides = array<i32>} : memref<128x768xf32, #tpu.memory_space<vmem>>, vector<1x16xf32>,
        %get3A_427 = vector.shape_cast %get3A_426 : vector<1x16xf32> to vector<16xf32>
        %mul3A_428 = vector.broadcast %squeeze3A_166 : f32 to vector<16xf32>
        %mul3A_429 = arith.mulf %mul3A_428, %get3A_427 : vector<16xf32>
        %add3A_430 = arith.addf %add3A_420, %mul3A_429 : vector<16xf32>
        %mul3A_431 = arith.constant 16 : i32
        %mul3A_432 = arith.muli %scan3A_391, %mul3A_431 : i32
        %get3A_433 = arith.constant 52 : i32
        %get3A_434 = arith.index_cast %get3A_433 : i32 to index
        %get3A_435 = arith.index_cast %mul3A_432 : i32 to index
        %get3A_436 = tpu.vector_load %arg8[%get3A_434, %get3A_435] {strides = array<i32>} : memref<128x768xf32, #tpu.memory_space<vmem>>, vector<1x16xf32>,
        %get3A_437 = vector.shape_cast %get3A_436 : vector<1x16xf32> to vector<16xf32>
        %mul3A_438 = vector.broadcast %squeeze3A_168 : f32 to vector<16xf32>
        %mul3A_439 = arith.mulf %mul3A_438, %get3A_437 : vector<16xf32>
        %add3A_440 = arith.addf %add3A_430, %mul3A_439 : vector<16xf32>
        %mul3A_441 = arith.constant 16 : i32
        %mul3A_442 = arith.muli %scan3A_391, %mul3A_441 : i32
        %get3A_443 = arith.constant 53 : i32
        %get3A_444 = arith.index_cast %get3A_443 : i32 to index
        %get3A_445 = arith.index_cast %mul3A_442 : i32 to index
        %get3A_446 = tpu.vector_load %arg8[%get3A_444, %get3A_445] {strides = array<i32>} : memref<128x768xf32, #tpu.memory_space<vmem>>, vector<1x16xf32>,
        %get3A_447 = vector.shape_cast %get3A_446 : vector<1x16xf32> to vector<16xf32>
        %mul3A_448 = vector.broadcast %squeeze3A_170 : f32 to vector<16xf32>
        %mul3A_449 = arith.mulf %mul3A_448, %get3A_447 : vector<16xf32>
        %add3A_450 = arith.addf %add3A_440, %mul3A_449 : vector<16xf32>
        %mul3A_451 = arith.constant 16 : i32
        %mul3A_452 = arith.muli %scan3A_391, %mul3A_451 : i32
        %get3A_453 = arith.constant 54 : i32
        %get3A_454 = arith.index_cast %get3A_453 : i32 to index
        %get3A_455 = arith.index_cast %mul3A_452 : i32 to index
        %get3A_456 = tpu.vector_load %arg8[%get3A_454, %get3A_455] {strides = array<i32>} : memref<128x768xf32, #tpu.memory_space<vmem>>, vector<1x16xf32>,
        %get3A_457 = vector.shape_cast %get3A_456 : vector<1x16xf32> to vector<16xf32>
        %mul3A_458 = vector.broadcast %squeeze3A_172 : f32 to vector<16xf32>
        %mul3A_459 = arith.mulf %mul3A_458, %get3A_457 : vector<16xf32>
        %add3A_460 = arith.addf %add3A_450, %mul3A_459 : vector<16xf32>
        %mul3A_461 = arith.constant 16 : i32
        %mul3A_462 = arith.muli %scan3A_391, %mul3A_461 : i32
        %get3A_463 = arith.constant 55 : i32
        %get3A_464 = arith.index_cast %get3A_463 : i32 to index
        %get3A_465 = arith.index_cast %mul3A_462 : i32 to index
        %get3A_466 = tpu.vector_load %arg8[%get3A_464, %get3A_465] {strides = array<i32>} : memref<128x768xf32, #tpu.memory_space<vmem>>, vector<1x16xf32>,
        %get3A_467 = vector.shape_cast %get3A_466 : vector<1x16xf32> to vector<16xf32>
        %mul3A_468 = vector.broadcast %squeeze3A_174 : f32 to vector<16xf32>
        %mul3A_469 = arith.mulf %mul3A_468, %get3A_467 : vector<16xf32>
        %add3A_470 = arith.addf %add3A_460, %mul3A_469 : vector<16xf32>
        %mul3A_471 = arith.constant 16 : i32
        %mul3A_472 = arith.muli %scan3A_391, %mul3A_471 : i32
        %swap3A = arith.constant 6 : i32
        %swap3A_473 = arith.index_cast %swap3A : i32 to index
        %swap3A_474 = arith.index_cast %mul3A_472 : i32 to index
        %swap3A_475 = tpu.vector_load %arg9[%swap3A_473, %swap3A_474] {strides = array<i32>} : memref<16x768xf32, #tpu.memory_space<vmem>>, vector<1x16xf32>,
        %swap3A_476 = vector.shape_cast %swap3A_475 : vector<1x16xf32> to vector<16xf32>
        %swap3A_477 = vector.shape_cast %add3A_470 : vector<16xf32> to vector<1x16xf32>
        tpu.vector_store %arg9[%swap3A_473, %swap3A_474], %swap3A_477 {strides = array<i32>} : memref<16x768xf32, #tpu.memory_space<vmem>>, vector<1x16xf32>,
      }
      %scan3A_180 = arith.constant 48 : i32
      %slice3A_181 = vector.extract_strided_slice %get3A_158 {offsets = [8], sizes = [1], strides = [1]} : vector<16xf32> to vector<1xf32>
      %squeeze3A_182 = vector.extract %slice3A_181[0] : f32 from vector<1xf32>
      %slice3A_183 = vector.extract_strided_slice %get3A_158 {offsets = [9], sizes = [1], strides = [1]} : vector<16xf32> to vector<1xf32>
      %squeeze3A_184 = vector.extract %slice3A_183[0] : f32 from vector<1xf32>
      %slice3A_185 = vector.extract_strided_slice %get3A_158 {offsets = [10], sizes = [1], strides = [1]} : vector<16xf32> to vector<1xf32>
      %squeeze3A_186 = vector.extract %slice3A_185[0] : f32 from vector<1xf32>
      %slice3A_187 = vector.extract_strided_slice %get3A_158 {offsets = [11], sizes = [1], strides = [1]} : vector<16xf32> to vector<1xf32>
      %squeeze3A_188 = vector.extract %slice3A_187[0] : f32 from vector<1xf32>
      %slice3A_189 = vector.extract_strided_slice %get3A_158 {offsets = [12], sizes = [1], strides = [1]} : vector<16xf32> to vector<1xf32>
      %squeeze3A_190 = vector.extract %slice3A_189[0] : f32 from vector<1xf32>
      %slice3A_191 = vector.extract_strided_slice %get3A_158 {offsets = [13], sizes = [1], strides = [1]} : vector<16xf32> to vector<1xf32>
      %squeeze3A_192 = vector.extract %slice3A_191[0] : f32 from vector<1xf32>
      %slice3A_193 = vector.extract_strided_slice %get3A_158 {offsets = [14], sizes = [1], strides = [1]} : vector<16xf32> to vector<1xf32>
      %squeeze3A_194 = vector.extract %slice3A_193[0] : f32 from vector<1xf32>
      %slice3A_195 = vector.extract_strided_slice %get3A_158 {offsets = [15], sizes = [1], strides = [1]} : vector<16xf32> to vector<1xf32>
      %squeeze3A_196 = vector.extract %slice3A_195[0] : f32 from vector<1xf32>
      %scan3A_197 = arith.constant 0 : i32
      %scan3A_198 = arith.constant 0 : i32
      %scan3A_199 = arith.constant 48 : i32
      %scan3A_200 = arith.addi %scan3A_198, %scan3A_199 : i32
      %scan3A_201 = arith.constant 1 : i32
      scf.for %scan3A_391 = %scan3A_198 to %scan3A_200 step %scan3A_201  : i32 {
        %mul3A_392 = arith.constant 16 : i32
        %mul3A_393 = arith.muli %scan3A_391, %mul3A_392 : i32
        %get3A_394 = arith.constant 56 : i32
        %get3A_395 = arith.index_cast %get3A_394 : i32 to index
        %get3A_396 = arith.index_cast %mul3A_393 : i32 to index
        %get3A_397 = tpu.vector_load %arg8[%get3A_395, %get3A_396] {strides = array<i32>} : memref<128x768xf32, #tpu.memory_space<vmem>>, vector<1x16xf32>,
        %get3A_398 = vector.shape_cast %get3A_397 : vector<1x16xf32> to vector<16xf32>
        %mul3A_399 = vector.broadcast %squeeze3A_182 : f32 to vector<16xf32>
        %mul3A_400 = arith.mulf %mul3A_399, %get3A_398 : vector<16xf32>
        %mul3A_401 = arith.constant 16 : i32
        %mul3A_402 = arith.muli %scan3A_391, %mul3A_401 : i32
        %get3A_403 = arith.constant 57 : i32
        %get3A_404 = arith.index_cast %get3A_403 : i32 to index
        %get3A_405 = arith.index_cast %mul3A_402 : i32 to index
        %get3A_406 = tpu.vector_load %arg8[%get3A_404, %get3A_405] {strides = array<i32>} : memref<128x768xf32, #tpu.memory_space<vmem>>, vector<1x16xf32>,
        %get3A_407 = vector.shape_cast %get3A_406 : vector<1x16xf32> to vector<16xf32>
        %mul3A_408 = vector.broadcast %squeeze3A_184 : f32 to vector<16xf32>
        %mul3A_409 = arith.mulf %mul3A_408, %get3A_407 : vector<16xf32>
        %add3A_410 = arith.addf %mul3A_400, %mul3A_409 : vector<16xf32>
        %mul3A_411 = arith.constant 16 : i32
        %mul3A_412 = arith.muli %scan3A_391, %mul3A_411 : i32
        %get3A_413 = arith.constant 58 : i32
        %get3A_414 = arith.index_cast %get3A_413 : i32 to index
        %get3A_415 = arith.index_cast %mul3A_412 : i32 to index
        %get3A_416 = tpu.vector_load %arg8[%get3A_414, %get3A_415] {strides = array<i32>} : memref<128x768xf32, #tpu.memory_space<vmem>>, vector<1x16xf32>,
        %get3A_417 = vector.shape_cast %get3A_416 : vector<1x16xf32> to vector<16xf32>
        %mul3A_418 = vector.broadcast %squeeze3A_186 : f32 to vector<16xf32>
        %mul3A_419 = arith.mulf %mul3A_418, %get3A_417 : vector<16xf32>
        %add3A_420 = arith.addf %add3A_410, %mul3A_419 : vector<16xf32>
        %mul3A_421 = arith.constant 16 : i32
        %mul3A_422 = arith.muli %scan3A_391, %mul3A_421 : i32
        %get3A_423 = arith.constant 59 : i32
        %get3A_424 = arith.index_cast %get3A_423 : i32 to index
        %get3A_425 = arith.index_cast %mul3A_422 : i32 to index
        %get3A_426 = tpu.vector_load %arg8[%get3A_424, %get3A_425] {strides = array<i32>} : memref<128x768xf32, #tpu.memory_space<vmem>>, vector<1x16xf32>,
        %get3A_427 = vector.shape_cast %get3A_426 : vector<1x16xf32> to vector<16xf32>
        %mul3A_428 = vector.broadcast %squeeze3A_188 : f32 to vector<16xf32>
        %mul3A_429 = arith.mulf %mul3A_428, %get3A_427 : vector<16xf32>
        %add3A_430 = arith.addf %add3A_420, %mul3A_429 : vector<16xf32>
        %mul3A_431 = arith.constant 16 : i32
        %mul3A_432 = arith.muli %scan3A_391, %mul3A_431 : i32
        %get3A_433 = arith.constant 60 : i32
        %get3A_434 = arith.index_cast %get3A_433 : i32 to index
        %get3A_435 = arith.index_cast %mul3A_432 : i32 to index
        %get3A_436 = tpu.vector_load %arg8[%get3A_434, %get3A_435] {strides = array<i32>} : memref<128x768xf32, #tpu.memory_space<vmem>>, vector<1x16xf32>,
        %get3A_437 = vector.shape_cast %get3A_436 : vector<1x16xf32> to vector<16xf32>
        %mul3A_438 = vector.broadcast %squeeze3A_190 : f32 to vector<16xf32>
        %mul3A_439 = arith.mulf %mul3A_438, %get3A_437 : vector<16xf32>
        %add3A_440 = arith.addf %add3A_430, %mul3A_439 : vector<16xf32>
        %mul3A_441 = arith.constant 16 : i32
        %mul3A_442 = arith.muli %scan3A_391, %mul3A_441 : i32
        %get3A_443 = arith.constant 61 : i32
        %get3A_444 = arith.index_cast %get3A_443 : i32 to index
        %get3A_445 = arith.index_cast %mul3A_442 : i32 to index
        %get3A_446 = tpu.vector_load %arg8[%get3A_444, %get3A_445] {strides = array<i32>} : memref<128x768xf32, #tpu.memory_space<vmem>>, vector<1x16xf32>,
        %get3A_447 = vector.shape_cast %get3A_446 : vector<1x16xf32> to vector<16xf32>
        %mul3A_448 = vector.broadcast %squeeze3A_192 : f32 to vector<16xf32>
        %mul3A_449 = arith.mulf %mul3A_448, %get3A_447 : vector<16xf32>
        %add3A_450 = arith.addf %add3A_440, %mul3A_449 : vector<16xf32>
        %mul3A_451 = arith.constant 16 : i32
        %mul3A_452 = arith.muli %scan3A_391, %mul3A_451 : i32
        %get3A_453 = arith.constant 62 : i32
        %get3A_454 = arith.index_cast %get3A_453 : i32 to index
        %get3A_455 = arith.index_cast %mul3A_452 : i32 to index
        %get3A_456 = tpu.vector_load %arg8[%get3A_454, %get3A_455] {strides = array<i32>} : memref<128x768xf32, #tpu.memory_space<vmem>>, vector<1x16xf32>,
        %get3A_457 = vector.shape_cast %get3A_456 : vector<1x16xf32> to vector<16xf32>
        %mul3A_458 = vector.broadcast %squeeze3A_194 : f32 to vector<16xf32>
        %mul3A_459 = arith.mulf %mul3A_458, %get3A_457 : vector<16xf32>
        %add3A_460 = arith.addf %add3A_450, %mul3A_459 : vector<16xf32>
        %mul3A_461 = arith.constant 16 : i32
        %mul3A_462 = arith.muli %scan3A_391, %mul3A_461 : i32
        %get3A_463 = arith.constant 63 : i32
        %get3A_464 = arith.index_cast %get3A_463 : i32 to index
        %get3A_465 = arith.index_cast %mul3A_462 : i32 to index
        %get3A_466 = tpu.vector_load %arg8[%get3A_464, %get3A_465] {strides = array<i32>} : memref<128x768xf32, #tpu.memory_space<vmem>>, vector<1x16xf32>,
        %get3A_467 = vector.shape_cast %get3A_466 : vector<1x16xf32> to vector<16xf32>
        %mul3A_468 = vector.broadcast %squeeze3A_196 : f32 to vector<16xf32>
        %mul3A_469 = arith.mulf %mul3A_468, %get3A_467 : vector<16xf32>
        %add3A_470 = arith.addf %add3A_460, %mul3A_469 : vector<16xf32>
        %mul3A_471 = arith.constant 16 : i32
        %mul3A_472 = arith.muli %scan3A_391, %mul3A_471 : i32
        %swap3A = arith.constant 7 : i32
        %swap3A_473 = arith.index_cast %swap3A : i32 to index
        %swap3A_474 = arith.index_cast %mul3A_472 : i32 to index
        %swap3A_475 = tpu.vector_load %arg9[%swap3A_473, %swap3A_474] {strides = array<i32>} : memref<16x768xf32, #tpu.memory_space<vmem>>, vector<1x16xf32>,
        %swap3A_476 = vector.shape_cast %swap3A_475 : vector<1x16xf32> to vector<16xf32>
        %swap3A_477 = vector.shape_cast %add3A_470 : vector<16xf32> to vector<1x16xf32>
        tpu.vector_store %arg9[%swap3A_473, %swap3A_474], %swap3A_477 {strides = array<i32>} : memref<16x768xf32, #tpu.memory_space<vmem>>, vector<1x16xf32>,
      }
      %scan3A_202 = arith.constant 48 : i32
      %get3A_203 = arith.constant 64 : index
      %get3A_204 = tpu.vector_load %arg7[%get3A_203] {strides = array<i32>} : memref<128xf32, #tpu.memory_space<vmem>>, vector<16xf32>,
      %get3A_205 = vector.shape_cast %get3A_204 : vector<16xf32> to vector<16xf32>
      %slice3A_206 = vector.extract_strided_slice %get3A_205 {offsets = [0], sizes = [1], strides = [1]} : vector<16xf32> to vector<1xf32>
      %squeeze3A_207 = vector.extract %slice3A_206[0] : f32 from vector<1xf32>
      %slice3A_208 = vector.extract_strided_slice %get3A_205 {offsets = [1], sizes = [1], strides = [1]} : vector<16xf32> to vector<1xf32>
      %squeeze3A_209 = vector.extract %slice3A_208[0] : f32 from vector<1xf32>
      %slice3A_210 = vector.extract_strided_slice %get3A_205 {offsets = [2], sizes = [1], strides = [1]} : vector<16xf32> to vector<1xf32>
      %squeeze3A_211 = vector.extract %slice3A_210[0] : f32 from vector<1xf32>
      %slice3A_212 = vector.extract_strided_slice %get3A_205 {offsets = [3], sizes = [1], strides = [1]} : vector<16xf32> to vector<1xf32>
      %squeeze3A_213 = vector.extract %slice3A_212[0] : f32 from vector<1xf32>
      %slice3A_214 = vector.extract_strided_slice %get3A_205 {offsets = [4], sizes = [1], strides = [1]} : vector<16xf32> to vector<1xf32>
      %squeeze3A_215 = vector.extract %slice3A_214[0] : f32 from vector<1xf32>
      %slice3A_216 = vector.extract_strided_slice %get3A_205 {offsets = [5], sizes = [1], strides = [1]} : vector<16xf32> to vector<1xf32>
      %squeeze3A_217 = vector.extract %slice3A_216[0] : f32 from vector<1xf32>
      %slice3A_218 = vector.extract_strided_slice %get3A_205 {offsets = [6], sizes = [1], strides = [1]} : vector<16xf32> to vector<1xf32>
      %squeeze3A_219 = vector.extract %slice3A_218[0] : f32 from vector<1xf32>
      %slice3A_220 = vector.extract_strided_slice %get3A_205 {offsets = [7], sizes = [1], strides = [1]} : vector<16xf32> to vector<1xf32>
      %squeeze3A_221 = vector.extract %slice3A_220[0] : f32 from vector<1xf32>
      %scan3A_222 = arith.constant 0 : i32
      %scan3A_223 = arith.constant 0 : i32
      %scan3A_224 = arith.constant 48 : i32
      %scan3A_225 = arith.addi %scan3A_223, %scan3A_224 : i32
      %scan3A_226 = arith.constant 1 : i32
      scf.for %scan3A_391 = %scan3A_223 to %scan3A_225 step %scan3A_226  : i32 {
        %mul3A_392 = arith.constant 16 : i32
        %mul3A_393 = arith.muli %scan3A_391, %mul3A_392 : i32
        %get3A_394 = arith.constant 64 : i32
        %get3A_395 = arith.index_cast %get3A_394 : i32 to index
        %get3A_396 = arith.index_cast %mul3A_393 : i32 to index
        %get3A_397 = tpu.vector_load %arg8[%get3A_395, %get3A_396] {strides = array<i32>} : memref<128x768xf32, #tpu.memory_space<vmem>>, vector<1x16xf32>,
        %get3A_398 = vector.shape_cast %get3A_397 : vector<1x16xf32> to vector<16xf32>
        %mul3A_399 = vector.broadcast %squeeze3A_207 : f32 to vector<16xf32>
        %mul3A_400 = arith.mulf %mul3A_399, %get3A_398 : vector<16xf32>
        %mul3A_401 = arith.constant 16 : i32
        %mul3A_402 = arith.muli %scan3A_391, %mul3A_401 : i32
        %get3A_403 = arith.constant 65 : i32
        %get3A_404 = arith.index_cast %get3A_403 : i32 to index
        %get3A_405 = arith.index_cast %mul3A_402 : i32 to index
        %get3A_406 = tpu.vector_load %arg8[%get3A_404, %get3A_405] {strides = array<i32>} : memref<128x768xf32, #tpu.memory_space<vmem>>, vector<1x16xf32>,
        %get3A_407 = vector.shape_cast %get3A_406 : vector<1x16xf32> to vector<16xf32>
        %mul3A_408 = vector.broadcast %squeeze3A_209 : f32 to vector<16xf32>
        %mul3A_409 = arith.mulf %mul3A_408, %get3A_407 : vector<16xf32>
        %add3A_410 = arith.addf %mul3A_400, %mul3A_409 : vector<16xf32>
        %mul3A_411 = arith.constant 16 : i32
        %mul3A_412 = arith.muli %scan3A_391, %mul3A_411 : i32
        %get3A_413 = arith.constant 66 : i32
        %get3A_414 = arith.index_cast %get3A_413 : i32 to index
        %get3A_415 = arith.index_cast %mul3A_412 : i32 to index
        %get3A_416 = tpu.vector_load %arg8[%get3A_414, %get3A_415] {strides = array<i32>} : memref<128x768xf32, #tpu.memory_space<vmem>>, vector<1x16xf32>,
        %get3A_417 = vector.shape_cast %get3A_416 : vector<1x16xf32> to vector<16xf32>
        %mul3A_418 = vector.broadcast %squeeze3A_211 : f32 to vector<16xf32>
        %mul3A_419 = arith.mulf %mul3A_418, %get3A_417 : vector<16xf32>
        %add3A_420 = arith.addf %add3A_410, %mul3A_419 : vector<16xf32>
        %mul3A_421 = arith.constant 16 : i32
        %mul3A_422 = arith.muli %scan3A_391, %mul3A_421 : i32
        %get3A_423 = arith.constant 67 : i32
        %get3A_424 = arith.index_cast %get3A_423 : i32 to index
        %get3A_425 = arith.index_cast %mul3A_422 : i32 to index
        %get3A_426 = tpu.vector_load %arg8[%get3A_424, %get3A_425] {strides = array<i32>} : memref<128x768xf32, #tpu.memory_space<vmem>>, vector<1x16xf32>,
        %get3A_427 = vector.shape_cast %get3A_426 : vector<1x16xf32> to vector<16xf32>
        %mul3A_428 = vector.broadcast %squeeze3A_213 : f32 to vector<16xf32>
        %mul3A_429 = arith.mulf %mul3A_428, %get3A_427 : vector<16xf32>
        %add3A_430 = arith.addf %add3A_420, %mul3A_429 : vector<16xf32>
        %mul3A_431 = arith.constant 16 : i32
        %mul3A_432 = arith.muli %scan3A_391, %mul3A_431 : i32
        %get3A_433 = arith.constant 68 : i32
        %get3A_434 = arith.index_cast %get3A_433 : i32 to index
        %get3A_435 = arith.index_cast %mul3A_432 : i32 to index
        %get3A_436 = tpu.vector_load %arg8[%get3A_434, %get3A_435] {strides = array<i32>} : memref<128x768xf32, #tpu.memory_space<vmem>>, vector<1x16xf32>,
        %get3A_437 = vector.shape_cast %get3A_436 : vector<1x16xf32> to vector<16xf32>
        %mul3A_438 = vector.broadcast %squeeze3A_215 : f32 to vector<16xf32>
        %mul3A_439 = arith.mulf %mul3A_438, %get3A_437 : vector<16xf32>
        %add3A_440 = arith.addf %add3A_430, %mul3A_439 : vector<16xf32>
        %mul3A_441 = arith.constant 16 : i32
        %mul3A_442 = arith.muli %scan3A_391, %mul3A_441 : i32
        %get3A_443 = arith.constant 69 : i32
        %get3A_444 = arith.index_cast %get3A_443 : i32 to index
        %get3A_445 = arith.index_cast %mul3A_442 : i32 to index
        %get3A_446 = tpu.vector_load %arg8[%get3A_444, %get3A_445] {strides = array<i32>} : memref<128x768xf32, #tpu.memory_space<vmem>>, vector<1x16xf32>,
        %get3A_447 = vector.shape_cast %get3A_446 : vector<1x16xf32> to vector<16xf32>
        %mul3A_448 = vector.broadcast %squeeze3A_217 : f32 to vector<16xf32>
        %mul3A_449 = arith.mulf %mul3A_448, %get3A_447 : vector<16xf32>
        %add3A_450 = arith.addf %add3A_440, %mul3A_449 : vector<16xf32>
        %mul3A_451 = arith.constant 16 : i32
        %mul3A_452 = arith.muli %scan3A_391, %mul3A_451 : i32
        %get3A_453 = arith.constant 70 : i32
        %get3A_454 = arith.index_cast %get3A_453 : i32 to index
        %get3A_455 = arith.index_cast %mul3A_452 : i32 to index
        %get3A_456 = tpu.vector_load %arg8[%get3A_454, %get3A_455] {strides = array<i32>} : memref<128x768xf32, #tpu.memory_space<vmem>>, vector<1x16xf32>,
        %get3A_457 = vector.shape_cast %get3A_456 : vector<1x16xf32> to vector<16xf32>
        %mul3A_458 = vector.broadcast %squeeze3A_219 : f32 to vector<16xf32>
        %mul3A_459 = arith.mulf %mul3A_458, %get3A_457 : vector<16xf32>
        %add3A_460 = arith.addf %add3A_450, %mul3A_459 : vector<16xf32>
        %mul3A_461 = arith.constant 16 : i32
        %mul3A_462 = arith.muli %scan3A_391, %mul3A_461 : i32
        %get3A_463 = arith.constant 71 : i32
        %get3A_464 = arith.index_cast %get3A_463 : i32 to index
        %get3A_465 = arith.index_cast %mul3A_462 : i32 to index
        %get3A_466 = tpu.vector_load %arg8[%get3A_464, %get3A_465] {strides = array<i32>} : memref<128x768xf32, #tpu.memory_space<vmem>>, vector<1x16xf32>,
        %get3A_467 = vector.shape_cast %get3A_466 : vector<1x16xf32> to vector<16xf32>
        %mul3A_468 = vector.broadcast %squeeze3A_221 : f32 to vector<16xf32>
        %mul3A_469 = arith.mulf %mul3A_468, %get3A_467 : vector<16xf32>
        %add3A_470 = arith.addf %add3A_460, %mul3A_469 : vector<16xf32>
        %mul3A_471 = arith.constant 16 : i32
        %mul3A_472 = arith.muli %scan3A_391, %mul3A_471 : i32
        %swap3A = arith.constant 8 : i32
        %swap3A_473 = arith.index_cast %swap3A : i32 to index
        %swap3A_474 = arith.index_cast %mul3A_472 : i32 to index
        %swap3A_475 = tpu.vector_load %arg9[%swap3A_473, %swap3A_474] {strides = array<i32>} : memref<16x768xf32, #tpu.memory_space<vmem>>, vector<1x16xf32>,
        %swap3A_476 = vector.shape_cast %swap3A_475 : vector<1x16xf32> to vector<16xf32>
        %swap3A_477 = vector.shape_cast %add3A_470 : vector<16xf32> to vector<1x16xf32>
        tpu.vector_store %arg9[%swap3A_473, %swap3A_474], %swap3A_477 {strides = array<i32>} : memref<16x768xf32, #tpu.memory_space<vmem>>, vector<1x16xf32>,
      }
      %scan3A_227 = arith.constant 48 : i32
      %slice3A_228 = vector.extract_strided_slice %get3A_205 {offsets = [8], sizes = [1], strides = [1]} : vector<16xf32> to vector<1xf32>
      %squeeze3A_229 = vector.extract %slice3A_228[0] : f32 from vector<1xf32>
      %slice3A_230 = vector.extract_strided_slice %get3A_205 {offsets = [9], sizes = [1], strides = [1]} : vector<16xf32> to vector<1xf32>
      %squeeze3A_231 = vector.extract %slice3A_230[0] : f32 from vector<1xf32>
      %slice3A_232 = vector.extract_strided_slice %get3A_205 {offsets = [10], sizes = [1], strides = [1]} : vector<16xf32> to vector<1xf32>
      %squeeze3A_233 = vector.extract %slice3A_232[0] : f32 from vector<1xf32>
      %slice3A_234 = vector.extract_strided_slice %get3A_205 {offsets = [11], sizes = [1], strides = [1]} : vector<16xf32> to vector<1xf32>
      %squeeze3A_235 = vector.extract %slice3A_234[0] : f32 from vector<1xf32>
      %slice3A_236 = vector.extract_strided_slice %get3A_205 {offsets = [12], sizes = [1], strides = [1]} : vector<16xf32> to vector<1xf32>
      %squeeze3A_237 = vector.extract %slice3A_236[0] : f32 from vector<1xf32>
      %slice3A_238 = vector.extract_strided_slice %get3A_205 {offsets = [13], sizes = [1], strides = [1]} : vector<16xf32> to vector<1xf32>
      %squeeze3A_239 = vector.extract %slice3A_238[0] : f32 from vector<1xf32>
      %slice3A_240 = vector.extract_strided_slice %get3A_205 {offsets = [14], sizes = [1], strides = [1]} : vector<16xf32> to vector<1xf32>
      %squeeze3A_241 = vector.extract %slice3A_240[0] : f32 from vector<1xf32>
      %slice3A_242 = vector.extract_strided_slice %get3A_205 {offsets = [15], sizes = [1], strides = [1]} : vector<16xf32> to vector<1xf32>
      %squeeze3A_243 = vector.extract %slice3A_242[0] : f32 from vector<1xf32>
      %scan3A_244 = arith.constant 0 : i32
      %scan3A_245 = arith.constant 0 : i32
      %scan3A_246 = arith.constant 48 : i32
      %scan3A_247 = arith.addi %scan3A_245, %scan3A_246 : i32
      %scan3A_248 = arith.constant 1 : i32
      scf.for %scan3A_391 = %scan3A_245 to %scan3A_247 step %scan3A_248  : i32 {
        %mul3A_392 = arith.constant 16 : i32
        %mul3A_393 = arith.muli %scan3A_391, %mul3A_392 : i32
        %get3A_394 = arith.constant 72 : i32
        %get3A_395 = arith.index_cast %get3A_394 : i32 to index
        %get3A_396 = arith.index_cast %mul3A_393 : i32 to index
        %get3A_397 = tpu.vector_load %arg8[%get3A_395, %get3A_396] {strides = array<i32>} : memref<128x768xf32, #tpu.memory_space<vmem>>, vector<1x16xf32>,
        %get3A_398 = vector.shape_cast %get3A_397 : vector<1x16xf32> to vector<16xf32>
        %mul3A_399 = vector.broadcast %squeeze3A_229 : f32 to vector<16xf32>
        %mul3A_400 = arith.mulf %mul3A_399, %get3A_398 : vector<16xf32>
        %mul3A_401 = arith.constant 16 : i32
        %mul3A_402 = arith.muli %scan3A_391, %mul3A_401 : i32
        %get3A_403 = arith.constant 73 : i32
        %get3A_404 = arith.index_cast %get3A_403 : i32 to index
        %get3A_405 = arith.index_cast %mul3A_402 : i32 to index
        %get3A_406 = tpu.vector_load %arg8[%get3A_404, %get3A_405] {strides = array<i32>} : memref<128x768xf32, #tpu.memory_space<vmem>>, vector<1x16xf32>,
        %get3A_407 = vector.shape_cast %get3A_406 : vector<1x16xf32> to vector<16xf32>
        %mul3A_408 = vector.broadcast %squeeze3A_231 : f32 to vector<16xf32>
        %mul3A_409 = arith.mulf %mul3A_408, %get3A_407 : vector<16xf32>
        %add3A_410 = arith.addf %mul3A_400, %mul3A_409 : vector<16xf32>
        %mul3A_411 = arith.constant 16 : i32
        %mul3A_412 = arith.muli %scan3A_391, %mul3A_411 : i32
        %get3A_413 = arith.constant 74 : i32
        %get3A_414 = arith.index_cast %get3A_413 : i32 to index
        %get3A_415 = arith.index_cast %mul3A_412 : i32 to index
        %get3A_416 = tpu.vector_load %arg8[%get3A_414, %get3A_415] {strides = array<i32>} : memref<128x768xf32, #tpu.memory_space<vmem>>, vector<1x16xf32>,
        %get3A_417 = vector.shape_cast %get3A_416 : vector<1x16xf32> to vector<16xf32>
        %mul3A_418 = vector.broadcast %squeeze3A_233 : f32 to vector<16xf32>
        %mul3A_419 = arith.mulf %mul3A_418, %get3A_417 : vector<16xf32>
        %add3A_420 = arith.addf %add3A_410, %mul3A_419 : vector<16xf32>
        %mul3A_421 = arith.constant 16 : i32
        %mul3A_422 = arith.muli %scan3A_391, %mul3A_421 : i32
        %get3A_423 = arith.constant 75 : i32
        %get3A_424 = arith.index_cast %get3A_423 : i32 to index
        %get3A_425 = arith.index_cast %mul3A_422 : i32 to index
        %get3A_426 = tpu.vector_load %arg8[%get3A_424, %get3A_425] {strides = array<i32>} : memref<128x768xf32, #tpu.memory_space<vmem>>, vector<1x16xf32>,
        %get3A_427 = vector.shape_cast %get3A_426 : vector<1x16xf32> to vector<16xf32>
        %mul3A_428 = vector.broadcast %squeeze3A_235 : f32 to vector<16xf32>
        %mul3A_429 = arith.mulf %mul3A_428, %get3A_427 : vector<16xf32>
        %add3A_430 = arith.addf %add3A_420, %mul3A_429 : vector<16xf32>
        %mul3A_431 = arith.constant 16 : i32
        %mul3A_432 = arith.muli %scan3A_391, %mul3A_431 : i32
        %get3A_433 = arith.constant 76 : i32
        %get3A_434 = arith.index_cast %get3A_433 : i32 to index
        %get3A_435 = arith.index_cast %mul3A_432 : i32 to index
        %get3A_436 = tpu.vector_load %arg8[%get3A_434, %get3A_435] {strides = array<i32>} : memref<128x768xf32, #tpu.memory_space<vmem>>, vector<1x16xf32>,
        %get3A_437 = vector.shape_cast %get3A_436 : vector<1x16xf32> to vector<16xf32>
        %mul3A_438 = vector.broadcast %squeeze3A_237 : f32 to vector<16xf32>
        %mul3A_439 = arith.mulf %mul3A_438, %get3A_437 : vector<16xf32>
        %add3A_440 = arith.addf %add3A_430, %mul3A_439 : vector<16xf32>
        %mul3A_441 = arith.constant 16 : i32
        %mul3A_442 = arith.muli %scan3A_391, %mul3A_441 : i32
        %get3A_443 = arith.constant 77 : i32
        %get3A_444 = arith.index_cast %get3A_443 : i32 to index
        %get3A_445 = arith.index_cast %mul3A_442 : i32 to index
        %get3A_446 = tpu.vector_load %arg8[%get3A_444, %get3A_445] {strides = array<i32>} : memref<128x768xf32, #tpu.memory_space<vmem>>, vector<1x16xf32>,
        %get3A_447 = vector.shape_cast %get3A_446 : vector<1x16xf32> to vector<16xf32>
        %mul3A_448 = vector.broadcast %squeeze3A_239 : f32 to vector<16xf32>
        %mul3A_449 = arith.mulf %mul3A_448, %get3A_447 : vector<16xf32>
        %add3A_450 = arith.addf %add3A_440, %mul3A_449 : vector<16xf32>
        %mul3A_451 = arith.constant 16 : i32
        %mul3A_452 = arith.muli %scan3A_391, %mul3A_451 : i32
        %get3A_453 = arith.constant 78 : i32
        %get3A_454 = arith.index_cast %get3A_453 : i32 to index
        %get3A_455 = arith.index_cast %mul3A_452 : i32 to index
        %get3A_456 = tpu.vector_load %arg8[%get3A_454, %get3A_455] {strides = array<i32>} : memref<128x768xf32, #tpu.memory_space<vmem>>, vector<1x16xf32>,
        %get3A_457 = vector.shape_cast %get3A_456 : vector<1x16xf32> to vector<16xf32>
        %mul3A_458 = vector.broadcast %squeeze3A_241 : f32 to vector<16xf32>
        %mul3A_459 = arith.mulf %mul3A_458, %get3A_457 : vector<16xf32>
        %add3A_460 = arith.addf %add3A_450, %mul3A_459 : vector<16xf32>
        %mul3A_461 = arith.constant 16 : i32
        %mul3A_462 = arith.muli %scan3A_391, %mul3A_461 : i32
        %get3A_463 = arith.constant 79 : i32
        %get3A_464 = arith.index_cast %get3A_463 : i32 to index
        %get3A_465 = arith.index_cast %mul3A_462 : i32 to index
        %get3A_466 = tpu.vector_load %arg8[%get3A_464, %get3A_465] {strides = array<i32>} : memref<128x768xf32, #tpu.memory_space<vmem>>, vector<1x16xf32>,
        %get3A_467 = vector.shape_cast %get3A_466 : vector<1x16xf32> to vector<16xf32>
        %mul3A_468 = vector.broadcast %squeeze3A_243 : f32 to vector<16xf32>
        %mul3A_469 = arith.mulf %mul3A_468, %get3A_467 : vector<16xf32>
        %add3A_470 = arith.addf %add3A_460, %mul3A_469 : vector<16xf32>
        %mul3A_471 = arith.constant 16 : i32
        %mul3A_472 = arith.muli %scan3A_391, %mul3A_471 : i32
        %swap3A = arith.constant 9 : i32
        %swap3A_473 = arith.index_cast %swap3A : i32 to index
        %swap3A_474 = arith.index_cast %mul3A_472 : i32 to index
        %swap3A_475 = tpu.vector_load %arg9[%swap3A_473, %swap3A_474] {strides = array<i32>} : memref<16x768xf32, #tpu.memory_space<vmem>>, vector<1x16xf32>,
        %swap3A_476 = vector.shape_cast %swap3A_475 : vector<1x16xf32> to vector<16xf32>
        %swap3A_477 = vector.shape_cast %add3A_470 : vector<16xf32> to vector<1x16xf32>
        tpu.vector_store %arg9[%swap3A_473, %swap3A_474], %swap3A_477 {strides = array<i32>} : memref<16x768xf32, #tpu.memory_space<vmem>>, vector<1x16xf32>,
      }
      %scan3A_249 = arith.constant 48 : i32
      %get3A_250 = arith.constant 80 : index
      %get3A_251 = tpu.vector_load %arg7[%get3A_250] {strides = array<i32>} : memref<128xf32, #tpu.memory_space<vmem>>, vector<16xf32>,
      %get3A_252 = vector.shape_cast %get3A_251 : vector<16xf32> to vector<16xf32>
      %slice3A_253 = vector.extract_strided_slice %get3A_252 {offsets = [0], sizes = [1], strides = [1]} : vector<16xf32> to vector<1xf32>
      %squeeze3A_254 = vector.extract %slice3A_253[0] : f32 from vector<1xf32>
      %slice3A_255 = vector.extract_strided_slice %get3A_252 {offsets = [1], sizes = [1], strides = [1]} : vector<16xf32> to vector<1xf32>
      %squeeze3A_256 = vector.extract %slice3A_255[0] : f32 from vector<1xf32>
      %slice3A_257 = vector.extract_strided_slice %get3A_252 {offsets = [2], sizes = [1], strides = [1]} : vector<16xf32> to vector<1xf32>
      %squeeze3A_258 = vector.extract %slice3A_257[0] : f32 from vector<1xf32>
      %slice3A_259 = vector.extract_strided_slice %get3A_252 {offsets = [3], sizes = [1], strides = [1]} : vector<16xf32> to vector<1xf32>
      %squeeze3A_260 = vector.extract %slice3A_259[0] : f32 from vector<1xf32>
      %slice3A_261 = vector.extract_strided_slice %get3A_252 {offsets = [4], sizes = [1], strides = [1]} : vector<16xf32> to vector<1xf32>
      %squeeze3A_262 = vector.extract %slice3A_261[0] : f32 from vector<1xf32>
      %slice3A_263 = vector.extract_strided_slice %get3A_252 {offsets = [5], sizes = [1], strides = [1]} : vector<16xf32> to vector<1xf32>
      %squeeze3A_264 = vector.extract %slice3A_263[0] : f32 from vector<1xf32>
      %slice3A_265 = vector.extract_strided_slice %get3A_252 {offsets = [6], sizes = [1], strides = [1]} : vector<16xf32> to vector<1xf32>
      %squeeze3A_266 = vector.extract %slice3A_265[0] : f32 from vector<1xf32>
      %slice3A_267 = vector.extract_strided_slice %get3A_252 {offsets = [7], sizes = [1], strides = [1]} : vector<16xf32> to vector<1xf32>
      %squeeze3A_268 = vector.extract %slice3A_267[0] : f32 from vector<1xf32>
      %scan3A_269 = arith.constant 0 : i32
      %scan3A_270 = arith.constant 0 : i32
      %scan3A_271 = arith.constant 48 : i32
      %scan3A_272 = arith.addi %scan3A_270, %scan3A_271 : i32
      %scan3A_273 = arith.constant 1 : i32
      scf.for %scan3A_391 = %scan3A_270 to %scan3A_272 step %scan3A_273  : i32 {
        %mul3A_392 = arith.constant 16 : i32
        %mul3A_393 = arith.muli %scan3A_391, %mul3A_392 : i32
        %get3A_394 = arith.constant 80 : i32
        %get3A_395 = arith.index_cast %get3A_394 : i32 to index
        %get3A_396 = arith.index_cast %mul3A_393 : i32 to index
        %get3A_397 = tpu.vector_load %arg8[%get3A_395, %get3A_396] {strides = array<i32>} : memref<128x768xf32, #tpu.memory_space<vmem>>, vector<1x16xf32>,
        %get3A_398 = vector.shape_cast %get3A_397 : vector<1x16xf32> to vector<16xf32>
        %mul3A_399 = vector.broadcast %squeeze3A_254 : f32 to vector<16xf32>
        %mul3A_400 = arith.mulf %mul3A_399, %get3A_398 : vector<16xf32>
        %mul3A_401 = arith.constant 16 : i32
        %mul3A_402 = arith.muli %scan3A_391, %mul3A_401 : i32
        %get3A_403 = arith.constant 81 : i32
        %get3A_404 = arith.index_cast %get3A_403 : i32 to index
        %get3A_405 = arith.index_cast %mul3A_402 : i32 to index
        %get3A_406 = tpu.vector_load %arg8[%get3A_404, %get3A_405] {strides = array<i32>} : memref<128x768xf32, #tpu.memory_space<vmem>>, vector<1x16xf32>,
        %get3A_407 = vector.shape_cast %get3A_406 : vector<1x16xf32> to vector<16xf32>
        %mul3A_408 = vector.broadcast %squeeze3A_256 : f32 to vector<16xf32>
        %mul3A_409 = arith.mulf %mul3A_408, %get3A_407 : vector<16xf32>
        %add3A_410 = arith.addf %mul3A_400, %mul3A_409 : vector<16xf32>
        %mul3A_411 = arith.constant 16 : i32
        %mul3A_412 = arith.muli %scan3A_391, %mul3A_411 : i32
        %get3A_413 = arith.constant 82 : i32
        %get3A_414 = arith.index_cast %get3A_413 : i32 to index
        %get3A_415 = arith.index_cast %mul3A_412 : i32 to index
        %get3A_416 = tpu.vector_load %arg8[%get3A_414, %get3A_415] {strides = array<i32>} : memref<128x768xf32, #tpu.memory_space<vmem>>, vector<1x16xf32>,
        %get3A_417 = vector.shape_cast %get3A_416 : vector<1x16xf32> to vector<16xf32>
        %mul3A_418 = vector.broadcast %squeeze3A_258 : f32 to vector<16xf32>
        %mul3A_419 = arith.mulf %mul3A_418, %get3A_417 : vector<16xf32>
        %add3A_420 = arith.addf %add3A_410, %mul3A_419 : vector<16xf32>
        %mul3A_421 = arith.constant 16 : i32
        %mul3A_422 = arith.muli %scan3A_391, %mul3A_421 : i32
        %get3A_423 = arith.constant 83 : i32
        %get3A_424 = arith.index_cast %get3A_423 : i32 to index
        %get3A_425 = arith.index_cast %mul3A_422 : i32 to index
        %get3A_426 = tpu.vector_load %arg8[%get3A_424, %get3A_425] {strides = array<i32>} : memref<128x768xf32, #tpu.memory_space<vmem>>, vector<1x16xf32>,
        %get3A_427 = vector.shape_cast %get3A_426 : vector<1x16xf32> to vector<16xf32>
        %mul3A_428 = vector.broadcast %squeeze3A_260 : f32 to vector<16xf32>
        %mul3A_429 = arith.mulf %mul3A_428, %get3A_427 : vector<16xf32>
        %add3A_430 = arith.addf %add3A_420, %mul3A_429 : vector<16xf32>
        %mul3A_431 = arith.constant 16 : i32
        %mul3A_432 = arith.muli %scan3A_391, %mul3A_431 : i32
        %get3A_433 = arith.constant 84 : i32
        %get3A_434 = arith.index_cast %get3A_433 : i32 to index
        %get3A_435 = arith.index_cast %mul3A_432 : i32 to index
        %get3A_436 = tpu.vector_load %arg8[%get3A_434, %get3A_435] {strides = array<i32>} : memref<128x768xf32, #tpu.memory_space<vmem>>, vector<1x16xf32>,
        %get3A_437 = vector.shape_cast %get3A_436 : vector<1x16xf32> to vector<16xf32>
        %mul3A_438 = vector.broadcast %squeeze3A_262 : f32 to vector<16xf32>
        %mul3A_439 = arith.mulf %mul3A_438, %get3A_437 : vector<16xf32>
        %add3A_440 = arith.addf %add3A_430, %mul3A_439 : vector<16xf32>
        %mul3A_441 = arith.constant 16 : i32
        %mul3A_442 = arith.muli %scan3A_391, %mul3A_441 : i32
        %get3A_443 = arith.constant 85 : i32
        %get3A_444 = arith.index_cast %get3A_443 : i32 to index
        %get3A_445 = arith.index_cast %mul3A_442 : i32 to index
        %get3A_446 = tpu.vector_load %arg8[%get3A_444, %get3A_445] {strides = array<i32>} : memref<128x768xf32, #tpu.memory_space<vmem>>, vector<1x16xf32>,
        %get3A_447 = vector.shape_cast %get3A_446 : vector<1x16xf32> to vector<16xf32>
        %mul3A_448 = vector.broadcast %squeeze3A_264 : f32 to vector<16xf32>
        %mul3A_449 = arith.mulf %mul3A_448, %get3A_447 : vector<16xf32>
        %add3A_450 = arith.addf %add3A_440, %mul3A_449 : vector<16xf32>
        %mul3A_451 = arith.constant 16 : i32
        %mul3A_452 = arith.muli %scan3A_391, %mul3A_451 : i32
        %get3A_453 = arith.constant 86 : i32
        %get3A_454 = arith.index_cast %get3A_453 : i32 to index
        %get3A_455 = arith.index_cast %mul3A_452 : i32 to index
        %get3A_456 = tpu.vector_load %arg8[%get3A_454, %get3A_455] {strides = array<i32>} : memref<128x768xf32, #tpu.memory_space<vmem>>, vector<1x16xf32>,
        %get3A_457 = vector.shape_cast %get3A_456 : vector<1x16xf32> to vector<16xf32>
        %mul3A_458 = vector.broadcast %squeeze3A_266 : f32 to vector<16xf32>
        %mul3A_459 = arith.mulf %mul3A_458, %get3A_457 : vector<16xf32>
        %add3A_460 = arith.addf %add3A_450, %mul3A_459 : vector<16xf32>
        %mul3A_461 = arith.constant 16 : i32
        %mul3A_462 = arith.muli %scan3A_391, %mul3A_461 : i32
        %get3A_463 = arith.constant 87 : i32
        %get3A_464 = arith.index_cast %get3A_463 : i32 to index
        %get3A_465 = arith.index_cast %mul3A_462 : i32 to index
        %get3A_466 = tpu.vector_load %arg8[%get3A_464, %get3A_465] {strides = array<i32>} : memref<128x768xf32, #tpu.memory_space<vmem>>, vector<1x16xf32>,
        %get3A_467 = vector.shape_cast %get3A_466 : vector<1x16xf32> to vector<16xf32>
        %mul3A_468 = vector.broadcast %squeeze3A_268 : f32 to vector<16xf32>
        %mul3A_469 = arith.mulf %mul3A_468, %get3A_467 : vector<16xf32>
        %add3A_470 = arith.addf %add3A_460, %mul3A_469 : vector<16xf32>
        %mul3A_471 = arith.constant 16 : i32
        %mul3A_472 = arith.muli %scan3A_391, %mul3A_471 : i32
        %swap3A = arith.constant 10 : i32
        %swap3A_473 = arith.index_cast %swap3A : i32 to index
        %swap3A_474 = arith.index_cast %mul3A_472 : i32 to index
        %swap3A_475 = tpu.vector_load %arg9[%swap3A_473, %swap3A_474] {strides = array<i32>} : memref<16x768xf32, #tpu.memory_space<vmem>>, vector<1x16xf32>,
        %swap3A_476 = vector.shape_cast %swap3A_475 : vector<1x16xf32> to vector<16xf32>
        %swap3A_477 = vector.shape_cast %add3A_470 : vector<16xf32> to vector<1x16xf32>
        tpu.vector_store %arg9[%swap3A_473, %swap3A_474], %swap3A_477 {strides = array<i32>} : memref<16x768xf32, #tpu.memory_space<vmem>>, vector<1x16xf32>,
      }
      %scan3A_274 = arith.constant 48 : i32
      %slice3A_275 = vector.extract_strided_slice %get3A_252 {offsets = [8], sizes = [1], strides = [1]} : vector<16xf32> to vector<1xf32>
      %squeeze3A_276 = vector.extract %slice3A_275[0] : f32 from vector<1xf32>
      %slice3A_277 = vector.extract_strided_slice %get3A_252 {offsets = [9], sizes = [1], strides = [1]} : vector<16xf32> to vector<1xf32>
      %squeeze3A_278 = vector.extract %slice3A_277[0] : f32 from vector<1xf32>
      %slice3A_279 = vector.extract_strided_slice %get3A_252 {offsets = [10], sizes = [1], strides = [1]} : vector<16xf32> to vector<1xf32>
      %squeeze3A_280 = vector.extract %slice3A_279[0] : f32 from vector<1xf32>
      %slice3A_281 = vector.extract_strided_slice %get3A_252 {offsets = [11], sizes = [1], strides = [1]} : vector<16xf32> to vector<1xf32>
      %squeeze3A_282 = vector.extract %slice3A_281[0] : f32 from vector<1xf32>
      %slice3A_283 = vector.extract_strided_slice %get3A_252 {offsets = [12], sizes = [1], strides = [1]} : vector<16xf32> to vector<1xf32>
      %squeeze3A_284 = vector.extract %slice3A_283[0] : f32 from vector<1xf32>
      %slice3A_285 = vector.extract_strided_slice %get3A_252 {offsets = [13], sizes = [1], strides = [1]} : vector<16xf32> to vector<1xf32>
      %squeeze3A_286 = vector.extract %slice3A_285[0] : f32 from vector<1xf32>
      %slice3A_287 = vector.extract_strided_slice %get3A_252 {offsets = [14], sizes = [1], strides = [1]} : vector<16xf32> to vector<1xf32>
      %squeeze3A_288 = vector.extract %slice3A_287[0] : f32 from vector<1xf32>
      %slice3A_289 = vector.extract_strided_slice %get3A_252 {offsets = [15], sizes = [1], strides = [1]} : vector<16xf32> to vector<1xf32>
      %squeeze3A_290 = vector.extract %slice3A_289[0] : f32 from vector<1xf32>
      %scan3A_291 = arith.constant 0 : i32
      %scan3A_292 = arith.constant 0 : i32
      %scan3A_293 = arith.constant 48 : i32
      %scan3A_294 = arith.addi %scan3A_292, %scan3A_293 : i32
      %scan3A_295 = arith.constant 1 : i32
      scf.for %scan3A_391 = %scan3A_292 to %scan3A_294 step %scan3A_295  : i32 {
        %mul3A_392 = arith.constant 16 : i32
        %mul3A_393 = arith.muli %scan3A_391, %mul3A_392 : i32
        %get3A_394 = arith.constant 88 : i32
        %get3A_395 = arith.index_cast %get3A_394 : i32 to index
        %get3A_396 = arith.index_cast %mul3A_393 : i32 to index
        %get3A_397 = tpu.vector_load %arg8[%get3A_395, %get3A_396] {strides = array<i32>} : memref<128x768xf32, #tpu.memory_space<vmem>>, vector<1x16xf32>,
        %get3A_398 = vector.shape_cast %get3A_397 : vector<1x16xf32> to vector<16xf32>
        %mul3A_399 = vector.broadcast %squeeze3A_276 : f32 to vector<16xf32>
        %mul3A_400 = arith.mulf %mul3A_399, %get3A_398 : vector<16xf32>
        %mul3A_401 = arith.constant 16 : i32
        %mul3A_402 = arith.muli %scan3A_391, %mul3A_401 : i32
        %get3A_403 = arith.constant 89 : i32
        %get3A_404 = arith.index_cast %get3A_403 : i32 to index
        %get3A_405 = arith.index_cast %mul3A_402 : i32 to index
        %get3A_406 = tpu.vector_load %arg8[%get3A_404, %get3A_405] {strides = array<i32>} : memref<128x768xf32, #tpu.memory_space<vmem>>, vector<1x16xf32>,
        %get3A_407 = vector.shape_cast %get3A_406 : vector<1x16xf32> to vector<16xf32>
        %mul3A_408 = vector.broadcast %squeeze3A_278 : f32 to vector<16xf32>
        %mul3A_409 = arith.mulf %mul3A_408, %get3A_407 : vector<16xf32>
        %add3A_410 = arith.addf %mul3A_400, %mul3A_409 : vector<16xf32>
        %mul3A_411 = arith.constant 16 : i32
        %mul3A_412 = arith.muli %scan3A_391, %mul3A_411 : i32
        %get3A_413 = arith.constant 90 : i32
        %get3A_414 = arith.index_cast %get3A_413 : i32 to index
        %get3A_415 = arith.index_cast %mul3A_412 : i32 to index
        %get3A_416 = tpu.vector_load %arg8[%get3A_414, %get3A_415] {strides = array<i32>} : memref<128x768xf32, #tpu.memory_space<vmem>>, vector<1x16xf32>,
        %get3A_417 = vector.shape_cast %get3A_416 : vector<1x16xf32> to vector<16xf32>
        %mul3A_418 = vector.broadcast %squeeze3A_280 : f32 to vector<16xf32>
        %mul3A_419 = arith.mulf %mul3A_418, %get3A_417 : vector<16xf32>
        %add3A_420 = arith.addf %add3A_410, %mul3A_419 : vector<16xf32>
        %mul3A_421 = arith.constant 16 : i32
        %mul3A_422 = arith.muli %scan3A_391, %mul3A_421 : i32
        %get3A_423 = arith.constant 91 : i32
        %get3A_424 = arith.index_cast %get3A_423 : i32 to index
        %get3A_425 = arith.index_cast %mul3A_422 : i32 to index
        %get3A_426 = tpu.vector_load %arg8[%get3A_424, %get3A_425] {strides = array<i32>} : memref<128x768xf32, #tpu.memory_space<vmem>>, vector<1x16xf32>,
        %get3A_427 = vector.shape_cast %get3A_426 : vector<1x16xf32> to vector<16xf32>
        %mul3A_428 = vector.broadcast %squeeze3A_282 : f32 to vector<16xf32>
        %mul3A_429 = arith.mulf %mul3A_428, %get3A_427 : vector<16xf32>
        %add3A_430 = arith.addf %add3A_420, %mul3A_429 : vector<16xf32>
        %mul3A_431 = arith.constant 16 : i32
        %mul3A_432 = arith.muli %scan3A_391, %mul3A_431 : i32
        %get3A_433 = arith.constant 92 : i32
        %get3A_434 = arith.index_cast %get3A_433 : i32 to index
        %get3A_435 = arith.index_cast %mul3A_432 : i32 to index
        %get3A_436 = tpu.vector_load %arg8[%get3A_434, %get3A_435] {strides = array<i32>} : memref<128x768xf32, #tpu.memory_space<vmem>>, vector<1x16xf32>,
        %get3A_437 = vector.shape_cast %get3A_436 : vector<1x16xf32> to vector<16xf32>
        %mul3A_438 = vector.broadcast %squeeze3A_284 : f32 to vector<16xf32>
        %mul3A_439 = arith.mulf %mul3A_438, %get3A_437 : vector<16xf32>
        %add3A_440 = arith.addf %add3A_430, %mul3A_439 : vector<16xf32>
        %mul3A_441 = arith.constant 16 : i32
        %mul3A_442 = arith.muli %scan3A_391, %mul3A_441 : i32
        %get3A_443 = arith.constant 93 : i32
        %get3A_444 = arith.index_cast %get3A_443 : i32 to index
        %get3A_445 = arith.index_cast %mul3A_442 : i32 to index
        %get3A_446 = tpu.vector_load %arg8[%get3A_444, %get3A_445] {strides = array<i32>} : memref<128x768xf32, #tpu.memory_space<vmem>>, vector<1x16xf32>,
        %get3A_447 = vector.shape_cast %get3A_446 : vector<1x16xf32> to vector<16xf32>
        %mul3A_448 = vector.broadcast %squeeze3A_286 : f32 to vector<16xf32>
        %mul3A_449 = arith.mulf %mul3A_448, %get3A_447 : vector<16xf32>
        %add3A_450 = arith.addf %add3A_440, %mul3A_449 : vector<16xf32>
        %mul3A_451 = arith.constant 16 : i32
        %mul3A_452 = arith.muli %scan3A_391, %mul3A_451 : i32
        %get3A_453 = arith.constant 94 : i32
        %get3A_454 = arith.index_cast %get3A_453 : i32 to index
        %get3A_455 = arith.index_cast %mul3A_452 : i32 to index
        %get3A_456 = tpu.vector_load %arg8[%get3A_454, %get3A_455] {strides = array<i32>} : memref<128x768xf32, #tpu.memory_space<vmem>>, vector<1x16xf32>,
        %get3A_457 = vector.shape_cast %get3A_456 : vector<1x16xf32> to vector<16xf32>
        %mul3A_458 = vector.broadcast %squeeze3A_288 : f32 to vector<16xf32>
        %mul3A_459 = arith.mulf %mul3A_458, %get3A_457 : vector<16xf32>
        %add3A_460 = arith.addf %add3A_450, %mul3A_459 : vector<16xf32>
        %mul3A_461 = arith.constant 16 : i32
        %mul3A_462 = arith.muli %scan3A_391, %mul3A_461 : i32
        %get3A_463 = arith.constant 95 : i32
        %get3A_464 = arith.index_cast %get3A_463 : i32 to index
        %get3A_465 = arith.index_cast %mul3A_462 : i32 to index
        %get3A_466 = tpu.vector_load %arg8[%get3A_464, %get3A_465] {strides = array<i32>} : memref<128x768xf32, #tpu.memory_space<vmem>>, vector<1x16xf32>,
        %get3A_467 = vector.shape_cast %get3A_466 : vector<1x16xf32> to vector<16xf32>
        %mul3A_468 = vector.broadcast %squeeze3A_290 : f32 to vector<16xf32>
        %mul3A_469 = arith.mulf %mul3A_468, %get3A_467 : vector<16xf32>
        %add3A_470 = arith.addf %add3A_460, %mul3A_469 : vector<16xf32>
        %mul3A_471 = arith.constant 16 : i32
        %mul3A_472 = arith.muli %scan3A_391, %mul3A_471 : i32
        %swap3A = arith.constant 11 : i32
        %swap3A_473 = arith.index_cast %swap3A : i32 to index
        %swap3A_474 = arith.index_cast %mul3A_472 : i32 to index
        %swap3A_475 = tpu.vector_load %arg9[%swap3A_473, %swap3A_474] {strides = array<i32>} : memref<16x768xf32, #tpu.memory_space<vmem>>, vector<1x16xf32>,
        %swap3A_476 = vector.shape_cast %swap3A_475 : vector<1x16xf32> to vector<16xf32>
        %swap3A_477 = vector.shape_cast %add3A_470 : vector<16xf32> to vector<1x16xf32>
        tpu.vector_store %arg9[%swap3A_473, %swap3A_474], %swap3A_477 {strides = array<i32>} : memref<16x768xf32, #tpu.memory_space<vmem>>, vector<1x16xf32>,
      }
      %scan3A_296 = arith.constant 48 : i32
      %get3A_297 = arith.constant 96 : index
      %get3A_298 = tpu.vector_load %arg7[%get3A_297] {strides = array<i32>} : memref<128xf32, #tpu.memory_space<vmem>>, vector<16xf32>,
      %get3A_299 = vector.shape_cast %get3A_298 : vector<16xf32> to vector<16xf32>
      %slice3A_300 = vector.extract_strided_slice %get3A_299 {offsets = [0], sizes = [1], strides = [1]} : vector<16xf32> to vector<1xf32>
      %squeeze3A_301 = vector.extract %slice3A_300[0] : f32 from vector<1xf32>
      %slice3A_302 = vector.extract_strided_slice %get3A_299 {offsets = [1], sizes = [1], strides = [1]} : vector<16xf32> to vector<1xf32>
      %squeeze3A_303 = vector.extract %slice3A_302[0] : f32 from vector<1xf32>
      %slice3A_304 = vector.extract_strided_slice %get3A_299 {offsets = [2], sizes = [1], strides = [1]} : vector<16xf32> to vector<1xf32>
      %squeeze3A_305 = vector.extract %slice3A_304[0] : f32 from vector<1xf32>
      %slice3A_306 = vector.extract_strided_slice %get3A_299 {offsets = [3], sizes = [1], strides = [1]} : vector<16xf32> to vector<1xf32>
      %squeeze3A_307 = vector.extract %slice3A_306[0] : f32 from vector<1xf32>
      %slice3A_308 = vector.extract_strided_slice %get3A_299 {offsets = [4], sizes = [1], strides = [1]} : vector<16xf32> to vector<1xf32>
      %squeeze3A_309 = vector.extract %slice3A_308[0] : f32 from vector<1xf32>
      %slice3A_310 = vector.extract_strided_slice %get3A_299 {offsets = [5], sizes = [1], strides = [1]} : vector<16xf32> to vector<1xf32>
      %squeeze3A_311 = vector.extract %slice3A_310[0] : f32 from vector<1xf32>
      %slice3A_312 = vector.extract_strided_slice %get3A_299 {offsets = [6], sizes = [1], strides = [1]} : vector<16xf32> to vector<1xf32>
      %squeeze3A_313 = vector.extract %slice3A_312[0] : f32 from vector<1xf32>
      %slice3A_314 = vector.extract_strided_slice %get3A_299 {offsets = [7], sizes = [1], strides = [1]} : vector<16xf32> to vector<1xf32>
      %squeeze3A_315 = vector.extract %slice3A_314[0] : f32 from vector<1xf32>
      %scan3A_316 = arith.constant 0 : i32
      %scan3A_317 = arith.constant 0 : i32
      %scan3A_318 = arith.constant 48 : i32
      %scan3A_319 = arith.addi %scan3A_317, %scan3A_318 : i32
      %scan3A_320 = arith.constant 1 : i32
      scf.for %scan3A_391 = %scan3A_317 to %scan3A_319 step %scan3A_320  : i32 {
        %mul3A_392 = arith.constant 16 : i32
        %mul3A_393 = arith.muli %scan3A_391, %mul3A_392 : i32
        %get3A_394 = arith.constant 96 : i32
        %get3A_395 = arith.index_cast %get3A_394 : i32 to index
        %get3A_396 = arith.index_cast %mul3A_393 : i32 to index
        %get3A_397 = tpu.vector_load %arg8[%get3A_395, %get3A_396] {strides = array<i32>} : memref<128x768xf32, #tpu.memory_space<vmem>>, vector<1x16xf32>,
        %get3A_398 = vector.shape_cast %get3A_397 : vector<1x16xf32> to vector<16xf32>
        %mul3A_399 = vector.broadcast %squeeze3A_301 : f32 to vector<16xf32>
        %mul3A_400 = arith.mulf %mul3A_399, %get3A_398 : vector<16xf32>
        %mul3A_401 = arith.constant 16 : i32
        %mul3A_402 = arith.muli %scan3A_391, %mul3A_401 : i32
        %get3A_403 = arith.constant 97 : i32
        %get3A_404 = arith.index_cast %get3A_403 : i32 to index
        %get3A_405 = arith.index_cast %mul3A_402 : i32 to index
        %get3A_406 = tpu.vector_load %arg8[%get3A_404, %get3A_405] {strides = array<i32>} : memref<128x768xf32, #tpu.memory_space<vmem>>, vector<1x16xf32>,
        %get3A_407 = vector.shape_cast %get3A_406 : vector<1x16xf32> to vector<16xf32>
        %mul3A_408 = vector.broadcast %squeeze3A_303 : f32 to vector<16xf32>
        %mul3A_409 = arith.mulf %mul3A_408, %get3A_407 : vector<16xf32>
        %add3A_410 = arith.addf %mul3A_400, %mul3A_409 : vector<16xf32>
        %mul3A_411 = arith.constant 16 : i32
        %mul3A_412 = arith.muli %scan3A_391, %mul3A_411 : i32
        %get3A_413 = arith.constant 98 : i32
        %get3A_414 = arith.index_cast %get3A_413 : i32 to index
        %get3A_415 = arith.index_cast %mul3A_412 : i32 to index
        %get3A_416 = tpu.vector_load %arg8[%get3A_414, %get3A_415] {strides = array<i32>} : memref<128x768xf32, #tpu.memory_space<vmem>>, vector<1x16xf32>,
        %get3A_417 = vector.shape_cast %get3A_416 : vector<1x16xf32> to vector<16xf32>
        %mul3A_418 = vector.broadcast %squeeze3A_305 : f32 to vector<16xf32>
        %mul3A_419 = arith.mulf %mul3A_418, %get3A_417 : vector<16xf32>
        %add3A_420 = arith.addf %add3A_410, %mul3A_419 : vector<16xf32>
        %mul3A_421 = arith.constant 16 : i32
        %mul3A_422 = arith.muli %scan3A_391, %mul3A_421 : i32
        %get3A_423 = arith.constant 99 : i32
        %get3A_424 = arith.index_cast %get3A_423 : i32 to index
        %get3A_425 = arith.index_cast %mul3A_422 : i32 to index
        %get3A_426 = tpu.vector_load %arg8[%get3A_424, %get3A_425] {strides = array<i32>} : memref<128x768xf32, #tpu.memory_space<vmem>>, vector<1x16xf32>,
        %get3A_427 = vector.shape_cast %get3A_426 : vector<1x16xf32> to vector<16xf32>
        %mul3A_428 = vector.broadcast %squeeze3A_307 : f32 to vector<16xf32>
        %mul3A_429 = arith.mulf %mul3A_428, %get3A_427 : vector<16xf32>
        %add3A_430 = arith.addf %add3A_420, %mul3A_429 : vector<16xf32>
        %mul3A_431 = arith.constant 16 : i32
        %mul3A_432 = arith.muli %scan3A_391, %mul3A_431 : i32
        %get3A_433 = arith.constant 100 : i32
        %get3A_434 = arith.index_cast %get3A_433 : i32 to index
        %get3A_435 = arith.index_cast %mul3A_432 : i32 to index
        %get3A_436 = tpu.vector_load %arg8[%get3A_434, %get3A_435] {strides = array<i32>} : memref<128x768xf32, #tpu.memory_space<vmem>>, vector<1x16xf32>,
        %get3A_437 = vector.shape_cast %get3A_436 : vector<1x16xf32> to vector<16xf32>
        %mul3A_438 = vector.broadcast %squeeze3A_309 : f32 to vector<16xf32>
        %mul3A_439 = arith.mulf %mul3A_438, %get3A_437 : vector<16xf32>
        %add3A_440 = arith.addf %add3A_430, %mul3A_439 : vector<16xf32>
        %mul3A_441 = arith.constant 16 : i32
        %mul3A_442 = arith.muli %scan3A_391, %mul3A_441 : i32
        %get3A_443 = arith.constant 101 : i32
        %get3A_444 = arith.index_cast %get3A_443 : i32 to index
        %get3A_445 = arith.index_cast %mul3A_442 : i32 to index
        %get3A_446 = tpu.vector_load %arg8[%get3A_444, %get3A_445] {strides = array<i32>} : memref<128x768xf32, #tpu.memory_space<vmem>>, vector<1x16xf32>,
        %get3A_447 = vector.shape_cast %get3A_446 : vector<1x16xf32> to vector<16xf32>
        %mul3A_448 = vector.broadcast %squeeze3A_311 : f32 to vector<16xf32>
        %mul3A_449 = arith.mulf %mul3A_448, %get3A_447 : vector<16xf32>
        %add3A_450 = arith.addf %add3A_440, %mul3A_449 : vector<16xf32>
        %mul3A_451 = arith.constant 16 : i32
        %mul3A_452 = arith.muli %scan3A_391, %mul3A_451 : i32
        %get3A_453 = arith.constant 102 : i32
        %get3A_454 = arith.index_cast %get3A_453 : i32 to index
        %get3A_455 = arith.index_cast %mul3A_452 : i32 to index
        %get3A_456 = tpu.vector_load %arg8[%get3A_454, %get3A_455] {strides = array<i32>} : memref<128x768xf32, #tpu.memory_space<vmem>>, vector<1x16xf32>,
        %get3A_457 = vector.shape_cast %get3A_456 : vector<1x16xf32> to vector<16xf32>
        %mul3A_458 = vector.broadcast %squeeze3A_313 : f32 to vector<16xf32>
        %mul3A_459 = arith.mulf %mul3A_458, %get3A_457 : vector<16xf32>
        %add3A_460 = arith.addf %add3A_450, %mul3A_459 : vector<16xf32>
        %mul3A_461 = arith.constant 16 : i32
        %mul3A_462 = arith.muli %scan3A_391, %mul3A_461 : i32
        %get3A_463 = arith.constant 103 : i32
        %get3A_464 = arith.index_cast %get3A_463 : i32 to index
        %get3A_465 = arith.index_cast %mul3A_462 : i32 to index
        %get3A_466 = tpu.vector_load %arg8[%get3A_464, %get3A_465] {strides = array<i32>} : memref<128x768xf32, #tpu.memory_space<vmem>>, vector<1x16xf32>,
        %get3A_467 = vector.shape_cast %get3A_466 : vector<1x16xf32> to vector<16xf32>
        %mul3A_468 = vector.broadcast %squeeze3A_315 : f32 to vector<16xf32>
        %mul3A_469 = arith.mulf %mul3A_468, %get3A_467 : vector<16xf32>
        %add3A_470 = arith.addf %add3A_460, %mul3A_469 : vector<16xf32>
        %mul3A_471 = arith.constant 16 : i32
        %mul3A_472 = arith.muli %scan3A_391, %mul3A_471 : i32
        %swap3A = arith.constant 12 : i32
        %swap3A_473 = arith.index_cast %swap3A : i32 to index
        %swap3A_474 = arith.index_cast %mul3A_472 : i32 to index
        %swap3A_475 = tpu.vector_load %arg9[%swap3A_473, %swap3A_474] {strides = array<i32>} : memref<16x768xf32, #tpu.memory_space<vmem>>, vector<1x16xf32>,
        %swap3A_476 = vector.shape_cast %swap3A_475 : vector<1x16xf32> to vector<16xf32>
        %swap3A_477 = vector.shape_cast %add3A_470 : vector<16xf32> to vector<1x16xf32>
        tpu.vector_store %arg9[%swap3A_473, %swap3A_474], %swap3A_477 {strides = array<i32>} : memref<16x768xf32, #tpu.memory_space<vmem>>, vector<1x16xf32>,
      }
      %scan3A_321 = arith.constant 48 : i32
      %slice3A_322 = vector.extract_strided_slice %get3A_299 {offsets = [8], sizes = [1], strides = [1]} : vector<16xf32> to vector<1xf32>
      %squeeze3A_323 = vector.extract %slice3A_322[0] : f32 from vector<1xf32>
      %slice3A_324 = vector.extract_strided_slice %get3A_299 {offsets = [9], sizes = [1], strides = [1]} : vector<16xf32> to vector<1xf32>
      %squeeze3A_325 = vector.extract %slice3A_324[0] : f32 from vector<1xf32>
      %slice3A_326 = vector.extract_strided_slice %get3A_299 {offsets = [10], sizes = [1], strides = [1]} : vector<16xf32> to vector<1xf32>
      %squeeze3A_327 = vector.extract %slice3A_326[0] : f32 from vector<1xf32>
      %slice3A_328 = vector.extract_strided_slice %get3A_299 {offsets = [11], sizes = [1], strides = [1]} : vector<16xf32> to vector<1xf32>
      %squeeze3A_329 = vector.extract %slice3A_328[0] : f32 from vector<1xf32>
      %slice3A_330 = vector.extract_strided_slice %get3A_299 {offsets = [12], sizes = [1], strides = [1]} : vector<16xf32> to vector<1xf32>
      %squeeze3A_331 = vector.extract %slice3A_330[0] : f32 from vector<1xf32>
      %slice3A_332 = vector.extract_strided_slice %get3A_299 {offsets = [13], sizes = [1], strides = [1]} : vector<16xf32> to vector<1xf32>
      %squeeze3A_333 = vector.extract %slice3A_332[0] : f32 from vector<1xf32>
      %slice3A_334 = vector.extract_strided_slice %get3A_299 {offsets = [14], sizes = [1], strides = [1]} : vector<16xf32> to vector<1xf32>
      %squeeze3A_335 = vector.extract %slice3A_334[0] : f32 from vector<1xf32>
      %slice3A_336 = vector.extract_strided_slice %get3A_299 {offsets = [15], sizes = [1], strides = [1]} : vector<16xf32> to vector<1xf32>
      %squeeze3A_337 = vector.extract %slice3A_336[0] : f32 from vector<1xf32>
      %scan3A_338 = arith.constant 0 : i32
      %scan3A_339 = arith.constant 0 : i32
      %scan3A_340 = arith.constant 48 : i32
      %scan3A_341 = arith.addi %scan3A_339, %scan3A_340 : i32
      %scan3A_342 = arith.constant 1 : i32
      scf.for %scan3A_391 = %scan3A_339 to %scan3A_341 step %scan3A_342  : i32 {
        %mul3A_392 = arith.constant 16 : i32
        %mul3A_393 = arith.muli %scan3A_391, %mul3A_392 : i32
        %get3A_394 = arith.constant 104 : i32
        %get3A_395 = arith.index_cast %get3A_394 : i32 to index
        %get3A_396 = arith.index_cast %mul3A_393 : i32 to index
        %get3A_397 = tpu.vector_load %arg8[%get3A_395, %get3A_396] {strides = array<i32>} : memref<128x768xf32, #tpu.memory_space<vmem>>, vector<1x16xf32>,
        %get3A_398 = vector.shape_cast %get3A_397 : vector<1x16xf32> to vector<16xf32>
        %mul3A_399 = vector.broadcast %squeeze3A_323 : f32 to vector<16xf32>
        %mul3A_400 = arith.mulf %mul3A_399, %get3A_398 : vector<16xf32>
        %mul3A_401 = arith.constant 16 : i32
        %mul3A_402 = arith.muli %scan3A_391, %mul3A_401 : i32
        %get3A_403 = arith.constant 105 : i32
        %get3A_404 = arith.index_cast %get3A_403 : i32 to index
        %get3A_405 = arith.index_cast %mul3A_402 : i32 to index
        %get3A_406 = tpu.vector_load %arg8[%get3A_404, %get3A_405] {strides = array<i32>} : memref<128x768xf32, #tpu.memory_space<vmem>>, vector<1x16xf32>,
        %get3A_407 = vector.shape_cast %get3A_406 : vector<1x16xf32> to vector<16xf32>
        %mul3A_408 = vector.broadcast %squeeze3A_325 : f32 to vector<16xf32>
        %mul3A_409 = arith.mulf %mul3A_408, %get3A_407 : vector<16xf32>
        %add3A_410 = arith.addf %mul3A_400, %mul3A_409 : vector<16xf32>
        %mul3A_411 = arith.constant 16 : i32
        %mul3A_412 = arith.muli %scan3A_391, %mul3A_411 : i32
        %get3A_413 = arith.constant 106 : i32
        %get3A_414 = arith.index_cast %get3A_413 : i32 to index
        %get3A_415 = arith.index_cast %mul3A_412 : i32 to index
        %get3A_416 = tpu.vector_load %arg8[%get3A_414, %get3A_415] {strides = array<i32>} : memref<128x768xf32, #tpu.memory_space<vmem>>, vector<1x16xf32>,
        %get3A_417 = vector.shape_cast %get3A_416 : vector<1x16xf32> to vector<16xf32>
        %mul3A_418 = vector.broadcast %squeeze3A_327 : f32 to vector<16xf32>
        %mul3A_419 = arith.mulf %mul3A_418, %get3A_417 : vector<16xf32>
        %add3A_420 = arith.addf %add3A_410, %mul3A_419 : vector<16xf32>
        %mul3A_421 = arith.constant 16 : i32
        %mul3A_422 = arith.muli %scan3A_391, %mul3A_421 : i32
        %get3A_423 = arith.constant 107 : i32
        %get3A_424 = arith.index_cast %get3A_423 : i32 to index
        %get3A_425 = arith.index_cast %mul3A_422 : i32 to index
        %get3A_426 = tpu.vector_load %arg8[%get3A_424, %get3A_425] {strides = array<i32>} : memref<128x768xf32, #tpu.memory_space<vmem>>, vector<1x16xf32>,
        %get3A_427 = vector.shape_cast %get3A_426 : vector<1x16xf32> to vector<16xf32>
        %mul3A_428 = vector.broadcast %squeeze3A_329 : f32 to vector<16xf32>
        %mul3A_429 = arith.mulf %mul3A_428, %get3A_427 : vector<16xf32>
        %add3A_430 = arith.addf %add3A_420, %mul3A_429 : vector<16xf32>
        %mul3A_431 = arith.constant 16 : i32
        %mul3A_432 = arith.muli %scan3A_391, %mul3A_431 : i32
        %get3A_433 = arith.constant 108 : i32
        %get3A_434 = arith.index_cast %get3A_433 : i32 to index
        %get3A_435 = arith.index_cast %mul3A_432 : i32 to index
        %get3A_436 = tpu.vector_load %arg8[%get3A_434, %get3A_435] {strides = array<i32>} : memref<128x768xf32, #tpu.memory_space<vmem>>, vector<1x16xf32>,
        %get3A_437 = vector.shape_cast %get3A_436 : vector<1x16xf32> to vector<16xf32>
        %mul3A_438 = vector.broadcast %squeeze3A_331 : f32 to vector<16xf32>
        %mul3A_439 = arith.mulf %mul3A_438, %get3A_437 : vector<16xf32>
        %add3A_440 = arith.addf %add3A_430, %mul3A_439 : vector<16xf32>
        %mul3A_441 = arith.constant 16 : i32
        %mul3A_442 = arith.muli %scan3A_391, %mul3A_441 : i32
        %get3A_443 = arith.constant 109 : i32
        %get3A_444 = arith.index_cast %get3A_443 : i32 to index
        %get3A_445 = arith.index_cast %mul3A_442 : i32 to index
        %get3A_446 = tpu.vector_load %arg8[%get3A_444, %get3A_445] {strides = array<i32>} : memref<128x768xf32, #tpu.memory_space<vmem>>, vector<1x16xf32>,
        %get3A_447 = vector.shape_cast %get3A_446 : vector<1x16xf32> to vector<16xf32>
        %mul3A_448 = vector.broadcast %squeeze3A_333 : f32 to vector<16xf32>
        %mul3A_449 = arith.mulf %mul3A_448, %get3A_447 : vector<16xf32>
        %add3A_450 = arith.addf %add3A_440, %mul3A_449 : vector<16xf32>
        %mul3A_451 = arith.constant 16 : i32
        %mul3A_452 = arith.muli %scan3A_391, %mul3A_451 : i32
        %get3A_453 = arith.constant 110 : i32
        %get3A_454 = arith.index_cast %get3A_453 : i32 to index
        %get3A_455 = arith.index_cast %mul3A_452 : i32 to index
        %get3A_456 = tpu.vector_load %arg8[%get3A_454, %get3A_455] {strides = array<i32>} : memref<128x768xf32, #tpu.memory_space<vmem>>, vector<1x16xf32>,
        %get3A_457 = vector.shape_cast %get3A_456 : vector<1x16xf32> to vector<16xf32>
        %mul3A_458 = vector.broadcast %squeeze3A_335 : f32 to vector<16xf32>
        %mul3A_459 = arith.mulf %mul3A_458, %get3A_457 : vector<16xf32>
        %add3A_460 = arith.addf %add3A_450, %mul3A_459 : vector<16xf32>
        %mul3A_461 = arith.constant 16 : i32
        %mul3A_462 = arith.muli %scan3A_391, %mul3A_461 : i32
        %get3A_463 = arith.constant 111 : i32
        %get3A_464 = arith.index_cast %get3A_463 : i32 to index
        %get3A_465 = arith.index_cast %mul3A_462 : i32 to index
        %get3A_466 = tpu.vector_load %arg8[%get3A_464, %get3A_465] {strides = array<i32>} : memref<128x768xf32, #tpu.memory_space<vmem>>, vector<1x16xf32>,
        %get3A_467 = vector.shape_cast %get3A_466 : vector<1x16xf32> to vector<16xf32>
        %mul3A_468 = vector.broadcast %squeeze3A_337 : f32 to vector<16xf32>
        %mul3A_469 = arith.mulf %mul3A_468, %get3A_467 : vector<16xf32>
        %add3A_470 = arith.addf %add3A_460, %mul3A_469 : vector<16xf32>
        %mul3A_471 = arith.constant 16 : i32
        %mul3A_472 = arith.muli %scan3A_391, %mul3A_471 : i32
        %swap3A = arith.constant 13 : i32
        %swap3A_473 = arith.index_cast %swap3A : i32 to index
        %swap3A_474 = arith.index_cast %mul3A_472 : i32 to index
        %swap3A_475 = tpu.vector_load %arg9[%swap3A_473, %swap3A_474] {strides = array<i32>} : memref<16x768xf32, #tpu.memory_space<vmem>>, vector<1x16xf32>,
        %swap3A_476 = vector.shape_cast %swap3A_475 : vector<1x16xf32> to vector<16xf32>
        %swap3A_477 = vector.shape_cast %add3A_470 : vector<16xf32> to vector<1x16xf32>
        tpu.vector_store %arg9[%swap3A_473, %swap3A_474], %swap3A_477 {strides = array<i32>} : memref<16x768xf32, #tpu.memory_space<vmem>>, vector<1x16xf32>,
      }
      %scan3A_343 = arith.constant 48 : i32
      %get3A_344 = arith.constant 112 : index
      %get3A_345 = tpu.vector_load %arg7[%get3A_344] {strides = array<i32>} : memref<128xf32, #tpu.memory_space<vmem>>, vector<16xf32>,
      %get3A_346 = vector.shape_cast %get3A_345 : vector<16xf32> to vector<16xf32>
      %slice3A_347 = vector.extract_strided_slice %get3A_346 {offsets = [0], sizes = [1], strides = [1]} : vector<16xf32> to vector<1xf32>
      %squeeze3A_348 = vector.extract %slice3A_347[0] : f32 from vector<1xf32>
      %slice3A_349 = vector.extract_strided_slice %get3A_346 {offsets = [1], sizes = [1], strides = [1]} : vector<16xf32> to vector<1xf32>
      %squeeze3A_350 = vector.extract %slice3A_349[0] : f32 from vector<1xf32>
      %slice3A_351 = vector.extract_strided_slice %get3A_346 {offsets = [2], sizes = [1], strides = [1]} : vector<16xf32> to vector<1xf32>
      %squeeze3A_352 = vector.extract %slice3A_351[0] : f32 from vector<1xf32>
      %slice3A_353 = vector.extract_strided_slice %get3A_346 {offsets = [3], sizes = [1], strides = [1]} : vector<16xf32> to vector<1xf32>
      %squeeze3A_354 = vector.extract %slice3A_353[0] : f32 from vector<1xf32>
      %slice3A_355 = vector.extract_strided_slice %get3A_346 {offsets = [4], sizes = [1], strides = [1]} : vector<16xf32> to vector<1xf32>
      %squeeze3A_356 = vector.extract %slice3A_355[0] : f32 from vector<1xf32>
      %slice3A_357 = vector.extract_strided_slice %get3A_346 {offsets = [5], sizes = [1], strides = [1]} : vector<16xf32> to vector<1xf32>
      %squeeze3A_358 = vector.extract %slice3A_357[0] : f32 from vector<1xf32>
      %slice3A_359 = vector.extract_strided_slice %get3A_346 {offsets = [6], sizes = [1], strides = [1]} : vector<16xf32> to vector<1xf32>
      %squeeze3A_360 = vector.extract %slice3A_359[0] : f32 from vector<1xf32>
      %slice3A_361 = vector.extract_strided_slice %get3A_346 {offsets = [7], sizes = [1], strides = [1]} : vector<16xf32> to vector<1xf32>
      %squeeze3A_362 = vector.extract %slice3A_361[0] : f32 from vector<1xf32>
      %scan3A_363 = arith.constant 0 : i32
      %scan3A_364 = arith.constant 0 : i32
      %scan3A_365 = arith.constant 48 : i32
      %scan3A_366 = arith.addi %scan3A_364, %scan3A_365 : i32
      %scan3A_367 = arith.constant 1 : i32
      scf.for %scan3A_391 = %scan3A_364 to %scan3A_366 step %scan3A_367  : i32 {
        %mul3A_392 = arith.constant 16 : i32
        %mul3A_393 = arith.muli %scan3A_391, %mul3A_392 : i32
        %get3A_394 = arith.constant 112 : i32
        %get3A_395 = arith.index_cast %get3A_394 : i32 to index
        %get3A_396 = arith.index_cast %mul3A_393 : i32 to index
        %get3A_397 = tpu.vector_load %arg8[%get3A_395, %get3A_396] {strides = array<i32>} : memref<128x768xf32, #tpu.memory_space<vmem>>, vector<1x16xf32>,
        %get3A_398 = vector.shape_cast %get3A_397 : vector<1x16xf32> to vector<16xf32>
        %mul3A_399 = vector.broadcast %squeeze3A_348 : f32 to vector<16xf32>
        %mul3A_400 = arith.mulf %mul3A_399, %get3A_398 : vector<16xf32>
        %mul3A_401 = arith.constant 16 : i32
        %mul3A_402 = arith.muli %scan3A_391, %mul3A_401 : i32
        %get3A_403 = arith.constant 113 : i32
        %get3A_404 = arith.index_cast %get3A_403 : i32 to index
        %get3A_405 = arith.index_cast %mul3A_402 : i32 to index
        %get3A_406 = tpu.vector_load %arg8[%get3A_404, %get3A_405] {strides = array<i32>} : memref<128x768xf32, #tpu.memory_space<vmem>>, vector<1x16xf32>,
        %get3A_407 = vector.shape_cast %get3A_406 : vector<1x16xf32> to vector<16xf32>
        %mul3A_408 = vector.broadcast %squeeze3A_350 : f32 to vector<16xf32>
        %mul3A_409 = arith.mulf %mul3A_408, %get3A_407 : vector<16xf32>
        %add3A_410 = arith.addf %mul3A_400, %mul3A_409 : vector<16xf32>
        %mul3A_411 = arith.constant 16 : i32
        %mul3A_412 = arith.muli %scan3A_391, %mul3A_411 : i32
        %get3A_413 = arith.constant 114 : i32
        %get3A_414 = arith.index_cast %get3A_413 : i32 to index
        %get3A_415 = arith.index_cast %mul3A_412 : i32 to index
        %get3A_416 = tpu.vector_load %arg8[%get3A_414, %get3A_415] {strides = array<i32>} : memref<128x768xf32, #tpu.memory_space<vmem>>, vector<1x16xf32>,
        %get3A_417 = vector.shape_cast %get3A_416 : vector<1x16xf32> to vector<16xf32>
        %mul3A_418 = vector.broadcast %squeeze3A_352 : f32 to vector<16xf32>
        %mul3A_419 = arith.mulf %mul3A_418, %get3A_417 : vector<16xf32>
        %add3A_420 = arith.addf %add3A_410, %mul3A_419 : vector<16xf32>
        %mul3A_421 = arith.constant 16 : i32
        %mul3A_422 = arith.muli %scan3A_391, %mul3A_421 : i32
        %get3A_423 = arith.constant 115 : i32
        %get3A_424 = arith.index_cast %get3A_423 : i32 to index
        %get3A_425 = arith.index_cast %mul3A_422 : i32 to index
        %get3A_426 = tpu.vector_load %arg8[%get3A_424, %get3A_425] {strides = array<i32>} : memref<128x768xf32, #tpu.memory_space<vmem>>, vector<1x16xf32>,
        %get3A_427 = vector.shape_cast %get3A_426 : vector<1x16xf32> to vector<16xf32>
        %mul3A_428 = vector.broadcast %squeeze3A_354 : f32 to vector<16xf32>
        %mul3A_429 = arith.mulf %mul3A_428, %get3A_427 : vector<16xf32>
        %add3A_430 = arith.addf %add3A_420, %mul3A_429 : vector<16xf32>
        %mul3A_431 = arith.constant 16 : i32
        %mul3A_432 = arith.muli %scan3A_391, %mul3A_431 : i32
        %get3A_433 = arith.constant 116 : i32
        %get3A_434 = arith.index_cast %get3A_433 : i32 to index
        %get3A_435 = arith.index_cast %mul3A_432 : i32 to index
        %get3A_436 = tpu.vector_load %arg8[%get3A_434, %get3A_435] {strides = array<i32>} : memref<128x768xf32, #tpu.memory_space<vmem>>, vector<1x16xf32>,
        %get3A_437 = vector.shape_cast %get3A_436 : vector<1x16xf32> to vector<16xf32>
        %mul3A_438 = vector.broadcast %squeeze3A_356 : f32 to vector<16xf32>
        %mul3A_439 = arith.mulf %mul3A_438, %get3A_437 : vector<16xf32>
        %add3A_440 = arith.addf %add3A_430, %mul3A_439 : vector<16xf32>
        %mul3A_441 = arith.constant 16 : i32
        %mul3A_442 = arith.muli %scan3A_391, %mul3A_441 : i32
        %get3A_443 = arith.constant 117 : i32
        %get3A_444 = arith.index_cast %get3A_443 : i32 to index
        %get3A_445 = arith.index_cast %mul3A_442 : i32 to index
        %get3A_446 = tpu.vector_load %arg8[%get3A_444, %get3A_445] {strides = array<i32>} : memref<128x768xf32, #tpu.memory_space<vmem>>, vector<1x16xf32>,
        %get3A_447 = vector.shape_cast %get3A_446 : vector<1x16xf32> to vector<16xf32>
        %mul3A_448 = vector.broadcast %squeeze3A_358 : f32 to vector<16xf32>
        %mul3A_449 = arith.mulf %mul3A_448, %get3A_447 : vector<16xf32>
        %add3A_450 = arith.addf %add3A_440, %mul3A_449 : vector<16xf32>
        %mul3A_451 = arith.constant 16 : i32
        %mul3A_452 = arith.muli %scan3A_391, %mul3A_451 : i32
        %get3A_453 = arith.constant 118 : i32
        %get3A_454 = arith.index_cast %get3A_453 : i32 to index
        %get3A_455 = arith.index_cast %mul3A_452 : i32 to index
        %get3A_456 = tpu.vector_load %arg8[%get3A_454, %get3A_455] {strides = array<i32>} : memref<128x768xf32, #tpu.memory_space<vmem>>, vector<1x16xf32>,
        %get3A_457 = vector.shape_cast %get3A_456 : vector<1x16xf32> to vector<16xf32>
        %mul3A_458 = vector.broadcast %squeeze3A_360 : f32 to vector<16xf32>
        %mul3A_459 = arith.mulf %mul3A_458, %get3A_457 : vector<16xf32>
        %add3A_460 = arith.addf %add3A_450, %mul3A_459 : vector<16xf32>
        %mul3A_461 = arith.constant 16 : i32
        %mul3A_462 = arith.muli %scan3A_391, %mul3A_461 : i32
        %get3A_463 = arith.constant 119 : i32
        %get3A_464 = arith.index_cast %get3A_463 : i32 to index
        %get3A_465 = arith.index_cast %mul3A_462 : i32 to index
        %get3A_466 = tpu.vector_load %arg8[%get3A_464, %get3A_465] {strides = array<i32>} : memref<128x768xf32, #tpu.memory_space<vmem>>, vector<1x16xf32>,
        %get3A_467 = vector.shape_cast %get3A_466 : vector<1x16xf32> to vector<16xf32>
        %mul3A_468 = vector.broadcast %squeeze3A_362 : f32 to vector<16xf32>
        %mul3A_469 = arith.mulf %mul3A_468, %get3A_467 : vector<16xf32>
        %add3A_470 = arith.addf %add3A_460, %mul3A_469 : vector<16xf32>
        %mul3A_471 = arith.constant 16 : i32
        %mul3A_472 = arith.muli %scan3A_391, %mul3A_471 : i32
        %swap3A = arith.constant 14 : i32
        %swap3A_473 = arith.index_cast %swap3A : i32 to index
        %swap3A_474 = arith.index_cast %mul3A_472 : i32 to index
        %swap3A_475 = tpu.vector_load %arg9[%swap3A_473, %swap3A_474] {strides = array<i32>} : memref<16x768xf32, #tpu.memory_space<vmem>>, vector<1x16xf32>,
        %swap3A_476 = vector.shape_cast %swap3A_475 : vector<1x16xf32> to vector<16xf32>
        %swap3A_477 = vector.shape_cast %add3A_470 : vector<16xf32> to vector<1x16xf32>
        tpu.vector_store %arg9[%swap3A_473, %swap3A_474], %swap3A_477 {strides = array<i32>} : memref<16x768xf32, #tpu.memory_space<vmem>>, vector<1x16xf32>,
      }
      %scan3A_368 = arith.constant 48 : i32
      %slice3A_369 = vector.extract_strided_slice %get3A_346 {offsets = [8], sizes = [1], strides = [1]} : vector<16xf32> to vector<1xf32>
      %squeeze3A_370 = vector.extract %slice3A_369[0] : f32 from vector<1xf32>
      %slice3A_371 = vector.extract_strided_slice %get3A_346 {offsets = [9], sizes = [1], strides = [1]} : vector<16xf32> to vector<1xf32>
      %squeeze3A_372 = vector.extract %slice3A_371[0] : f32 from vector<1xf32>
      %slice3A_373 = vector.extract_strided_slice %get3A_346 {offsets = [10], sizes = [1], strides = [1]} : vector<16xf32> to vector<1xf32>
      %squeeze3A_374 = vector.extract %slice3A_373[0] : f32 from vector<1xf32>
      %slice3A_375 = vector.extract_strided_slice %get3A_346 {offsets = [11], sizes = [1], strides = [1]} : vector<16xf32> to vector<1xf32>
      %squeeze3A_376 = vector.extract %slice3A_375[0] : f32 from vector<1xf32>
      %slice3A_377 = vector.extract_strided_slice %get3A_346 {offsets = [12], sizes = [1], strides = [1]} : vector<16xf32> to vector<1xf32>
      %squeeze3A_378 = vector.extract %slice3A_377[0] : f32 from vector<1xf32>
      %slice3A_379 = vector.extract_strided_slice %get3A_346 {offsets = [13], sizes = [1], strides = [1]} : vector<16xf32> to vector<1xf32>
      %squeeze3A_380 = vector.extract %slice3A_379[0] : f32 from vector<1xf32>
      %slice3A_381 = vector.extract_strided_slice %get3A_346 {offsets = [14], sizes = [1], strides = [1]} : vector<16xf32> to vector<1xf32>
      %squeeze3A_382 = vector.extract %slice3A_381[0] : f32 from vector<1xf32>
      %slice3A_383 = vector.extract_strided_slice %get3A_346 {offsets = [15], sizes = [1], strides = [1]} : vector<16xf32> to vector<1xf32>
      %squeeze3A_384 = vector.extract %slice3A_383[0] : f32 from vector<1xf32>
      %scan3A_385 = arith.constant 0 : i32
      %scan3A_386 = arith.constant 0 : i32
      %scan3A_387 = arith.constant 48 : i32
      %scan3A_388 = arith.addi %scan3A_386, %scan3A_387 : i32
      %scan3A_389 = arith.constant 1 : i32
      scf.for %scan3A_391 = %scan3A_386 to %scan3A_388 step %scan3A_389  : i32 {
        %mul3A_392 = arith.constant 16 : i32
        %mul3A_393 = arith.muli %scan3A_391, %mul3A_392 : i32
        %get3A_394 = arith.constant 120 : i32
        %get3A_395 = arith.index_cast %get3A_394 : i32 to index
        %get3A_396 = arith.index_cast %mul3A_393 : i32 to index
        %get3A_397 = tpu.vector_load %arg8[%get3A_395, %get3A_396] {strides = array<i32>} : memref<128x768xf32, #tpu.memory_space<vmem>>, vector<1x16xf32>,
        %get3A_398 = vector.shape_cast %get3A_397 : vector<1x16xf32> to vector<16xf32>
        %mul3A_399 = vector.broadcast %squeeze3A_370 : f32 to vector<16xf32>
        %mul3A_400 = arith.mulf %mul3A_399, %get3A_398 : vector<16xf32>
        %mul3A_401 = arith.constant 16 : i32
        %mul3A_402 = arith.muli %scan3A_391, %mul3A_401 : i32
        %get3A_403 = arith.constant 121 : i32
        %get3A_404 = arith.index_cast %get3A_403 : i32 to index
        %get3A_405 = arith.index_cast %mul3A_402 : i32 to index
        %get3A_406 = tpu.vector_load %arg8[%get3A_404, %get3A_405] {strides = array<i32>} : memref<128x768xf32, #tpu.memory_space<vmem>>, vector<1x16xf32>,
        %get3A_407 = vector.shape_cast %get3A_406 : vector<1x16xf32> to vector<16xf32>
        %mul3A_408 = vector.broadcast %squeeze3A_372 : f32 to vector<16xf32>
        %mul3A_409 = arith.mulf %mul3A_408, %get3A_407 : vector<16xf32>
        %add3A_410 = arith.addf %mul3A_400, %mul3A_409 : vector<16xf32>
        %mul3A_411 = arith.constant 16 : i32
        %mul3A_412 = arith.muli %scan3A_391, %mul3A_411 : i32
        %get3A_413 = arith.constant 122 : i32
        %get3A_414 = arith.index_cast %get3A_413 : i32 to index
        %get3A_415 = arith.index_cast %mul3A_412 : i32 to index
        %get3A_416 = tpu.vector_load %arg8[%get3A_414, %get3A_415] {strides = array<i32>} : memref<128x768xf32, #tpu.memory_space<vmem>>, vector<1x16xf32>,
        %get3A_417 = vector.shape_cast %get3A_416 : vector<1x16xf32> to vector<16xf32>
        %mul3A_418 = vector.broadcast %squeeze3A_374 : f32 to vector<16xf32>
        %mul3A_419 = arith.mulf %mul3A_418, %get3A_417 : vector<16xf32>
        %add3A_420 = arith.addf %add3A_410, %mul3A_419 : vector<16xf32>
        %mul3A_421 = arith.constant 16 : i32
        %mul3A_422 = arith.muli %scan3A_391, %mul3A_421 : i32
        %get3A_423 = arith.constant 123 : i32
        %get3A_424 = arith.index_cast %get3A_423 : i32 to index
        %get3A_425 = arith.index_cast %mul3A_422 : i32 to index
        %get3A_426 = tpu.vector_load %arg8[%get3A_424, %get3A_425] {strides = array<i32>} : memref<128x768xf32, #tpu.memory_space<vmem>>, vector<1x16xf32>,
        %get3A_427 = vector.shape_cast %get3A_426 : vector<1x16xf32> to vector<16xf32>
        %mul3A_428 = vector.broadcast %squeeze3A_376 : f32 to vector<16xf32>
        %mul3A_429 = arith.mulf %mul3A_428, %get3A_427 : vector<16xf32>
        %add3A_430 = arith.addf %add3A_420, %mul3A_429 : vector<16xf32>
        %mul3A_431 = arith.constant 16 : i32
        %mul3A_432 = arith.muli %scan3A_391, %mul3A_431 : i32
        %get3A_433 = arith.constant 124 : i32
        %get3A_434 = arith.index_cast %get3A_433 : i32 to index
        %get3A_435 = arith.index_cast %mul3A_432 : i32 to index
        %get3A_436 = tpu.vector_load %arg8[%get3A_434, %get3A_435] {strides = array<i32>} : memref<128x768xf32, #tpu.memory_space<vmem>>, vector<1x16xf32>,
        %get3A_437 = vector.shape_cast %get3A_436 : vector<1x16xf32> to vector<16xf32>
        %mul3A_438 = vector.broadcast %squeeze3A_378 : f32 to vector<16xf32>
        %mul3A_439 = arith.mulf %mul3A_438, %get3A_437 : vector<16xf32>
        %add3A_440 = arith.addf %add3A_430, %mul3A_439 : vector<16xf32>
        %mul3A_441 = arith.constant 16 : i32
        %mul3A_442 = arith.muli %scan3A_391, %mul3A_441 : i32
        %get3A_443 = arith.constant 125 : i32
        %get3A_444 = arith.index_cast %get3A_443 : i32 to index
        %get3A_445 = arith.index_cast %mul3A_442 : i32 to index
        %get3A_446 = tpu.vector_load %arg8[%get3A_444, %get3A_445] {strides = array<i32>} : memref<128x768xf32, #tpu.memory_space<vmem>>, vector<1x16xf32>,
        %get3A_447 = vector.shape_cast %get3A_446 : vector<1x16xf32> to vector<16xf32>
        %mul3A_448 = vector.broadcast %squeeze3A_380 : f32 to vector<16xf32>
        %mul3A_449 = arith.mulf %mul3A_448, %get3A_447 : vector<16xf32>
        %add3A_450 = arith.addf %add3A_440, %mul3A_449 : vector<16xf32>
        %mul3A_451 = arith.constant 16 : i32
        %mul3A_452 = arith.muli %scan3A_391, %mul3A_451 : i32
        %get3A_453 = arith.constant 126 : i32
        %get3A_454 = arith.index_cast %get3A_453 : i32 to index
        %get3A_455 = arith.index_cast %mul3A_452 : i32 to index
        %get3A_456 = tpu.vector_load %arg8[%get3A_454, %get3A_455] {strides = array<i32>} : memref<128x768xf32, #tpu.memory_space<vmem>>, vector<1x16xf32>,
        %get3A_457 = vector.shape_cast %get3A_456 : vector<1x16xf32> to vector<16xf32>
        %mul3A_458 = vector.broadcast %squeeze3A_382 : f32 to vector<16xf32>
        %mul3A_459 = arith.mulf %mul3A_458, %get3A_457 : vector<16xf32>
        %add3A_460 = arith.addf %add3A_450, %mul3A_459 : vector<16xf32>
        %mul3A_461 = arith.constant 16 : i32
        %mul3A_462 = arith.muli %scan3A_391, %mul3A_461 : i32
        %get3A_463 = arith.constant 127 : i32
        %get3A_464 = arith.index_cast %get3A_463 : i32 to index
        %get3A_465 = arith.index_cast %mul3A_462 : i32 to index
        %get3A_466 = tpu.vector_load %arg8[%get3A_464, %get3A_465] {strides = array<i32>} : memref<128x768xf32, #tpu.memory_space<vmem>>, vector<1x16xf32>,
        %get3A_467 = vector.shape_cast %get3A_466 : vector<1x16xf32> to vector<16xf32>
        %mul3A_468 = vector.broadcast %squeeze3A_384 : f32 to vector<16xf32>
        %mul3A_469 = arith.mulf %mul3A_468, %get3A_467 : vector<16xf32>
        %add3A_470 = arith.addf %add3A_460, %mul3A_469 : vector<16xf32>
        %mul3A_471 = arith.constant 16 : i32
        %mul3A_472 = arith.muli %scan3A_391, %mul3A_471 : i32
        %swap3A = arith.constant 15 : i32
        %swap3A_473 = arith.index_cast %swap3A : i32 to index
        %swap3A_474 = arith.index_cast %mul3A_472 : i32 to index
        %swap3A_475 = tpu.vector_load %arg9[%swap3A_473, %swap3A_474] {strides = array<i32>} : memref<16x768xf32, #tpu.memory_space<vmem>>, vector<1x16xf32>,
        %swap3A_476 = vector.shape_cast %swap3A_475 : vector<1x16xf32> to vector<16xf32>
        %swap3A_477 = vector.shape_cast %add3A_470 : vector<16xf32> to vector<1x16xf32>
        tpu.vector_store %arg9[%swap3A_473, %swap3A_474], %swap3A_477 {strides = array<i32>} : memref<16x768xf32, #tpu.memory_space<vmem>>, vector<1x16xf32>,
      }
      %scan3A_390 = arith.constant 48 : i32
      "tpu.region"() ({
        %run_scoped3A = tpu.sem_alloc : memref<!tpu.dma_semaphore, #tpu.memory_space<semaphore_mem>>
        %dma_start3A_391 = arith.constant 0 : i32
        %dma_start3A_392 = tpu.memref_slice %arg5[%add3A_11, %dma_start3A_391] : memref<4096x768xf32, #tpu.memory_space<hbm>> -> memref<16x768xf32, #tpu.memory_space<hbm>>
        %dma_start3A_393 = arith.constant 0 : i32
        %dma_start3A_394 = tpu.memref_slice %arg5[%add3A_11, %dma_start3A_393] : memref<4096x768xf32, #tpu.memory_space<hbm>> -> memref<16x768xf32, #tpu.memory_space<hbm>>
        tpu.enqueue_dma source(%arg9 : memref<16x768xf32, #tpu.memory_space<vmem>>) target(%dma_start3A_394 : memref<16x768xf32, #tpu.memory_space<hbm>>) target_semaphore(%run_scoped3A : memref<!tpu.dma_semaphore, #tpu.memory_space<semaphore_mem>>)
        %dma_wait3A_395 = arith.constant 0 : i32
        %dma_wait3A_396 = tpu.memref_slice %arg5[%add3A_11, %dma_wait3A_395] : memref<4096x768xf32, #tpu.memory_space<hbm>> -> memref<16x768xf32, #tpu.memory_space<hbm>>
        %dma_wait3A_397 = arith.constant 0 : i32
        %dma_wait3A_398 = tpu.memref_slice %arg5[%add3A_11, %dma_wait3A_397] : memref<4096x768xf32, #tpu.memory_space<hbm>> -> memref<16x768xf32, #tpu.memory_space<hbm>>
        tpu.wait_dma2 semaphore(%run_scoped3A : memref<!tpu.dma_semaphore, #tpu.memory_space<semaphore_mem>>) src(%arg9 : memref<16x768xf32, #tpu.memory_space<vmem>>) dst(%dma_wait3A_398 : memref<16x768xf32, #tpu.memory_space<hbm>>)
        tpu.yield
      }) : () -> ()
    }
    %scan3A_7 = arith.constant 8 : i32
    return
  }
}

module attributes {stable_mosaic.version = 14 : i64} {
  func.func @_proj_body(%arg0: i32, %arg1: i32, %arg2: memref<1x1024x768xf32, #tpu.memory_space<vmem>>, %arg3: memref<768x768xf32, #tpu.memory_space<vmem>>, %arg4: memref<1x768xf32, #tpu.memory_space<vmem>>, %arg5: memref<1x1024x768xf32, #tpu.memory_space<vmem>>) attributes {dimension_semantics = [#tpu.dimension_semantics<arbitrary>, #tpu.dimension_semantics<arbitrary>], iteration_bounds = array<i64: 2, 2>, scalar_prefetch = 0 : i64, scratch_operands = 0 : i64, tpu.core_type = #tpu.core_type<tc>, window_params = [{transform_indices = @transform_0, window_bounds = array<i64: 1, 1024, 768>}, {pipeline_mode = #tpu.pipeline_mode<synchronous>, transform_indices = @transform_1, window_bounds = array<i64: 768, 768>}, {pipeline_mode = #tpu.pipeline_mode<synchronous>, transform_indices = @transform_2, window_bounds = array<i64: 1, 768>}, {transform_indices = @transform_3, window_bounds = array<i64: 1, 1024, 768>}]} {
    %get3A = arith.constant 0 : index
    %get3A_0 = arith.constant 0 : index
    %get3A_1 = arith.constant 0 : index
    %get3A_2 = vector.load %arg2[%get3A, %get3A_0, %get3A_1] : memref<1x1024x768xf32, #tpu.memory_space<vmem>>, vector<1x1024x768xf32>
    %get3A_3 = vector.shape_cast %get3A_2 : vector<1x1024x768xf32> to vector<1024x768xf32>
    %get3A_4 = arith.constant 0 : index
    %get3A_5 = arith.constant 0 : index
    %get3A_6 = vector.load %arg3[%get3A_4, %get3A_5] : memref<768x768xf32, #tpu.memory_space<vmem>>, vector<768x768xf32>
    %convert_element_type3A = arith.truncf %get3A_3 : vector<1024x768xf32> to vector<1024x768xbf16>
    %convert_element_type3A_7 = arith.truncf %get3A_6 : vector<768x768xf32> to vector<768x768xbf16>
    %dot_general3A = arith.constant dense<0.000000e+00> : vector<1024x768xf32>
    %dot_general3A_8 = tpu.matmul %convert_element_type3A, %convert_element_type3A_7, %dot_general3A {dimension_numbers = #tpu.dot_dimension_numbers<[1], [1], [0], [0], [0, 0, 1, 0], [], []>, transpose_lhs_hint = false} : vector<1024x768xbf16>, vector<768x768xbf16>, vector<1024x768xf32> -> vector<1024x768xf32>
    %get3A_9 = arith.constant 0 : index
    %get3A_10 = arith.constant 0 : index
    %get3A_11 = vector.load %arg4[%get3A_9, %get3A_10] : memref<1x768xf32, #tpu.memory_space<vmem>>, vector<1x768xf32>
    %add3A = vector.broadcast %get3A_11 : vector<1x768xf32> to vector<1024x768xf32>
    %add3A_12 = arith.addf %dot_general3A_8, %add3A : vector<1024x768xf32>
    %swap3A = arith.constant 0 : index
    %swap3A_13 = arith.constant 0 : index
    %swap3A_14 = arith.constant 0 : index
    %swap3A_15 = vector.load %arg5[%swap3A, %swap3A_13, %swap3A_14] : memref<1x1024x768xf32, #tpu.memory_space<vmem>>, vector<1x1024x768xf32>
    %swap3A_16 = vector.shape_cast %swap3A_15 : vector<1x1024x768xf32> to vector<1024x768xf32>
    %swap3A_17 = vector.shape_cast %add3A_12 : vector<1024x768xf32> to vector<1x1024x768xf32>
    tpu.vector_store %arg5[%swap3A, %swap3A_13, %swap3A_14], %swap3A_17 {strides = array<i32>} : memref<1x1024x768xf32, #tpu.memory_space<vmem>>, vector<1x1024x768xf32>,
    return
  }
  func.func @transform_0(%arg0: i32, %arg1: i32) -> (i32, i32, i32) {
    %c0_i32 = arith.constant 0 : i32
    %c0_i32_0 = arith.constant 0 : i32
    return %arg0, %arg1, %c0_i32 : i32, i32, i32
  }
  func.func @transform_1(%arg0: i32, %arg1: i32) -> (i32, i32) {
    %c0_i32 = arith.constant 0 : i32
    %c0_i32_0 = arith.constant 0 : i32
    %c0_i32_1 = arith.constant 0 : i32
    return %c0_i32, %c0_i32_0 : i32, i32
  }
  func.func @transform_2(%arg0: i32, %arg1: i32) -> (i32, i32) {
    %c0_i32 = arith.constant 0 : i32
    %c0_i32_0 = arith.constant 0 : i32
    %c0_i32_1 = arith.constant 0 : i32
    return %c0_i32, %c0_i32_0 : i32, i32
  }
  func.func @transform_3(%arg0: i32, %arg1: i32) -> (i32, i32, i32) {
    %c0_i32 = arith.constant 0 : i32
    %c0_i32_0 = arith.constant 0 : i32
    return %arg0, %arg1, %c0_i32 : i32, i32, i32
  }
}

module attributes {stable_mosaic.version = 14 : i64} {
  func.func @_norm_body(%arg0: i32, %arg1: i32, %arg2: memref<1x256x768xf32, #tpu.memory_space<vmem>>, %arg3: memref<1x256x768xf32, #tpu.memory_space<vmem>>) attributes {dimension_semantics = [#tpu.dimension_semantics<arbitrary>, #tpu.dimension_semantics<arbitrary>], iteration_bounds = array<i64: 2, 8>, scalar_prefetch = 0 : i64, scratch_operands = 0 : i64, tpu.core_type = #tpu.core_type<tc>, window_params = [{transform_indices = @transform_0, window_bounds = array<i64: 1, 256, 768>}, {transform_indices = @transform_1, window_bounds = array<i64: 1, 256, 768>}]} {
    %get3A = arith.constant 0 : index
    %get3A_0 = arith.constant 0 : index
    %get3A_1 = arith.constant 0 : index
    %get3A_2 = vector.load %arg2[%get3A, %get3A_0, %get3A_1] : memref<1x256x768xf32, #tpu.memory_space<vmem>>, vector<1x256x768xf32>
    %get3A_3 = vector.shape_cast %get3A_2 : vector<1x256x768xf32> to vector<256x768xf32>
    %mul3A = arith.mulf %get3A_3, %get3A_3 : vector<256x768xf32>
    %slice3A = vector.extract_strided_slice %mul3A {offsets = [0, 0], sizes = [256, 8], strides = [1, 1]} : vector<256x768xf32> to vector<256x8xf32>
    %slice3A_4 = vector.extract_strided_slice %mul3A {offsets = [0, 8], sizes = [256, 8], strides = [1, 1]} : vector<256x768xf32> to vector<256x8xf32>
    %add3A = arith.addf %slice3A, %slice3A_4 : vector<256x8xf32>
    %slice3A_5 = vector.extract_strided_slice %mul3A {offsets = [0, 16], sizes = [256, 8], strides = [1, 1]} : vector<256x768xf32> to vector<256x8xf32>
    %add3A_6 = arith.addf %add3A, %slice3A_5 : vector<256x8xf32>
    %slice3A_7 = vector.extract_strided_slice %mul3A {offsets = [0, 24], sizes = [256, 8], strides = [1, 1]} : vector<256x768xf32> to vector<256x8xf32>
    %add3A_8 = arith.addf %add3A_6, %slice3A_7 : vector<256x8xf32>
    %slice3A_9 = vector.extract_strided_slice %mul3A {offsets = [0, 32], sizes = [256, 8], strides = [1, 1]} : vector<256x768xf32> to vector<256x8xf32>
    %add3A_10 = arith.addf %add3A_8, %slice3A_9 : vector<256x8xf32>
    %slice3A_11 = vector.extract_strided_slice %mul3A {offsets = [0, 40], sizes = [256, 8], strides = [1, 1]} : vector<256x768xf32> to vector<256x8xf32>
    %add3A_12 = arith.addf %add3A_10, %slice3A_11 : vector<256x8xf32>
    %slice3A_13 = vector.extract_strided_slice %mul3A {offsets = [0, 48], sizes = [256, 8], strides = [1, 1]} : vector<256x768xf32> to vector<256x8xf32>
    %add3A_14 = arith.addf %add3A_12, %slice3A_13 : vector<256x8xf32>
    %slice3A_15 = vector.extract_strided_slice %mul3A {offsets = [0, 56], sizes = [256, 8], strides = [1, 1]} : vector<256x768xf32> to vector<256x8xf32>
    %add3A_16 = arith.addf %add3A_14, %slice3A_15 : vector<256x8xf32>
    %slice3A_17 = vector.extract_strided_slice %mul3A {offsets = [0, 64], sizes = [256, 8], strides = [1, 1]} : vector<256x768xf32> to vector<256x8xf32>
    %add3A_18 = arith.addf %add3A_16, %slice3A_17 : vector<256x8xf32>
    %slice3A_19 = vector.extract_strided_slice %mul3A {offsets = [0, 72], sizes = [256, 8], strides = [1, 1]} : vector<256x768xf32> to vector<256x8xf32>
    %add3A_20 = arith.addf %add3A_18, %slice3A_19 : vector<256x8xf32>
    %slice3A_21 = vector.extract_strided_slice %mul3A {offsets = [0, 80], sizes = [256, 8], strides = [1, 1]} : vector<256x768xf32> to vector<256x8xf32>
    %add3A_22 = arith.addf %add3A_20, %slice3A_21 : vector<256x8xf32>
    %slice3A_23 = vector.extract_strided_slice %mul3A {offsets = [0, 88], sizes = [256, 8], strides = [1, 1]} : vector<256x768xf32> to vector<256x8xf32>
    %add3A_24 = arith.addf %add3A_22, %slice3A_23 : vector<256x8xf32>
    %slice3A_25 = vector.extract_strided_slice %mul3A {offsets = [0, 96], sizes = [256, 8], strides = [1, 1]} : vector<256x768xf32> to vector<256x8xf32>
    %add3A_26 = arith.addf %add3A_24, %slice3A_25 : vector<256x8xf32>
    %slice3A_27 = vector.extract_strided_slice %mul3A {offsets = [0, 104], sizes = [256, 8], strides = [1, 1]} : vector<256x768xf32> to vector<256x8xf32>
    %add3A_28 = arith.addf %add3A_26, %slice3A_27 : vector<256x8xf32>
    %slice3A_29 = vector.extract_strided_slice %mul3A {offsets = [0, 112], sizes = [256, 8], strides = [1, 1]} : vector<256x768xf32> to vector<256x8xf32>
    %add3A_30 = arith.addf %add3A_28, %slice3A_29 : vector<256x8xf32>
    %slice3A_31 = vector.extract_strided_slice %mul3A {offsets = [0, 120], sizes = [256, 8], strides = [1, 1]} : vector<256x768xf32> to vector<256x8xf32>
    %add3A_32 = arith.addf %add3A_30, %slice3A_31 : vector<256x8xf32>
    %slice3A_33 = vector.extract_strided_slice %mul3A {offsets = [0, 128], sizes = [256, 8], strides = [1, 1]} : vector<256x768xf32> to vector<256x8xf32>
    %add3A_34 = arith.addf %add3A_32, %slice3A_33 : vector<256x8xf32>
    %slice3A_35 = vector.extract_strided_slice %mul3A {offsets = [0, 136], sizes = [256, 8], strides = [1, 1]} : vector<256x768xf32> to vector<256x8xf32>
    %add3A_36 = arith.addf %add3A_34, %slice3A_35 : vector<256x8xf32>
    %slice3A_37 = vector.extract_strided_slice %mul3A {offsets = [0, 144], sizes = [256, 8], strides = [1, 1]} : vector<256x768xf32> to vector<256x8xf32>
    %add3A_38 = arith.addf %add3A_36, %slice3A_37 : vector<256x8xf32>
    %slice3A_39 = vector.extract_strided_slice %mul3A {offsets = [0, 152], sizes = [256, 8], strides = [1, 1]} : vector<256x768xf32> to vector<256x8xf32>
    %add3A_40 = arith.addf %add3A_38, %slice3A_39 : vector<256x8xf32>
    %slice3A_41 = vector.extract_strided_slice %mul3A {offsets = [0, 160], sizes = [256, 8], strides = [1, 1]} : vector<256x768xf32> to vector<256x8xf32>
    %add3A_42 = arith.addf %add3A_40, %slice3A_41 : vector<256x8xf32>
    %slice3A_43 = vector.extract_strided_slice %mul3A {offsets = [0, 168], sizes = [256, 8], strides = [1, 1]} : vector<256x768xf32> to vector<256x8xf32>
    %add3A_44 = arith.addf %add3A_42, %slice3A_43 : vector<256x8xf32>
    %slice3A_45 = vector.extract_strided_slice %mul3A {offsets = [0, 176], sizes = [256, 8], strides = [1, 1]} : vector<256x768xf32> to vector<256x8xf32>
    %add3A_46 = arith.addf %add3A_44, %slice3A_45 : vector<256x8xf32>
    %slice3A_47 = vector.extract_strided_slice %mul3A {offsets = [0, 184], sizes = [256, 8], strides = [1, 1]} : vector<256x768xf32> to vector<256x8xf32>
    %add3A_48 = arith.addf %add3A_46, %slice3A_47 : vector<256x8xf32>
    %slice3A_49 = vector.extract_strided_slice %mul3A {offsets = [0, 192], sizes = [256, 8], strides = [1, 1]} : vector<256x768xf32> to vector<256x8xf32>
    %add3A_50 = arith.addf %add3A_48, %slice3A_49 : vector<256x8xf32>
    %slice3A_51 = vector.extract_strided_slice %mul3A {offsets = [0, 200], sizes = [256, 8], strides = [1, 1]} : vector<256x768xf32> to vector<256x8xf32>
    %add3A_52 = arith.addf %add3A_50, %slice3A_51 : vector<256x8xf32>
    %slice3A_53 = vector.extract_strided_slice %mul3A {offsets = [0, 208], sizes = [256, 8], strides = [1, 1]} : vector<256x768xf32> to vector<256x8xf32>
    %add3A_54 = arith.addf %add3A_52, %slice3A_53 : vector<256x8xf32>
    %slice3A_55 = vector.extract_strided_slice %mul3A {offsets = [0, 216], sizes = [256, 8], strides = [1, 1]} : vector<256x768xf32> to vector<256x8xf32>
    %add3A_56 = arith.addf %add3A_54, %slice3A_55 : vector<256x8xf32>
    %slice3A_57 = vector.extract_strided_slice %mul3A {offsets = [0, 224], sizes = [256, 8], strides = [1, 1]} : vector<256x768xf32> to vector<256x8xf32>
    %add3A_58 = arith.addf %add3A_56, %slice3A_57 : vector<256x8xf32>
    %slice3A_59 = vector.extract_strided_slice %mul3A {offsets = [0, 232], sizes = [256, 8], strides = [1, 1]} : vector<256x768xf32> to vector<256x8xf32>
    %add3A_60 = arith.addf %add3A_58, %slice3A_59 : vector<256x8xf32>
    %slice3A_61 = vector.extract_strided_slice %mul3A {offsets = [0, 240], sizes = [256, 8], strides = [1, 1]} : vector<256x768xf32> to vector<256x8xf32>
    %add3A_62 = arith.addf %add3A_60, %slice3A_61 : vector<256x8xf32>
    %slice3A_63 = vector.extract_strided_slice %mul3A {offsets = [0, 248], sizes = [256, 8], strides = [1, 1]} : vector<256x768xf32> to vector<256x8xf32>
    %add3A_64 = arith.addf %add3A_62, %slice3A_63 : vector<256x8xf32>
    %slice3A_65 = vector.extract_strided_slice %mul3A {offsets = [0, 256], sizes = [256, 8], strides = [1, 1]} : vector<256x768xf32> to vector<256x8xf32>
    %add3A_66 = arith.addf %add3A_64, %slice3A_65 : vector<256x8xf32>
    %slice3A_67 = vector.extract_strided_slice %mul3A {offsets = [0, 264], sizes = [256, 8], strides = [1, 1]} : vector<256x768xf32> to vector<256x8xf32>
    %add3A_68 = arith.addf %add3A_66, %slice3A_67 : vector<256x8xf32>
    %slice3A_69 = vector.extract_strided_slice %mul3A {offsets = [0, 272], sizes = [256, 8], strides = [1, 1]} : vector<256x768xf32> to vector<256x8xf32>
    %add3A_70 = arith.addf %add3A_68, %slice3A_69 : vector<256x8xf32>
    %slice3A_71 = vector.extract_strided_slice %mul3A {offsets = [0, 280], sizes = [256, 8], strides = [1, 1]} : vector<256x768xf32> to vector<256x8xf32>
    %add3A_72 = arith.addf %add3A_70, %slice3A_71 : vector<256x8xf32>
    %slice3A_73 = vector.extract_strided_slice %mul3A {offsets = [0, 288], sizes = [256, 8], strides = [1, 1]} : vector<256x768xf32> to vector<256x8xf32>
    %add3A_74 = arith.addf %add3A_72, %slice3A_73 : vector<256x8xf32>
    %slice3A_75 = vector.extract_strided_slice %mul3A {offsets = [0, 296], sizes = [256, 8], strides = [1, 1]} : vector<256x768xf32> to vector<256x8xf32>
    %add3A_76 = arith.addf %add3A_74, %slice3A_75 : vector<256x8xf32>
    %slice3A_77 = vector.extract_strided_slice %mul3A {offsets = [0, 304], sizes = [256, 8], strides = [1, 1]} : vector<256x768xf32> to vector<256x8xf32>
    %add3A_78 = arith.addf %add3A_76, %slice3A_77 : vector<256x8xf32>
    %slice3A_79 = vector.extract_strided_slice %mul3A {offsets = [0, 312], sizes = [256, 8], strides = [1, 1]} : vector<256x768xf32> to vector<256x8xf32>
    %add3A_80 = arith.addf %add3A_78, %slice3A_79 : vector<256x8xf32>
    %slice3A_81 = vector.extract_strided_slice %mul3A {offsets = [0, 320], sizes = [256, 8], strides = [1, 1]} : vector<256x768xf32> to vector<256x8xf32>
    %add3A_82 = arith.addf %add3A_80, %slice3A_81 : vector<256x8xf32>
    %slice3A_83 = vector.extract_strided_slice %mul3A {offsets = [0, 328], sizes = [256, 8], strides = [1, 1]} : vector<256x768xf32> to vector<256x8xf32>
    %add3A_84 = arith.addf %add3A_82, %slice3A_83 : vector<256x8xf32>
    %slice3A_85 = vector.extract_strided_slice %mul3A {offsets = [0, 336], sizes = [256, 8], strides = [1, 1]} : vector<256x768xf32> to vector<256x8xf32>
    %add3A_86 = arith.addf %add3A_84, %slice3A_85 : vector<256x8xf32>
    %slice3A_87 = vector.extract_strided_slice %mul3A {offsets = [0, 344], sizes = [256, 8], strides = [1, 1]} : vector<256x768xf32> to vector<256x8xf32>
    %add3A_88 = arith.addf %add3A_86, %slice3A_87 : vector<256x8xf32>
    %slice3A_89 = vector.extract_strided_slice %mul3A {offsets = [0, 352], sizes = [256, 8], strides = [1, 1]} : vector<256x768xf32> to vector<256x8xf32>
    %add3A_90 = arith.addf %add3A_88, %slice3A_89 : vector<256x8xf32>
    %slice3A_91 = vector.extract_strided_slice %mul3A {offsets = [0, 360], sizes = [256, 8], strides = [1, 1]} : vector<256x768xf32> to vector<256x8xf32>
    %add3A_92 = arith.addf %add3A_90, %slice3A_91 : vector<256x8xf32>
    %slice3A_93 = vector.extract_strided_slice %mul3A {offsets = [0, 368], sizes = [256, 8], strides = [1, 1]} : vector<256x768xf32> to vector<256x8xf32>
    %add3A_94 = arith.addf %add3A_92, %slice3A_93 : vector<256x8xf32>
    %slice3A_95 = vector.extract_strided_slice %mul3A {offsets = [0, 376], sizes = [256, 8], strides = [1, 1]} : vector<256x768xf32> to vector<256x8xf32>
    %add3A_96 = arith.addf %add3A_94, %slice3A_95 : vector<256x8xf32>
    %slice3A_97 = vector.extract_strided_slice %mul3A {offsets = [0, 384], sizes = [256, 8], strides = [1, 1]} : vector<256x768xf32> to vector<256x8xf32>
    %add3A_98 = arith.addf %add3A_96, %slice3A_97 : vector<256x8xf32>
    %slice3A_99 = vector.extract_strided_slice %mul3A {offsets = [0, 392], sizes = [256, 8], strides = [1, 1]} : vector<256x768xf32> to vector<256x8xf32>
    %add3A_100 = arith.addf %add3A_98, %slice3A_99 : vector<256x8xf32>
    %slice3A_101 = vector.extract_strided_slice %mul3A {offsets = [0, 400], sizes = [256, 8], strides = [1, 1]} : vector<256x768xf32> to vector<256x8xf32>
    %add3A_102 = arith.addf %add3A_100, %slice3A_101 : vector<256x8xf32>
    %slice3A_103 = vector.extract_strided_slice %mul3A {offsets = [0, 408], sizes = [256, 8], strides = [1, 1]} : vector<256x768xf32> to vector<256x8xf32>
    %add3A_104 = arith.addf %add3A_102, %slice3A_103 : vector<256x8xf32>
    %slice3A_105 = vector.extract_strided_slice %mul3A {offsets = [0, 416], sizes = [256, 8], strides = [1, 1]} : vector<256x768xf32> to vector<256x8xf32>
    %add3A_106 = arith.addf %add3A_104, %slice3A_105 : vector<256x8xf32>
    %slice3A_107 = vector.extract_strided_slice %mul3A {offsets = [0, 424], sizes = [256, 8], strides = [1, 1]} : vector<256x768xf32> to vector<256x8xf32>
    %add3A_108 = arith.addf %add3A_106, %slice3A_107 : vector<256x8xf32>
    %slice3A_109 = vector.extract_strided_slice %mul3A {offsets = [0, 432], sizes = [256, 8], strides = [1, 1]} : vector<256x768xf32> to vector<256x8xf32>
    %add3A_110 = arith.addf %add3A_108, %slice3A_109 : vector<256x8xf32>
    %slice3A_111 = vector.extract_strided_slice %mul3A {offsets = [0, 440], sizes = [256, 8], strides = [1, 1]} : vector<256x768xf32> to vector<256x8xf32>
    %add3A_112 = arith.addf %add3A_110, %slice3A_111 : vector<256x8xf32>
    %slice3A_113 = vector.extract_strided_slice %mul3A {offsets = [0, 448], sizes = [256, 8], strides = [1, 1]} : vector<256x768xf32> to vector<256x8xf32>
    %add3A_114 = arith.addf %add3A_112, %slice3A_113 : vector<256x8xf32>
    %slice3A_115 = vector.extract_strided_slice %mul3A {offsets = [0, 456], sizes = [256, 8], strides = [1, 1]} : vector<256x768xf32> to vector<256x8xf32>
    %add3A_116 = arith.addf %add3A_114, %slice3A_115 : vector<256x8xf32>
    %slice3A_117 = vector.extract_strided_slice %mul3A {offsets = [0, 464], sizes = [256, 8], strides = [1, 1]} : vector<256x768xf32> to vector<256x8xf32>
    %add3A_118 = arith.addf %add3A_116, %slice3A_117 : vector<256x8xf32>
    %slice3A_119 = vector.extract_strided_slice %mul3A {offsets = [0, 472], sizes = [256, 8], strides = [1, 1]} : vector<256x768xf32> to vector<256x8xf32>
    %add3A_120 = arith.addf %add3A_118, %slice3A_119 : vector<256x8xf32>
    %slice3A_121 = vector.extract_strided_slice %mul3A {offsets = [0, 480], sizes = [256, 8], strides = [1, 1]} : vector<256x768xf32> to vector<256x8xf32>
    %add3A_122 = arith.addf %add3A_120, %slice3A_121 : vector<256x8xf32>
    %slice3A_123 = vector.extract_strided_slice %mul3A {offsets = [0, 488], sizes = [256, 8], strides = [1, 1]} : vector<256x768xf32> to vector<256x8xf32>
    %add3A_124 = arith.addf %add3A_122, %slice3A_123 : vector<256x8xf32>
    %slice3A_125 = vector.extract_strided_slice %mul3A {offsets = [0, 496], sizes = [256, 8], strides = [1, 1]} : vector<256x768xf32> to vector<256x8xf32>
    %add3A_126 = arith.addf %add3A_124, %slice3A_125 : vector<256x8xf32>
    %slice3A_127 = vector.extract_strided_slice %mul3A {offsets = [0, 504], sizes = [256, 8], strides = [1, 1]} : vector<256x768xf32> to vector<256x8xf32>
    %add3A_128 = arith.addf %add3A_126, %slice3A_127 : vector<256x8xf32>
    %slice3A_129 = vector.extract_strided_slice %mul3A {offsets = [0, 512], sizes = [256, 8], strides = [1, 1]} : vector<256x768xf32> to vector<256x8xf32>
    %add3A_130 = arith.addf %add3A_128, %slice3A_129 : vector<256x8xf32>
    %slice3A_131 = vector.extract_strided_slice %mul3A {offsets = [0, 520], sizes = [256, 8], strides = [1, 1]} : vector<256x768xf32> to vector<256x8xf32>
    %add3A_132 = arith.addf %add3A_130, %slice3A_131 : vector<256x8xf32>
    %slice3A_133 = vector.extract_strided_slice %mul3A {offsets = [0, 528], sizes = [256, 8], strides = [1, 1]} : vector<256x768xf32> to vector<256x8xf32>
    %add3A_134 = arith.addf %add3A_132, %slice3A_133 : vector<256x8xf32>
    %slice3A_135 = vector.extract_strided_slice %mul3A {offsets = [0, 536], sizes = [256, 8], strides = [1, 1]} : vector<256x768xf32> to vector<256x8xf32>
    %add3A_136 = arith.addf %add3A_134, %slice3A_135 : vector<256x8xf32>
    %slice3A_137 = vector.extract_strided_slice %mul3A {offsets = [0, 544], sizes = [256, 8], strides = [1, 1]} : vector<256x768xf32> to vector<256x8xf32>
    %add3A_138 = arith.addf %add3A_136, %slice3A_137 : vector<256x8xf32>
    %slice3A_139 = vector.extract_strided_slice %mul3A {offsets = [0, 552], sizes = [256, 8], strides = [1, 1]} : vector<256x768xf32> to vector<256x8xf32>
    %add3A_140 = arith.addf %add3A_138, %slice3A_139 : vector<256x8xf32>
    %slice3A_141 = vector.extract_strided_slice %mul3A {offsets = [0, 560], sizes = [256, 8], strides = [1, 1]} : vector<256x768xf32> to vector<256x8xf32>
    %add3A_142 = arith.addf %add3A_140, %slice3A_141 : vector<256x8xf32>
    %slice3A_143 = vector.extract_strided_slice %mul3A {offsets = [0, 568], sizes = [256, 8], strides = [1, 1]} : vector<256x768xf32> to vector<256x8xf32>
    %add3A_144 = arith.addf %add3A_142, %slice3A_143 : vector<256x8xf32>
    %slice3A_145 = vector.extract_strided_slice %mul3A {offsets = [0, 576], sizes = [256, 8], strides = [1, 1]} : vector<256x768xf32> to vector<256x8xf32>
    %add3A_146 = arith.addf %add3A_144, %slice3A_145 : vector<256x8xf32>
    %slice3A_147 = vector.extract_strided_slice %mul3A {offsets = [0, 584], sizes = [256, 8], strides = [1, 1]} : vector<256x768xf32> to vector<256x8xf32>
    %add3A_148 = arith.addf %add3A_146, %slice3A_147 : vector<256x8xf32>
    %slice3A_149 = vector.extract_strided_slice %mul3A {offsets = [0, 592], sizes = [256, 8], strides = [1, 1]} : vector<256x768xf32> to vector<256x8xf32>
    %add3A_150 = arith.addf %add3A_148, %slice3A_149 : vector<256x8xf32>
    %slice3A_151 = vector.extract_strided_slice %mul3A {offsets = [0, 600], sizes = [256, 8], strides = [1, 1]} : vector<256x768xf32> to vector<256x8xf32>
    %add3A_152 = arith.addf %add3A_150, %slice3A_151 : vector<256x8xf32>
    %slice3A_153 = vector.extract_strided_slice %mul3A {offsets = [0, 608], sizes = [256, 8], strides = [1, 1]} : vector<256x768xf32> to vector<256x8xf32>
    %add3A_154 = arith.addf %add3A_152, %slice3A_153 : vector<256x8xf32>
    %slice3A_155 = vector.extract_strided_slice %mul3A {offsets = [0, 616], sizes = [256, 8], strides = [1, 1]} : vector<256x768xf32> to vector<256x8xf32>
    %add3A_156 = arith.addf %add3A_154, %slice3A_155 : vector<256x8xf32>
    %slice3A_157 = vector.extract_strided_slice %mul3A {offsets = [0, 624], sizes = [256, 8], strides = [1, 1]} : vector<256x768xf32> to vector<256x8xf32>
    %add3A_158 = arith.addf %add3A_156, %slice3A_157 : vector<256x8xf32>
    %slice3A_159 = vector.extract_strided_slice %mul3A {offsets = [0, 632], sizes = [256, 8], strides = [1, 1]} : vector<256x768xf32> to vector<256x8xf32>
    %add3A_160 = arith.addf %add3A_158, %slice3A_159 : vector<256x8xf32>
    %slice3A_161 = vector.extract_strided_slice %mul3A {offsets = [0, 640], sizes = [256, 8], strides = [1, 1]} : vector<256x768xf32> to vector<256x8xf32>
    %add3A_162 = arith.addf %add3A_160, %slice3A_161 : vector<256x8xf32>
    %slice3A_163 = vector.extract_strided_slice %mul3A {offsets = [0, 648], sizes = [256, 8], strides = [1, 1]} : vector<256x768xf32> to vector<256x8xf32>
    %add3A_164 = arith.addf %add3A_162, %slice3A_163 : vector<256x8xf32>
    %slice3A_165 = vector.extract_strided_slice %mul3A {offsets = [0, 656], sizes = [256, 8], strides = [1, 1]} : vector<256x768xf32> to vector<256x8xf32>
    %add3A_166 = arith.addf %add3A_164, %slice3A_165 : vector<256x8xf32>
    %slice3A_167 = vector.extract_strided_slice %mul3A {offsets = [0, 664], sizes = [256, 8], strides = [1, 1]} : vector<256x768xf32> to vector<256x8xf32>
    %add3A_168 = arith.addf %add3A_166, %slice3A_167 : vector<256x8xf32>
    %slice3A_169 = vector.extract_strided_slice %mul3A {offsets = [0, 672], sizes = [256, 8], strides = [1, 1]} : vector<256x768xf32> to vector<256x8xf32>
    %add3A_170 = arith.addf %add3A_168, %slice3A_169 : vector<256x8xf32>
    %slice3A_171 = vector.extract_strided_slice %mul3A {offsets = [0, 680], sizes = [256, 8], strides = [1, 1]} : vector<256x768xf32> to vector<256x8xf32>
    %add3A_172 = arith.addf %add3A_170, %slice3A_171 : vector<256x8xf32>
    %slice3A_173 = vector.extract_strided_slice %mul3A {offsets = [0, 688], sizes = [256, 8], strides = [1, 1]} : vector<256x768xf32> to vector<256x8xf32>
    %add3A_174 = arith.addf %add3A_172, %slice3A_173 : vector<256x8xf32>
    %slice3A_175 = vector.extract_strided_slice %mul3A {offsets = [0, 696], sizes = [256, 8], strides = [1, 1]} : vector<256x768xf32> to vector<256x8xf32>
    %add3A_176 = arith.addf %add3A_174, %slice3A_175 : vector<256x8xf32>
    %slice3A_177 = vector.extract_strided_slice %mul3A {offsets = [0, 704], sizes = [256, 8], strides = [1, 1]} : vector<256x768xf32> to vector<256x8xf32>
    %add3A_178 = arith.addf %add3A_176, %slice3A_177 : vector<256x8xf32>
    %slice3A_179 = vector.extract_strided_slice %mul3A {offsets = [0, 712], sizes = [256, 8], strides = [1, 1]} : vector<256x768xf32> to vector<256x8xf32>
    %add3A_180 = arith.addf %add3A_178, %slice3A_179 : vector<256x8xf32>
    %slice3A_181 = vector.extract_strided_slice %mul3A {offsets = [0, 720], sizes = [256, 8], strides = [1, 1]} : vector<256x768xf32> to vector<256x8xf32>
    %add3A_182 = arith.addf %add3A_180, %slice3A_181 : vector<256x8xf32>
    %slice3A_183 = vector.extract_strided_slice %mul3A {offsets = [0, 728], sizes = [256, 8], strides = [1, 1]} : vector<256x768xf32> to vector<256x8xf32>
    %add3A_184 = arith.addf %add3A_182, %slice3A_183 : vector<256x8xf32>
    %slice3A_185 = vector.extract_strided_slice %mul3A {offsets = [0, 736], sizes = [256, 8], strides = [1, 1]} : vector<256x768xf32> to vector<256x8xf32>
    %add3A_186 = arith.addf %add3A_184, %slice3A_185 : vector<256x8xf32>
    %slice3A_187 = vector.extract_strided_slice %mul3A {offsets = [0, 744], sizes = [256, 8], strides = [1, 1]} : vector<256x768xf32> to vector<256x8xf32>
    %add3A_188 = arith.addf %add3A_186, %slice3A_187 : vector<256x8xf32>
    %slice3A_189 = vector.extract_strided_slice %mul3A {offsets = [0, 752], sizes = [256, 8], strides = [1, 1]} : vector<256x768xf32> to vector<256x8xf32>
    %add3A_190 = arith.addf %add3A_188, %slice3A_189 : vector<256x8xf32>
    %slice3A_191 = vector.extract_strided_slice %mul3A {offsets = [0, 760], sizes = [256, 8], strides = [1, 1]} : vector<256x768xf32> to vector<256x8xf32>
    %add3A_192 = arith.addf %add3A_190, %slice3A_191 : vector<256x8xf32>
    %slice3A_193 = vector.extract_strided_slice %add3A_192 {offsets = [0, 0], sizes = [256, 4], strides = [1, 1]} : vector<256x8xf32> to vector<256x4xf32>
    %slice3A_194 = vector.extract_strided_slice %add3A_192 {offsets = [0, 4], sizes = [256, 4], strides = [1, 1]} : vector<256x8xf32> to vector<256x4xf32>
    %add3A_195 = arith.addf %slice3A_193, %slice3A_194 : vector<256x4xf32>
    %slice3A_196 = vector.extract_strided_slice %add3A_195 {offsets = [0, 0], sizes = [256, 2], strides = [1, 1]} : vector<256x4xf32> to vector<256x2xf32>
    %slice3A_197 = vector.extract_strided_slice %add3A_195 {offsets = [0, 2], sizes = [256, 2], strides = [1, 1]} : vector<256x4xf32> to vector<256x2xf32>
    %add3A_198 = arith.addf %slice3A_196, %slice3A_197 : vector<256x2xf32>
    %slice3A_199 = vector.extract_strided_slice %add3A_198 {offsets = [0, 0], sizes = [256, 1], strides = [1, 1]} : vector<256x2xf32> to vector<256x1xf32>
    %slice3A_200 = vector.extract_strided_slice %add3A_198 {offsets = [0, 1], sizes = [256, 1], strides = [1, 1]} : vector<256x2xf32> to vector<256x1xf32>
    %add3A_201 = arith.addf %slice3A_199, %slice3A_200 : vector<256x1xf32>
    %sqrt3A = math.sqrt %add3A_201 : vector<256x1xf32>
    %max3A = arith.constant 9.99999996E-13 : f32
    %max3A_202 = vector.broadcast %max3A : f32 to vector<256x1xf32>
    %max3A_203 = arith.maximumf %sqrt3A, %max3A_202 : vector<256x1xf32>
    %div3A = vector.broadcast %max3A_203 : vector<256x1xf32> to vector<256x768xf32>
    %div3A_204 = arith.divf %get3A_3, %div3A : vector<256x768xf32>
    %swap3A = arith.constant 0 : index
    %swap3A_205 = arith.constant 0 : index
    %swap3A_206 = arith.constant 0 : index
    %swap3A_207 = vector.load %arg3[%swap3A, %swap3A_205, %swap3A_206] : memref<1x256x768xf32, #tpu.memory_space<vmem>>, vector<1x256x768xf32>
    %swap3A_208 = vector.shape_cast %swap3A_207 : vector<1x256x768xf32> to vector<256x768xf32>
    %swap3A_209 = vector.shape_cast %div3A_204 : vector<256x768xf32> to vector<1x256x768xf32>
    tpu.vector_store %arg3[%swap3A, %swap3A_205, %swap3A_206], %swap3A_209 {strides = array<i32>} : memref<1x256x768xf32, #tpu.memory_space<vmem>>, vector<1x256x768xf32>,
    return
  }
  func.func @transform_0(%arg0: i32, %arg1: i32) -> (i32, i32, i32) {
    %c0_i32 = arith.constant 0 : i32
    %c0_i32_0 = arith.constant 0 : i32
    return %arg0, %arg1, %c0_i32 : i32, i32, i32
  }
  func.func @transform_1(%arg0: i32, %arg1: i32) -> (i32, i32, i32) {
    %c0_i32 = arith.constant 0 : i32
    %c0_i32_0 = arith.constant 0 : i32
    return %arg0, %arg1, %c0_i32 : i32, i32, i32
  }
}

module attributes {stable_mosaic.version = 14 : i64} {
  func.func @_route_body(%arg0: i32, %arg1: i32, %arg2: memref<1x256x768xf32, #tpu.memory_space<vmem>>, %arg3: memref<1x2048x768xf32, #tpu.memory_space<vmem>>, %arg4: memref<1x1x2048xf32, #tpu.memory_space<vmem>>, %arg5: memref<1x1x2048xf32, #tpu.memory_space<vmem>>, %arg6: memref<1x256x8xi32, #tpu.memory_space<vmem>>, %arg7: memref<1x256x8xf32, #tpu.memory_space<vmem>>) attributes {dimension_semantics = [#tpu.dimension_semantics<arbitrary>, #tpu.dimension_semantics<arbitrary>], iteration_bounds = array<i64: 2, 8>, scalar_prefetch = 0 : i64, scratch_operands = 0 : i64, tpu.core_type = #tpu.core_type<tc>, window_params = [{transform_indices = @transform_0, window_bounds = array<i64: 1, 256, 768>}, {transform_indices = @transform_1, window_bounds = array<i64: 1, 2048, 768>}, {pipeline_mode = #tpu.pipeline_mode<synchronous>, transform_indices = @transform_2, window_bounds = array<i64: 1, 1, 2048>}, {pipeline_mode = #tpu.pipeline_mode<synchronous>, transform_indices = @transform_3, window_bounds = array<i64: 1, 1, 2048>}, {transform_indices = @transform_4, window_bounds = array<i64: 1, 256, 8>}, {transform_indices = @transform_5, window_bounds = array<i64: 1, 256, 8>}]} {
    %mul3A = arith.constant 256 : i32
    %mul3A_0 = arith.muli %arg1, %mul3A : i32
    %get3A = arith.constant 0 : index
    %get3A_1 = arith.constant 0 : index
    %get3A_2 = arith.constant 0 : index
    %get3A_3 = vector.load %arg2[%get3A, %get3A_1, %get3A_2] : memref<1x256x768xf32, #tpu.memory_space<vmem>>, vector<1x256x768xf32>
    %get3A_4 = vector.shape_cast %get3A_3 : vector<1x256x768xf32> to vector<256x768xf32>
    %get3A_5 = arith.constant 0 : index
    %get3A_6 = arith.constant 0 : index
    %get3A_7 = arith.constant 0 : index
    %get3A_8 = vector.load %arg3[%get3A_5, %get3A_6, %get3A_7] : memref<1x2048x768xf32, #tpu.memory_space<vmem>>, vector<1x2048x768xf32>
    %get3A_9 = vector.shape_cast %get3A_8 : vector<1x2048x768xf32> to vector<2048x768xf32>
    %convert_element_type3A = arith.truncf %get3A_4 : vector<256x768xf32> to vector<256x768xbf16>
    %convert_element_type3A_10 = arith.truncf %get3A_9 : vector<2048x768xf32> to vector<2048x768xbf16>
    %dot_general3A = arith.constant dense<0.000000e+00> : vector<256x2048xf32>
    %dot_general3A_11 = tpu.matmul %convert_element_type3A, %convert_element_type3A_10, %dot_general3A {dimension_numbers = #tpu.dot_dimension_numbers<[1], [1], [0], [0], [0, 0, 1, 0], [], []>, transpose_lhs_hint = false} : vector<256x768xbf16>, vector<2048x768xbf16>, vector<256x2048xf32> -> vector<256x2048xf32>
    %get3A_12 = arith.constant 0 : index
    %get3A_13 = arith.constant 0 : index
    %get3A_14 = arith.constant 0 : index
    %get3A_15 = vector.load %arg4[%get3A_12, %get3A_13, %get3A_14] : memref<1x1x2048xf32, #tpu.memory_space<vmem>>, vector<1x1x2048xf32>
    %get3A_16 = vector.shape_cast %get3A_15 : vector<1x1x2048xf32> to vector<2048xf32>
    %get3A_17 = arith.constant 0 : index
    %get3A_18 = arith.constant 0 : index
    %get3A_19 = arith.index_cast %mul3A_0 : i32 to index
    %get3A_20 = vector.load %arg4[%get3A_17, %get3A_18, %get3A_19] : memref<1x1x2048xf32, #tpu.memory_space<vmem>>, vector<1x1x256xf32>
    %get3A_21 = vector.shape_cast %get3A_20 : vector<1x1x256xf32> to vector<256xf32>
    %get3A_22 = arith.constant 0 : index
    %get3A_23 = arith.constant 0 : index
    %get3A_24 = arith.index_cast %mul3A_0 : i32 to index
    %get3A_25 = vector.load %arg5[%get3A_22, %get3A_23, %get3A_24] : memref<1x1x2048xf32, #tpu.memory_space<vmem>>, vector<1x1x256xf32>
    %get3A_26 = vector.shape_cast %get3A_25 : vector<1x1x256xf32> to vector<256xf32>
    %broadcast_in_dim3A = vector.shape_cast %get3A_16 : vector<2048xf32> to vector<1x2048xf32>
    %broadcast_in_dim3A_27 = vector.shape_cast %get3A_21 : vector<256xf32> to vector<256x1xf32>
    %sub3A = vector.broadcast %broadcast_in_dim3A : vector<1x2048xf32> to vector<256x2048xf32>
    %sub3A_28 = vector.broadcast %broadcast_in_dim3A_27 : vector<256x1xf32> to vector<256x2048xf32>
    %sub3A_29 = arith.subf %sub3A, %sub3A_28 : vector<256x2048xf32>
    %abs3A = math.absf %sub3A_29 : vector<256x2048xf32>
    %sub3A_30 = arith.constant 1.000000e+00 : f32
    %sub3A_31 = vector.broadcast %sub3A_30 : f32 to vector<256x2048xf32>
    %sub3A_32 = arith.subf %sub3A_31, %abs3A : vector<256x2048xf32>
    %iota3A = tpu.iota {dimensions = array<i32: 1>} : vector<256x2048xi32>
    %iota3A_33 = tpu.iota {dimensions = array<i32: 0>} : vector<256x2048xi32>
    %add3A = vector.broadcast %mul3A_0 : i32 to vector<256x2048xi32>
    %add3A_34 = arith.addi %iota3A_33, %add3A : vector<256x2048xi32>
    %broadcast_in_dim3A_35 = vector.shape_cast %get3A_26 : vector<256xf32> to vector<256x1xf32>
    %lt3A = vector.broadcast %broadcast_in_dim3A_35 : vector<256x1xf32> to vector<256x2048xf32>
    %lt3A_36 = arith.cmpf olt, %sub3A_32, %lt3A : vector<256x2048xf32>
    %eq3A = arith.cmpi eq, %iota3A, %add3A_34 : vector<256x2048xi32>
    %or3A = arith.ori %lt3A_36, %eq3A : vector<256x2048xi1>
    %ge3A = arith.constant 2047 : i32
    %ge3A_37 = vector.broadcast %ge3A : i32 to vector<256x2048xi32>
    %ge3A_38 = arith.cmpi sge, %iota3A, %ge3A_37 : vector<256x2048xi32>
    %or3A_39 = arith.ori %or3A, %ge3A_38 : vector<256x2048xi1>
    %jit3A = arith.constant -1.000000e+09 : f32
    %broadcast_in_dim3A_40 = vector.broadcast %jit3A : f32 to vector<256x2048xf32>
    %select_n3A = arith.select %or3A_39, %broadcast_in_dim3A_40, %dot_general3A_11 : vector<256x2048xi1>, vector<256x2048xf32>
    %div3A = arith.constant 1.000000e-01 : f32
    %div3A_41 = vector.broadcast %div3A : f32 to vector<256x2048xf32>
    %div3A_42 = arith.divf %select_n3A, %div3A_41 : vector<256x2048xf32>
    %reduce_max3A = arith.constant dense<0xFF800000> : vector<256xf32>
    %reduce_max3A_43 = vector.multi_reduction <maximumf>, %div3A_42, %reduce_max3A [1] : vector<256x2048xf32> to vector<256xf32>
    %broadcast_in_dim3A_44 = vector.shape_cast %reduce_max3A_43 : vector<256xf32> to vector<256x1xf32>
    %eq3A_45 = vector.broadcast %broadcast_in_dim3A_44 : vector<256x1xf32> to vector<256x2048xf32>
    %eq3A_46 = arith.cmpf oeq, %div3A_42, %eq3A_45 : vector<256x2048xf32>
    %jit3A_47 = arith.constant 2048 : i32
    %broadcast_in_dim3A_48 = vector.broadcast %jit3A_47 : i32 to vector<256x2048xi32>
    %select_n3A_49 = arith.select %eq3A_46, %iota3A, %broadcast_in_dim3A_48 : vector<256x2048xi1>, vector<256x2048xi32>
    %reduce_min3A = arith.constant dense<2147483647> : vector<256xi32>
    %reduce_min3A_50 = vector.multi_reduction <minsi>, %select_n3A_49, %reduce_min3A [1] : vector<256x2048xi32> to vector<256xi32>
    %broadcast_in_dim3A_51 = vector.shape_cast %reduce_min3A_50 : vector<256xi32> to vector<256x1xi32>
    %eq3A_52 = vector.broadcast %broadcast_in_dim3A_51 : vector<256x1xi32> to vector<256x2048xi32>
    %eq3A_53 = arith.cmpi eq, %iota3A, %eq3A_52 : vector<256x2048xi32>
    %jit3A_54 = arith.constant -3.000000e+38 : f32
    %broadcast_in_dim3A_55 = vector.broadcast %jit3A_54 : f32 to vector<256x2048xf32>
    %select_n3A_56 = arith.select %eq3A_53, %broadcast_in_dim3A_55, %div3A_42 : vector<256x2048xi1>, vector<256x2048xf32>
    %reduce_max3A_57 = arith.constant dense<0xFF800000> : vector<256xf32>
    %reduce_max3A_58 = vector.multi_reduction <maximumf>, %select_n3A_56, %reduce_max3A_57 [1] : vector<256x2048xf32> to vector<256xf32>
    %broadcast_in_dim3A_59 = vector.shape_cast %reduce_max3A_58 : vector<256xf32> to vector<256x1xf32>
    %eq3A_60 = vector.broadcast %broadcast_in_dim3A_59 : vector<256x1xf32> to vector<256x2048xf32>
    %eq3A_61 = arith.cmpf oeq, %select_n3A_56, %eq3A_60 : vector<256x2048xf32>
    %jit3A_62 = arith.constant 2048 : i32
    %broadcast_in_dim3A_63 = vector.broadcast %jit3A_62 : i32 to vector<256x2048xi32>
    %select_n3A_64 = arith.select %eq3A_61, %iota3A, %broadcast_in_dim3A_63 : vector<256x2048xi1>, vector<256x2048xi32>
    %reduce_min3A_65 = arith.constant dense<2147483647> : vector<256xi32>
    %reduce_min3A_66 = vector.multi_reduction <minsi>, %select_n3A_64, %reduce_min3A_65 [1] : vector<256x2048xi32> to vector<256xi32>
    %broadcast_in_dim3A_67 = vector.shape_cast %reduce_min3A_66 : vector<256xi32> to vector<256x1xi32>
    %eq3A_68 = vector.broadcast %broadcast_in_dim3A_67 : vector<256x1xi32> to vector<256x2048xi32>
    %eq3A_69 = arith.cmpi eq, %iota3A, %eq3A_68 : vector<256x2048xi32>
    %jit3A_70 = arith.constant -3.000000e+38 : f32
    %broadcast_in_dim3A_71 = vector.broadcast %jit3A_70 : f32 to vector<256x2048xf32>
    %select_n3A_72 = arith.select %eq3A_69, %broadcast_in_dim3A_71, %select_n3A_56 : vector<256x2048xi1>, vector<256x2048xf32>
    %reduce_max3A_73 = arith.constant dense<0xFF800000> : vector<256xf32>
    %reduce_max3A_74 = vector.multi_reduction <maximumf>, %select_n3A_72, %reduce_max3A_73 [1] : vector<256x2048xf32> to vector<256xf32>
    %broadcast_in_dim3A_75 = vector.shape_cast %reduce_max3A_74 : vector<256xf32> to vector<256x1xf32>
    %eq3A_76 = vector.broadcast %broadcast_in_dim3A_75 : vector<256x1xf32> to vector<256x2048xf32>
    %eq3A_77 = arith.cmpf oeq, %select_n3A_72, %eq3A_76 : vector<256x2048xf32>
    %jit3A_78 = arith.constant 2048 : i32
    %broadcast_in_dim3A_79 = vector.broadcast %jit3A_78 : i32 to vector<256x2048xi32>
    %select_n3A_80 = arith.select %eq3A_77, %iota3A, %broadcast_in_dim3A_79 : vector<256x2048xi1>, vector<256x2048xi32>
    %reduce_min3A_81 = arith.constant dense<2147483647> : vector<256xi32>
    %reduce_min3A_82 = vector.multi_reduction <minsi>, %select_n3A_80, %reduce_min3A_81 [1] : vector<256x2048xi32> to vector<256xi32>
    %broadcast_in_dim3A_83 = vector.shape_cast %reduce_min3A_82 : vector<256xi32> to vector<256x1xi32>
    %eq3A_84 = vector.broadcast %broadcast_in_dim3A_83 : vector<256x1xi32> to vector<256x2048xi32>
    %eq3A_85 = arith.cmpi eq, %iota3A, %eq3A_84 : vector<256x2048xi32>
    %jit3A_86 = arith.constant -3.000000e+38 : f32
    %broadcast_in_dim3A_87 = vector.broadcast %jit3A_86 : f32 to vector<256x2048xf32>
    %select_n3A_88 = arith.select %eq3A_85, %broadcast_in_dim3A_87, %select_n3A_72 : vector<256x2048xi1>, vector<256x2048xf32>
    %reduce_max3A_89 = arith.constant dense<0xFF800000> : vector<256xf32>
    %reduce_max3A_90 = vector.multi_reduction <maximumf>, %select_n3A_88, %reduce_max3A_89 [1] : vector<256x2048xf32> to vector<256xf32>
    %broadcast_in_dim3A_91 = vector.shape_cast %reduce_max3A_90 : vector<256xf32> to vector<256x1xf32>
    %eq3A_92 = vector.broadcast %broadcast_in_dim3A_91 : vector<256x1xf32> to vector<256x2048xf32>
    %eq3A_93 = arith.cmpf oeq, %select_n3A_88, %eq3A_92 : vector<256x2048xf32>
    %jit3A_94 = arith.constant 2048 : i32
    %broadcast_in_dim3A_95 = vector.broadcast %jit3A_94 : i32 to vector<256x2048xi32>
    %select_n3A_96 = arith.select %eq3A_93, %iota3A, %broadcast_in_dim3A_95 : vector<256x2048xi1>, vector<256x2048xi32>
    %reduce_min3A_97 = arith.constant dense<2147483647> : vector<256xi32>
    %reduce_min3A_98 = vector.multi_reduction <minsi>, %select_n3A_96, %reduce_min3A_97 [1] : vector<256x2048xi32> to vector<256xi32>
    %broadcast_in_dim3A_99 = vector.shape_cast %reduce_min3A_98 : vector<256xi32> to vector<256x1xi32>
    %eq3A_100 = vector.broadcast %broadcast_in_dim3A_99 : vector<256x1xi32> to vector<256x2048xi32>
    %eq3A_101 = arith.cmpi eq, %iota3A, %eq3A_100 : vector<256x2048xi32>
    %jit3A_102 = arith.constant -3.000000e+38 : f32
    %broadcast_in_dim3A_103 = vector.broadcast %jit3A_102 : f32 to vector<256x2048xf32>
    %select_n3A_104 = arith.select %eq3A_101, %broadcast_in_dim3A_103, %select_n3A_88 : vector<256x2048xi1>, vector<256x2048xf32>
    %reduce_max3A_105 = arith.constant dense<0xFF800000> : vector<256xf32>
    %reduce_max3A_106 = vector.multi_reduction <maximumf>, %select_n3A_104, %reduce_max3A_105 [1] : vector<256x2048xf32> to vector<256xf32>
    %broadcast_in_dim3A_107 = vector.shape_cast %reduce_max3A_106 : vector<256xf32> to vector<256x1xf32>
    %eq3A_108 = vector.broadcast %broadcast_in_dim3A_107 : vector<256x1xf32> to vector<256x2048xf32>
    %eq3A_109 = arith.cmpf oeq, %select_n3A_104, %eq3A_108 : vector<256x2048xf32>
    %jit3A_110 = arith.constant 2048 : i32
    %broadcast_in_dim3A_111 = vector.broadcast %jit3A_110 : i32 to vector<256x2048xi32>
    %select_n3A_112 = arith.select %eq3A_109, %iota3A, %broadcast_in_dim3A_111 : vector<256x2048xi1>, vector<256x2048xi32>
    %reduce_min3A_113 = arith.constant dense<2147483647> : vector<256xi32>
    %reduce_min3A_114 = vector.multi_reduction <minsi>, %select_n3A_112, %reduce_min3A_113 [1] : vector<256x2048xi32> to vector<256xi32>
    %broadcast_in_dim3A_115 = vector.shape_cast %reduce_min3A_114 : vector<256xi32> to vector<256x1xi32>
    %eq3A_116 = vector.broadcast %broadcast_in_dim3A_115 : vector<256x1xi32> to vector<256x2048xi32>
    %eq3A_117 = arith.cmpi eq, %iota3A, %eq3A_116 : vector<256x2048xi32>
    %jit3A_118 = arith.constant -3.000000e+38 : f32
    %broadcast_in_dim3A_119 = vector.broadcast %jit3A_118 : f32 to vector<256x2048xf32>
    %select_n3A_120 = arith.select %eq3A_117, %broadcast_in_dim3A_119, %select_n3A_104 : vector<256x2048xi1>, vector<256x2048xf32>
    %reduce_max3A_121 = arith.constant dense<0xFF800000> : vector<256xf32>
    %reduce_max3A_122 = vector.multi_reduction <maximumf>, %select_n3A_120, %reduce_max3A_121 [1] : vector<256x2048xf32> to vector<256xf32>
    %broadcast_in_dim3A_123 = vector.shape_cast %reduce_max3A_122 : vector<256xf32> to vector<256x1xf32>
    %eq3A_124 = vector.broadcast %broadcast_in_dim3A_123 : vector<256x1xf32> to vector<256x2048xf32>
    %eq3A_125 = arith.cmpf oeq, %select_n3A_120, %eq3A_124 : vector<256x2048xf32>
    %jit3A_126 = arith.constant 2048 : i32
    %broadcast_in_dim3A_127 = vector.broadcast %jit3A_126 : i32 to vector<256x2048xi32>
    %select_n3A_128 = arith.select %eq3A_125, %iota3A, %broadcast_in_dim3A_127 : vector<256x2048xi1>, vector<256x2048xi32>
    %reduce_min3A_129 = arith.constant dense<2147483647> : vector<256xi32>
    %reduce_min3A_130 = vector.multi_reduction <minsi>, %select_n3A_128, %reduce_min3A_129 [1] : vector<256x2048xi32> to vector<256xi32>
    %broadcast_in_dim3A_131 = vector.shape_cast %reduce_min3A_130 : vector<256xi32> to vector<256x1xi32>
    %eq3A_132 = vector.broadcast %broadcast_in_dim3A_131 : vector<256x1xi32> to vector<256x2048xi32>
    %eq3A_133 = arith.cmpi eq, %iota3A, %eq3A_132 : vector<256x2048xi32>
    %jit3A_134 = arith.constant -3.000000e+38 : f32
    %broadcast_in_dim3A_135 = vector.broadcast %jit3A_134 : f32 to vector<256x2048xf32>
    %select_n3A_136 = arith.select %eq3A_133, %broadcast_in_dim3A_135, %select_n3A_120 : vector<256x2048xi1>, vector<256x2048xf32>
    %reduce_max3A_137 = arith.constant dense<0xFF800000> : vector<256xf32>
    %reduce_max3A_138 = vector.multi_reduction <maximumf>, %select_n3A_136, %reduce_max3A_137 [1] : vector<256x2048xf32> to vector<256xf32>
    %broadcast_in_dim3A_139 = vector.shape_cast %reduce_max3A_138 : vector<256xf32> to vector<256x1xf32>
    %eq3A_140 = vector.broadcast %broadcast_in_dim3A_139 : vector<256x1xf32> to vector<256x2048xf32>
    %eq3A_141 = arith.cmpf oeq, %select_n3A_136, %eq3A_140 : vector<256x2048xf32>
    %jit3A_142 = arith.constant 2048 : i32
    %broadcast_in_dim3A_143 = vector.broadcast %jit3A_142 : i32 to vector<256x2048xi32>
    %select_n3A_144 = arith.select %eq3A_141, %iota3A, %broadcast_in_dim3A_143 : vector<256x2048xi1>, vector<256x2048xi32>
    %reduce_min3A_145 = arith.constant dense<2147483647> : vector<256xi32>
    %reduce_min3A_146 = vector.multi_reduction <minsi>, %select_n3A_144, %reduce_min3A_145 [1] : vector<256x2048xi32> to vector<256xi32>
    %broadcast_in_dim3A_147 = vector.shape_cast %reduce_min3A_146 : vector<256xi32> to vector<256x1xi32>
    %eq3A_148 = vector.broadcast %broadcast_in_dim3A_147 : vector<256x1xi32> to vector<256x2048xi32>
    %eq3A_149 = arith.cmpi eq, %iota3A, %eq3A_148 : vector<256x2048xi32>
    %jit3A_150 = arith.constant -3.000000e+38 : f32
    %broadcast_in_dim3A_151 = vector.broadcast %jit3A_150 : f32 to vector<256x2048xf32>
    %select_n3A_152 = arith.select %eq3A_149, %broadcast_in_dim3A_151, %select_n3A_136 : vector<256x2048xi1>, vector<256x2048xf32>
    %reduce_max3A_153 = arith.constant dense<0xFF800000> : vector<256xf32>
    %reduce_max3A_154 = vector.multi_reduction <maximumf>, %select_n3A_152, %reduce_max3A_153 [1] : vector<256x2048xf32> to vector<256xf32>
    %broadcast_in_dim3A_155 = vector.shape_cast %reduce_max3A_154 : vector<256xf32> to vector<256x1xf32>
    %eq3A_156 = vector.broadcast %broadcast_in_dim3A_155 : vector<256x1xf32> to vector<256x2048xf32>
    %eq3A_157 = arith.cmpf oeq, %select_n3A_152, %eq3A_156 : vector<256x2048xf32>
    %jit3A_158 = arith.constant 2048 : i32
    %broadcast_in_dim3A_159 = vector.broadcast %jit3A_158 : i32 to vector<256x2048xi32>
    %select_n3A_160 = arith.select %eq3A_157, %iota3A, %broadcast_in_dim3A_159 : vector<256x2048xi1>, vector<256x2048xi32>
    %reduce_min3A_161 = arith.constant dense<2147483647> : vector<256xi32>
    %reduce_min3A_162 = vector.multi_reduction <minsi>, %select_n3A_160, %reduce_min3A_161 [1] : vector<256x2048xi32> to vector<256xi32>
    %stack3A = vector.shape_cast %reduce_max3A_43 : vector<256xf32> to vector<256x1xf32>
    %stack3A_163 = vector.shape_cast %reduce_max3A_58 : vector<256xf32> to vector<256x1xf32>
    %stack3A_164 = vector.shape_cast %reduce_max3A_74 : vector<256xf32> to vector<256x1xf32>
    %stack3A_165 = vector.shape_cast %reduce_max3A_90 : vector<256xf32> to vector<256x1xf32>
    %stack3A_166 = vector.shape_cast %reduce_max3A_106 : vector<256xf32> to vector<256x1xf32>
    %stack3A_167 = vector.shape_cast %reduce_max3A_122 : vector<256xf32> to vector<256x1xf32>
    %stack3A_168 = vector.shape_cast %reduce_max3A_138 : vector<256xf32> to vector<256x1xf32>
    %stack3A_169 = vector.shape_cast %reduce_max3A_154 : vector<256xf32> to vector<256x1xf32>
    %stack3A_170 = tpu.concatenate %stack3A, %stack3A_163, %stack3A_164, %stack3A_165, %stack3A_166, %stack3A_167, %stack3A_168, %stack3A_169 in 1 : vector<256x1xf32>, vector<256x1xf32>, vector<256x1xf32>, vector<256x1xf32>, vector<256x1xf32>, vector<256x1xf32>, vector<256x1xf32>, vector<256x1xf32> -> vector<256x8xf32>
    %stack3A_171 = vector.shape_cast %reduce_min3A_50 : vector<256xi32> to vector<256x1xi32>
    %stack3A_172 = vector.shape_cast %reduce_min3A_66 : vector<256xi32> to vector<256x1xi32>
    %stack3A_173 = vector.shape_cast %reduce_min3A_82 : vector<256xi32> to vector<256x1xi32>
    %stack3A_174 = vector.shape_cast %reduce_min3A_98 : vector<256xi32> to vector<256x1xi32>
    %stack3A_175 = vector.shape_cast %reduce_min3A_114 : vector<256xi32> to vector<256x1xi32>
    %stack3A_176 = vector.shape_cast %reduce_min3A_130 : vector<256xi32> to vector<256x1xi32>
    %stack3A_177 = vector.shape_cast %reduce_min3A_146 : vector<256xi32> to vector<256x1xi32>
    %stack3A_178 = vector.shape_cast %reduce_min3A_162 : vector<256xi32> to vector<256x1xi32>
    %stack3A_179 = tpu.concatenate %stack3A_171, %stack3A_172, %stack3A_173, %stack3A_174, %stack3A_175, %stack3A_176, %stack3A_177, %stack3A_178 in 1 : vector<256x1xi32>, vector<256x1xi32>, vector<256x1xi32>, vector<256x1xi32>, vector<256x1xi32>, vector<256x1xi32>, vector<256x1xi32>, vector<256x1xi32> -> vector<256x8xi32>
    %reduce_max3A_180 = arith.constant dense<0xFF800000> : vector<256xf32>
    %reduce_max3A_181 = vector.multi_reduction <maximumf>, %stack3A_170, %reduce_max3A_180 [1] : vector<256x8xf32> to vector<256xf32>
    %broadcast_in_dim3A_182 = vector.shape_cast %reduce_max3A_181 : vector<256xf32> to vector<256x1xf32>
    %sub3A_183 = vector.broadcast %broadcast_in_dim3A_182 : vector<256x1xf32> to vector<256x8xf32>
    %sub3A_184 = arith.subf %stack3A_170, %sub3A_183 : vector<256x8xf32>
    %exp3A = math.exp %sub3A_184 : vector<256x8xf32>
    %reduce_sum3A = arith.constant dense<0.000000e+00> : vector<256xf32>
    %reduce_sum3A_185 = vector.multi_reduction <add>, %exp3A, %reduce_sum3A [1] : vector<256x8xf32> to vector<256xf32>
    %broadcast_in_dim3A_186 = vector.shape_cast %reduce_sum3A_185 : vector<256xf32> to vector<256x1xf32>
    %div3A_187 = vector.broadcast %broadcast_in_dim3A_186 : vector<256x1xf32> to vector<256x8xf32>
    %div3A_188 = arith.divf %exp3A, %div3A_187 : vector<256x8xf32>
    %swap3A = arith.constant 0 : index
    %swap3A_189 = arith.constant 0 : index
    %swap3A_190 = arith.constant 0 : index
    %swap3A_191 = vector.load %arg6[%swap3A, %swap3A_189, %swap3A_190] : memref<1x256x8xi32, #tpu.memory_space<vmem>>, vector<1x256x8xi32>
    %swap3A_192 = vector.shape_cast %swap3A_191 : vector<1x256x8xi32> to vector<256x8xi32>
    %swap3A_193 = vector.shape_cast %stack3A_179 : vector<256x8xi32> to vector<1x256x8xi32>
    tpu.vector_store %arg6[%swap3A, %swap3A_189, %swap3A_190], %swap3A_193 {strides = array<i32>} : memref<1x256x8xi32, #tpu.memory_space<vmem>>, vector<1x256x8xi32>,
    %swap3A_194 = arith.constant 0 : index
    %swap3A_195 = arith.constant 0 : index
    %swap3A_196 = arith.constant 0 : index
    %swap3A_197 = vector.load %arg7[%swap3A_194, %swap3A_195, %swap3A_196] : memref<1x256x8xf32, #tpu.memory_space<vmem>>, vector<1x256x8xf32>
    %swap3A_198 = vector.shape_cast %swap3A_197 : vector<1x256x8xf32> to vector<256x8xf32>
    %swap3A_199 = vector.shape_cast %div3A_188 : vector<256x8xf32> to vector<1x256x8xf32>
    tpu.vector_store %arg7[%swap3A_194, %swap3A_195, %swap3A_196], %swap3A_199 {strides = array<i32>} : memref<1x256x8xf32, #tpu.memory_space<vmem>>, vector<1x256x8xf32>,
    return
  }
  func.func @transform_0(%arg0: i32, %arg1: i32) -> (i32, i32, i32) {
    %c0_i32 = arith.constant 0 : i32
    %c0_i32_0 = arith.constant 0 : i32
    return %arg0, %arg1, %c0_i32 : i32, i32, i32
  }
  func.func @transform_1(%arg0: i32, %arg1: i32) -> (i32, i32, i32) {
    %c0_i32 = arith.constant 0 : i32
    %c0_i32_0 = arith.constant 0 : i32
    %c0_i32_1 = arith.constant 0 : i32
    return %arg0, %c0_i32, %c0_i32_0 : i32, i32, i32
  }
  func.func @transform_2(%arg0: i32, %arg1: i32) -> (i32, i32, i32) {
    %c0_i32 = arith.constant 0 : i32
    %c0_i32_0 = arith.constant 0 : i32
    %c0_i32_1 = arith.constant 0 : i32
    %c0_i32_2 = arith.constant 0 : i32
    return %c0_i32, %c0_i32_0, %c0_i32_1 : i32, i32, i32
  }
  func.func @transform_3(%arg0: i32, %arg1: i32) -> (i32, i32, i32) {
    %c0_i32 = arith.constant 0 : i32
    %c0_i32_0 = arith.constant 0 : i32
    %c0_i32_1 = arith.constant 0 : i32
    %c0_i32_2 = arith.constant 0 : i32
    return %c0_i32, %c0_i32_0, %c0_i32_1 : i32, i32, i32
  }
  func.func @transform_4(%arg0: i32, %arg1: i32) -> (i32, i32, i32) {
    %c0_i32 = arith.constant 0 : i32
    %c0_i32_0 = arith.constant 0 : i32
    return %arg0, %arg1, %c0_i32 : i32, i32, i32
  }
  func.func @transform_5(%arg0: i32, %arg1: i32) -> (i32, i32, i32) {
    %c0_i32 = arith.constant 0 : i32
    %c0_i32_0 = arith.constant 0 : i32
    return %arg0, %arg1, %c0_i32 : i32, i32, i32
  }
}

module attributes {stable_mosaic.version = 14 : i64} {
  func.func @_projv_body(%arg0: i32, %arg1: i32, %arg2: memref<1x1024x768xf32, #tpu.memory_space<vmem>>, %arg3: memref<768x768xf32, #tpu.memory_space<vmem>>, %arg4: memref<1x768xf32, #tpu.memory_space<vmem>>, %arg5: memref<1x64xf32, #tpu.memory_space<vmem>>, %arg6: memref<768x64xf32, #tpu.memory_space<vmem>>, %arg7: memref<1x768xf32, #tpu.memory_space<vmem>>, %arg8: memref<1x1024x768xf32, #tpu.memory_space<vmem>>) attributes {dimension_semantics = [#tpu.dimension_semantics<arbitrary>, #tpu.dimension_semantics<arbitrary>], iteration_bounds = array<i64: 2, 2>, scalar_prefetch = 0 : i64, scratch_operands = 0 : i64, tpu.core_type = #tpu.core_type<tc>, window_params = [{transform_indices = @transform_0, window_bounds = array<i64: 1, 1024, 768>}, {pipeline_mode = #tpu.pipeline_mode<synchronous>, transform_indices = @transform_1, window_bounds = array<i64: 768, 768>}, {pipeline_mode = #tpu.pipeline_mode<synchronous>, transform_indices = @transform_2, window_bounds = array<i64: 1, 768>}, {pipeline_mode = #tpu.pipeline_mode<synchronous>, transform_indices = @transform_3, window_bounds = array<i64: 1, 64>}, {pipeline_mode = #tpu.pipeline_mode<synchronous>, transform_indices = @transform_4, window_bounds = array<i64: 768, 64>}, {pipeline_mode = #tpu.pipeline_mode<synchronous>, transform_indices = @transform_5, window_bounds = array<i64: 1, 768>}, {transform_indices = @transform_6, window_bounds = array<i64: 1, 1024, 768>}]} {
    %get3A = arith.constant 0 : index
    %get3A_0 = arith.constant 0 : index
    %get3A_1 = arith.constant 0 : index
    %get3A_2 = vector.load %arg2[%get3A, %get3A_0, %get3A_1] : memref<1x1024x768xf32, #tpu.memory_space<vmem>>, vector<1x1024x768xf32>
    %get3A_3 = vector.shape_cast %get3A_2 : vector<1x1024x768xf32> to vector<1024x768xf32>
    %get3A_4 = arith.constant 0 : index
    %get3A_5 = arith.constant 0 : index
    %get3A_6 = vector.load %arg3[%get3A_4, %get3A_5] : memref<768x768xf32, #tpu.memory_space<vmem>>, vector<768x768xf32>
    %convert_element_type3A = arith.truncf %get3A_3 : vector<1024x768xf32> to vector<1024x768xbf16>
    %convert_element_type3A_7 = arith.truncf %get3A_6 : vector<768x768xf32> to vector<768x768xbf16>
    %dot_general3A = arith.constant dense<0.000000e+00> : vector<1024x768xf32>
    %dot_general3A_8 = tpu.matmul %convert_element_type3A, %convert_element_type3A_7, %dot_general3A {dimension_numbers = #tpu.dot_dimension_numbers<[1], [1], [0], [0], [0, 0, 1, 0], [], []>, transpose_lhs_hint = false} : vector<1024x768xbf16>, vector<768x768xbf16>, vector<1024x768xf32> -> vector<1024x768xf32>
    %get3A_9 = arith.constant 0 : index
    %get3A_10 = arith.constant 0 : index
    %get3A_11 = vector.load %arg4[%get3A_9, %get3A_10] : memref<1x768xf32, #tpu.memory_space<vmem>>, vector<1x768xf32>
    %add3A = vector.broadcast %get3A_11 : vector<1x768xf32> to vector<1024x768xf32>
    %add3A_12 = arith.addf %dot_general3A_8, %add3A : vector<1024x768xf32>
    %get3A_13 = arith.constant 0 : index
    %get3A_14 = arith.constant 0 : index
    %get3A_15 = vector.load %arg5[%get3A_13, %get3A_14] : memref<1x64xf32, #tpu.memory_space<vmem>>, vector<1x64xf32>
    %get3A_16 = arith.constant 0 : index
    %get3A_17 = arith.constant 0 : index
    %get3A_18 = vector.load %arg6[%get3A_16, %get3A_17] : memref<768x64xf32, #tpu.memory_space<vmem>>, vector<768x64xf32>
    %mul3A = vector.broadcast %get3A_15 : vector<1x64xf32> to vector<768x64xf32>
    %mul3A_19 = arith.mulf %mul3A, %get3A_18 : vector<768x64xf32>
    %reduce_sum3A = arith.constant dense<0.000000e+00> : vector<768xf32>
    %reduce_sum3A_20 = vector.multi_reduction <add>, %mul3A_19, %reduce_sum3A [1] : vector<768x64xf32> to vector<768xf32>
    %broadcast_in_dim3A = vector.shape_cast %reduce_sum3A_20 : vector<768xf32> to vector<1x768xf32>
    %get3A_21 = arith.constant 0 : index
    %get3A_22 = arith.constant 0 : index
    %get3A_23 = vector.load %arg7[%get3A_21, %get3A_22] : memref<1x768xf32, #tpu.memory_space<vmem>>, vector<1x768xf32>
    %add3A_24 = arith.addf %broadcast_in_dim3A, %get3A_23 : vector<1x768xf32>
    %logistic3A = arith.negf %add3A_24 : vector<1x768xf32>
    %logistic3A_25 = math.exp %logistic3A : vector<1x768xf32>
    %logistic3A_26 = arith.constant 1.000000e+00 : f32
    %logistic3A_27 = vector.broadcast %logistic3A_26 : f32 to vector<1x768xf32>
    %logistic3A_28 = arith.addf %logistic3A_27, %logistic3A_25 : vector<1x768xf32>
    %logistic3A_29 = arith.divf %logistic3A_27, %logistic3A_28 : vector<1x768xf32>
    %mul3A_30 = vector.broadcast %logistic3A_29 : vector<1x768xf32> to vector<1024x768xf32>
    %mul3A_31 = arith.mulf %add3A_12, %mul3A_30 : vector<1024x768xf32>
    %swap3A = arith.constant 0 : index
    %swap3A_32 = arith.constant 0 : index
    %swap3A_33 = arith.constant 0 : index
    %swap3A_34 = vector.load %arg8[%swap3A, %swap3A_32, %swap3A_33] : memref<1x1024x768xf32, #tpu.memory_space<vmem>>, vector<1x1024x768xf32>
    %swap3A_35 = vector.shape_cast %swap3A_34 : vector<1x1024x768xf32> to vector<1024x768xf32>
    %swap3A_36 = vector.shape_cast %mul3A_31 : vector<1024x768xf32> to vector<1x1024x768xf32>
    tpu.vector_store %arg8[%swap3A, %swap3A_32, %swap3A_33], %swap3A_36 {strides = array<i32>} : memref<1x1024x768xf32, #tpu.memory_space<vmem>>, vector<1x1024x768xf32>,
    return
  }
  func.func @transform_0(%arg0: i32, %arg1: i32) -> (i32, i32, i32) {
    %c0_i32 = arith.constant 0 : i32
    %c0_i32_0 = arith.constant 0 : i32
    return %arg0, %arg1, %c0_i32 : i32, i32, i32
  }
  func.func @transform_1(%arg0: i32, %arg1: i32) -> (i32, i32) {
    %c0_i32 = arith.constant 0 : i32
    %c0_i32_0 = arith.constant 0 : i32
    %c0_i32_1 = arith.constant 0 : i32
    return %c0_i32, %c0_i32_0 : i32, i32
  }
  func.func @transform_2(%arg0: i32, %arg1: i32) -> (i32, i32) {
    %c0_i32 = arith.constant 0 : i32
    %c0_i32_0 = arith.constant 0 : i32
    %c0_i32_1 = arith.constant 0 : i32
    return %c0_i32, %c0_i32_0 : i32, i32
  }
  func.func @transform_3(%arg0: i32, %arg1: i32) -> (i32, i32) {
    %c0_i32 = arith.constant 0 : i32
    %c0_i32_0 = arith.constant 0 : i32
    %c0_i32_1 = arith.constant 0 : i32
    return %c0_i32, %c0_i32_0 : i32, i32
  }
  func.func @transform_4(%arg0: i32, %arg1: i32) -> (i32, i32) {
    %c0_i32 = arith.constant 0 : i32
    %c0_i32_0 = arith.constant 0 : i32
    %c0_i32_1 = arith.constant 0 : i32
    return %c0_i32, %c0_i32_0 : i32, i32
  }
  func.func @transform_5(%arg0: i32, %arg1: i32) -> (i32, i32) {
    %c0_i32 = arith.constant 0 : i32
    %c0_i32_0 = arith.constant 0 : i32
    %c0_i32_1 = arith.constant 0 : i32
    return %c0_i32, %c0_i32_0 : i32, i32
  }
  func.func @transform_6(%arg0: i32, %arg1: i32) -> (i32, i32, i32) {
    %c0_i32 = arith.constant 0 : i32
    %c0_i32_0 = arith.constant 0 : i32
    return %arg0, %arg1, %c0_i32 : i32, i32, i32
  }
}

module attributes {stable_mosaic.version = 14 : i64} {
  func.func @_out_body(%arg0: i32, %arg1: i32, %arg2: memref<1x256x768xf32, #tpu.memory_space<vmem>>, %arg3: memref<1x256x768xf32, #tpu.memory_space<vmem>>, %arg4: memref<768x768xf32, #tpu.memory_space<vmem>>, %arg5: memref<1x768xf32, #tpu.memory_space<vmem>>, %arg6: memref<1x256x768xf32, #tpu.memory_space<vmem>>) attributes {dimension_semantics = [#tpu.dimension_semantics<arbitrary>, #tpu.dimension_semantics<arbitrary>], iteration_bounds = array<i64: 2, 8>, scalar_prefetch = 0 : i64, scratch_operands = 0 : i64, tpu.core_type = #tpu.core_type<tc>, window_params = [{transform_indices = @transform_0, window_bounds = array<i64: 1, 256, 768>}, {transform_indices = @transform_1, window_bounds = array<i64: 1, 256, 768>}, {pipeline_mode = #tpu.pipeline_mode<synchronous>, transform_indices = @transform_2, window_bounds = array<i64: 768, 768>}, {pipeline_mode = #tpu.pipeline_mode<synchronous>, transform_indices = @transform_3, window_bounds = array<i64: 1, 768>}, {transform_indices = @transform_4, window_bounds = array<i64: 1, 256, 768>}]} {
    %get3A = arith.constant 0 : index
    %get3A_0 = arith.constant 0 : index
    %get3A_1 = arith.constant 0 : index
    %get3A_2 = vector.load %arg2[%get3A, %get3A_0, %get3A_1] : memref<1x256x768xf32, #tpu.memory_space<vmem>>, vector<1x256x768xf32>
    %get3A_3 = vector.shape_cast %get3A_2 : vector<1x256x768xf32> to vector<256x768xf32>
    %get3A_4 = arith.constant 0 : index
    %get3A_5 = arith.constant 0 : index
    %get3A_6 = arith.constant 0 : index
    %get3A_7 = vector.load %arg3[%get3A_4, %get3A_5, %get3A_6] : memref<1x256x768xf32, #tpu.memory_space<vmem>>, vector<1x256x768xf32>
    %get3A_8 = vector.shape_cast %get3A_7 : vector<1x256x768xf32> to vector<256x768xf32>
    %get3A_9 = arith.constant 0 : index
    %get3A_10 = arith.constant 0 : index
    %get3A_11 = vector.load %arg4[%get3A_9, %get3A_10] : memref<768x768xf32, #tpu.memory_space<vmem>>, vector<768x768xf32>
    %convert_element_type3A = arith.truncf %get3A_8 : vector<256x768xf32> to vector<256x768xbf16>
    %convert_element_type3A_12 = arith.truncf %get3A_11 : vector<768x768xf32> to vector<768x768xbf16>
    %dot_general3A = arith.constant dense<0.000000e+00> : vector<256x768xf32>
    %dot_general3A_13 = tpu.matmul %convert_element_type3A, %convert_element_type3A_12, %dot_general3A {dimension_numbers = #tpu.dot_dimension_numbers<[1], [1], [0], [0], [0, 0, 1, 0], [], []>, transpose_lhs_hint = false} : vector<256x768xbf16>, vector<768x768xbf16>, vector<256x768xf32> -> vector<256x768xf32>
    %add3A = arith.addf %get3A_3, %dot_general3A_13 : vector<256x768xf32>
    %get3A_14 = arith.constant 0 : index
    %get3A_15 = arith.constant 0 : index
    %get3A_16 = vector.load %arg5[%get3A_14, %get3A_15] : memref<1x768xf32, #tpu.memory_space<vmem>>, vector<1x768xf32>
    %add3A_17 = vector.broadcast %get3A_16 : vector<1x768xf32> to vector<256x768xf32>
    %add3A_18 = arith.addf %add3A, %add3A_17 : vector<256x768xf32>
    %swap3A = arith.constant 0 : index
    %swap3A_19 = arith.constant 0 : index
    %swap3A_20 = arith.constant 0 : index
    %swap3A_21 = vector.load %arg6[%swap3A, %swap3A_19, %swap3A_20] : memref<1x256x768xf32, #tpu.memory_space<vmem>>, vector<1x256x768xf32>
    %swap3A_22 = vector.shape_cast %swap3A_21 : vector<1x256x768xf32> to vector<256x768xf32>
    %swap3A_23 = vector.shape_cast %add3A_18 : vector<256x768xf32> to vector<1x256x768xf32>
    tpu.vector_store %arg6[%swap3A, %swap3A_19, %swap3A_20], %swap3A_23 {strides = array<i32>} : memref<1x256x768xf32, #tpu.memory_space<vmem>>, vector<1x256x768xf32>,
    return
  }
  func.func @transform_0(%arg0: i32, %arg1: i32) -> (i32, i32, i32) {
    %c0_i32 = arith.constant 0 : i32
    %c0_i32_0 = arith.constant 0 : i32
    return %arg0, %arg1, %c0_i32 : i32, i32, i32
  }
  func.func @transform_1(%arg0: i32, %arg1: i32) -> (i32, i32, i32) {
    %c0_i32 = arith.constant 0 : i32
    %c0_i32_0 = arith.constant 0 : i32
    return %arg0, %arg1, %c0_i32 : i32, i32, i32
  }
  func.func @transform_2(%arg0: i32, %arg1: i32) -> (i32, i32) {
    %c0_i32 = arith.constant 0 : i32
    %c0_i32_0 = arith.constant 0 : i32
    %c0_i32_1 = arith.constant 0 : i32
    return %c0_i32, %c0_i32_0 : i32, i32
  }
  func.func @transform_3(%arg0: i32, %arg1: i32) -> (i32, i32) {
    %c0_i32 = arith.constant 0 : i32
    %c0_i32_0 = arith.constant 0 : i32
    %c0_i32_1 = arith.constant 0 : i32
    return %c0_i32, %c0_i32_0 : i32, i32
  }
  func.func @transform_4(%arg0: i32, %arg1: i32) -> (i32, i32, i32) {
    %c0_i32 = arith.constant 0 : i32
    %c0_i32_0 = arith.constant 0 : i32
    return %arg0, %arg1, %c0_i32 : i32, i32, i32
  }
}

</mosaic_0001>

<sc_bundles>
// kernel: kernel.10.cloned.1.call-start
scs
__scs_entry_jumppad:
0x0: {  	(pc) =	sbr.rel $0x88, $3  }
0x1: {  	(tag) =	ssettag $0x0;
	lr =	simm.s32 $0x1  }
0x2: {  	[smem:$0x3F93] =	sst lr;
	_ =	strace $0xD0000000  }
0x3: {  	_ = 	snop  }
0x4: {  	_ = 	snop  }
0x5: {  	_ = 	snop  }
0x6: {  	_ = 	snop  }
0x7: {  	_ = 	snop  }
__scs_overlays_trampoline_lowered:
0x8: {  	[smem:$0x3FA2] =	sst s0  }
0x9: {  	[smem:$0x3FA3] =	sst s1  }
0xa: {  	[smem:$0x3FA4] =	sst s2  }
0xb: {  	[smem:$0x3FA5] =	sst s3  }
0xc: {  	[smem:$0x3FA6] =	sst s4  }
0xd: {  	[smem:$0x3FA7] =	sst s5  }
0xe: {  	[smem:$0x3FA8] =	sst s6  }
0xf: {  	[smem:$0x3FA9] =	sst s7  }
0x10: {  	[smem:$0x3FAA] =	sst s8  }
0x11: {  	[smem:$0x3FAB] =	sst s9;
	s0 =	simm.s32 @!p0 $0x0  }
0x12: {  	s1 =	sld [smem:$0x3F91];
	s0 =	simm.s32 @p0 $0x1  }
0x13: {  	[smem:$0x3FAC] =	sst s0;
	s0 =	simm.s32 @!p1 $0x0  }
0x14: {  	s2 =	sld [smem:$0x3F90];
	s0 =	simm.s32 @p1 $0x1  }
0x15: {  	[smem:$0x3FAD] =	sst s0;
	s0 =	simm.s32 @!p2 $0x0  }
0x16: {  	s3 =	sld [smem:$0x3FDB];
	s0 =	simm.s32 @p2 $0x1  }
0x17: {  	s4 =	simm.s32 $0x1BF5;
	[smem:$0x3FAF] =	sst s0  }
0x18: {  	s0 =	sld [smem:$0x3F92];
	_ =	swait.ge [sflag:s4], $0x0  }
0x19: {  	s7 =	sld [smem:$0x3F93]  }
0x1a: {  	s8 =	sadd.s32 $0xFFFFE003, lr  }
0x1b: {  	s9 =	sadd.s32 $0xFFFFFEF7, lr;
	s5 =	simm.s32 $0xFFFFFFFF;
	p2 =	slt.u32 s8, $0xFFFFF086  }
0x1c: {  	p1 =	slt.u32 s9, $0xF7A;
	s5 =	simm.s32 @!p2 $0x0  }
0x1d: {  	s5 =	simm.s32 @p1 $0x1;
	p0 =	seq.s32 s7, s2  }
0x1e: {  	s7 =	smul.u32 @!p0 $0xF7A, s2;
	p2 =	seq.s32 @!p0 s5, $0x0  }
0x1f: {  	s9 =	smul.u32 $0xF7A, s1;
	s8 =	simm.s32 @!p0 $0x1BF5;
	p2 =	por !p2, p0  }
0x20: {  	[sflag:s8] =	ssyncset.s32 @!p0 $0xFFFFF086;
	s6 =	sadd.s32 @!p0 s3, s7;
	s7 =	simm.s32 @!p0 $0x108  }
0x21: {  	s3 =	sadd.s32 s3, s9;
	s6 =	sadd.s32 @!p0 $0x88, s6;
	s7 =	simm.s32 @p2 $0x1082  }
0x22: {  	[simem:s7], [sflag:s8] =	dma.local @!p0 [hbm:s6], $0xF7A  }
0x23: {  	s9 =	sor.u32 $0xD0000000, s2;
	s6 =	simm.s32 $0x108;
	_ =	swait.ge @!p0 [sflag:s8], $0x0  }
0x24: {  	s3 =	sadd.s32 $0x88, s3;
	s6 =	simm.s32 @!p1 $0x1082;
	[sflag:s4] =	ssyncset.s32 $0xFFFFF086  }
0x25: {  	[simem:s6], [sflag:s4] =	dma.local [hbm:s3], $0xF7A  }
0x26: {  	[smem:$0x3F93] =	sst s1;
	(tag) =	ssettag s2;
	_ =	strace s9  }
0x27: {  	s1 =	sld [smem:$0x3FA3]  }
0x28: {  	s2 =	sld [smem:$0x3FA4]  }
0x29: {  	s4 =	sld [smem:$0x3FA6]  }
0x2a: {  	p0 =	seq.s32 s5, $0x0;
	s5 =	sld [smem:$0x3FA7]  }
0x2b: {  	s6 =	sld [smem:$0x3FA8]  }
0x2c: {  	s7 =	sld [smem:$0x3FA9]  }
0x2d: {  	s3 =	simm.s32 $0x108;
	s8 =	sld [smem:$0x3FAA]  }
0x2e: {  	s3 =	simm.s32 @!p0 $0x1082;
	s9 =	sld [smem:$0x3FAB]  }
0x2f: {  	lr =	sadd.s32 s0, s3;
	s0 =	sld [smem:$0x3FA2]  }
0x30: {  	s3 =	sld [smem:$0x3FA5]  }
0x31: {  	[smem:$0x3FAE] =	sst s10  }
0x32: {  	s10 =	sld [smem:$0x3FAC];
	_ =	sdelay $0x3  }
0x33: {  	p0 =	seq.s32 s10, $0x1;
	s10 =	sld [smem:$0x3FAE];
	_ =	sdelay $0x3  }
0x34: {  	[smem:$0x3FAE] =	sst s10  }
0x35: {  	s10 =	sld [smem:$0x3FAD];
	_ =	sdelay $0x3  }
0x36: {  	p1 =	seq.s32 s10, $0x1;
	s10 =	sld [smem:$0x3FAE];
	_ =	sdelay $0x3  }
0x37: {  	[smem:$0x3FAE] =	sst s10  }
0x38: {  	s10 =	sld [smem:$0x3FAF]  }
0x39: {  	_ = 	snop;
	(pc) =	sbr.ind lr, $3  }
0x3a: {  	_ = 	snop  }
0x3b: {  	_ = 	snop  }
0x3c: {  	p2 =	seq.s32 s10, $0x1;
	s10 =	sld [smem:$0x3FAE]  }
0x3d: {  	_ =	shalt  }
0x3e: {  	_ =	shalt  }
0x3f: {  	_ =	shalt  }
0x40: {  	_ =	shalt  }
0x41: {  	_ =	shalt  }
0x42: {  	_ =	shalt  }
0x43: {  	_ =	shalt  }
0x44: {  	_ =	shalt  }
0x45: {  	_ =	shalt  }
0x46: {  	_ =	shalt  }
0x47: {  	_ =	shalt  }
0x48: {  	_ =	shalt  }
0x49: {  	_ =	shalt  }
0x4a: {  	_ =	shalt  }
0x4b: {  	_ =	shalt  }
0x4c: {  	_ =	shalt  }
0x4d: {  	_ =	shalt  }
0x4e: {  	_ =	shalt  }
0x4f: {  	_ =	shalt  }
0x50: {  	_ =	shalt  }
0x51: {  	_ =	shalt  }
0x52: {  	_ =	shalt  }
0x53: {  	_ =	shalt  }
0x54: {  	_ =	shalt  }
0x55: {  	_ =	shalt  }
0x56: {  	_ =	shalt  }
0x57: {  	_ =	shalt  }
0x58: {  	_ =	shalt  }
0x59: {  	_ =	shalt  }
0x5a: {  	_ =	shalt  }
0x5b: {  	_ =	shalt  }
0x5c: {  	_ =	shalt  }
0x5d: {  	_ =	shalt  }
0x5e: {  	_ =	shalt  }
0x5f: {  	_ =	shalt  }
0x60: {  	_ =	shalt  }
0x61: {  	_ =	shalt  }
0x62: {  	_ =	shalt  }
0x63: {  	_ =	shalt  }
0x64: {  	_ =	shalt  }
0x65: {  	_ =	shalt  }
0x66: {  	_ =	shalt  }
0x67: {  	_ =	shalt  }
0x68: {  	_ =	shalt  }
0x69: {  	_ =	shalt  }
0x6a: {  	_ =	shalt  }
0x6b: {  	_ =	shalt  }
0x6c: {  	_ =	shalt  }
0x6d: {  	_ =	shalt  }
0x6e: {  	_ =	shalt  }
0x6f: {  	_ =	shalt  }
0x70: {  	_ =	shalt  }
0x71: {  	_ =	shalt  }
0x72: {  	_ =	shalt  }
0x73: {  	_ =	shalt  }
0x74: {  	_ =	shalt  }
0x75: {  	_ =	shalt  }
0x76: {  	_ =	shalt  }
0x77: {  	_ =	shalt  }
0x78: {  	_ =	shalt  }
0x79: {  	_ =	shalt  }
0x7a: {  	_ =	shalt  }
0x7b: {  	_ =	shalt  }
0x7c: {  	_ =	shalt  }
0x7d: {  	_ =	shalt  }
0x7e: {  	_ =	shalt  }
0x7f: {  	_ =	shalt  }
0x80: {  	_ =	shalt  }
0x81: {  	_ =	shalt  }
0x82: {  	_ =	shalt  }
0x83: {  	_ =	shalt  }
0x84: {  	_ =	shalt  }
0x85: {  	_ =	shalt  }
0x86: {  	_ =	shalt  }
0x87: {  	_ =	shalt  }
.Lfunc_end0:
.L_simem_size_0:
called_computation_lowered:
.L_overlay_start_0:
0x88: {  	s2 =	sld [smem:$0x3FD9]  }
0x89: {  	s3 =	sld [smem:$0x3FFE];
	_ =	sdelay $0x1  }
0x8a: {  	s1 =	srdreg.scid  }
0x8b: {  	s0 =	sand.u32 $0x1, s1  }
0x8c: {  	s16 =	sshll.u32 s0, $0xA;
	s2 =	sadd.s32 s3, s2  }
0x8d: {  	s2 =	sadd.s32 s2, s16  }
0x8e: {  	[smem:$0x3FBA] =	sst s2  }
0x8f: {  	_ = 	snop  }
0x90: {  	(tm) =	ssettm $0x1  }
0x91: {  	s17 =	sld [smem:$0x3FFB];
	_ =	sdelay $0x3  }
0x92: {  	_ =	strace s17  }
0x93: {  	s2 =	sld [smem:$0x3FFC];
	_ =	sdelay $0x3  }
0x94: {  	_ =	strace s2  }
0x95: {  	s2 =	sld [smem:$0x3FFD];
	_ =	sdelay $0x3  }
0x96: {  	_ =	strace s2  }
0x97: {  	_ =	strace $0x8FFFFFFF  }
0x98: {  	s18 =	sld [smem:$0x3FDB];
	_ =	sdelay $0x1  }
0x99: {  	s19 =	simm.s32 $_scs_section_size  }
0x9a: {  	s4 =	simm.s32 $_size__tile_overlayer_lowered;
	s5 =	simm.s32 $_tile_overlayer_lowered  }
0x9b: {  	s22 =	simm.s32 $0x1BFF;
	s21 =	sshll.u32 s5, $0x1;
	s2 =	sadd.s32 s19, s18  }
0x9c: {  	s6 =	simm.s32 $0x0;
	s20 =	sshll.u32 s4, $0x1;
	s4 =	sadd.s32 s21, s2  }
0x9d: {  	[timem:s6], [sflag:s22] =	dma.local [hbm:s4], s20  }
0x9e: {  	_ =	swait.ge [sflag:s22], s20  }
0x9f: {  	s3 =	ssub.s32 $0x0, s20;
	[sflag:s22] =	ssyncset.done $0x0  }
0xa0: {  	[sflag:s22] =	ssyncadd.s32 s3;
	_ =	sdelay $0x1  }
0xa1: {  	s23 =	simm.s32 $0x1B8B  }
0xa2: {  	_ =	swait.ge [sflag:s23], $0x1  }
0xa3: {  	[sflag:s23] =	ssyncset.done $0x0  }
0xa4: {  	s25 =	simm.s32 $0x1B8E;
	s24 =	sld [smem:$0x3FFE];
	[sflag:s23] =	ssyncadd.s32 $0xFFFFFFFF  }
0xa5: {  	s26 =	simm.s32 $execute0_lowered;
	[smem:$0x3FD2] =	sst s25  }
0xa6: {  	s4 =	sshll.u32 s26, $0x1;
	_ =	strace $0x80000046;
	[dreg:$0x1] =	wrdreg $0xFFFFFFFF  }
0xa7: {  	s28 =	simm.s32 $_size_execute0_lowered;
	s2 =	sadd.s32 s2, s4;
	[dreg:$0x0] =	wrdreg $0x0  }
0xa8: {  	s4 =	sshll.u32 s28, $0x1;
	[dreg:$0x2] =	wrdreg s2  }
0xa9: {  	[dreg:$0x3] =	wrdreg s4  }
0xaa: {  	[dreg:$0x4] =	wrdreg $0xC0  }
0xab: {  	_ =	task [dreg:s6], $0x5FFFF  }
0xac: {  	[dreg:$0x1] =	wrdreg $0xFFFFFFFF  }
0xad: {  	[dreg:$0x0] =	wrdreg $0x60  }
0xae: {  	[dreg:$0x2] =	wrdreg s24  }
0xaf: {  	[dreg:$0x3] =	wrdreg $0x9  }
0xb0: {  	_ =	task.clear_ibuf [dreg:s6], $0x4FFFF;
	_ =	strace $0x90000046  }
0xb1: {  	s29 =	simm.s32 $0x9;
	_ =	strace $0x80000048  }
0xb2: {  	_ =	swait.ge [sflag:s29], $0x1  }
0xb3: {  	[sflag:s29] =	ssyncadd.s32 $0xFFFFFFFF  }
0xb4: {  	_ =	strace $0x90000048  }
0xb5: {  	_ =	sfence  }
0xb6: {  	s30 =	sld [smem:$0x0];
	_ =	sdelay $0x2  }
0xb7: {  	s31 =	sshll.u32 s1, $0xD;
	s1 =	sshrl.u32 s1, $0x2  }
0xb8: {  	s3 =	sand.u32 $0x4000, s31;
	s1 =	sadd.s32 s1, s30  }
0xb9: {  	s0 =	sor.u32 s3, s0;
	s1 =	sshll.u32 s1, $0x11  }
0xba: {  	s0 =	sor.u32 s1, s0  }
0xbb: {  	s0 =	sadd.s32 $0x8F2B, s0  }
0xbc: {  	[sflag:s0] =	ssyncadd.remote.s32 $0x1  }
0xbd: {  	_ =	sfence.sel $0xFFFF  }
0xbe: {  	[dreg:$0x0] =	wrdreg $0xFFFFFFFF;
	(pc) =	sbr.abs _section_cstart, $3  }
0xbf: {  	[dreg:$0x1] =	wrdreg $0xFFFFFFFF  }
0xc0: {  	_ =	task.clear_ibuf [dreg:s6], $0x2FFFF;
	_ =	strace $0x9FFFFFFF  }
0xc1: {  	(tm) =	ssettm $0x7FFFFFFF  }
tec
execute0_lowered:
.L_overlay_start_1:
0x0: {  	(tag) =	ssettag $0x1  }
0x1: {  	s0 =	rddreg [dreg:$0x0];
	s1 =	simm.s32 $0x0  }
0x2: {  	s25 =	srdreg.scid;
	s8 =	stileid.u32;
	s11 =	simm.s32 $0x2  }
0x3: {  	s29 =	simm.s32 $0x13100;
	s30 =	simm.s32 $0x13900;
	s31 =	simm.s32 $0x14100  }
0x4: {  	s10 =	simm.s32 $0x15900;
	s12 =	simm.s32 $0x16900;
	s13 =	simm.s32 $0x17100  }
0x5: {  	s14 =	simm.s32 $0x17900;
	s15 =	simm.s32 $0x1;
	s16 =	simm.s32 $0x18100  }
0x6: {  	s18 =	simm.s32 $0x0;
	[smem:$0x7FF] =	sst s1;
	s2 =	sadd.s32 $0x15400, s0  }
0x7: {  	s1 =	sand.u32 $0x1, s25;
	s4 =	sadd.s32 $0x13400, s0;
	s5 =	sadd.s32 $0x14400, s0  }
0x8: {  	s6 =	sadd.s32 $0x75400, s0;
	s26 =	sshll.u32 s8, $0x8;
	s3 =	ssub.s32 $0x2, s1  }
0x9: {  	s8 =	sadd.s32 $0x15500, s0;
	s9 =	sadd.s32 $0x15600, s0;
	s7 =	sshrl.u32 s3, $0x1  }
0xa: {  	v2 =	vlaneseq.u32;
	s0 =	simm.s32 $0x14900;
	s1 =	sshll.u32 s1, $0x7;
	s3 =	ssub.s32 s3, s7  }
0xb: {  	vm0 =	vmmov $0xffff;
	v1 =	vshrl.u32 v2, $0x3;
	_ =	strace $0x80000047;
	s7 =	sor.u32 s1, s26;
	s28 =	smax.u32 s3, $0x1  }
0xc: {  	v0 =	vand.u32 $0x7, v2;
	v2 =	vor.u32 $0x8, v2;
	v1 =	vmul.u32 $0x8, v1;
	s1 =	simm.s32 $0x16100;
	s3 =	simm.s32 $0x15100;
	[dreg:$0x2] =	wrdreg s28  }
.LBB2_1:
0xd: {  	[dreg:$0x3] =	wrdreg s18;
	s17 =	simm.s32 $0x0  }
.LBB2_2:
0xe: {  	s18 =	sshll.u32 s17, $0x4  }
0xf: {  	s18 =	sadd.s32 s7, s18  }
0x10: {  	s19 =	simm.s32 $0x0;
	s20 =	sadd.s32 s4, s18  }
0x11: {  	[tilespmem:s19], [sflag:$0x2] =	stream.linear.gather [hbm4b:s20+s19], $0x80, $0x38;
	[tilespmem:$0x1B100] =	vst v63  }
0x12: {  	_ =	swait.ge [sflag:s11], $0x80  }
0x13: {  	[sflag:s11] =	ssyncset.done $0x0  }
0x14: {  	s21 =	simm.s32 $0x80;
	s28 =	sadd.s32 s5, s18;
	[sflag:s11] =	ssyncadd.s32 $0xFFFFFF80  }
0x15: {  	[tilespmem:s21], [sflag:$0x2] =	stream.linear.gather [hbm4b:s28+s19], $0x80, $0x38;
	[tilespmem:$0x1B100] =	vst v63  }
0x16: {  	_ =	swait.ge [sflag:s11], $0x80  }
0x17: {  	[sflag:s11] =	ssyncset.done $0x0  }
0x18: {  	[sflag:s11] =	ssyncadd.s32 $0xFFFFFF80  }
0x19: {  	v3 =	vld [tilespmem:$0x0];
	_ =	sdelay $0x4  }
0x1a: {  	v4 =	vshrl.u32 v3, $0x3  }
0x1b: {  	v4 =	vmul.u32 $0x30, v4  }
0x1c: {  	v3 =	vand.u32 $0x7, v3  }
0x1d: {  	v3 =	vor.u32 v3, v4  }
0x1e: {  	v4 =	vperm.xlane v3, v0;
	_ =	sdelay $0x1  }
0x1f: {  	v4 =	vadd.s32 v1, v4;
	_ =	sdelay $0x3  }
0x20: {  	s22 =	simm.s32 $0x100;
	v3 =	vperm.xlane v3, v2  }
0x21: {  	[tilespmem:s22], [sflag:$0x1] =	stream.indirect_vreg.gather [hbm4b:s2+s19], $0x80, v4, vm0, $0xb8;
	[tilespmem:$0x1B100] =	vst v63  }
0x22: {  	s23 =	simm.s32 $0x900;
	v3 =	vadd.s32 v1, v3  }
0x23: {  	[tilespmem:s23], [sflag:$0x1] =	stream.indirect_vreg.gather [hbm4b:s8+s19], $0x80, v4, vm0, $0xb8;
	[tilespmem:$0x1B100] =	vst v63  }
0x24: {  	s24 =	simm.s32 $0x1100  }
0x25: {  	[tilespmem:s24], [sflag:$0x1] =	stream.indirect_vreg.gather [hbm4b:s9+s19], $0x80, v4, vm0, $0xb8;
	[tilespmem:$0x1B100] =	vst v63  }
0x26: {  	s25 =	simm.s32 $0x1900  }
0x27: {  	[tilespmem:s25], [sflag:$0x1] =	stream.indirect_vreg.gather [hbm4b:s2+s19], $0x80, v3, vm0, $0xb8;
	[tilespmem:$0x1B100] =	vst v63  }
0x28: {  	s26 =	simm.s32 $0x2100  }
0x29: {  	[tilespmem:s26], [sflag:$0x1] =	stream.indirect_vreg.gather [hbm4b:s8+s19], $0x80, v3, vm0, $0xb8;
	[tilespmem:$0x1B100] =	vst v63  }
0x2a: {  	s28 =	simm.s32 $0x2900  }
0x2b: {  	[tilespmem:s28], [sflag:$0x1] =	stream.indirect_vreg.gather [hbm4b:s9+s19], $0x80, v3, vm0, $0xb8;
	[tilespmem:$0x1B100] =	vst v63  }
0x2c: {  	v3 =	vld [tilespmem:$0x10];
	_ =	sdelay $0x4  }
0x2d: {  	v4 =	vshrl.u32 v3, $0x3  }
0x2e: {  	v4 =	vmul.u32 $0x30, v4  }
0x2f: {  	v3 =	vand.u32 $0x7, v3  }
0x30: {  	v3 =	vor.u32 v3, v4  }
0x31: {  	v4 =	vperm.xlane v3, v0;
	_ =	sdelay $0x1  }
0x32: {  	v4 =	vadd.s32 v1, v4;
	_ =	sdelay $0x3  }
0x33: {  	s21 =	simm.s32 $0x3100;
	v3 =	vperm.xlane v3, v2  }
0x34: {  	[tilespmem:s21], [sflag:$0x1] =	stream.indirect_vreg.gather [hbm4b:s2+s19], $0x80, v4, vm0, $0xb8;
	[tilespmem:$0x1B100] =	vst v63  }
0x35: {  	s22 =	simm.s32 $0x3900;
	v3 =	vadd.s32 v1, v3  }
0x36: {  	[tilespmem:s22], [sflag:$0x1] =	stream.indirect_vreg.gather [hbm4b:s8+s19], $0x80, v4, vm0, $0xb8;
	[tilespmem:$0x1B100] =	vst v63  }
0x37: {  	s23 =	simm.s32 $0x4100  }
0x38: {  	[tilespmem:s23], [sflag:$0x1] =	stream.indirect_vreg.gather [hbm4b:s9+s19], $0x80, v4, vm0, $0xb8;
	[tilespmem:$0x1B100] =	vst v63  }
0x39: {  	s24 =	simm.s32 $0x4900  }
0x3a: {  	[tilespmem:s24], [sflag:$0x1] =	stream.indirect_vreg.gather [hbm4b:s2+s19], $0x80, v3, vm0, $0xb8;
	[tilespmem:$0x1B100] =	vst v63  }
0x3b: {  	s25 =	simm.s32 $0x5100  }
0x3c: {  	[tilespmem:s25], [sflag:$0x1] =	stream.indirect_vreg.gather [hbm4b:s8+s19], $0x80, v3, vm0, $0xb8;
	[tilespmem:$0x1B100] =	vst v63  }
0x3d: {  	s26 =	simm.s32 $0x5900  }
0x3e: {  	[tilespmem:s26], [sflag:$0x1] =	stream.indirect_vreg.gather [hbm4b:s9+s19], $0x80, v3, vm0, $0xb8;
	[tilespmem:$0x1B100] =	vst v63  }
0x3f: {  	v3 =	vld [tilespmem:$0x20];
	_ =	sdelay $0x4  }
0x40: {  	v4 =	vshrl.u32 v3, $0x3  }
0x41: {  	v4 =	vmul.u32 $0x30, v4  }
0x42: {  	v3 =	vand.u32 $0x7, v3  }
0x43: {  	v3 =	vor.u32 v3, v4  }
0x44: {  	v4 =	vperm.xlane v3, v0;
	_ =	sdelay $0x1  }
0x45: {  	v4 =	vadd.s32 v1, v4;
	_ =	sdelay $0x3  }
0x46: {  	s28 =	simm.s32 $0x6100;
	v3 =	vperm.xlane v3, v2  }
0x47: {  	[tilespmem:s28], [sflag:$0x1] =	stream.indirect_vreg.gather [hbm4b:s2+s19], $0x80, v4, vm0, $0xb8;
	[tilespmem:$0x1B100] =	vst v63  }
0x48: {  	s21 =	simm.s32 $0x6900;
	v3 =	vadd.s32 v1, v3  }
0x49: {  	[tilespmem:s21], [sflag:$0x1] =	stream.indirect_vreg.gather [hbm4b:s8+s19], $0x80, v4, vm0, $0xb8;
	[tilespmem:$0x1B100] =	vst v63  }
0x4a: {  	s22 =	simm.s32 $0x7100  }
0x4b: {  	[tilespmem:s22], [sflag:$0x1] =	stream.indirect_vreg.gather [hbm4b:s9+s19], $0x80, v4, vm0, $0xb8;
	[tilespmem:$0x1B100] =	vst v63  }
0x4c: {  	s23 =	simm.s32 $0x7900  }
0x4d: {  	[tilespmem:s23], [sflag:$0x1] =	stream.indirect_vreg.gather [hbm4b:s2+s19], $0x80, v3, vm0, $0xb8;
	[tilespmem:$0x1B100] =	vst v63  }
0x4e: {  	s24 =	simm.s32 $0x8100  }
0x4f: {  	[tilespmem:s24], [sflag:$0x1] =	stream.indirect_vreg.gather [hbm4b:s8+s19], $0x80, v3, vm0, $0xb8;
	[tilespmem:$0x1B100] =	vst v63  }
0x50: {  	s25 =	simm.s32 $0x8900  }
0x51: {  	[tilespmem:s25], [sflag:$0x1] =	stream.indirect_vreg.gather [hbm4b:s9+s19], $0x80, v3, vm0, $0xb8;
	[tilespmem:$0x1B100] =	vst v63  }
0x52: {  	v3 =	vld [tilespmem:$0x30];
	_ =	sdelay $0x4  }
0x53: {  	v4 =	vshrl.u32 v3, $0x3  }
0x54: {  	v4 =	vmul.u32 $0x30, v4  }
0x55: {  	v3 =	vand.u32 $0x7, v3  }
0x56: {  	v3 =	vor.u32 v3, v4  }
0x57: {  	v4 =	vperm.xlane v3, v0;
	_ =	sdelay $0x1  }
0x58: {  	v4 =	vadd.s32 v1, v4;
	_ =	sdelay $0x3  }
0x59: {  	s26 =	simm.s32 $0x9100;
	v3 =	vperm.xlane v3, v2  }
0x5a: {  	[tilespmem:s26], [sflag:$0x1] =	stream.indirect_vreg.gather [hbm4b:s2+s19], $0x80, v4, vm0, $0xb8;
	[tilespmem:$0x1B100] =	vst v63  }
0x5b: {  	s28 =	simm.s32 $0x9900;
	v3 =	vadd.s32 v1, v3  }
0x5c: {  	[tilespmem:s28], [sflag:$0x1] =	stream.indirect_vreg.gather [hbm4b:s8+s19], $0x80, v4, vm0, $0xb8;
	[tilespmem:$0x1B100] =	vst v63  }
0x5d: {  	s21 =	simm.s32 $0xA100  }
0x5e: {  	[tilespmem:s21], [sflag:$0x1] =	stream.indirect_vreg.gather [hbm4b:s9+s19], $0x80, v4, vm0, $0xb8;
	[tilespmem:$0x1B100] =	vst v63  }
0x5f: {  	s22 =	simm.s32 $0xA900  }
0x60: {  	[tilespmem:s22], [sflag:$0x1] =	stream.indirect_vreg.gather [hbm4b:s2+s19], $0x80, v3, vm0, $0xb8;
	[tilespmem:$0x1B100] =	vst v63  }
0x61: {  	s23 =	simm.s32 $0xB100  }
0x62: {  	[tilespmem:s23], [sflag:$0x1] =	stream.indirect_vreg.gather [hbm4b:s8+s19], $0x80, v3, vm0, $0xb8;
	[tilespmem:$0x1B100] =	vst v63  }
0x63: {  	s24 =	simm.s32 $0xB900  }
0x64: {  	[tilespmem:s24], [sflag:$0x1] =	stream.indirect_vreg.gather [hbm4b:s9+s19], $0x80, v3, vm0, $0xb8;
	[tilespmem:$0x1B100] =	vst v63  }
0x65: {  	v3 =	vld [tilespmem:$0x40];
	_ =	sdelay $0x4  }
0x66: {  	v4 =	vshrl.u32 v3, $0x3  }
0x67: {  	v4 =	vmul.u32 $0x30, v4  }
0x68: {  	v3 =	vand.u32 $0x7, v3  }
0x69: {  	v3 =	vor.u32 v3, v4  }
0x6a: {  	v4 =	vperm.xlane v3, v0;
	_ =	sdelay $0x1  }
0x6b: {  	v4 =	vadd.s32 v1, v4;
	_ =	sdelay $0x3  }
0x6c: {  	s25 =	simm.s32 $0xC100;
	v3 =	vperm.xlane v3, v2  }
0x6d: {  	[tilespmem:s25], [sflag:$0x1] =	stream.indirect_vreg.gather [hbm4b:s2+s19], $0x80, v4, vm0, $0xb8;
	[tilespmem:$0x1B100] =	vst v63  }
0x6e: {  	s26 =	simm.s32 $0xC900;
	v3 =	vadd.s32 v1, v3  }
0x6f: {  	[tilespmem:s26], [sflag:$0x1] =	stream.indirect_vreg.gather [hbm4b:s8+s19], $0x80, v4, vm0, $0xb8;
	[tilespmem:$0x1B100] =	vst v63  }
0x70: {  	s28 =	simm.s32 $0xD100  }
0x71: {  	[tilespmem:s28], [sflag:$0x1] =	stream.indirect_vreg.gather [hbm4b:s9+s19], $0x80, v4, vm0, $0xb8;
	[tilespmem:$0x1B100] =	vst v63  }
0x72: {  	s21 =	simm.s32 $0xD900  }
0x73: {  	[tilespmem:s21], [sflag:$0x1] =	stream.indirect_vreg.gather [hbm4b:s2+s19], $0x80, v3, vm0, $0xb8;
	[tilespmem:$0x1B100] =	vst v63  }
0x74: {  	s22 =	simm.s32 $0xE100  }
0x75: {  	[tilespmem:s22], [sflag:$0x1] =	stream.indirect_vreg.gather [hbm4b:s8+s19], $0x80, v3, vm0, $0xb8;
	[tilespmem:$0x1B100] =	vst v63  }
0x76: {  	s23 =	simm.s32 $0xE900  }
0x77: {  	[tilespmem:s23], [sflag:$0x1] =	stream.indirect_vreg.gather [hbm4b:s9+s19], $0x80, v3, vm0, $0xb8;
	[tilespmem:$0x1B100] =	vst v63  }
0x78: {  	v3 =	vld [tilespmem:$0x50];
	_ =	sdelay $0x4  }
0x79: {  	v4 =	vshrl.u32 v3, $0x3  }
0x7a: {  	v4 =	vmul.u32 $0x30, v4  }
0x7b: {  	v3 =	vand.u32 $0x7, v3  }
0x7c: {  	v3 =	vor.u32 v3, v4  }
0x7d: {  	v4 =	vperm.xlane v3, v0;
	_ =	sdelay $0x1  }
0x7e: {  	v4 =	vadd.s32 v1, v4;
	_ =	sdelay $0x3  }
0x7f: {  	s24 =	simm.s32 $0xF100;
	v3 =	vperm.xlane v3, v2  }
0x80: {  	[tilespmem:s24], [sflag:$0x1] =	stream.indirect_vreg.gather [hbm4b:s2+s19], $0x80, v4, vm0, $0xb8;
	[tilespmem:$0x1B100] =	vst v63  }
0x81: {  	s25 =	simm.s32 $0xF900;
	v3 =	vadd.s32 v1, v3  }
0x82: {  	[tilespmem:s25], [sflag:$0x1] =	stream.indirect_vreg.gather [hbm4b:s8+s19], $0x80, v4, vm0, $0xb8;
	[tilespmem:$0x1B100] =	vst v63  }
0x83: {  	s26 =	simm.s32 $0x10100  }
0x84: {  	[tilespmem:s26], [sflag:$0x1] =	stream.indirect_vreg.gather [hbm4b:s9+s19], $0x80, v4, vm0, $0xb8;
	[tilespmem:$0x1B100] =	vst v63  }
0x85: {  	s28 =	simm.s32 $0x10900  }
0x86: {  	[tilespmem:s28], [sflag:$0x1] =	stream.indirect_vreg.gather [hbm4b:s2+s19], $0x80, v3, vm0, $0xb8;
	[tilespmem:$0x1B100] =	vst v63  }
0x87: {  	s21 =	simm.s32 $0x11100  }
0x88: {  	[tilespmem:s21], [sflag:$0x1] =	stream.indirect_vreg.gather [hbm4b:s8+s19], $0x80, v3, vm0, $0xb8;
	[tilespmem:$0x1B100] =	vst v63  }
0x89: {  	s22 =	simm.s32 $0x11900  }
0x8a: {  	[tilespmem:s22], [sflag:$0x1] =	stream.indirect_vreg.gather [hbm4b:s9+s19], $0x80, v3, vm0, $0xb8;
	[tilespmem:$0x1B100] =	vst v63  }
0x8b: {  	v3 =	vld [tilespmem:$0x60];
	_ =	sdelay $0x4  }
0x8c: {  	v4 =	vshrl.u32 v3, $0x3  }
0x8d: {  	v4 =	vmul.u32 $0x30, v4  }
0x8e: {  	v3 =	vand.u32 $0x7, v3  }
0x8f: {  	v3 =	vor.u32 v3, v4  }
0x90: {  	v4 =	vperm.xlane v3, v0;
	_ =	sdelay $0x1  }
0x91: {  	v4 =	vadd.s32 v1, v4;
	_ =	sdelay $0x3  }
0x92: {  	s23 =	simm.s32 $0x12100;
	v3 =	vperm.xlane v3, v2  }
0x93: {  	[tilespmem:s23], [sflag:$0x1] =	stream.indirect_vreg.gather [hbm4b:s2+s19], $0x80, v4, vm0, $0xb8;
	[tilespmem:$0x1B100] =	vst v63  }
0x94: {  	s24 =	simm.s32 $0x12900;
	v3 =	vadd.s32 v1, v3  }
0x95: {  	[tilespmem:s24], [sflag:$0x1] =	stream.indirect_vreg.gather [hbm4b:s8+s19], $0x80, v4, vm0, $0xb8;
	[tilespmem:$0x1B100] =	vst v63  }
0x96: {  	_ = 	snop  }
0x97: {  	[tilespmem:s29], [sflag:$0x1] =	stream.indirect_vreg.gather [hbm4b:s9+s19], $0x80, v4, vm0, $0xb8;
	[tilespmem:$0x1B100] =	vst v63  }
0x98: {  	_ = 	snop  }
0x99: {  	[tilespmem:s30], [sflag:$0x1] =	stream.indirect_vreg.gather [hbm4b:s2+s19], $0x80, v3, vm0, $0xb8;
	[tilespmem:$0x1B100] =	vst v63  }
0x9a: {  	_ = 	snop  }
0x9b: {  	[tilespmem:s31], [sflag:$0x1] =	stream.indirect_vreg.gather [hbm4b:s8+s19], $0x80, v3, vm0, $0xb8;
	[tilespmem:$0x1B100] =	vst v63  }
0x9c: {  	_ = 	snop  }
0x9d: {  	[tilespmem:s0], [sflag:$0x1] =	stream.indirect_vreg.gather [hbm4b:s9+s19], $0x80, v3, vm0, $0xb8;
	[tilespmem:$0x1B100] =	vst v63  }
0x9e: {  	v3 =	vld [tilespmem:$0x70];
	_ =	sdelay $0x4  }
0x9f: {  	v4 =	vshrl.u32 v3, $0x3  }
0xa0: {  	v4 =	vmul.u32 $0x30, v4  }
0xa1: {  	v3 =	vand.u32 $0x7, v3  }
0xa2: {  	v3 =	vor.u32 v3, v4  }
0xa3: {  	v4 =	vperm.xlane v3, v0;
	_ =	sdelay $0x1  }
0xa4: {  	v4 =	vadd.s32 v1, v4;
	_ =	sdelay $0x3  }
0xa5: {  	v3 =	vperm.xlane v3, v2  }
0xa6: {  	[tilespmem:s3], [sflag:$0x1] =	stream.indirect_vreg.gather [hbm4b:s2+s19], $0x80, v4, vm0, $0xb8;
	[tilespmem:$0x1B100] =	vst v63  }
0xa7: {  	v3 =	vadd.s32 v1, v3  }
0xa8: {  	[tilespmem:s10], [sflag:$0x1] =	stream.indirect_vreg.gather [hbm4b:s8+s19], $0x80, v4, vm0, $0xb8;
	[tilespmem:$0x1B100] =	vst v63  }
0xa9: {  	_ = 	snop  }
0xaa: {  	[tilespmem:s1], [sflag:$0x1] =	stream.indirect_vreg.gather [hbm4b:s9+s19], $0x80, v4, vm0, $0xb8;
	[tilespmem:$0x1B100] =	vst v63  }
0xab: {  	_ = 	snop  }
0xac: {  	[tilespmem:s12], [sflag:$0x1] =	stream.indirect_vreg.gather [hbm4b:s2+s19], $0x80, v3, vm0, $0xb8;
	[tilespmem:$0x1B100] =	vst v63  }
0xad: {  	_ = 	snop  }
0xae: {  	[tilespmem:s13], [sflag:$0x1] =	stream.indirect_vreg.gather [hbm4b:s8+s19], $0x80, v3, vm0, $0xb8;
	[tilespmem:$0x1B100] =	vst v63  }
0xaf: {  	_ = 	snop  }
0xb0: {  	[tilespmem:s14], [sflag:$0x1] =	stream.indirect_vreg.gather [hbm4b:s9+s19], $0x80, v3, vm0, $0xb8;
	[tilespmem:$0x1B100] =	vst v63  }
0xb1: {  	_ =	swait.ge [sflag:s15], $0x18000  }
0xb2: {  	[sflag:s15] =	ssyncset.done $0x0  }
0xb3: {  	s25 =	sand.u32 $0x70, s19;
	s26 =	sand.u32 $0x1C00, s19;
	[sflag:s15] =	ssyncadd.s32 $0xFFFE8000  }
0xb4: {  	s21 =	sor.u32 s25, s26;
	v3 =	vld [tilespmem:$0x80]  }
0xb5: {  	v12 =	vld [tilespmem:s21+$0x100]  }
0xb6: {  	v13 =	vld [tilespmem:s21+$0x180];
	_ =	sdelay $0x1  }
0xb7: {  	v14 =	vld [tilespmem:s21+$0x200]  }
0xb8: {  	v10 =	vbroadcast v3, $0x0;
	v11 =	vbroadcast v3, $0x1  }
0xb9: {  	s22 =	simm.s32 $0x10;
	s23 =	simm.s32 $0x80;
	v15 =	vld [tilespmem:s21+$0x280];
	v9 =	vbroadcast v3, $0x2  }
0xba: {  	s28 =	sand.u32 $0x70, s22;
	s24 =	sand.u32 $0x1C00, s23;
	v12 =	vmul.f32 v12, v10;
	v13 =	vmul.f32 v13, v11  }
0xbb: {  	s20 =	sor.u32 s28, s24;
	v16 =	vld [tilespmem:s21+$0x300]  }
0xbc: {  	v17 =	vld [tilespmem:s20+$0x100];
	v8 =	vbroadcast v3, $0x3;
	v14 =	vmul.f32 v14, v9;
	v12 =	vadd.f32 v13, v12  }
0xbd: {  	v13 =	vld [tilespmem:s21+$0x380]  }
0xbe: {  	v7 =	vbroadcast v3, $0x4;
	v12 =	vadd.f32 v14, v12;
	v14 =	vmul.f32 v15, v8;
	v15 =	vld [tilespmem:s20+$0x180]  }
0xbf: {  	s19 =	sor.u32 s19, s19;
	v18 =	vld [tilespmem:s21+$0x400]  }
0xc0: {  	s19 =	sor.u32 $0x380, s19;
	v19 =	vld [tilespmem:s20+$0x200];
	v5 =	vbroadcast v3, $0x5;
	v12 =	vadd.f32 v14, v12;
	v14 =	vmul.f32 v16, v7  }
0xc1: {  	v20 =	vld [tilespmem:s19+$0x100]  }
0xc2: {  	v6 =	vbroadcast v3, $0x6;
	v13 =	vmul.f32 v13, v5;
	v12 =	vadd.f32 v14, v12  }
0xc3: {  	v16 =	vmul.f32 v17, v10;
	v14 =	vld [tilespmem:s20+$0x280];
	v15 =	vmul.f32 v15, v11  }
0xc4: {  	v4 =	vbroadcast v3, $0x7;
	v18 =	vmul.f32 v18, v6;
	v21 =	vadd.f32 v13, v12  }
0xc5: {  	s24 =	simm.s32 $0x20;
	s19 =	simm.s32 $0x100;
	v13 =	vld [tilespmem:s20+$0x300];
	v17 =	vadd.f32 v15, v16  }
0xc6: {  	s25 =	sand.u32 $0x70, s24;
	s26 =	sand.u32 $0x1C00, s19;
	v12 =	vld [tilespmem:s20+$0x400];
	v16 =	vmul.f32 v19, v9;
	v19 =	vmul.f32 v20, v4;
	v18 =	vadd.f32 v18, v21  }
0xc7: {  	s25 =	sor.u32 s25, s26;
	s26 =	simm.s32 $0x30;
	v15 =	vld [tilespmem:s20+$0x380]  }
.LBB2_3:
0xc8: {  	p0 =	seq.s32 s26, $0x2F0;
	v20 =	vld [tilespmem:s25+$0x100];
	v16 =	vadd.f32 v16, v17;
	v14 =	vmul.f32 v14, v8;
	v17 =	vadd.f32 v19, v18  }
0xc9: {  	s28 =	sor.u32 s23, s22;
	s23 =	smov.u32 s19;
	s22 =	smov.u32 s24;
	v18 =	vld [tilespmem:s25+$0x180]  }
0xca: {  	s24 =	sor.u32 $0x380, s28;
	v19 =	vld [tilespmem:s25+$0x200];
	v14 =	vadd.f32 v14, v16;
	v13 =	vmul.f32 v13, v7;
	[tilespmem:s21+$0x18100] =	vst v17;
	s21 =	smov.u32 s20;
	s20 =	smov.u32 s25  }
0xcb: {  	v21 =	vld [tilespmem:s24+$0x100];
	s24 =	smov.u32 s26  }
0xcc: {  	v13 =	vadd.f32 v13, v14;
	v15 =	vmul.f32 v15, v5  }
.Ltmp0:
0xcd: {  	v22 =	vmul.f32 v12, v6;
	v14 =	vld [tilespmem:s20+$0x280];
	(pc) =	sbr.rel @!p0 .LBB2_3-.Ltmp0, $4  }
0xce: {  	v12 =	vmul.f32 v20, v10;
	v17 =	vmul.f32 v18, v11;
	v15 =	vadd.f32 v15, v13  }
0xcf: {  	s19 =	sadd.s32 $0x80, s19;
	v16 =	vmul.f32 v19, v9;
	v13 =	vld [tilespmem:s20+$0x300]  }
0xd0: {  	s28 =	sand.u32 $0x1C00, s19;
	s25 =	sand.u32 $0x70, s26;
	v17 =	vadd.f32 v17, v12;
	v12 =	vld [tilespmem:s20+$0x400];
	v18 =	vadd.f32 v22, v15;
	v19 =	vmul.f32 v21, v4  }
0xd1: {  	s25 =	sor.u32 s25, s28;
	s26 =	sadd.s32 $0x10, s26;
	v15 =	vld [tilespmem:s20+$0x380]  }
0xd2: {  	v20 =	vld [tilespmem:s25+$0x100];
	v16 =	vadd.f32 v16, v17;
	v14 =	vmul.f32 v14, v8;
	v17 =	vadd.f32 v19, v18  }
0xd3: {  	v18 =	vld [tilespmem:s25+$0x180];
	s22 =	sor.u32 s23, s22  }
0xd4: {  	v19 =	vld [tilespmem:s25+$0x200];
	s22 =	sor.u32 $0x380, s22;
	v14 =	vadd.f32 v14, v16;
	v13 =	vmul.f32 v13, v7;
	[tilespmem:s21+$0x18100] =	vst v17  }
0xd5: {  	v16 =	vld [tilespmem:s22+$0x100]  }
0xd6: {  	v13 =	vadd.f32 v13, v14;
	v14 =	vmul.f32 v15, v5  }
0xd7: {  	v12 =	vmul.f32 v12, v6;
	v15 =	vld [tilespmem:s25+$0x280]  }
0xd8: {  	v10 =	vmul.f32 v20, v10;
	v11 =	vmul.f32 v18, v11;
	v13 =	vadd.f32 v14, v13  }
0xd9: {  	v9 =	vmul.f32 v19, v9;
	v14 =	vld [tilespmem:s25+$0x300]  }
0xda: {  	v10 =	vadd.f32 v11, v10;
	v11 =	vadd.f32 v12, v13;
	v12 =	vmul.f32 v16, v4  }
0xdb: {  	v13 =	vld [tilespmem:s25+$0x380]  }
0xdc: {  	v9 =	vadd.f32 v9, v10;
	v8 =	vmul.f32 v15, v8;
	v10 =	vadd.f32 v12, v11  }
0xdd: {  	s19 =	sor.u32 s19, s24;
	v11 =	vld [tilespmem:s25+$0x400]  }
0xde: {  	s19 =	sor.u32 $0x380, s19;
	v8 =	vadd.f32 v8, v9;
	v7 =	vmul.f32 v14, v7;
	[tilespmem:s20+$0x18100] =	vst v10  }
0xdf: {  	v9 =	vld [tilespmem:s19+$0x100]  }
0xe0: {  	v7 =	vadd.f32 v7, v8;
	v5 =	vmul.f32 v13, v5;
	_ =	sdelay $0x1  }
0xe1: {  	v6 =	vmul.f32 v11, v6;
	v5 =	vadd.f32 v5, v7;
	_ =	sdelay $0x1  }
0xe2: {  	v5 =	vadd.f32 v6, v5;
	v4 =	vmul.f32 v9, v4;
	_ =	sdelay $0x1  }
0xe3: {  	s22 =	simm.s32 $0x0;
	v4 =	vadd.f32 v4, v5  }
0xe4: {  	s23 =	sand.u32 $0x70, s22;
	s19 =	sand.u32 $0x1C00, s22  }
0xe5: {  	s20 =	sor.u32 s23, s19;
	[tilespmem:s25+$0x18100] =	vst v4  }
0xe6: {  	v11 =	vld [tilespmem:s20+$0x1900]  }
0xe7: {  	v12 =	vld [tilespmem:s20+$0x1980];
	_ =	sdelay $0x1  }
0xe8: {  	v13 =	vld [tilespmem:s20+$0x1A00]  }
0xe9: {  	v10 =	vbroadcast v3, $0x9;
	v9 =	vbroadcast v3, $0x8  }
0xea: {  	s24 =	simm.s32 $0x10;
	v8 =	vbroadcast v3, $0xA;
	s25 =	simm.s32 $0x80;
	v14 =	vld [tilespmem:s20+$0x1A80]  }
0xeb: {  	s19 =	sand.u32 $0x70, s24;
	s21 =	sand.u32 $0x1C00, s25;
	v15 =	vld [tilespmem:s20+$0x1B80];
	v11 =	vmul.f32 v11, v9;
	v12 =	vmul.f32 v12, v10  }
0xec: {  	v16 =	vld [tilespmem:s20+$0x1B00];
	s19 =	sor.u32 s19, s21  }
0xed: {  	v7 =	vbroadcast v3, $0xB;
	v17 =	vld [tilespmem:s19+$0x1900];
	v11 =	vadd.f32 v12, v11;
	v12 =	vmul.f32 v13, v8  }
0xee: {  	v19 =	vld [tilespmem:s19+$0x1980]  }
0xef: {  	v6 =	vbroadcast v3, $0xC;
	v21 =	vld [tilespmem:s20+$0x1C00];
	v13 =	vmul.f32 v14, v7;
	v11 =	vadd.f32 v12, v11  }
0xf0: {  	v5 =	vbroadcast v3, $0xD;
	v12 =	vld [tilespmem:s19+$0x1A00]  }
0xf1: {  	v22 =	vmul.f32 v16, v6;
	v14 =	vld [tilespmem:s20+$0x1C80];
	v20 =	vadd.f32 v13, v11  }
0xf2: {  	s26 =	simm.s32 $0x20;
	s22 =	simm.s32 $0x100;
	v4 =	vbroadcast v3, $0xE;
	v18 =	vmul.f32 v15, v5;
	v13 =	vld [tilespmem:s19+$0x1A80]  }
0xf3: {  	s28 =	sand.u32 $0x1C00, s22;
	s21 =	sand.u32 $0x70, s26;
	v15 =	vld [tilespmem:s19+$0x1B00];
	v16 =	vmul.f32 v17, v9;
	v17 =	vmul.f32 v19, v10;
	v20 =	vadd.f32 v22, v20  }
0xf4: {  	s23 =	simm.s32 $0x30;
	v3 =	vbroadcast v3, $0xF;
	s21 =	sor.u32 s21, s28;
	v19 =	vmul.f32 v21, v4;
	v11 =	vld [tilespmem:s19+$0x1B80]  }
.LBB2_5:
0xf5: {  	p0 =	sne.s32 s23, $0x2F0;
	v21 =	vld [tilespmem:s21+$0x1900];
	v16 =	vadd.f32 v17, v16;
	v12 =	vmul.f32 v12, v8;
	v17 =	vadd.f32 v18, v20  }
0xf6: {  	v20 =	vld [tilespmem:s21+$0x1980];
	v18 =	vmul.f32 v14, v3  }
0xf7: {  	v14 =	vadd.f32 v12, v16;
	v13 =	vmul.f32 v13, v7;
	v22 =	vld [tilespmem:s19+$0x1C00];
	v16 =	vadd.f32 v19, v17  }
.Ltmp1:
0xf8: {  	v12 =	vld [tilespmem:s21+$0x1A00];
	(pc) =	sbr.rel @p0 .LBB2_5-.Ltmp1, $4  }
0xf9: {  	v19 =	vadd.f32 v13, v14;
	v15 =	vmul.f32 v15, v6;
	v14 =	vld [tilespmem:s19+$0x1C80];
	v23 =	vadd.f32 v18, v16  }
0xfa: {  	s22 =	sadd.s32 $0x80, s22;
	v18 =	vmul.f32 v11, v5;
	v13 =	vld [tilespmem:s21+$0x1A80]  }
0xfb: {  	s24 =	sand.u32 $0x70, s23;
	s25 =	sand.u32 $0x1C00, s22;
	v16 =	vmul.f32 v21, v9;
	v17 =	vmul.f32 v20, v10;
	v11 =	vld [tilespmem:s21+$0x1B80];
	v20 =	vadd.f32 v15, v19;
	[tilespmem:s20+$0x18180] =	vst v23;
	s20 =	smov.u32 s19  }
0xfc: {  	s23 =	sadd.s32 $0x10, s23;
	s19 =	smov.u32 s21;
	v15 =	vld [tilespmem:s21+$0x1B00];
	v19 =	vmul.f32 v22, v4;
	s21 =	sor.u32 s24, s25  }
0xfd: {  	v21 =	vld [tilespmem:s21+$0x1900];
	v18 =	vadd.f32 v18, v20  }
0xfe: {  	v20 =	vld [tilespmem:s21+$0x1980]  }
0xff: {  	v22 =	vld [tilespmem:s19+$0x1C00];
	v14 =	vmul.f32 v14, v3;
	v18 =	vadd.f32 v19, v18  }
0x100: {  	v19 =	vld [tilespmem:s21+$0x1A00]  }
0x101: {  	v23 =	vld [tilespmem:s19+$0x1C80];
	v14 =	vadd.f32 v14, v18  }
0x102: {  	v18 =	vld [tilespmem:s21+$0x1A80]  }
0x103: {  	v24 =	vld [tilespmem:s21+$0x1B80];
	v9 =	vmul.f32 v21, v9;
	v10 =	vmul.f32 v20, v10;
	[tilespmem:s20+$0x18180] =	vst v14  }
0x104: {  	v12 =	vmul.f32 v12, v8;
	v14 =	vadd.f32 v17, v16;
	v16 =	vld [tilespmem:s21+$0x1B00]  }
0x105: {  	v9 =	vadd.f32 v10, v9;
	v8 =	vmul.f32 v19, v8  }
0x106: {  	v10 =	vadd.f32 v12, v14;
	v12 =	vmul.f32 v13, v7  }
0x107: {  	v8 =	vadd.f32 v8, v9;
	v7 =	vmul.f32 v18, v7  }
0x108: {  	v9 =	vadd.f32 v12, v10;
	v10 =	vmul.f32 v15, v6;
	v12 =	vld [tilespmem:s21+$0x1C00]  }
0x109: {  	v7 =	vadd.f32 v7, v8;
	v6 =	vmul.f32 v16, v6  }
0x10a: {  	v8 =	vmul.f32 v11, v5;
	v9 =	vadd.f32 v10, v9;
	v10 =	vld [tilespmem:s21+$0x1C80]  }
0x10b: {  	v5 =	vmul.f32 v24, v5;
	v6 =	vadd.f32 v6, v7  }
0x10c: {  	v7 =	vmul.f32 v22, v4;
	v8 =	vadd.f32 v8, v9  }
0x10d: {  	v4 =	vmul.f32 v12, v4;
	v5 =	vadd.f32 v5, v6  }
0x10e: {  	v6 =	vmul.f32 v23, v3;
	v7 =	vadd.f32 v7, v8  }
0x10f: {  	v3 =	vmul.f32 v10, v3;
	v4 =	vadd.f32 v4, v5  }
0x110: {  	v5 =	vadd.f32 v6, v7  }
0x111: {  	v3 =	vadd.f32 v3, v4  }
0x112: {  	s23 =	simm.s32 $0x0;
	[tilespmem:s19+$0x18180] =	vst v5  }
0x113: {  	s24 =	sand.u32 $0x70, s23;
	s19 =	sand.u32 $0x1C00, s23;
	[tilespmem:s21+$0x18180] =	vst v3  }
0x114: {  	s20 =	sor.u32 s24, s19;
	v3 =	vld [tilespmem:$0x90]  }
0x115: {  	v12 =	vld [tilespmem:s20+$0x3100]  }
0x116: {  	v13 =	vld [tilespmem:s20+$0x3180];
	_ =	sdelay $0x1  }
0x117: {  	v14 =	vld [tilespmem:s20+$0x3200]  }
0x118: {  	v10 =	vbroadcast v3, $0x0;
	v11 =	vbroadcast v3, $0x1  }
0x119: {  	s25 =	simm.s32 $0x10;
	s26 =	simm.s32 $0x80;
	v15 =	vld [tilespmem:s20+$0x3280];
	v9 =	vbroadcast v3, $0x2  }
0x11a: {  	s19 =	sand.u32 $0x70, s25;
	s21 =	sand.u32 $0x1C00, s26;
	v16 =	vld [tilespmem:s20+$0x3380];
	v12 =	vmul.f32 v12, v10;
	v13 =	vmul.f32 v13, v11  }
0x11b: {  	s19 =	sor.u32 s19, s21;
	v17 =	vld [tilespmem:s20+$0x3300]  }
0x11c: {  	v18 =	vld [tilespmem:s19+$0x3100];
	v8 =	vbroadcast v3, $0x3;
	v12 =	vadd.f32 v13, v12;
	v13 =	vmul.f32 v14, v9  }
0x11d: {  	v20 =	vld [tilespmem:s19+$0x3180]  }
0x11e: {  	v22 =	vld [tilespmem:s20+$0x3400];
	v7 =	vbroadcast v3, $0x4;
	v14 =	vmul.f32 v15, v8;
	v12 =	vadd.f32 v13, v12  }
0x11f: {  	v6 =	vbroadcast v3, $0x5;
	v13 =	vld [tilespmem:s19+$0x3200]  }
0x120: {  	v23 =	vmul.f32 v17, v7;
	v15 =	vld [tilespmem:s20+$0x3480];
	v21 =	vadd.f32 v14, v12  }
0x121: {  	s28 =	simm.s32 $0x20;
	s22 =	simm.s32 $0x100;
	v5 =	vbroadcast v3, $0x6;
	v19 =	vmul.f32 v16, v6;
	v14 =	vld [tilespmem:s19+$0x3280]  }
0x122: {  	s23 =	sand.u32 $0x1C00, s22;
	s21 =	sand.u32 $0x70, s28;
	v17 =	vmul.f32 v18, v10;
	v18 =	vmul.f32 v20, v11;
	v16 =	vld [tilespmem:s19+$0x3300];
	v21 =	vadd.f32 v23, v21  }
0x123: {  	s21 =	sor.u32 s21, s23;
	s23 =	simm.s32 $0x30;
	v4 =	vbroadcast v3, $0x7;
	v20 =	vmul.f32 v22, v5;
	v12 =	vld [tilespmem:s19+$0x3380]  }
.LBB2_7:
0x124: {  	p0 =	seq.s32 s23, $0x2F0;
	v22 =	vld [tilespmem:s21+$0x3100];
	v17 =	vadd.f32 v18, v17;
	v13 =	vmul.f32 v13, v9;
	v18 =	vadd.f32 v19, v21  }
0x125: {  	v21 =	vld [tilespmem:s21+$0x3180];
	v19 =	vmul.f32 v15, v4  }
0x126: {  	v15 =	vadd.f32 v13, v17;
	v14 =	vmul.f32 v14, v8;
	v23 =	vld [tilespmem:s19+$0x3400];
	v17 =	vadd.f32 v20, v18  }
.Ltmp2:
0x127: {  	v13 =	vld [tilespmem:s21+$0x3200];
	(pc) =	sbr.rel @!p0 .LBB2_7-.Ltmp2, $4  }
0x128: {  	v20 =	vadd.f32 v14, v15;
	v16 =	vmul.f32 v16, v7;
	v15 =	vld [tilespmem:s19+$0x3480];
	v24 =	vadd.f32 v19, v17  }
0x129: {  	s22 =	sadd.s32 $0x80, s22;
	v19 =	vmul.f32 v12, v6;
	v14 =	vld [tilespmem:s21+$0x3280]  }
0x12a: {  	s24 =	sand.u32 $0x70, s23;
	s25 =	sand.u32 $0x1C00, s22;
	v17 =	vmul.f32 v22, v10;
	v18 =	vmul.f32 v21, v11;
	v12 =	vld [tilespmem:s21+$0x3380];
	v21 =	vadd.f32 v16, v20;
	[tilespmem:s20+$0x18200] =	vst v24;
	s20 =	smov.u32 s19  }
0x12b: {  	s23 =	sadd.s32 $0x10, s23;
	s19 =	smov.u32 s21;
	v16 =	vld [tilespmem:s21+$0x3300];
	v20 =	vmul.f32 v23, v5;
	s21 =	sor.u32 s24, s25  }
0x12c: {  	v22 =	vld [tilespmem:s21+$0x3100];
	v19 =	vadd.f32 v19, v21  }
0x12d: {  	v21 =	vld [tilespmem:s21+$0x3180]  }
0x12e: {  	v23 =	vld [tilespmem:s19+$0x3400];
	v15 =	vmul.f32 v15, v4;
	v19 =	vadd.f32 v20, v19  }
0x12f: {  	v20 =	vld [tilespmem:s21+$0x3200]  }
0x130: {  	v24 =	vld [tilespmem:s19+$0x3480];
	v15 =	vadd.f32 v15, v19  }
0x131: {  	v19 =	vld [tilespmem:s21+$0x3280]  }
0x132: {  	v25 =	vld [tilespmem:s21+$0x3380];
	v10 =	vmul.f32 v22, v10;
	v11 =	vmul.f32 v21, v11;
	[tilespmem:s20+$0x18200] =	vst v15  }
0x133: {  	v13 =	vmul.f32 v13, v9;
	v15 =	vadd.f32 v18, v17;
	v17 =	vld [tilespmem:s21+$0x3300]  }
0x134: {  	v10 =	vadd.f32 v11, v10;
	v9 =	vmul.f32 v20, v9  }
0x135: {  	v11 =	vadd.f32 v13, v15;
	v13 =	vmul.f32 v14, v8  }
0x136: {  	v9 =	vadd.f32 v9, v10;
	v8 =	vmul.f32 v19, v8  }
0x137: {  	v10 =	vadd.f32 v13, v11;
	v11 =	vmul.f32 v16, v7;
	v13 =	vld [tilespmem:s21+$0x3400]  }
0x138: {  	v8 =	vadd.f32 v8, v9;
	v7 =	vmul.f32 v17, v7  }
0x139: {  	v9 =	vmul.f32 v12, v6;
	v10 =	vadd.f32 v11, v10;
	v11 =	vld [tilespmem:s21+$0x3480]  }
0x13a: {  	v6 =	vmul.f32 v25, v6;
	v7 =	vadd.f32 v7, v8  }
0x13b: {  	v8 =	vmul.f32 v23, v5;
	v9 =	vadd.f32 v9, v10  }
0x13c: {  	v5 =	vmul.f32 v13, v5;
	v6 =	vadd.f32 v6, v7  }
0x13d: {  	v7 =	vmul.f32 v24, v4;
	v8 =	vadd.f32 v8, v9  }
0x13e: {  	v4 =	vmul.f32 v11, v4;
	v5 =	vadd.f32 v5, v6  }
0x13f: {  	v6 =	vadd.f32 v7, v8  }
0x140: {  	s23 =	simm.s32 $0x0;
	v4 =	vadd.f32 v4, v5  }
0x141: {  	s24 =	sand.u32 $0x70, s23;
	[tilespmem:s19+$0x18200] =	vst v6;
	s19 =	sand.u32 $0x1C00, s23  }
0x142: {  	s20 =	sor.u32 s24, s19;
	[tilespmem:s21+$0x18200] =	vst v4  }
0x143: {  	v11 =	vld [tilespmem:s20+$0x4900]  }
0x144: {  	v12 =	vld [tilespmem:s20+$0x4980];
	_ =	sdelay $0x1  }
0x145: {  	v13 =	vld [tilespmem:s20+$0x4A00]  }
0x146: {  	v10 =	vbroadcast v3, $0x9;
	v9 =	vbroadcast v3, $0x8  }
0x147: {  	s25 =	simm.s32 $0x10;
	s26 =	simm.s32 $0x80;
	v8 =	vbroadcast v3, $0xA;
	v14 =	vld [tilespmem:s20+$0x4A80]  }
0x148: {  	s19 =	sand.u32 $0x70, s25;
	s21 =	sand.u32 $0x1C00, s26;
	v15 =	vld [tilespmem:s20+$0x4B80];
	v11 =	vmul.f32 v11, v9;
	v12 =	vmul.f32 v12, v10  }
0x149: {  	s19 =	sor.u32 s19, s21;
	v16 =	vld [tilespmem:s20+$0x4B00]  }
0x14a: {  	v7 =	vbroadcast v3, $0xB;
	v17 =	vld [tilespmem:s19+$0x4900];
	v11 =	vadd.f32 v12, v11;
	v12 =	vmul.f32 v13, v8  }
0x14b: {  	v19 =	vld [tilespmem:s19+$0x4980]  }
0x14c: {  	v6 =	vbroadcast v3, $0xC;
	v21 =	vld [tilespmem:s20+$0x4C00];
	v13 =	vmul.f32 v14, v7;
	v11 =	vadd.f32 v12, v11  }
0x14d: {  	v5 =	vbroadcast v3, $0xD;
	v12 =	vld [tilespmem:s19+$0x4A00]  }
0x14e: {  	v22 =	vmul.f32 v16, v6;
	v14 =	vld [tilespmem:s20+$0x4C80];
	v20 =	vadd.f32 v13, v11  }
0x14f: {  	s28 =	simm.s32 $0x20;
	s22 =	simm.s32 $0x100;
	v4 =	vbroadcast v3, $0xE;
	v18 =	vmul.f32 v15, v5;
	v13 =	vld [tilespmem:s19+$0x4A80]  }
0x150: {  	s23 =	sand.u32 $0x1C00, s22;
	s21 =	sand.u32 $0x70, s28;
	v15 =	vld [tilespmem:s19+$0x4B00];
	v16 =	vmul.f32 v17, v9;
	v17 =	vmul.f32 v19, v10;
	v20 =	vadd.f32 v22, v20  }
0x151: {  	v3 =	vbroadcast v3, $0xF;
	s21 =	sor.u32 s21, s23;
	s23 =	simm.s32 $0x30;
	v19 =	vmul.f32 v21, v4;
	v11 =	vld [tilespmem:s19+$0x4B80]  }
.LBB2_9:
0x152: {  	p0 =	sne.s32 s23, $0x2F0;
	v21 =	vld [tilespmem:s21+$0x4900];
	v16 =	vadd.f32 v17, v16;
	v12 =	vmul.f32 v12, v8;
	v17 =	vadd.f32 v18, v20  }
0x153: {  	v20 =	vld [tilespmem:s21+$0x4980];
	v18 =	vmul.f32 v14, v3  }
0x154: {  	v14 =	vadd.f32 v12, v16;
	v13 =	vmul.f32 v13, v7;
	v22 =	vld [tilespmem:s19+$0x4C00];
	v16 =	vadd.f32 v19, v17  }
.Ltmp3:
0x155: {  	v12 =	vld [tilespmem:s21+$0x4A00];
	(pc) =	sbr.rel @p0 .LBB2_9-.Ltmp3, $4  }
0x156: {  	v19 =	vadd.f32 v13, v14;
	v15 =	vmul.f32 v15, v6;
	v14 =	vld [tilespmem:s19+$0x4C80];
	v23 =	vadd.f32 v18, v16  }
0x157: {  	s22 =	sadd.s32 $0x80, s22;
	v18 =	vmul.f32 v11, v5;
	v13 =	vld [tilespmem:s21+$0x4A80]  }
0x158: {  	s24 =	sand.u32 $0x70, s23;
	s25 =	sand.u32 $0x1C00, s22;
	v16 =	vmul.f32 v21, v9;
	v17 =	vmul.f32 v20, v10;
	v11 =	vld [tilespmem:s21+$0x4B80];
	v20 =	vadd.f32 v15, v19;
	[tilespmem:s20+$0x18280] =	vst v23;
	s20 =	smov.u32 s19  }
0x159: {  	s23 =	sadd.s32 $0x10, s23;
	s19 =	smov.u32 s21;
	v15 =	vld [tilespmem:s21+$0x4B00];
	v19 =	vmul.f32 v22, v4;
	s21 =	sor.u32 s24, s25  }
0x15a: {  	v21 =	vld [tilespmem:s21+$0x4900];
	v18 =	vadd.f32 v18, v20  }
0x15b: {  	v20 =	vld [tilespmem:s21+$0x4980]  }
0x15c: {  	v22 =	vld [tilespmem:s19+$0x4C00];
	v14 =	vmul.f32 v14, v3;
	v18 =	vadd.f32 v19, v18  }
0x15d: {  	v19 =	vld [tilespmem:s21+$0x4A00]  }
0x15e: {  	v23 =	vld [tilespmem:s19+$0x4C80];
	v14 =	vadd.f32 v14, v18  }
0x15f: {  	v18 =	vld [tilespmem:s21+$0x4A80]  }
0x160: {  	v24 =	vld [tilespmem:s21+$0x4B80];
	v9 =	vmul.f32 v21, v9;
	v10 =	vmul.f32 v20, v10;
	[tilespmem:s20+$0x18280] =	vst v14  }
0x161: {  	v12 =	vmul.f32 v12, v8;
	v14 =	vadd.f32 v17, v16;
	v16 =	vld [tilespmem:s21+$0x4B00]  }
0x162: {  	v9 =	vadd.f32 v10, v9;
	v8 =	vmul.f32 v19, v8  }
0x163: {  	v10 =	vadd.f32 v12, v14;
	v12 =	vmul.f32 v13, v7  }
0x164: {  	v8 =	vadd.f32 v8, v9;
	v7 =	vmul.f32 v18, v7  }
0x165: {  	v9 =	vadd.f32 v12, v10;
	v10 =	vmul.f32 v15, v6;
	v12 =	vld [tilespmem:s21+$0x4C00]  }
0x166: {  	v7 =	vadd.f32 v7, v8;
	v6 =	vmul.f32 v16, v6  }
0x167: {  	v8 =	vmul.f32 v11, v5;
	v9 =	vadd.f32 v10, v9;
	v10 =	vld [tilespmem:s21+$0x4C80]  }
0x168: {  	v5 =	vmul.f32 v24, v5;
	v6 =	vadd.f32 v6, v7  }
0x169: {  	v7 =	vmul.f32 v22, v4;
	v8 =	vadd.f32 v8, v9  }
0x16a: {  	v4 =	vmul.f32 v12, v4;
	v5 =	vadd.f32 v5, v6  }
0x16b: {  	v6 =	vmul.f32 v23, v3;
	v7 =	vadd.f32 v7, v8  }
0x16c: {  	v3 =	vmul.f32 v10, v3;
	v4 =	vadd.f32 v4, v5  }
0x16d: {  	v5 =	vadd.f32 v6, v7  }
0x16e: {  	v3 =	vadd.f32 v3, v4  }
0x16f: {  	s23 =	simm.s32 $0x0;
	[tilespmem:s19+$0x18280] =	vst v5  }
0x170: {  	s24 =	sand.u32 $0x70, s23;
	s19 =	sand.u32 $0x1C00, s23;
	[tilespmem:s21+$0x18280] =	vst v3  }
0x171: {  	s20 =	sor.u32 s24, s19;
	v3 =	vld [tilespmem:$0xA0]  }
0x172: {  	v12 =	vld [tilespmem:s20+$0x6100]  }
0x173: {  	v13 =	vld [tilespmem:s20+$0x6180];
	_ =	sdelay $0x1  }
0x174: {  	v14 =	vld [tilespmem:s20+$0x6200]  }
0x175: {  	v10 =	vbroadcast v3, $0x0;
	v11 =	vbroadcast v3, $0x1  }
0x176: {  	s25 =	simm.s32 $0x10;
	s26 =	simm.s32 $0x80;
	v15 =	vld [tilespmem:s20+$0x6280];
	v9 =	vbroadcast v3, $0x2  }
0x177: {  	s19 =	sand.u32 $0x70, s25;
	s21 =	sand.u32 $0x1C00, s26;
	v16 =	vld [tilespmem:s20+$0x6380];
	v12 =	vmul.f32 v12, v10;
	v13 =	vmul.f32 v13, v11  }
0x178: {  	s19 =	sor.u32 s19, s21;
	v17 =	vld [tilespmem:s20+$0x6300]  }
0x179: {  	v18 =	vld [tilespmem:s19+$0x6100];
	v8 =	vbroadcast v3, $0x3;
	v12 =	vadd.f32 v13, v12;
	v13 =	vmul.f32 v14, v9  }
0x17a: {  	v20 =	vld [tilespmem:s19+$0x6180]  }
0x17b: {  	v22 =	vld [tilespmem:s20+$0x6400];
	v7 =	vbroadcast v3, $0x4;
	v14 =	vmul.f32 v15, v8;
	v12 =	vadd.f32 v13, v12  }
0x17c: {  	v6 =	vbroadcast v3, $0x5;
	v13 =	vld [tilespmem:s19+$0x6200]  }
0x17d: {  	v23 =	vmul.f32 v17, v7;
	v15 =	vld [tilespmem:s20+$0x6480];
	v21 =	vadd.f32 v14, v12  }
0x17e: {  	s28 =	simm.s32 $0x20;
	s22 =	simm.s32 $0x100;
	v5 =	vbroadcast v3, $0x6;
	v19 =	vmul.f32 v16, v6;
	v14 =	vld [tilespmem:s19+$0x6280]  }
0x17f: {  	s23 =	sand.u32 $0x1C00, s22;
	s21 =	sand.u32 $0x70, s28;
	v17 =	vmul.f32 v18, v10;
	v18 =	vmul.f32 v20, v11;
	v16 =	vld [tilespmem:s19+$0x6300];
	v21 =	vadd.f32 v23, v21  }
0x180: {  	s21 =	sor.u32 s21, s23;
	s23 =	simm.s32 $0x30;
	v4 =	vbroadcast v3, $0x7;
	v20 =	vmul.f32 v22, v5;
	v12 =	vld [tilespmem:s19+$0x6380]  }
.LBB2_11:
0x181: {  	p0 =	seq.s32 s23, $0x2F0;
	v22 =	vld [tilespmem:s21+$0x6100];
	v17 =	vadd.f32 v18, v17;
	v13 =	vmul.f32 v13, v9;
	v18 =	vadd.f32 v19, v21  }
0x182: {  	v21 =	vld [tilespmem:s21+$0x6180];
	v19 =	vmul.f32 v15, v4  }
0x183: {  	v15 =	vadd.f32 v13, v17;
	v14 =	vmul.f32 v14, v8;
	v23 =	vld [tilespmem:s19+$0x6400];
	v17 =	vadd.f32 v20, v18  }
.Ltmp4:
0x184: {  	v13 =	vld [tilespmem:s21+$0x6200];
	(pc) =	sbr.rel @!p0 .LBB2_11-.Ltmp4, $4  }
0x185: {  	v20 =	vadd.f32 v14, v15;
	v16 =	vmul.f32 v16, v7;
	v15 =	vld [tilespmem:s19+$0x6480];
	v24 =	vadd.f32 v19, v17  }
0x186: {  	s22 =	sadd.s32 $0x80, s22;
	v19 =	vmul.f32 v12, v6;
	v14 =	vld [tilespmem:s21+$0x6280]  }
0x187: {  	s24 =	sand.u32 $0x70, s23;
	s25 =	sand.u32 $0x1C00, s22;
	v17 =	vmul.f32 v22, v10;
	v18 =	vmul.f32 v21, v11;
	v12 =	vld [tilespmem:s21+$0x6380];
	v21 =	vadd.f32 v16, v20;
	[tilespmem:s20+$0x18300] =	vst v24;
	s20 =	smov.u32 s19  }
0x188: {  	s23 =	sadd.s32 $0x10, s23;
	s19 =	smov.u32 s21;
	v16 =	vld [tilespmem:s21+$0x6300];
	v20 =	vmul.f32 v23, v5;
	s21 =	sor.u32 s24, s25  }
0x189: {  	v22 =	vld [tilespmem:s21+$0x6100];
	v19 =	vadd.f32 v19, v21  }
0x18a: {  	v21 =	vld [tilespmem:s21+$0x6180]  }
0x18b: {  	v23 =	vld [tilespmem:s19+$0x6400];
	v15 =	vmul.f32 v15, v4;
	v19 =	vadd.f32 v20, v19  }
0x18c: {  	v20 =	vld [tilespmem:s21+$0x6200]  }
0x18d: {  	v24 =	vld [tilespmem:s19+$0x6480];
	v15 =	vadd.f32 v15, v19  }
0x18e: {  	v19 =	vld [tilespmem:s21+$0x6280]  }
0x18f: {  	v25 =	vld [tilespmem:s21+$0x6380];
	v10 =	vmul.f32 v22, v10;
	v11 =	vmul.f32 v21, v11;
	[tilespmem:s20+$0x18300] =	vst v15  }
0x190: {  	v13 =	vmul.f32 v13, v9;
	v15 =	vadd.f32 v18, v17;
	v17 =	vld [tilespmem:s21+$0x6300]  }
0x191: {  	v10 =	vadd.f32 v11, v10;
	v9 =	vmul.f32 v20, v9  }
0x192: {  	v11 =	vadd.f32 v13, v15;
	v13 =	vmul.f32 v14, v8  }
0x193: {  	v9 =	vadd.f32 v9, v10;
	v8 =	vmul.f32 v19, v8  }
0x194: {  	v10 =	vadd.f32 v13, v11;
	v11 =	vmul.f32 v16, v7;
	v13 =	vld [tilespmem:s21+$0x6400]  }
0x195: {  	v8 =	vadd.f32 v8, v9;
	v7 =	vmul.f32 v17, v7  }
0x196: {  	v9 =	vmul.f32 v12, v6;
	v10 =	vadd.f32 v11, v10;
	v11 =	vld [tilespmem:s21+$0x6480]  }
0x197: {  	v6 =	vmul.f32 v25, v6;
	v7 =	vadd.f32 v7, v8  }
0x198: {  	v8 =	vmul.f32 v23, v5;
	v9 =	vadd.f32 v9, v10  }
0x199: {  	v5 =	vmul.f32 v13, v5;
	v6 =	vadd.f32 v6, v7  }
0x19a: {  	v7 =	vmul.f32 v24, v4;
	v8 =	vadd.f32 v8, v9  }
0x19b: {  	v4 =	vmul.f32 v11, v4;
	v5 =	vadd.f32 v5, v6  }
0x19c: {  	v6 =	vadd.f32 v7, v8  }
0x19d: {  	s23 =	simm.s32 $0x0;
	v4 =	vadd.f32 v4, v5  }
0x19e: {  	s24 =	sand.u32 $0x70, s23;
	[tilespmem:s19+$0x18300] =	vst v6;
	s19 =	sand.u32 $0x1C00, s23  }
0x19f: {  	s20 =	sor.u32 s24, s19;
	[tilespmem:s21+$0x18300] =	vst v4  }
0x1a0: {  	v11 =	vld [tilespmem:s20+$0x7900]  }
0x1a1: {  	v12 =	vld [tilespmem:s20+$0x7980];
	_ =	sdelay $0x1  }
0x1a2: {  	v13 =	vld [tilespmem:s20+$0x7A00]  }
0x1a3: {  	v10 =	vbroadcast v3, $0x9;
	v9 =	vbroadcast v3, $0x8  }
0x1a4: {  	s25 =	simm.s32 $0x10;
	s26 =	simm.s32 $0x80;
	v8 =	vbroadcast v3, $0xA;
	v14 =	vld [tilespmem:s20+$0x7A80]  }
0x1a5: {  	s19 =	sand.u32 $0x70, s25;
	s21 =	sand.u32 $0x1C00, s26;
	v15 =	vld [tilespmem:s20+$0x7B80];
	v11 =	vmul.f32 v11, v9;
	v12 =	vmul.f32 v12, v10  }
0x1a6: {  	s19 =	sor.u32 s19, s21;
	v16 =	vld [tilespmem:s20+$0x7B00]  }
0x1a7: {  	v7 =	vbroadcast v3, $0xB;
	v17 =	vld [tilespmem:s19+$0x7900];
	v11 =	vadd.f32 v12, v11;
	v12 =	vmul.f32 v13, v8  }
0x1a8: {  	v19 =	vld [tilespmem:s19+$0x7980]  }
0x1a9: {  	v6 =	vbroadcast v3, $0xC;
	v21 =	vld [tilespmem:s20+$0x7C00];
	v13 =	vmul.f32 v14, v7;
	v11 =	vadd.f32 v12, v11  }
0x1aa: {  	v5 =	vbroadcast v3, $0xD;
	v12 =	vld [tilespmem:s19+$0x7A00]  }
0x1ab: {  	v22 =	vmul.f32 v16, v6;
	v14 =	vld [tilespmem:s20+$0x7C80];
	v20 =	vadd.f32 v13, v11  }
0x1ac: {  	s28 =	simm.s32 $0x20;
	s22 =	simm.s32 $0x100;
	v4 =	vbroadcast v3, $0xE;
	v18 =	vmul.f32 v15, v5;
	v13 =	vld [tilespmem:s19+$0x7A80]  }
0x1ad: {  	s23 =	sand.u32 $0x1C00, s22;
	s21 =	sand.u32 $0x70, s28;
	v15 =	vld [tilespmem:s19+$0x7B00];
	v16 =	vmul.f32 v17, v9;
	v17 =	vmul.f32 v19, v10;
	v20 =	vadd.f32 v22, v20  }
0x1ae: {  	v3 =	vbroadcast v3, $0xF;
	s21 =	sor.u32 s21, s23;
	s23 =	simm.s32 $0x30;
	v19 =	vmul.f32 v21, v4;
	v11 =	vld [tilespmem:s19+$0x7B80]  }
.LBB2_13:
0x1af: {  	p0 =	sne.s32 s23, $0x2F0;
	v21 =	vld [tilespmem:s21+$0x7900];
	v16 =	vadd.f32 v17, v16;
	v12 =	vmul.f32 v12, v8;
	v17 =	vadd.f32 v18, v20  }
0x1b0: {  	v20 =	vld [tilespmem:s21+$0x7980];
	v18 =	vmul.f32 v14, v3  }
0x1b1: {  	v14 =	vadd.f32 v12, v16;
	v13 =	vmul.f32 v13, v7;
	v22 =	vld [tilespmem:s19+$0x7C00];
	v16 =	vadd.f32 v19, v17  }
.Ltmp5:
0x1b2: {  	v12 =	vld [tilespmem:s21+$0x7A00];
	(pc) =	sbr.rel @p0 .LBB2_13-.Ltmp5, $4  }
0x1b3: {  	v19 =	vadd.f32 v13, v14;
	v15 =	vmul.f32 v15, v6;
	v14 =	vld [tilespmem:s19+$0x7C80];
	v23 =	vadd.f32 v18, v16  }
0x1b4: {  	s22 =	sadd.s32 $0x80, s22;
	v18 =	vmul.f32 v11, v5;
	v13 =	vld [tilespmem:s21+$0x7A80]  }
0x1b5: {  	s24 =	sand.u32 $0x70, s23;
	s25 =	sand.u32 $0x1C00, s22;
	v16 =	vmul.f32 v21, v9;
	v17 =	vmul.f32 v20, v10;
	v11 =	vld [tilespmem:s21+$0x7B80];
	v20 =	vadd.f32 v15, v19;
	[tilespmem:s20+$0x18380] =	vst v23;
	s20 =	smov.u32 s19  }
0x1b6: {  	s23 =	sadd.s32 $0x10, s23;
	s19 =	smov.u32 s21;
	v15 =	vld [tilespmem:s21+$0x7B00];
	v19 =	vmul.f32 v22, v4;
	s21 =	sor.u32 s24, s25  }
0x1b7: {  	v21 =	vld [tilespmem:s21+$0x7900];
	v18 =	vadd.f32 v18, v20  }
0x1b8: {  	v20 =	vld [tilespmem:s21+$0x7980]  }
0x1b9: {  	v22 =	vld [tilespmem:s19+$0x7C00];
	v14 =	vmul.f32 v14, v3;
	v18 =	vadd.f32 v19, v18  }
0x1ba: {  	v19 =	vld [tilespmem:s21+$0x7A00]  }
0x1bb: {  	v23 =	vld [tilespmem:s19+$0x7C80];
	v14 =	vadd.f32 v14, v18  }
0x1bc: {  	v18 =	vld [tilespmem:s21+$0x7A80]  }
0x1bd: {  	v24 =	vld [tilespmem:s21+$0x7B80];
	v9 =	vmul.f32 v21, v9;
	v10 =	vmul.f32 v20, v10;
	[tilespmem:s20+$0x18380] =	vst v14  }
0x1be: {  	v12 =	vmul.f32 v12, v8;
	v14 =	vadd.f32 v17, v16;
	v16 =	vld [tilespmem:s21+$0x7B00]  }
0x1bf: {  	v9 =	vadd.f32 v10, v9;
	v8 =	vmul.f32 v19, v8  }
0x1c0: {  	v10 =	vadd.f32 v12, v14;
	v12 =	vmul.f32 v13, v7  }
0x1c1: {  	v8 =	vadd.f32 v8, v9;
	v7 =	vmul.f32 v18, v7  }
0x1c2: {  	v9 =	vadd.f32 v12, v10;
	v10 =	vmul.f32 v15, v6;
	v12 =	vld [tilespmem:s21+$0x7C00]  }
0x1c3: {  	v7 =	vadd.f32 v7, v8;
	v6 =	vmul.f32 v16, v6  }
0x1c4: {  	v8 =	vmul.f32 v11, v5;
	v9 =	vadd.f32 v10, v9;
	v10 =	vld [tilespmem:s21+$0x7C80]  }
0x1c5: {  	v5 =	vmul.f32 v24, v5;
	v6 =	vadd.f32 v6, v7  }
0x1c6: {  	v7 =	vmul.f32 v22, v4;
	v8 =	vadd.f32 v8, v9  }
0x1c7: {  	v4 =	vmul.f32 v12, v4;
	v5 =	vadd.f32 v5, v6  }
0x1c8: {  	v6 =	vmul.f32 v23, v3;
	v7 =	vadd.f32 v7, v8  }
0x1c9: {  	v3 =	vmul.f32 v10, v3;
	v4 =	vadd.f32 v4, v5  }
0x1ca: {  	v5 =	vadd.f32 v6, v7  }
0x1cb: {  	v3 =	vadd.f32 v3, v4  }
0x1cc: {  	s23 =	simm.s32 $0x0;
	[tilespmem:s19+$0x18380] =	vst v5  }
0x1cd: {  	s24 =	sand.u32 $0x70, s23;
	s19 =	sand.u32 $0x1C00, s23;
	[tilespmem:s21+$0x18380] =	vst v3  }
0x1ce: {  	s20 =	sor.u32 s24, s19;
	v3 =	vld [tilespmem:$0xB0]  }
0x1cf: {  	v12 =	vld [tilespmem:s20+$0x9100]  }
0x1d0: {  	v13 =	vld [tilespmem:s20+$0x9180];
	_ =	sdelay $0x1  }
0x1d1: {  	v14 =	vld [tilespmem:s20+$0x9200]  }
0x1d2: {  	v10 =	vbroadcast v3, $0x0;
	v11 =	vbroadcast v3, $0x1  }
0x1d3: {  	s25 =	simm.s32 $0x10;
	s26 =	simm.s32 $0x80;
	v15 =	vld [tilespmem:s20+$0x9280];
	v9 =	vbroadcast v3, $0x2  }
0x1d4: {  	s19 =	sand.u32 $0x70, s25;
	s21 =	sand.u32 $0x1C00, s26;
	v16 =	vld [tilespmem:s20+$0x9380];
	v12 =	vmul.f32 v12, v10;
	v13 =	vmul.f32 v13, v11  }
0x1d5: {  	s19 =	sor.u32 s19, s21;
	v17 =	vld [tilespmem:s20+$0x9300]  }
0x1d6: {  	v18 =	vld [tilespmem:s19+$0x9100];
	v8 =	vbroadcast v3, $0x3;
	v12 =	vadd.f32 v13, v12;
	v13 =	vmul.f32 v14, v9  }
0x1d7: {  	v20 =	vld [tilespmem:s19+$0x9180]  }
0x1d8: {  	v22 =	vld [tilespmem:s20+$0x9400];
	v7 =	vbroadcast v3, $0x4;
	v14 =	vmul.f32 v15, v8;
	v12 =	vadd.f32 v13, v12  }
0x1d9: {  	v6 =	vbroadcast v3, $0x5;
	v13 =	vld [tilespmem:s19+$0x9200]  }
0x1da: {  	v23 =	vmul.f32 v17, v7;
	v15 =	vld [tilespmem:s20+$0x9480];
	v21 =	vadd.f32 v14, v12  }
0x1db: {  	s28 =	simm.s32 $0x20;
	s22 =	simm.s32 $0x100;
	v5 =	vbroadcast v3, $0x6;
	v19 =	vmul.f32 v16, v6;
	v14 =	vld [tilespmem:s19+$0x9280]  }
0x1dc: {  	s23 =	sand.u32 $0x1C00, s22;
	s21 =	sand.u32 $0x70, s28;
	v17 =	vmul.f32 v18, v10;
	v18 =	vmul.f32 v20, v11;
	v16 =	vld [tilespmem:s19+$0x9300];
	v21 =	vadd.f32 v23, v21  }
0x1dd: {  	s21 =	sor.u32 s21, s23;
	s23 =	simm.s32 $0x30;
	v4 =	vbroadcast v3, $0x7;
	v20 =	vmul.f32 v22, v5;
	v12 =	vld [tilespmem:s19+$0x9380]  }
.LBB2_15:
0x1de: {  	p0 =	seq.s32 s23, $0x2F0;
	v22 =	vld [tilespmem:s21+$0x9100];
	v17 =	vadd.f32 v18, v17;
	v13 =	vmul.f32 v13, v9;
	v18 =	vadd.f32 v19, v21  }
0x1df: {  	v21 =	vld [tilespmem:s21+$0x9180];
	v19 =	vmul.f32 v15, v4  }
0x1e0: {  	v15 =	vadd.f32 v13, v17;
	v14 =	vmul.f32 v14, v8;
	v23 =	vld [tilespmem:s19+$0x9400];
	v17 =	vadd.f32 v20, v18  }
.Ltmp6:
0x1e1: {  	v13 =	vld [tilespmem:s21+$0x9200];
	(pc) =	sbr.rel @!p0 .LBB2_15-.Ltmp6, $4  }
0x1e2: {  	v20 =	vadd.f32 v14, v15;
	v16 =	vmul.f32 v16, v7;
	v15 =	vld [tilespmem:s19+$0x9480];
	v24 =	vadd.f32 v19, v17  }
0x1e3: {  	s22 =	sadd.s32 $0x80, s22;
	v19 =	vmul.f32 v12, v6;
	v14 =	vld [tilespmem:s21+$0x9280]  }
0x1e4: {  	s24 =	sand.u32 $0x70, s23;
	s25 =	sand.u32 $0x1C00, s22;
	v17 =	vmul.f32 v22, v10;
	v18 =	vmul.f32 v21, v11;
	v12 =	vld [tilespmem:s21+$0x9380];
	v21 =	vadd.f32 v16, v20;
	[tilespmem:s20+$0x18400] =	vst v24;
	s20 =	smov.u32 s19  }
0x1e5: {  	s23 =	sadd.s32 $0x10, s23;
	s19 =	smov.u32 s21;
	v16 =	vld [tilespmem:s21+$0x9300];
	v20 =	vmul.f32 v23, v5;
	s21 =	sor.u32 s24, s25  }
0x1e6: {  	v22 =	vld [tilespmem:s21+$0x9100]  }
0x1e7: {  	v19 =	vadd.f32 v19, v21;
	v57 =	vld [tilespmem:s21+$0x9180];
	_ =	sdelay $0x1  }
0x1e8: {  	v58 =	vld [tilespmem:s21+$0x9200];
	v15 =	vmul.f32 v15, v4;
	v19 =	vadd.f32 v20, v19  }
0x1e9: {  	v23 =	vld [tilespmem:s19+$0x9400]  }
0x1ea: {  	v59 =	vld [tilespmem:s21+$0x9280];
	v15 =	vadd.f32 v15, v19  }
0x1eb: {  	v24 =	vld [tilespmem:s19+$0x9480];
	v10 =	vmul.f32 v22, v10;
	v11 =	vmul.f32 v57, v11  }
0x1ec: {  	v25 =	vld [tilespmem:s21+$0x9380];
	v60 =	vadd.f32 v18, v17;
	v13 =	vmul.f32 v13, v9;
	[tilespmem:s20+$0x18400] =	vst v15  }
0x1ed: {  	v9 =	vmul.f32 v58, v9;
	v61 =	vld [tilespmem:s21+$0x9300];
	v10 =	vadd.f32 v11, v10  }
0x1ee: {  	v62 =	vmul.f32 v14, v8;
	v11 =	vadd.f32 v13, v60  }
0x1ef: {  	v8 =	vmul.f32 v59, v8;
	v9 =	vadd.f32 v9, v10  }
0x1f0: {  	v63 =	vld [tilespmem:s21+$0x9400];
	v10 =	vadd.f32 v62, v11;
	v11 =	vmul.f32 v16, v7  }
0x1f1: {  	v8 =	vadd.f32 v8, v9  }
0x1f2: {  	v9 =	vmul.f32 v12, v6;
	v10 =	vadd.f32 v11, v10;
	v7 =	vmul.f32 v61, v7  }
0x1f3: {  	v11 =	vld [tilespmem:s21+$0x9480];
	v6 =	vmul.f32 v25, v6  }
0x1f4: {  	v9 =	vadd.f32 v9, v10;
	v7 =	vadd.f32 v7, v8;
	v8 =	vmul.f32 v23, v5  }
0x1f5: {  	v5 =	vmul.f32 v63, v5  }
0x1f6: {  	v6 =	vadd.f32 v6, v7;
	v7 =	vmul.f32 v24, v4;
	v8 =	vadd.f32 v8, v9;
	_ =	sdelay $0x1  }
0x1f7: {  	v4 =	vmul.f32 v11, v4;
	v5 =	vadd.f32 v5, v6;
	v6 =	vadd.f32 v7, v8  }
0x1f8: {  	v10 =	vbroadcast v3, $0x9;
	v9 =	vbroadcast v3, $0x8  }
0x1f9: {  	v8 =	vbroadcast v3, $0xA;
	v7 =	vbroadcast v3, $0xB;
	v4 =	vadd.f32 v4, v5;
	[tilespmem:s19+$0x18400] =	vst v6;
	s19 =	simm.s32 $0x0  }
0x1fa: {  	v6 =	vbroadcast v3, $0xC;
	v5 =	vbroadcast v3, $0xD;
	s26 =	sand.u32 $0x70, s19;
	s28 =	sand.u32 $0x1C00, s19  }
0x1fb: {  	s20 =	simm.s32 $0x0;
	[tilespmem:s21+$0x18400] =	vst v4;
	v4 =	vbroadcast v3, $0xE;
	v3 =	vbroadcast v3, $0xF;
	s22 =	sor.u32 s26, s28;
	s21 =	simm.s32 $0x10  }
.LBB2_17:
0x1fc: {  	p0 =	sne.s32 s21, $0x2F0;
	v11 =	vld [tilespmem:s22+$0xA900]  }
0x1fd: {  	v12 =	vld [tilespmem:s22+$0xA980];
	_ =	sdelay $0x1  }
0x1fe: {  	v13 =	vld [tilespmem:s22+$0xAA00];
	_ =	sdelay $0x1  }
0x1ff: {  	v14 =	vld [tilespmem:s22+$0xAA80]  }
0x200: {  	v11 =	vmul.f32 v11, v9;
	v12 =	vmul.f32 v12, v10  }
0x201: {  	v15 =	vld [tilespmem:s22+$0xAB00]  }
0x202: {  	v11 =	vadd.f32 v12, v11;
	v12 =	vmul.f32 v13, v8  }
0x203: {  	v13 =	vld [tilespmem:s22+$0xAB80]  }
0x204: {  	v11 =	vadd.f32 v12, v11;
	v12 =	vmul.f32 v14, v7  }
0x205: {  	v14 =	vld [tilespmem:s22+$0xAC00]  }
0x206: {  	v11 =	vadd.f32 v12, v11;
	v12 =	vmul.f32 v15, v6  }
0x207: {  	v15 =	vld [tilespmem:s22+$0xAC80]  }
0x208: {  	v11 =	vadd.f32 v12, v11;
	v12 =	vmul.f32 v13, v5;
	_ =	sdelay $0x1  }
0x209: {  	v11 =	vadd.f32 v12, v11;
	v12 =	vmul.f32 v14, v4;
	_ =	sdelay $0x1  }
.Ltmp7:
0x20a: {  	v11 =	vadd.f32 v12, v11;
	v12 =	vmul.f32 v15, v3;
	(pc) =	sbr.rel @p0 .LBB2_17-.Ltmp7, $4  }
0x20b: {  	_ = 	snop  }
0x20c: {  	s22 =	sor.u32 s20, s19;
	s20 =	sadd.s32 $0x80, s20;
	s19 =	smov.u32 s21;
	v11 =	vadd.f32 v12, v11  }
0x20d: {  	s23 =	sand.u32 $0x70, s21;
	s24 =	sand.u32 $0x1C00, s20;
	s25 =	sor.u32 $0x380, s22  }
0x20e: {  	s21 =	sadd.s32 $0x10, s21;
	s22 =	sor.u32 s23, s24;
	[tilespmem:s25+$0x18100] =	vst v11  }
0x20f: {  	v11 =	vld [tilespmem:s22+$0xA900]  }
0x210: {  	v12 =	vld [tilespmem:s22+$0xA980];
	_ =	sdelay $0x1  }
0x211: {  	v13 =	vld [tilespmem:s22+$0xAA00];
	_ =	sdelay $0x1  }
0x212: {  	v14 =	vld [tilespmem:s22+$0xAA80]  }
0x213: {  	v9 =	vmul.f32 v11, v9;
	v10 =	vmul.f32 v12, v10  }
0x214: {  	v11 =	vld [tilespmem:s22+$0xAB00]  }
0x215: {  	v8 =	vmul.f32 v13, v8;
	v9 =	vadd.f32 v10, v9  }
0x216: {  	v10 =	vld [tilespmem:s22+$0xAB80]  }
0x217: {  	v7 =	vmul.f32 v14, v7;
	v8 =	vadd.f32 v8, v9  }
0x218: {  	v9 =	vld [tilespmem:s22+$0xAC00]  }
0x219: {  	v6 =	vmul.f32 v11, v6;
	v7 =	vadd.f32 v7, v8  }
0x21a: {  	v8 =	vld [tilespmem:s22+$0xAC80]  }
0x21b: {  	v5 =	vmul.f32 v10, v5;
	v6 =	vadd.f32 v6, v7;
	_ =	sdelay $0x1  }
0x21c: {  	v4 =	vmul.f32 v9, v4;
	v5 =	vadd.f32 v5, v6;
	_ =	sdelay $0x1  }
0x21d: {  	v3 =	vmul.f32 v8, v3;
	v4 =	vadd.f32 v4, v5;
	_ =	sdelay $0x1  }
0x21e: {  	s19 =	sor.u32 s20, s19;
	v3 =	vadd.f32 v3, v4  }
0x21f: {  	s24 =	simm.s32 $0x0;
	s19 =	sor.u32 $0x380, s19  }
0x220: {  	s25 =	sand.u32 $0x70, s24;
	[tilespmem:s19+$0x18100] =	vst v3;
	s19 =	sand.u32 $0x1C00, s24  }
0x221: {  	v3 =	vld [tilespmem:$0xC0];
	s20 =	sor.u32 s25, s19  }
0x222: {  	v12 =	vld [tilespmem:s20+$0xC100]  }
0x223: {  	v13 =	vld [tilespmem:s20+$0xC180];
	_ =	sdelay $0x1  }
0x224: {  	v14 =	vld [tilespmem:s20+$0xC200]  }
0x225: {  	v10 =	vbroadcast v3, $0x0;
	v11 =	vbroadcast v3, $0x1  }
0x226: {  	s26 =	simm.s32 $0x10;
	s21 =	simm.s32 $0x80;
	v15 =	vld [tilespmem:s20+$0xC280];
	v9 =	vbroadcast v3, $0x2  }
0x227: {  	s21 =	sand.u32 $0x1C00, s21;
	s19 =	sand.u32 $0x70, s26;
	v16 =	vld [tilespmem:s20+$0xC380];
	v12 =	vmul.f32 v12, v10;
	v13 =	vmul.f32 v13, v11  }
0x228: {  	s19 =	sor.u32 s19, s21;
	v17 =	vld [tilespmem:s20+$0xC300]  }
0x229: {  	v18 =	vld [tilespmem:s19+$0xC100];
	v8 =	vbroadcast v3, $0x3;
	v12 =	vadd.f32 v13, v12;
	v13 =	vmul.f32 v14, v9  }
0x22a: {  	v20 =	vld [tilespmem:s19+$0xC180]  }
0x22b: {  	v22 =	vld [tilespmem:s20+$0xC400];
	v7 =	vbroadcast v3, $0x4;
	v14 =	vmul.f32 v15, v8;
	v12 =	vadd.f32 v13, v12  }
0x22c: {  	v6 =	vbroadcast v3, $0x5;
	v13 =	vld [tilespmem:s19+$0xC200]  }
0x22d: {  	v23 =	vmul.f32 v17, v7;
	v15 =	vld [tilespmem:s20+$0xC480];
	v21 =	vadd.f32 v14, v12  }
0x22e: {  	s28 =	simm.s32 $0x20;
	s22 =	simm.s32 $0x100;
	v5 =	vbroadcast v3, $0x6;
	v19 =	vmul.f32 v16, v6;
	v14 =	vld [tilespmem:s19+$0xC280]  }
0x22f: {  	s23 =	sand.u32 $0x1C00, s22;
	s21 =	sand.u32 $0x70, s28;
	v17 =	vmul.f32 v18, v10;
	v18 =	vmul.f32 v20, v11;
	v16 =	vld [tilespmem:s19+$0xC300];
	v21 =	vadd.f32 v23, v21  }
0x230: {  	s21 =	sor.u32 s21, s23;
	s23 =	simm.s32 $0x30;
	v4 =	vbroadcast v3, $0x7;
	v20 =	vmul.f32 v22, v5;
	v12 =	vld [tilespmem:s19+$0xC380]  }
.LBB2_19:
0x231: {  	p0 =	seq.s32 s23, $0x2F0;
	v22 =	vld [tilespmem:s21+$0xC100];
	v17 =	vadd.f32 v18, v17;
	v13 =	vmul.f32 v13, v9;
	v18 =	vadd.f32 v19, v21  }
0x232: {  	v21 =	vld [tilespmem:s21+$0xC180];
	v19 =	vmul.f32 v15, v4  }
0x233: {  	v15 =	vadd.f32 v13, v17;
	v14 =	vmul.f32 v14, v8;
	v23 =	vld [tilespmem:s19+$0xC400];
	v17 =	vadd.f32 v20, v18  }
.Ltmp8:
0x234: {  	v13 =	vld [tilespmem:s21+$0xC200];
	(pc) =	sbr.rel @!p0 .LBB2_19-.Ltmp8, $4  }
0x235: {  	v20 =	vadd.f32 v14, v15;
	v16 =	vmul.f32 v16, v7;
	v15 =	vld [tilespmem:s19+$0xC480];
	v24 =	vadd.f32 v19, v17  }
0x236: {  	s22 =	sadd.s32 $0x80, s22;
	v19 =	vmul.f32 v12, v6;
	v14 =	vld [tilespmem:s21+$0xC280]  }
0x237: {  	s24 =	sand.u32 $0x70, s23;
	s25 =	sand.u32 $0x1C00, s22;
	v17 =	vmul.f32 v22, v10;
	v18 =	vmul.f32 v21, v11;
	v12 =	vld [tilespmem:s21+$0xC380];
	v21 =	vadd.f32 v16, v20;
	[tilespmem:s20+$0x19900] =	vst v24;
	s20 =	smov.u32 s19  }
0x238: {  	s23 =	sadd.s32 $0x10, s23;
	s19 =	smov.u32 s21;
	v16 =	vld [tilespmem:s21+$0xC300];
	v20 =	vmul.f32 v23, v5;
	s21 =	sor.u32 s24, s25  }
0x239: {  	v22 =	vld [tilespmem:s21+$0xC100];
	v19 =	vadd.f32 v19, v21  }
0x23a: {  	v21 =	vld [tilespmem:s21+$0xC180]  }
0x23b: {  	v23 =	vld [tilespmem:s19+$0xC400];
	v15 =	vmul.f32 v15, v4;
	v19 =	vadd.f32 v20, v19  }
0x23c: {  	v20 =	vld [tilespmem:s21+$0xC200]  }
0x23d: {  	v24 =	vld [tilespmem:s19+$0xC480];
	v15 =	vadd.f32 v15, v19  }
0x23e: {  	v19 =	vld [tilespmem:s21+$0xC280]  }
0x23f: {  	v25 =	vld [tilespmem:s21+$0xC380];
	v10 =	vmul.f32 v22, v10;
	v11 =	vmul.f32 v21, v11;
	[tilespmem:s20+$0x19900] =	vst v15  }
0x240: {  	v13 =	vmul.f32 v13, v9;
	v15 =	vadd.f32 v18, v17;
	v17 =	vld [tilespmem:s21+$0xC300]  }
0x241: {  	v10 =	vadd.f32 v11, v10;
	v9 =	vmul.f32 v20, v9  }
0x242: {  	v11 =	vadd.f32 v13, v15;
	v13 =	vmul.f32 v14, v8  }
0x243: {  	v9 =	vadd.f32 v9, v10;
	v8 =	vmul.f32 v19, v8  }
0x244: {  	v10 =	vadd.f32 v13, v11;
	v11 =	vmul.f32 v16, v7;
	v13 =	vld [tilespmem:s21+$0xC400]  }
0x245: {  	v8 =	vadd.f32 v8, v9;
	v7 =	vmul.f32 v17, v7  }
0x246: {  	v9 =	vmul.f32 v12, v6;
	v10 =	vadd.f32 v11, v10;
	v11 =	vld [tilespmem:s21+$0xC480]  }
0x247: {  	v6 =	vmul.f32 v25, v6;
	v7 =	vadd.f32 v7, v8  }
0x248: {  	v8 =	vmul.f32 v23, v5;
	v9 =	vadd.f32 v9, v10  }
0x249: {  	v5 =	vmul.f32 v13, v5;
	v6 =	vadd.f32 v6, v7  }
0x24a: {  	v7 =	vmul.f32 v24, v4;
	v8 =	vadd.f32 v8, v9  }
0x24b: {  	v4 =	vmul.f32 v11, v4;
	v5 =	vadd.f32 v5, v6  }
0x24c: {  	v6 =	vadd.f32 v7, v8  }
0x24d: {  	s23 =	simm.s32 $0x0;
	v4 =	vadd.f32 v4, v5  }
0x24e: {  	s24 =	sand.u32 $0x70, s23;
	[tilespmem:s19+$0x19900] =	vst v6;
	s19 =	sand.u32 $0x1C00, s23  }
0x24f: {  	s20 =	sor.u32 s24, s19;
	[tilespmem:s21+$0x19900] =	vst v4  }
0x250: {  	v11 =	vld [tilespmem:s20+$0xD900]  }
0x251: {  	v12 =	vld [tilespmem:s20+$0xD980];
	_ =	sdelay $0x1  }
0x252: {  	v13 =	vld [tilespmem:s20+$0xDA00]  }
0x253: {  	v10 =	vbroadcast v3, $0x9;
	v9 =	vbroadcast v3, $0x8  }
0x254: {  	s25 =	simm.s32 $0x10;
	s26 =	simm.s32 $0x80;
	v8 =	vbroadcast v3, $0xA;
	v14 =	vld [tilespmem:s20+$0xDA80]  }
0x255: {  	s19 =	sand.u32 $0x70, s25;
	s21 =	sand.u32 $0x1C00, s26;
	v15 =	vld [tilespmem:s20+$0xDB80];
	v11 =	vmul.f32 v11, v9;
	v12 =	vmul.f32 v12, v10  }
0x256: {  	s19 =	sor.u32 s19, s21;
	v16 =	vld [tilespmem:s20+$0xDB00]  }
0x257: {  	v7 =	vbroadcast v3, $0xB;
	v17 =	vld [tilespmem:s19+$0xD900];
	v11 =	vadd.f32 v12, v11;
	v12 =	vmul.f32 v13, v8  }
0x258: {  	v19 =	vld [tilespmem:s19+$0xD980]  }
0x259: {  	v6 =	vbroadcast v3, $0xC;
	v21 =	vld [tilespmem:s20+$0xDC00];
	v13 =	vmul.f32 v14, v7;
	v11 =	vadd.f32 v12, v11  }
0x25a: {  	v5 =	vbroadcast v3, $0xD;
	v12 =	vld [tilespmem:s19+$0xDA00]  }
0x25b: {  	v22 =	vmul.f32 v16, v6;
	v14 =	vld [tilespmem:s20+$0xDC80];
	v20 =	vadd.f32 v13, v11  }
0x25c: {  	s28 =	simm.s32 $0x20;
	s22 =	simm.s32 $0x100;
	v4 =	vbroadcast v3, $0xE;
	v18 =	vmul.f32 v15, v5;
	v13 =	vld [tilespmem:s19+$0xDA80]  }
0x25d: {  	s23 =	sand.u32 $0x1C00, s22;
	s21 =	sand.u32 $0x70, s28;
	v15 =	vld [tilespmem:s19+$0xDB00];
	v16 =	vmul.f32 v17, v9;
	v17 =	vmul.f32 v19, v10;
	v20 =	vadd.f32 v22, v20  }
0x25e: {  	v3 =	vbroadcast v3, $0xF;
	s21 =	sor.u32 s21, s23;
	s23 =	simm.s32 $0x30;
	v19 =	vmul.f32 v21, v4;
	v11 =	vld [tilespmem:s19+$0xDB80]  }
.LBB2_21:
0x25f: {  	p0 =	sne.s32 s23, $0x2F0;
	v21 =	vld [tilespmem:s21+$0xD900];
	v16 =	vadd.f32 v17, v16;
	v12 =	vmul.f32 v12, v8;
	v17 =	vadd.f32 v18, v20  }
0x260: {  	v20 =	vld [tilespmem:s21+$0xD980];
	v18 =	vmul.f32 v14, v3  }
0x261: {  	v14 =	vadd.f32 v12, v16;
	v13 =	vmul.f32 v13, v7;
	v22 =	vld [tilespmem:s19+$0xDC00];
	v16 =	vadd.f32 v19, v17  }
.Ltmp9:
0x262: {  	v12 =	vld [tilespmem:s21+$0xDA00];
	(pc) =	sbr.rel @p0 .LBB2_21-.Ltmp9, $4  }
0x263: {  	v19 =	vadd.f32 v13, v14;
	v15 =	vmul.f32 v15, v6;
	v14 =	vld [tilespmem:s19+$0xDC80];
	v23 =	vadd.f32 v18, v16  }
0x264: {  	s22 =	sadd.s32 $0x80, s22;
	v18 =	vmul.f32 v11, v5;
	v13 =	vld [tilespmem:s21+$0xDA80]  }
0x265: {  	s24 =	sand.u32 $0x70, s23;
	s25 =	sand.u32 $0x1C00, s22;
	v16 =	vmul.f32 v21, v9;
	v17 =	vmul.f32 v20, v10;
	v11 =	vld [tilespmem:s21+$0xDB80];
	v20 =	vadd.f32 v15, v19;
	[tilespmem:s20+$0x19980] =	vst v23;
	s20 =	smov.u32 s19  }
0x266: {  	s23 =	sadd.s32 $0x10, s23;
	s19 =	smov.u32 s21;
	v15 =	vld [tilespmem:s21+$0xDB00];
	v19 =	vmul.f32 v22, v4;
	s21 =	sor.u32 s24, s25  }
0x267: {  	v21 =	vld [tilespmem:s21+$0xD900];
	v18 =	vadd.f32 v18, v20  }
0x268: {  	v20 =	vld [tilespmem:s21+$0xD980]  }
0x269: {  	v22 =	vld [tilespmem:s19+$0xDC00];
	v14 =	vmul.f32 v14, v3;
	v18 =	vadd.f32 v19, v18  }
0x26a: {  	v19 =	vld [tilespmem:s21+$0xDA00]  }
0x26b: {  	v23 =	vld [tilespmem:s19+$0xDC80];
	v14 =	vadd.f32 v14, v18  }
0x26c: {  	v18 =	vld [tilespmem:s21+$0xDA80]  }
0x26d: {  	v24 =	vld [tilespmem:s21+$0xDB80];
	v9 =	vmul.f32 v21, v9;
	v10 =	vmul.f32 v20, v10;
	[tilespmem:s20+$0x19980] =	vst v14  }
0x26e: {  	v12 =	vmul.f32 v12, v8;
	v14 =	vadd.f32 v17, v16;
	v16 =	vld [tilespmem:s21+$0xDB00]  }
0x26f: {  	v9 =	vadd.f32 v10, v9;
	v8 =	vmul.f32 v19, v8  }
0x270: {  	v10 =	vadd.f32 v12, v14;
	v12 =	vmul.f32 v13, v7  }
0x271: {  	v8 =	vadd.f32 v8, v9;
	v7 =	vmul.f32 v18, v7  }
0x272: {  	v9 =	vadd.f32 v12, v10;
	v10 =	vmul.f32 v15, v6;
	v12 =	vld [tilespmem:s21+$0xDC00]  }
0x273: {  	v7 =	vadd.f32 v7, v8;
	v6 =	vmul.f32 v16, v6  }
0x274: {  	v8 =	vmul.f32 v11, v5;
	v9 =	vadd.f32 v10, v9;
	v10 =	vld [tilespmem:s21+$0xDC80]  }
0x275: {  	v5 =	vmul.f32 v24, v5;
	v6 =	vadd.f32 v6, v7  }
0x276: {  	v7 =	vmul.f32 v22, v4;
	v8 =	vadd.f32 v8, v9  }
0x277: {  	v4 =	vmul.f32 v12, v4;
	v5 =	vadd.f32 v5, v6  }
0x278: {  	v6 =	vmul.f32 v23, v3;
	v7 =	vadd.f32 v7, v8  }
0x279: {  	v3 =	vmul.f32 v10, v3;
	v4 =	vadd.f32 v4, v5  }
0x27a: {  	v5 =	vadd.f32 v6, v7  }
0x27b: {  	v3 =	vadd.f32 v3, v4  }
0x27c: {  	s23 =	simm.s32 $0x0;
	[tilespmem:s19+$0x19980] =	vst v5  }
0x27d: {  	s24 =	sand.u32 $0x70, s23;
	s19 =	sand.u32 $0x1C00, s23;
	[tilespmem:s21+$0x19980] =	vst v3  }
0x27e: {  	s20 =	sor.u32 s24, s19;
	v3 =	vld [tilespmem:$0xD0]  }
0x27f: {  	v12 =	vld [tilespmem:s20+$0xF100]  }
0x280: {  	v13 =	vld [tilespmem:s20+$0xF180];
	_ =	sdelay $0x1  }
0x281: {  	v14 =	vld [tilespmem:s20+$0xF200]  }
0x282: {  	v10 =	vbroadcast v3, $0x0;
	v11 =	vbroadcast v3, $0x1  }
0x283: {  	s25 =	simm.s32 $0x10;
	s26 =	simm.s32 $0x80;
	v15 =	vld [tilespmem:s20+$0xF280];
	v9 =	vbroadcast v3, $0x2  }
0x284: {  	s19 =	sand.u32 $0x70, s25;
	s21 =	sand.u32 $0x1C00, s26;
	v16 =	vld [tilespmem:s20+$0xF380];
	v12 =	vmul.f32 v12, v10;
	v13 =	vmul.f32 v13, v11  }
0x285: {  	s19 =	sor.u32 s19, s21;
	v17 =	vld [tilespmem:s20+$0xF300]  }
0x286: {  	v18 =	vld [tilespmem:s19+$0xF100];
	v8 =	vbroadcast v3, $0x3;
	v12 =	vadd.f32 v13, v12;
	v13 =	vmul.f32 v14, v9  }
0x287: {  	v20 =	vld [tilespmem:s19+$0xF180]  }
0x288: {  	v22 =	vld [tilespmem:s20+$0xF400];
	v7 =	vbroadcast v3, $0x4;
	v14 =	vmul.f32 v15, v8;
	v12 =	vadd.f32 v13, v12  }
0x289: {  	v6 =	vbroadcast v3, $0x5;
	v13 =	vld [tilespmem:s19+$0xF200]  }
0x28a: {  	v23 =	vmul.f32 v17, v7;
	v15 =	vld [tilespmem:s20+$0xF480];
	v21 =	vadd.f32 v14, v12  }
0x28b: {  	s28 =	simm.s32 $0x20;
	s22 =	simm.s32 $0x100;
	v5 =	vbroadcast v3, $0x6;
	v19 =	vmul.f32 v16, v6;
	v14 =	vld [tilespmem:s19+$0xF280]  }
0x28c: {  	s23 =	sand.u32 $0x1C00, s22;
	s21 =	sand.u32 $0x70, s28;
	v17 =	vmul.f32 v18, v10;
	v18 =	vmul.f32 v20, v11;
	v16 =	vld [tilespmem:s19+$0xF300];
	v21 =	vadd.f32 v23, v21  }
0x28d: {  	s21 =	sor.u32 s21, s23;
	s23 =	simm.s32 $0x30;
	v4 =	vbroadcast v3, $0x7;
	v20 =	vmul.f32 v22, v5;
	v12 =	vld [tilespmem:s19+$0xF380]  }
.LBB2_23:
0x28e: {  	p0 =	seq.s32 s23, $0x2F0;
	v22 =	vld [tilespmem:s21+$0xF100];
	v17 =	vadd.f32 v18, v17;
	v13 =	vmul.f32 v13, v9;
	v18 =	vadd.f32 v19, v21  }
0x28f: {  	v21 =	vld [tilespmem:s21+$0xF180];
	v19 =	vmul.f32 v15, v4  }
0x290: {  	v15 =	vadd.f32 v13, v17;
	v14 =	vmul.f32 v14, v8;
	v23 =	vld [tilespmem:s19+$0xF400];
	v17 =	vadd.f32 v20, v18  }
.Ltmp10:
0x291: {  	v13 =	vld [tilespmem:s21+$0xF200];
	(pc) =	sbr.rel @!p0 .LBB2_23-.Ltmp10, $4  }
0x292: {  	v20 =	vadd.f32 v14, v15;
	v16 =	vmul.f32 v16, v7;
	v15 =	vld [tilespmem:s19+$0xF480];
	v24 =	vadd.f32 v19, v17  }
0x293: {  	s22 =	sadd.s32 $0x80, s22;
	v19 =	vmul.f32 v12, v6;
	v14 =	vld [tilespmem:s21+$0xF280]  }
0x294: {  	s24 =	sand.u32 $0x70, s23;
	s25 =	sand.u32 $0x1C00, s22;
	v17 =	vmul.f32 v22, v10;
	v18 =	vmul.f32 v21, v11;
	v12 =	vld [tilespmem:s21+$0xF380];
	v21 =	vadd.f32 v16, v20;
	[tilespmem:s20+$0x19A00] =	vst v24;
	s20 =	smov.u32 s19  }
0x295: {  	s23 =	sadd.s32 $0x10, s23;
	s19 =	smov.u32 s21;
	v16 =	vld [tilespmem:s21+$0xF300];
	v20 =	vmul.f32 v23, v5;
	s21 =	sor.u32 s24, s25  }
0x296: {  	v22 =	vld [tilespmem:s21+$0xF100];
	v19 =	vadd.f32 v19, v21  }
0x297: {  	v21 =	vld [tilespmem:s21+$0xF180]  }
0x298: {  	v23 =	vld [tilespmem:s19+$0xF400];
	v15 =	vmul.f32 v15, v4;
	v19 =	vadd.f32 v20, v19  }
0x299: {  	v20 =	vld [tilespmem:s21+$0xF200]  }
0x29a: {  	v24 =	vld [tilespmem:s19+$0xF480];
	v15 =	vadd.f32 v15, v19  }
0x29b: {  	v19 =	vld [tilespmem:s21+$0xF280]  }
0x29c: {  	v25 =	vld [tilespmem:s21+$0xF380];
	v10 =	vmul.f32 v22, v10;
	v11 =	vmul.f32 v21, v11;
	[tilespmem:s20+$0x19A00] =	vst v15  }
0x29d: {  	v13 =	vmul.f32 v13, v9;
	v15 =	vadd.f32 v18, v17;
	v17 =	vld [tilespmem:s21+$0xF300]  }
0x29e: {  	v10 =	vadd.f32 v11, v10;
	v9 =	vmul.f32 v20, v9  }
0x29f: {  	v11 =	vadd.f32 v13, v15;
	v13 =	vmul.f32 v14, v8  }
0x2a0: {  	v9 =	vadd.f32 v9, v10;
	v8 =	vmul.f32 v19, v8  }
0x2a1: {  	v10 =	vadd.f32 v13, v11;
	v11 =	vmul.f32 v16, v7;
	v13 =	vld [tilespmem:s21+$0xF400]  }
0x2a2: {  	v8 =	vadd.f32 v8, v9;
	v7 =	vmul.f32 v17, v7  }
0x2a3: {  	v9 =	vmul.f32 v12, v6;
	v10 =	vadd.f32 v11, v10;
	v11 =	vld [tilespmem:s21+$0xF480]  }
0x2a4: {  	v6 =	vmul.f32 v25, v6;
	v7 =	vadd.f32 v7, v8  }
0x2a5: {  	v8 =	vmul.f32 v23, v5;
	v9 =	vadd.f32 v9, v10  }
0x2a6: {  	v5 =	vmul.f32 v13, v5;
	v6 =	vadd.f32 v6, v7  }
0x2a7: {  	v7 =	vmul.f32 v24, v4;
	v8 =	vadd.f32 v8, v9  }
0x2a8: {  	v4 =	vmul.f32 v11, v4;
	v5 =	vadd.f32 v5, v6  }
0x2a9: {  	v6 =	vadd.f32 v7, v8  }
0x2aa: {  	s23 =	simm.s32 $0x0;
	v4 =	vadd.f32 v4, v5  }
0x2ab: {  	s24 =	sand.u32 $0x70, s23;
	[tilespmem:s19+$0x19A00] =	vst v6;
	s19 =	sand.u32 $0x1C00, s23  }
0x2ac: {  	s20 =	sor.u32 s24, s19;
	[tilespmem:s21+$0x19A00] =	vst v4  }
0x2ad: {  	v11 =	vld [tilespmem:s20+$0x10900]  }
0x2ae: {  	v12 =	vld [tilespmem:s20+$0x10980];
	_ =	sdelay $0x1  }
0x2af: {  	v13 =	vld [tilespmem:s20+$0x10A00]  }
0x2b0: {  	v10 =	vbroadcast v3, $0x9;
	v9 =	vbroadcast v3, $0x8  }
0x2b1: {  	s25 =	simm.s32 $0x10;
	s26 =	simm.s32 $0x80;
	v8 =	vbroadcast v3, $0xA;
	v14 =	vld [tilespmem:s20+$0x10A80]  }
0x2b2: {  	s19 =	sand.u32 $0x70, s25;
	s21 =	sand.u32 $0x1C00, s26;
	v15 =	vld [tilespmem:s20+$0x10B80];
	v11 =	vmul.f32 v11, v9;
	v12 =	vmul.f32 v12, v10  }
0x2b3: {  	s19 =	sor.u32 s19, s21;
	v16 =	vld [tilespmem:s20+$0x10B00]  }
0x2b4: {  	v7 =	vbroadcast v3, $0xB;
	v17 =	vld [tilespmem:s19+$0x10900];
	v11 =	vadd.f32 v12, v11;
	v12 =	vmul.f32 v13, v8  }
0x2b5: {  	v19 =	vld [tilespmem:s19+$0x10980]  }
0x2b6: {  	v6 =	vbroadcast v3, $0xC;
	v21 =	vld [tilespmem:s20+$0x10C00];
	v13 =	vmul.f32 v14, v7;
	v11 =	vadd.f32 v12, v11  }
0x2b7: {  	v5 =	vbroadcast v3, $0xD;
	v12 =	vld [tilespmem:s19+$0x10A00]  }
0x2b8: {  	v22 =	vmul.f32 v16, v6;
	v14 =	vld [tilespmem:s20+$0x10C80];
	v20 =	vadd.f32 v13, v11  }
0x2b9: {  	s28 =	simm.s32 $0x20;
	s22 =	simm.s32 $0x100;
	v4 =	vbroadcast v3, $0xE;
	v18 =	vmul.f32 v15, v5;
	v13 =	vld [tilespmem:s19+$0x10A80]  }
0x2ba: {  	s23 =	sand.u32 $0x1C00, s22;
	s21 =	sand.u32 $0x70, s28;
	v15 =	vld [tilespmem:s19+$0x10B00];
	v16 =	vmul.f32 v17, v9;
	v17 =	vmul.f32 v19, v10;
	v20 =	vadd.f32 v22, v20  }
0x2bb: {  	v3 =	vbroadcast v3, $0xF;
	s21 =	sor.u32 s21, s23;
	s23 =	simm.s32 $0x30;
	v19 =	vmul.f32 v21, v4;
	v11 =	vld [tilespmem:s19+$0x10B80]  }
.LBB2_25:
0x2bc: {  	p0 =	sne.s32 s23, $0x2F0;
	v21 =	vld [tilespmem:s21+$0x10900];
	v16 =	vadd.f32 v17, v16;
	v12 =	vmul.f32 v12, v8;
	v17 =	vadd.f32 v18, v20  }
0x2bd: {  	v20 =	vld [tilespmem:s21+$0x10980];
	v18 =	vmul.f32 v14, v3  }
0x2be: {  	v14 =	vadd.f32 v12, v16;
	v13 =	vmul.f32 v13, v7;
	v22 =	vld [tilespmem:s19+$0x10C00];
	v16 =	vadd.f32 v19, v17  }
.Ltmp11:
0x2bf: {  	v12 =	vld [tilespmem:s21+$0x10A00];
	(pc) =	sbr.rel @p0 .LBB2_25-.Ltmp11, $4  }
0x2c0: {  	v19 =	vadd.f32 v13, v14;
	v15 =	vmul.f32 v15, v6;
	v14 =	vld [tilespmem:s19+$0x10C80];
	v23 =	vadd.f32 v18, v16  }
0x2c1: {  	s22 =	sadd.s32 $0x80, s22;
	v18 =	vmul.f32 v11, v5;
	v13 =	vld [tilespmem:s21+$0x10A80]  }
0x2c2: {  	s24 =	sand.u32 $0x70, s23;
	s25 =	sand.u32 $0x1C00, s22;
	v16 =	vmul.f32 v21, v9;
	v17 =	vmul.f32 v20, v10;
	v11 =	vld [tilespmem:s21+$0x10B80];
	v20 =	vadd.f32 v15, v19;
	[tilespmem:s20+$0x19A80] =	vst v23;
	s20 =	smov.u32 s19  }
0x2c3: {  	s23 =	sadd.s32 $0x10, s23;
	s19 =	smov.u32 s21;
	v15 =	vld [tilespmem:s21+$0x10B00];
	v19 =	vmul.f32 v22, v4;
	s21 =	sor.u32 s24, s25  }
0x2c4: {  	v21 =	vld [tilespmem:s21+$0x10900];
	v18 =	vadd.f32 v18, v20  }
0x2c5: {  	v20 =	vld [tilespmem:s21+$0x10980]  }
0x2c6: {  	v22 =	vld [tilespmem:s19+$0x10C00];
	v14 =	vmul.f32 v14, v3;
	v18 =	vadd.f32 v19, v18  }
0x2c7: {  	v19 =	vld [tilespmem:s21+$0x10A00]  }
0x2c8: {  	v23 =	vld [tilespmem:s19+$0x10C80];
	v14 =	vadd.f32 v14, v18  }
0x2c9: {  	v18 =	vld [tilespmem:s21+$0x10A80]  }
0x2ca: {  	v24 =	vld [tilespmem:s21+$0x10B80];
	v9 =	vmul.f32 v21, v9;
	v10 =	vmul.f32 v20, v10;
	[tilespmem:s20+$0x19A80] =	vst v14  }
0x2cb: {  	v12 =	vmul.f32 v12, v8;
	v14 =	vadd.f32 v17, v16;
	v16 =	vld [tilespmem:s21+$0x10B00]  }
0x2cc: {  	v9 =	vadd.f32 v10, v9;
	v8 =	vmul.f32 v19, v8  }
0x2cd: {  	v10 =	vadd.f32 v12, v14;
	v12 =	vmul.f32 v13, v7  }
0x2ce: {  	v8 =	vadd.f32 v8, v9;
	v7 =	vmul.f32 v18, v7  }
0x2cf: {  	v9 =	vadd.f32 v12, v10;
	v10 =	vmul.f32 v15, v6;
	v12 =	vld [tilespmem:s21+$0x10C00]  }
0x2d0: {  	v7 =	vadd.f32 v7, v8;
	v6 =	vmul.f32 v16, v6  }
0x2d1: {  	v8 =	vmul.f32 v11, v5;
	v9 =	vadd.f32 v10, v9;
	v10 =	vld [tilespmem:s21+$0x10C80]  }
0x2d2: {  	v5 =	vmul.f32 v24, v5;
	v6 =	vadd.f32 v6, v7  }
0x2d3: {  	v7 =	vmul.f32 v22, v4;
	v8 =	vadd.f32 v8, v9  }
0x2d4: {  	v4 =	vmul.f32 v12, v4;
	v5 =	vadd.f32 v5, v6  }
0x2d5: {  	v6 =	vmul.f32 v23, v3;
	v7 =	vadd.f32 v7, v8  }
0x2d6: {  	v3 =	vmul.f32 v10, v3;
	v4 =	vadd.f32 v4, v5  }
0x2d7: {  	v5 =	vadd.f32 v6, v7  }
0x2d8: {  	v3 =	vadd.f32 v3, v4  }
0x2d9: {  	s23 =	simm.s32 $0x0;
	[tilespmem:s19+$0x19A80] =	vst v5  }
0x2da: {  	s24 =	sand.u32 $0x70, s23;
	s19 =	sand.u32 $0x1C00, s23;
	[tilespmem:s21+$0x19A80] =	vst v3  }
0x2db: {  	s20 =	sor.u32 s24, s19;
	v3 =	vld [tilespmem:$0xE0]  }
0x2dc: {  	v12 =	vld [tilespmem:s20+$0x12100]  }
0x2dd: {  	v13 =	vld [tilespmem:s20+$0x12180];
	_ =	sdelay $0x1  }
0x2de: {  	v14 =	vld [tilespmem:s20+$0x12200]  }
0x2df: {  	v10 =	vbroadcast v3, $0x0;
	v11 =	vbroadcast v3, $0x1  }
0x2e0: {  	s25 =	simm.s32 $0x10;
	s26 =	simm.s32 $0x80;
	v15 =	vld [tilespmem:s20+$0x12280];
	v9 =	vbroadcast v3, $0x2  }
0x2e1: {  	s19 =	sand.u32 $0x70, s25;
	s21 =	sand.u32 $0x1C00, s26;
	v16 =	vld [tilespmem:s20+$0x12380];
	v12 =	vmul.f32 v12, v10;
	v13 =	vmul.f32 v13, v11  }
0x2e2: {  	s19 =	sor.u32 s19, s21;
	v17 =	vld [tilespmem:s20+$0x12300]  }
0x2e3: {  	v18 =	vld [tilespmem:s19+$0x12100];
	v8 =	vbroadcast v3, $0x3;
	v12 =	vadd.f32 v13, v12;
	v13 =	vmul.f32 v14, v9  }
0x2e4: {  	v20 =	vld [tilespmem:s19+$0x12180]  }
0x2e5: {  	v22 =	vld [tilespmem:s20+$0x12400];
	v7 =	vbroadcast v3, $0x4;
	v14 =	vmul.f32 v15, v8;
	v12 =	vadd.f32 v13, v12  }
0x2e6: {  	v6 =	vbroadcast v3, $0x5;
	v13 =	vld [tilespmem:s19+$0x12200]  }
0x2e7: {  	v23 =	vmul.f32 v17, v7;
	v15 =	vld [tilespmem:s20+$0x12480];
	v21 =	vadd.f32 v14, v12  }
0x2e8: {  	s28 =	simm.s32 $0x20;
	s22 =	simm.s32 $0x100;
	v5 =	vbroadcast v3, $0x6;
	v19 =	vmul.f32 v16, v6;
	v14 =	vld [tilespmem:s19+$0x12280]  }
0x2e9: {  	s23 =	sand.u32 $0x1C00, s22;
	s21 =	sand.u32 $0x70, s28;
	v17 =	vmul.f32 v18, v10;
	v18 =	vmul.f32 v20, v11;
	v16 =	vld [tilespmem:s19+$0x12300];
	v21 =	vadd.f32 v23, v21  }
0x2ea: {  	s21 =	sor.u32 s21, s23;
	s23 =	simm.s32 $0x30;
	v4 =	vbroadcast v3, $0x7;
	v20 =	vmul.f32 v22, v5;
	v12 =	vld [tilespmem:s19+$0x12380]  }
.LBB2_27:
0x2eb: {  	p0 =	seq.s32 s23, $0x2F0;
	v22 =	vld [tilespmem:s21+$0x12100];
	v17 =	vadd.f32 v18, v17;
	v13 =	vmul.f32 v13, v9;
	v18 =	vadd.f32 v19, v21  }
0x2ec: {  	v21 =	vld [tilespmem:s21+$0x12180];
	v19 =	vmul.f32 v15, v4  }
0x2ed: {  	v15 =	vadd.f32 v13, v17;
	v14 =	vmul.f32 v14, v8;
	v23 =	vld [tilespmem:s19+$0x12400];
	v17 =	vadd.f32 v20, v18  }
.Ltmp12:
0x2ee: {  	v13 =	vld [tilespmem:s21+$0x12200];
	(pc) =	sbr.rel @!p0 .LBB2_27-.Ltmp12, $4  }
0x2ef: {  	v20 =	vadd.f32 v14, v15;
	v16 =	vmul.f32 v16, v7;
	v15 =	vld [tilespmem:s19+$0x12480];
	v24 =	vadd.f32 v19, v17  }
0x2f0: {  	s22 =	sadd.s32 $0x80, s22;
	v19 =	vmul.f32 v12, v6;
	v14 =	vld [tilespmem:s21+$0x12280]  }
0x2f1: {  	s24 =	sand.u32 $0x70, s23;
	s25 =	sand.u32 $0x1C00, s22;
	v17 =	vmul.f32 v22, v10;
	v18 =	vmul.f32 v21, v11;
	v12 =	vld [tilespmem:s21+$0x12380];
	v21 =	vadd.f32 v16, v20;
	[tilespmem:s20+$0x19B00] =	vst v24;
	s20 =	smov.u32 s19  }
0x2f2: {  	s23 =	sadd.s32 $0x10, s23;
	s19 =	smov.u32 s21;
	v16 =	vld [tilespmem:s21+$0x12300];
	v20 =	vmul.f32 v23, v5;
	s21 =	sor.u32 s24, s25  }
0x2f3: {  	v22 =	vld [tilespmem:s21+$0x12100];
	v19 =	vadd.f32 v19, v21  }
0x2f4: {  	v21 =	vld [tilespmem:s21+$0x12180]  }
0x2f5: {  	v23 =	vld [tilespmem:s19+$0x12400];
	v15 =	vmul.f32 v15, v4;
	v19 =	vadd.f32 v20, v19  }
0x2f6: {  	v20 =	vld [tilespmem:s21+$0x12200]  }
0x2f7: {  	v24 =	vld [tilespmem:s19+$0x12480];
	v15 =	vadd.f32 v15, v19  }
0x2f8: {  	v19 =	vld [tilespmem:s21+$0x12280]  }
0x2f9: {  	v25 =	vld [tilespmem:s21+$0x12380];
	v10 =	vmul.f32 v22, v10;
	v11 =	vmul.f32 v21, v11;
	[tilespmem:s20+$0x19B00] =	vst v15  }
0x2fa: {  	v13 =	vmul.f32 v13, v9;
	v15 =	vadd.f32 v18, v17;
	v17 =	vld [tilespmem:s21+$0x12300]  }
0x2fb: {  	v10 =	vadd.f32 v11, v10;
	v9 =	vmul.f32 v20, v9  }
0x2fc: {  	v11 =	vadd.f32 v13, v15;
	v13 =	vmul.f32 v14, v8  }
0x2fd: {  	v9 =	vadd.f32 v9, v10;
	v8 =	vmul.f32 v19, v8  }
0x2fe: {  	v10 =	vadd.f32 v13, v11;
	v11 =	vmul.f32 v16, v7;
	v13 =	vld [tilespmem:s21+$0x12400]  }
0x2ff: {  	v8 =	vadd.f32 v8, v9;
	v7 =	vmul.f32 v17, v7  }
0x300: {  	v9 =	vmul.f32 v12, v6;
	v10 =	vadd.f32 v11, v10;
	v11 =	vld [tilespmem:s21+$0x12480]  }
0x301: {  	v6 =	vmul.f32 v25, v6;
	v7 =	vadd.f32 v7, v8  }
0x302: {  	v8 =	vmul.f32 v23, v5;
	v9 =	vadd.f32 v9, v10  }
0x303: {  	v5 =	vmul.f32 v13, v5;
	v6 =	vadd.f32 v6, v7  }
0x304: {  	v7 =	vmul.f32 v24, v4;
	v8 =	vadd.f32 v8, v9  }
0x305: {  	v4 =	vmul.f32 v11, v4;
	v5 =	vadd.f32 v5, v6  }
0x306: {  	v6 =	vadd.f32 v7, v8  }
0x307: {  	s23 =	simm.s32 $0x0;
	v4 =	vadd.f32 v4, v5  }
0x308: {  	s24 =	sand.u32 $0x70, s23;
	[tilespmem:s19+$0x19B00] =	vst v6;
	s19 =	sand.u32 $0x1C00, s23  }
0x309: {  	s20 =	sor.u32 s24, s19;
	[tilespmem:s21+$0x19B00] =	vst v4  }
0x30a: {  	v11 =	vld [tilespmem:s20+$0x13900]  }
0x30b: {  	v12 =	vld [tilespmem:s20+$0x13980];
	_ =	sdelay $0x1  }
0x30c: {  	v13 =	vld [tilespmem:s20+$0x13A00]  }
0x30d: {  	v10 =	vbroadcast v3, $0x9;
	v9 =	vbroadcast v3, $0x8  }
0x30e: {  	s25 =	simm.s32 $0x10;
	s26 =	simm.s32 $0x80;
	v8 =	vbroadcast v3, $0xA;
	v14 =	vld [tilespmem:s20+$0x13A80]  }
0x30f: {  	s19 =	sand.u32 $0x70, s25;
	s21 =	sand.u32 $0x1C00, s26;
	v15 =	vld [tilespmem:s20+$0x13B80];
	v11 =	vmul.f32 v11, v9;
	v12 =	vmul.f32 v12, v10  }
0x310: {  	s19 =	sor.u32 s19, s21;
	v16 =	vld [tilespmem:s20+$0x13B00]  }
0x311: {  	v7 =	vbroadcast v3, $0xB;
	v17 =	vld [tilespmem:s19+$0x13900];
	v11 =	vadd.f32 v12, v11;
	v12 =	vmul.f32 v13, v8  }
0x312: {  	v19 =	vld [tilespmem:s19+$0x13980]  }
0x313: {  	v6 =	vbroadcast v3, $0xC;
	v21 =	vld [tilespmem:s20+$0x13C00];
	v13 =	vmul.f32 v14, v7;
	v11 =	vadd.f32 v12, v11  }
0x314: {  	v5 =	vbroadcast v3, $0xD;
	v12 =	vld [tilespmem:s19+$0x13A00]  }
0x315: {  	v22 =	vmul.f32 v16, v6;
	v14 =	vld [tilespmem:s20+$0x13C80];
	v20 =	vadd.f32 v13, v11  }
0x316: {  	s28 =	simm.s32 $0x20;
	s22 =	simm.s32 $0x100;
	v4 =	vbroadcast v3, $0xE;
	v18 =	vmul.f32 v15, v5;
	v13 =	vld [tilespmem:s19+$0x13A80]  }
0x317: {  	s23 =	sand.u32 $0x1C00, s22;
	s21 =	sand.u32 $0x70, s28;
	v15 =	vld [tilespmem:s19+$0x13B00];
	v16 =	vmul.f32 v17, v9;
	v17 =	vmul.f32 v19, v10;
	v20 =	vadd.f32 v22, v20  }
0x318: {  	v3 =	vbroadcast v3, $0xF;
	s21 =	sor.u32 s21, s23;
	s23 =	simm.s32 $0x30;
	v19 =	vmul.f32 v21, v4;
	v11 =	vld [tilespmem:s19+$0x13B80]  }
.LBB2_29:
0x319: {  	p0 =	sne.s32 s23, $0x2F0;
	v21 =	vld [tilespmem:s21+$0x13900];
	v16 =	vadd.f32 v17, v16;
	v12 =	vmul.f32 v12, v8;
	v17 =	vadd.f32 v18, v20  }
0x31a: {  	v20 =	vld [tilespmem:s21+$0x13980];
	v18 =	vmul.f32 v14, v3  }
0x31b: {  	v14 =	vadd.f32 v12, v16;
	v13 =	vmul.f32 v13, v7;
	v22 =	vld [tilespmem:s19+$0x13C00];
	v16 =	vadd.f32 v19, v17  }
.Ltmp13:
0x31c: {  	v12 =	vld [tilespmem:s21+$0x13A00];
	(pc) =	sbr.rel @p0 .LBB2_29-.Ltmp13, $4  }
0x31d: {  	v19 =	vadd.f32 v13, v14;
	v15 =	vmul.f32 v15, v6;
	v14 =	vld [tilespmem:s19+$0x13C80];
	v23 =	vadd.f32 v18, v16  }
0x31e: {  	s22 =	sadd.s32 $0x80, s22;
	v18 =	vmul.f32 v11, v5;
	v13 =	vld [tilespmem:s21+$0x13A80]  }
0x31f: {  	s24 =	sand.u32 $0x70, s23;
	s25 =	sand.u32 $0x1C00, s22;
	v16 =	vmul.f32 v21, v9;
	v17 =	vmul.f32 v20, v10;
	v11 =	vld [tilespmem:s21+$0x13B80];
	v20 =	vadd.f32 v15, v19;
	[tilespmem:s20+$0x19B80] =	vst v23;
	s20 =	smov.u32 s19  }
0x320: {  	s23 =	sadd.s32 $0x10, s23;
	s19 =	smov.u32 s21;
	v15 =	vld [tilespmem:s21+$0x13B00];
	v19 =	vmul.f32 v22, v4;
	s21 =	sor.u32 s24, s25  }
0x321: {  	v21 =	vld [tilespmem:s21+$0x13900];
	v18 =	vadd.f32 v18, v20  }
0x322: {  	v20 =	vld [tilespmem:s21+$0x13980]  }
0x323: {  	v22 =	vld [tilespmem:s19+$0x13C00];
	v14 =	vmul.f32 v14, v3;
	v18 =	vadd.f32 v19, v18  }
0x324: {  	v19 =	vld [tilespmem:s21+$0x13A00]  }
0x325: {  	v23 =	vld [tilespmem:s19+$0x13C80];
	v14 =	vadd.f32 v14, v18  }
0x326: {  	v18 =	vld [tilespmem:s21+$0x13A80]  }
0x327: {  	v24 =	vld [tilespmem:s21+$0x13B80];
	v9 =	vmul.f32 v21, v9;
	v10 =	vmul.f32 v20, v10;
	[tilespmem:s20+$0x19B80] =	vst v14  }
0x328: {  	v12 =	vmul.f32 v12, v8;
	v14 =	vadd.f32 v17, v16;
	v16 =	vld [tilespmem:s21+$0x13B00]  }
0x329: {  	v9 =	vadd.f32 v10, v9;
	v8 =	vmul.f32 v19, v8  }
0x32a: {  	v10 =	vadd.f32 v12, v14;
	v12 =	vmul.f32 v13, v7  }
0x32b: {  	v8 =	vadd.f32 v8, v9;
	v7 =	vmul.f32 v18, v7  }
0x32c: {  	v9 =	vadd.f32 v12, v10;
	v10 =	vmul.f32 v15, v6;
	v12 =	vld [tilespmem:s21+$0x13C00]  }
0x32d: {  	v7 =	vadd.f32 v7, v8;
	v6 =	vmul.f32 v16, v6  }
0x32e: {  	v8 =	vmul.f32 v11, v5;
	v9 =	vadd.f32 v10, v9;
	v10 =	vld [tilespmem:s21+$0x13C80]  }
0x32f: {  	v5 =	vmul.f32 v24, v5;
	v6 =	vadd.f32 v6, v7  }
0x330: {  	v7 =	vmul.f32 v22, v4;
	v8 =	vadd.f32 v8, v9  }
0x331: {  	v4 =	vmul.f32 v12, v4;
	v5 =	vadd.f32 v5, v6  }
0x332: {  	v6 =	vmul.f32 v23, v3;
	v7 =	vadd.f32 v7, v8  }
0x333: {  	v3 =	vmul.f32 v10, v3;
	v4 =	vadd.f32 v4, v5  }
0x334: {  	v5 =	vadd.f32 v6, v7  }
0x335: {  	v3 =	vadd.f32 v3, v4  }
0x336: {  	s23 =	simm.s32 $0x0;
	[tilespmem:s19+$0x19B80] =	vst v5  }
0x337: {  	s24 =	sand.u32 $0x70, s23;
	s19 =	sand.u32 $0x1C00, s23;
	[tilespmem:s21+$0x19B80] =	vst v3  }
0x338: {  	s20 =	sor.u32 s24, s19;
	v3 =	vld [tilespmem:$0xF0]  }
0x339: {  	v12 =	vld [tilespmem:s20+$0x15100]  }
0x33a: {  	v13 =	vld [tilespmem:s20+$0x15180];
	_ =	sdelay $0x1  }
0x33b: {  	v14 =	vld [tilespmem:s20+$0x15200]  }
0x33c: {  	v10 =	vbroadcast v3, $0x0;
	v11 =	vbroadcast v3, $0x1  }
0x33d: {  	s25 =	simm.s32 $0x10;
	s26 =	simm.s32 $0x80;
	v15 =	vld [tilespmem:s20+$0x15280];
	v9 =	vbroadcast v3, $0x2  }
0x33e: {  	s19 =	sand.u32 $0x70, s25;
	s21 =	sand.u32 $0x1C00, s26;
	v16 =	vld [tilespmem:s20+$0x15380];
	v12 =	vmul.f32 v12, v10;
	v13 =	vmul.f32 v13, v11  }
0x33f: {  	s19 =	sor.u32 s19, s21;
	v17 =	vld [tilespmem:s20+$0x15300]  }
0x340: {  	v18 =	vld [tilespmem:s19+$0x15100];
	v8 =	vbroadcast v3, $0x3;
	v12 =	vadd.f32 v13, v12;
	v13 =	vmul.f32 v14, v9  }
0x341: {  	v20 =	vld [tilespmem:s19+$0x15180]  }
0x342: {  	v22 =	vld [tilespmem:s20+$0x15400];
	v7 =	vbroadcast v3, $0x4;
	v14 =	vmul.f32 v15, v8;
	v12 =	vadd.f32 v13, v12  }
0x343: {  	v6 =	vbroadcast v3, $0x5;
	v13 =	vld [tilespmem:s19+$0x15200]  }
0x344: {  	v23 =	vmul.f32 v17, v7;
	v15 =	vld [tilespmem:s20+$0x15480];
	v21 =	vadd.f32 v14, v12  }
0x345: {  	s28 =	simm.s32 $0x20;
	s22 =	simm.s32 $0x100;
	v5 =	vbroadcast v3, $0x6;
	v19 =	vmul.f32 v16, v6;
	v14 =	vld [tilespmem:s19+$0x15280]  }
0x346: {  	s23 =	sand.u32 $0x1C00, s22;
	s21 =	sand.u32 $0x70, s28;
	v17 =	vmul.f32 v18, v10;
	v18 =	vmul.f32 v20, v11;
	v16 =	vld [tilespmem:s19+$0x15300];
	v21 =	vadd.f32 v23, v21  }
0x347: {  	s21 =	sor.u32 s21, s23;
	s23 =	simm.s32 $0x30;
	v4 =	vbroadcast v3, $0x7;
	v20 =	vmul.f32 v22, v5;
	v12 =	vld [tilespmem:s19+$0x15380]  }
.LBB2_31:
0x348: {  	p0 =	seq.s32 s23, $0x2F0;
	v22 =	vld [tilespmem:s21+$0x15100];
	v17 =	vadd.f32 v18, v17;
	v13 =	vmul.f32 v13, v9;
	v18 =	vadd.f32 v19, v21  }
0x349: {  	v21 =	vld [tilespmem:s21+$0x15180];
	v19 =	vmul.f32 v15, v4  }
0x34a: {  	v15 =	vadd.f32 v13, v17;
	v14 =	vmul.f32 v14, v8;
	v23 =	vld [tilespmem:s19+$0x15400];
	v17 =	vadd.f32 v20, v18  }
.Ltmp14:
0x34b: {  	v13 =	vld [tilespmem:s21+$0x15200];
	(pc) =	sbr.rel @!p0 .LBB2_31-.Ltmp14, $4  }
0x34c: {  	v20 =	vadd.f32 v14, v15;
	v16 =	vmul.f32 v16, v7;
	v15 =	vld [tilespmem:s19+$0x15480];
	v24 =	vadd.f32 v19, v17  }
0x34d: {  	s22 =	sadd.s32 $0x80, s22;
	v19 =	vmul.f32 v12, v6;
	v14 =	vld [tilespmem:s21+$0x15280]  }
0x34e: {  	s24 =	sand.u32 $0x70, s23;
	s25 =	sand.u32 $0x1C00, s22;
	v17 =	vmul.f32 v22, v10;
	v18 =	vmul.f32 v21, v11;
	v12 =	vld [tilespmem:s21+$0x15380];
	v21 =	vadd.f32 v16, v20;
	[tilespmem:s20+$0x19C00] =	vst v24;
	s20 =	smov.u32 s19  }
0x34f: {  	s23 =	sadd.s32 $0x10, s23;
	s19 =	smov.u32 s21;
	v16 =	vld [tilespmem:s21+$0x15300];
	v20 =	vmul.f32 v23, v5;
	s21 =	sor.u32 s24, s25  }
0x350: {  	v22 =	vld [tilespmem:s21+$0x15100];
	v19 =	vadd.f32 v19, v21  }
0x351: {  	v21 =	vld [tilespmem:s21+$0x15180]  }
0x352: {  	v23 =	vld [tilespmem:s19+$0x15400];
	v15 =	vmul.f32 v15, v4;
	v19 =	vadd.f32 v20, v19  }
0x353: {  	v20 =	vld [tilespmem:s21+$0x15200]  }
0x354: {  	v24 =	vld [tilespmem:s19+$0x15480];
	v15 =	vadd.f32 v15, v19  }
0x355: {  	v19 =	vld [tilespmem:s21+$0x15280]  }
0x356: {  	v25 =	vld [tilespmem:s21+$0x15380];
	v10 =	vmul.f32 v22, v10;
	v11 =	vmul.f32 v21, v11;
	[tilespmem:s20+$0x19C00] =	vst v15  }
0x357: {  	v13 =	vmul.f32 v13, v9;
	v15 =	vadd.f32 v18, v17;
	v17 =	vld [tilespmem:s21+$0x15300]  }
0x358: {  	v10 =	vadd.f32 v11, v10;
	v9 =	vmul.f32 v20, v9  }
0x359: {  	v11 =	vadd.f32 v13, v15;
	v13 =	vmul.f32 v14, v8  }
0x35a: {  	v9 =	vadd.f32 v9, v10;
	v8 =	vmul.f32 v19, v8  }
0x35b: {  	v10 =	vadd.f32 v13, v11;
	v11 =	vmul.f32 v16, v7;
	v13 =	vld [tilespmem:s21+$0x15400]  }
0x35c: {  	v8 =	vadd.f32 v8, v9;
	v7 =	vmul.f32 v17, v7  }
0x35d: {  	v9 =	vmul.f32 v12, v6;
	v10 =	vadd.f32 v11, v10;
	v11 =	vld [tilespmem:s21+$0x15480]  }
0x35e: {  	v6 =	vmul.f32 v25, v6;
	v7 =	vadd.f32 v7, v8  }
0x35f: {  	v8 =	vmul.f32 v23, v5;
	v9 =	vadd.f32 v9, v10  }
0x360: {  	v5 =	vmul.f32 v13, v5;
	v6 =	vadd.f32 v6, v7  }
0x361: {  	v7 =	vmul.f32 v24, v4;
	v8 =	vadd.f32 v8, v9  }
0x362: {  	v4 =	vmul.f32 v11, v4;
	v5 =	vadd.f32 v5, v6  }
0x363: {  	v6 =	vadd.f32 v7, v8  }
0x364: {  	s23 =	simm.s32 $0x0;
	v4 =	vadd.f32 v4, v5  }
0x365: {  	s24 =	sand.u32 $0x70, s23;
	[tilespmem:s19+$0x19C00] =	vst v6;
	s19 =	sand.u32 $0x1C00, s23  }
0x366: {  	s20 =	sor.u32 s24, s19;
	[tilespmem:s21+$0x19C00] =	vst v4  }
0x367: {  	v11 =	vld [tilespmem:s20+$0x16900]  }
0x368: {  	v12 =	vld [tilespmem:s20+$0x16980];
	_ =	sdelay $0x1  }
0x369: {  	v13 =	vld [tilespmem:s20+$0x16A00]  }
0x36a: {  	v10 =	vbroadcast v3, $0x9;
	v9 =	vbroadcast v3, $0x8  }
0x36b: {  	s25 =	simm.s32 $0x10;
	s26 =	simm.s32 $0x80;
	v8 =	vbroadcast v3, $0xA;
	v14 =	vld [tilespmem:s20+$0x16A80]  }
0x36c: {  	s19 =	sand.u32 $0x70, s25;
	s21 =	sand.u32 $0x1C00, s26;
	v15 =	vld [tilespmem:s20+$0x16B80];
	v11 =	vmul.f32 v11, v9;
	v12 =	vmul.f32 v12, v10  }
0x36d: {  	s19 =	sor.u32 s19, s21;
	v16 =	vld [tilespmem:s20+$0x16B00]  }
0x36e: {  	v7 =	vbroadcast v3, $0xB;
	v17 =	vld [tilespmem:s19+$0x16900];
	v11 =	vadd.f32 v12, v11;
	v12 =	vmul.f32 v13, v8  }
0x36f: {  	v19 =	vld [tilespmem:s19+$0x16980]  }
0x370: {  	v6 =	vbroadcast v3, $0xC;
	v21 =	vld [tilespmem:s20+$0x16C00];
	v13 =	vmul.f32 v14, v7;
	v11 =	vadd.f32 v12, v11  }
0x371: {  	v5 =	vbroadcast v3, $0xD;
	v12 =	vld [tilespmem:s19+$0x16A00]  }
0x372: {  	v22 =	vmul.f32 v16, v6;
	v14 =	vld [tilespmem:s20+$0x16C80];
	v20 =	vadd.f32 v13, v11  }
0x373: {  	s28 =	simm.s32 $0x20;
	s22 =	simm.s32 $0x100;
	v4 =	vbroadcast v3, $0xE;
	v18 =	vmul.f32 v15, v5;
	v13 =	vld [tilespmem:s19+$0x16A80]  }
0x374: {  	s23 =	sand.u32 $0x1C00, s22;
	s21 =	sand.u32 $0x70, s28;
	v15 =	vld [tilespmem:s19+$0x16B00];
	v16 =	vmul.f32 v17, v9;
	v17 =	vmul.f32 v19, v10;
	v20 =	vadd.f32 v22, v20  }
0x375: {  	v3 =	vbroadcast v3, $0xF;
	s21 =	sor.u32 s21, s23;
	s23 =	simm.s32 $0x30;
	v19 =	vmul.f32 v21, v4;
	v11 =	vld [tilespmem:s19+$0x16B80]  }
.LBB2_33:
0x376: {  	p0 =	sne.s32 s23, $0x2F0;
	v21 =	vld [tilespmem:s21+$0x16900];
	v16 =	vadd.f32 v17, v16;
	v12 =	vmul.f32 v12, v8;
	v17 =	vadd.f32 v18, v20  }
0x377: {  	v20 =	vld [tilespmem:s21+$0x16980];
	v18 =	vmul.f32 v14, v3  }
0x378: {  	v14 =	vadd.f32 v12, v16;
	v13 =	vmul.f32 v13, v7;
	v22 =	vld [tilespmem:s19+$0x16C00];
	v16 =	vadd.f32 v19, v17  }
.Ltmp15:
0x379: {  	v12 =	vld [tilespmem:s21+$0x16A00];
	(pc) =	sbr.rel @p0 .LBB2_33-.Ltmp15, $4  }
0x37a: {  	v19 =	vadd.f32 v13, v14;
	v15 =	vmul.f32 v15, v6;
	v14 =	vld [tilespmem:s19+$0x16C80];
	v23 =	vadd.f32 v18, v16  }
0x37b: {  	s22 =	sadd.s32 $0x80, s22;
	v18 =	vmul.f32 v11, v5;
	v13 =	vld [tilespmem:s21+$0x16A80]  }
0x37c: {  	s24 =	sand.u32 $0x70, s23;
	s25 =	sand.u32 $0x1C00, s22;
	v16 =	vmul.f32 v21, v9;
	v17 =	vmul.f32 v20, v10;
	v11 =	vld [tilespmem:s21+$0x16B80];
	v20 =	vadd.f32 v15, v19;
	[tilespmem:s20+$0x19C80] =	vst v23;
	s20 =	smov.u32 s19  }
0x37d: {  	s23 =	sadd.s32 $0x10, s23;
	s19 =	smov.u32 s21;
	v15 =	vld [tilespmem:s21+$0x16B00];
	v19 =	vmul.f32 v22, v4;
	s21 =	sor.u32 s24, s25  }
0x37e: {  	v21 =	vld [tilespmem:s21+$0x16900];
	v18 =	vadd.f32 v18, v20  }
0x37f: {  	v44 =	vld [tilespmem:s21+$0x16980]  }
0x380: {  	v22 =	vld [tilespmem:s19+$0x16C00];
	v14 =	vmul.f32 v14, v3;
	v18 =	vadd.f32 v19, v18  }
0x381: {  	v45 =	vld [tilespmem:s21+$0x16A00]  }
0x382: {  	v23 =	vld [tilespmem:s19+$0x16C80];
	v14 =	vadd.f32 v14, v18  }
0x383: {  	v46 =	vld [tilespmem:s21+$0x16A80]  }
0x384: {  	v24 =	vld [tilespmem:s21+$0x16B80];
	v9 =	vmul.f32 v21, v9;
	v10 =	vmul.f32 v44, v10;
	[tilespmem:s20+$0x19C80] =	vst v14  }
0x385: {  	v47 =	vadd.f32 v17, v16;
	v12 =	vmul.f32 v12, v8;
	v48 =	vld [tilespmem:s21+$0x16B00]  }
0x386: {  	v49 =	vmul.f32 v45, v8;
	v9 =	vadd.f32 v10, v9  }
0x387: {  	v50 =	vadd.f32 v12, v47;
	v51 =	vmul.f32 v13, v7  }
0x388: {  	v52 =	vmul.f32 v46, v7;
	v8 =	vadd.f32 v49, v9  }
0x389: {  	v53 =	vadd.f32 v51, v50;
	v54 =	vmul.f32 v15, v6;
	v55 =	vld [tilespmem:s21+$0x16C00]  }
0x38a: {  	v7 =	vadd.f32 v52, v8;
	v56 =	vmul.f32 v48, v6  }
0x38b: {  	v57 =	vmul.f32 v11, v5;
	v58 =	vld [tilespmem:s21+$0x16C80];
	v9 =	vadd.f32 v54, v53  }
0x38c: {  	v59 =	vmul.f32 v24, v5;
	v6 =	vadd.f32 v56, v7  }
0x38d: {  	v60 =	vmul.f32 v22, v4;
	v8 =	vadd.f32 v57, v9  }
0x38e: {  	v61 =	vmul.f32 v55, v4;
	v5 =	vadd.f32 v59, v6  }
0x38f: {  	v62 =	vmul.f32 v23, v3;
	v7 =	vadd.f32 v60, v8  }
0x390: {  	v3 =	vmul.f32 v58, v3;
	v4 =	vadd.f32 v61, v5  }
0x391: {  	s18 =	sshrl.u32 s18, $0x3;
	v63 =	vadd.f32 v62, v7  }
0x392: {  	s17 =	sadd.s32 $0x1, s17;
	s18 =	smul.u32 $0x300, s18;
	v3 =	vadd.f32 v3, v4  }
0x393: {  	p0 =	sne.s32 s17, $0x8;
	[tilespmem:s19+$0x19C80] =	vst v63  }
.Ltmp16:
0x394: {  	s28 =	simm.s32 $0x0;
	s18 =	sadd.s32 s6, s18;
	[tilespmem:s21+$0x19C80] =	vst v3;
	(pc) =	sbr.rel @p0 .LBB2_2-.Ltmp16, $4  }
0x395: {  	[hbm4b:s18+s28] =	stream.linear.scatter [tilespmem:s16], [sflag:$0x2], $0x3000, $0x38;
	[tilespmem:$0x1B100] =	vst v63  }
0x396: {  	_ =	swait.ge [sflag:s11], $0x3000  }
0x397: {  	[sflag:s11] =	ssyncset.done $0x0  }
0x398: {  	[sflag:s11] =	ssyncadd.s32 $0xFFFFD000  }
0x399: {  	s18 =	rddreg [dreg:$0x3]  }
0x39a: {  	s17 =	rddreg [dreg:$0x2];
	s18 =	sadd.s32 $0x1, s18  }
0x39b: {  	p0 =	sne.s32 s18, s17  }
.Ltmp17:
0x39c: {  	_ = 	snop;
	(pc) =	sbr.rel @p0 .LBB2_1-.Ltmp17, $1  }
0x39d: {  	_ =	sdelay $0x3  }
0x39e: {  	_ =	sfence.sel $0x180000  }
0x39f: {  	[bflag:$0x0] =	sbarrier.arrive $0xFFFF  }
0x3a0: {  	_ =	strace $0x90000047  }
0x3a1: {  	s0 =	stileid.u32;
	[bflag:$0x2] =	sbarrier.arrive $0xFFFF  }
0x3a2: {  	p0 =	sne.s32 s0, $0x0;
	s0 =	rddreg [dreg:$0x1]  }
0x3a3: {  	s0 =	sadd.s32 @!p0 $0x100000, s0  }
0x3a4: {  	[sflag:s0] =	ssyncadd.tile.s32 @!p0 $0x1;
	_ =	shalt  }
.Lfunc_end2:
_tile_overlayer_lowered:
.L_overlay_start_2:
0x3a5: {  	(tag) =	ssettag $0x2  }
0x3a6: {  	s0 =	rddreg [dreg:$0x0];
	s2 =	stileid.u32  }
0x3a7: {  	s1 =	rddreg [dreg:$0x1];
	p0 =	sne.s32 s2, $0x0  }
0x3a8: {  	s3 =	rddreg [dreg:$0x2];
	[bflag:$0x3] =	sbarrier.arrive $0xFFFF;
	s2 =	simm.s32 @!p0 $0x1C02  }
0x3a9: {  	[timem:s3], [sflag:s2] =	dma.local @!p0 [hbm:s0], s1  }
0x3aa: {  	s0 =	simm.s32 @!p0 $0x2  }
0x3ab: {  	_ =	swait.ge @!p0 [sflag:s0], s1  }
0x3ac: {  	s1 =	ssub.s32 @!p0 $0x0, s1;
	[sflag:s0] =	ssyncset.done @!p0 $0x0  }
0x3ad: {  	[sflag:s0] =	ssyncadd.s32 @!p0 s1  }
0x3ae: {  	[bflag:$0x3] =	sbarrier.arrive $0xFFFF  }
0x3af: {  	_ =	shalt  }

</sc_bundles>
